<compile_context>
chip_gen: v7x
topology: tpu7x:2x2x1
jax: 0.10.2.dev20260603
libtpu: 0.0.44.dev20260713+nightly
codegen_flags: <defaults>
</compile_context>

<pallas_src>
import functools

import jax
import jax.numpy as jnp
from jax import lax
from jax.experimental import pallas as pl
from jax.experimental.pallas import tpu as pltpu
from jax.experimental.pallas import tpu_sc as plsc

N = 10000
E = 320000
D_IN = 128
D_HID = 128
D_OUT = 64

N_PAD = 10240
NC = 2
NS = 16
NW = NC * NS
C = 128
NCH = 79
CH_TOT = NCH * NW
E_PAD = CH_TOT * C
CH_F = 79
CH_S = CH_TOT // NS - CH_F
PH = 40
RPT = N_PAD // NS

_MESH = plsc.VectorSubcoreMesh(core_axis_name="c", subcore_axis_name="s")


def _fill(ref, rows, val):
    def body(k, _):
        for j in range(8):
            ref[k, pl.ds(j * 16, 16)] = jnp.full((16,), val, jnp.float32)
        return 0

    lax.fori_loop(0, rows, body, 0)


def _zero_acc(zbuf_v, acc_sh, sid):
    _fill(zbuf_v, C, 0.0)

    def zcp(k, _):
        pltpu.sync_copy(zbuf_v, acc_sh.at[pl.ds(sid * RPT + k * C, C)])
        return 0

    lax.fori_loop(0, RPT // C, zcp, 0)
    plsc.subcore_barrier()


def _copy_out(acc_sh, out_hbm, cid, sid):
    plsc.subcore_barrier()
    pltpu.sync_copy(
        acc_sh.at[pl.ds(sid * RPT, RPT)],
        out_hbm.at[cid, pl.ds(sid * RPT, RPT)],
    )


@functools.partial(
    pl.kernel,
    mesh=_MESH,
    out_type=jax.ShapeDtypeStruct((NC, N_PAD, D_HID), jnp.float32),
    scratch_types=[
        pltpu.VMEM((PH, 2, C), jnp.int32),
        pltpu.VMEM((C, D_HID), jnp.float32),
        pltpu.VMEM_SHARED((N_PAD, D_HID), jnp.float32),
        pltpu.SemaphoreType.DMA,
        pltpu.SemaphoreType.DMA,
    ],
)
def _deg_sc(ei_hbm, out_hbm, idx_v, ones_v, acc_sh, sema, semb):
    cid = lax.axis_index("c")
    sid = lax.axis_index("s")
    wid = sid * NC + cid
    _zero_acc(ones_v, acc_sh, sid)
    _fill(ones_v, C, 1.0)

    def scat(ch, sem):
        pltpu.async_copy(ones_v, acc_sh.at[idx_v.at[ch, 1]], sem, add=True)

    def drain(sem):
        pltpu.make_async_copy(ones_v, acc_sh.at[idx_v.at[0, 1]], sem).wait()

    for off in range(0, NCH, PH):
        n = min(PH, NCH - off)
        pltpu.sync_copy(ei_hbm.at[wid, pl.ds(off, n)],
                        idx_v.at[pl.ds(0, n)])

        def pair(j, _):
            scat(2 * j, sema)
            scat(2 * j + 1, semb)
            drain(sema)
            drain(semb)
            return 0

        lax.fori_loop(0, n // 2, pair, 0)
        if n % 2:
            scat(n - 1, sema)
            drain(sema)
    _copy_out(acc_sh, out_hbm, cid, sid)


@functools.partial(
    pl.kernel,
    mesh=_MESH,
    out_type=jax.ShapeDtypeStruct((NC, N_PAD, D_HID), jnp.float32),
    scratch_types=[
        pltpu.VMEM((PH, 2, C), jnp.int32),
        pltpu.VMEM((C, D_HID), jnp.float32),
        pltpu.VMEM((C, D_HID), jnp.float32),
        pltpu.VMEM_SHARED((N_PAD, D_HID), jnp.float32),
        pltpu.SemaphoreType.DMA,
        pltpu.SemaphoreType.DMA,
        pltpu.SemaphoreType.DMA,
        pltpu.SemaphoreType.DMA,
    ],
)
def _scatter_sc(g_hbm, eif_hbm, eis_hbm, out_hbm, idx_v, rows_a, rows_b,
                acc_sh, sga, sgb, ssa, ssb):
    cid = lax.axis_index("c")
    sid = lax.axis_index("s")
    _zero_acc(rows_a, acc_sh, sid)

    def gat(ch, rows, sem):
        pltpu.async_copy(g_hbm.at[idx_v.at[ch, 0]], rows, sem)

    def wtg(rows, sem):
        pltpu.make_async_copy(g_hbm.at[idx_v.at[0, 0]], rows, sem).wait()

    def scat(ch, rows, sem):
        pltpu.async_copy(rows, acc_sh.at[idx_v.at[ch, 1]], sem, add=True)

    def wts(rows, sem):
        pltpu.make_async_copy(rows, acc_sh.at[idx_v.at[0, 1]], sem).wait()

    def run(ei_hbm, total):
        for off in range(0, total, PH):
            n = min(PH, total - off)
            pltpu.sync_copy(ei_hbm.at[sid, pl.ds(off, n)],
                            idx_v.at[pl.ds(0, n)])
            gat(0, rows_a, sga)
            wtg(rows_a, sga)
            scat(0, rows_a, ssa)
            if n == 1:
                wts(rows_a, ssa)
                continue
            gat(1, rows_b, sgb)
            nj = max(0, (n - 4) // 2 + 1)

            def pair(j, _):
                a = 2 * j + 1
                wtg(rows_b, sgb)
                scat(a, rows_b, ssb)
                wts(rows_a, ssa)
                gat(a + 1, rows_a, sga)
                wtg(rows_a, sga)
                scat(a + 1, rows_a, ssa)
                wts(rows_b, ssb)
                gat(a + 2, rows_b, sgb)
                return 0

            lax.fori_loop(0, nj, pair, 0)
            for ch in range(2 * nj + 1, n):
                buf, gsem, ssem = ((rows_a, sga, ssa) if ch % 2 == 0
                                   else (rows_b, sgb, ssb))
                obuf, ogsem, ossem = ((rows_a, sga, ssa) if ch % 2 == 1
                                      else (rows_b, sgb, ssb))
                wtg(buf, gsem)
                scat(ch, buf, ssem)
                if ch + 1 < n:
                    wts(obuf, ossem)
                    gat(ch + 1, obuf, ogsem)
            wts(rows_a, ssa)
            wts(rows_b, ssb)

    @pl.when(cid == 0)
    def _():
        run(eif_hbm, CH_F)

    @pl.when(cid == 1)
    def _():
        run(eis_hbm, CH_S)

    _copy_out(acc_sh, out_hbm, cid, sid)


_BR = 1024
_G = N_PAD // _BR


def _rs(deg0, deg1):
    return lax.rsqrt(deg0[:, 0:1] + deg1[:, 0:1] + 1.0)


def _z1_body(deg0_ref, deg1_ref, x_ref, w_ref, z_ref, rs8_ref):
    rs = _rs(deg0_ref[...], deg1_ref[...])
    z_ref[...] = jnp.dot(x_ref[...], w_ref[...],
                         preferred_element_type=jnp.float32) * rs
    rs8_ref[...] = jnp.broadcast_to(rs, (_BR, 8))


def _mid_body(rs8_ref, s0_ref, s1_ref, z_ref, b_ref, w_ref, o_ref):
    rs = rs8_ref[:, 0:1]
    h = jax.nn.relu(rs * (s0_ref[...] + s1_ref[...] + z_ref[...]) + b_ref[...])
    o_ref[...] = jnp.dot(h, w_ref[...], preferred_element_type=jnp.float32) * rs


def _fin_body(rs8_ref, s0_ref, s1_ref, z_ref, b_ref, w_ref, bf_ref,
              o_ref):
    rs = rs8_ref[:, 0:1]
    h = jax.nn.relu(rs * (s0_ref[...] + s1_ref[...] + z_ref[...]) + b_ref[...])
    o_ref[...] = jnp.dot(h, w_ref[...],
                         preferred_element_type=jnp.float32) + bf_ref[...]


def _row_spec(w):
    return pl.BlockSpec((_BR, w), lambda i: (i, 0))


def _full_spec(r, c):
    return pl.BlockSpec((r, c), lambda i: (0, 0))


_z1_call = pl.pallas_call(
    _z1_body,
    grid=(_G,),
    in_specs=[_row_spec(D_HID), _row_spec(D_HID), _row_spec(D_IN),
              _full_spec(D_IN, D_HID)],
    out_specs=[_row_spec(D_HID), _row_spec(8)],
    out_shape=[jax.ShapeDtypeStruct((N_PAD, D_HID), jnp.float32),
               jax.ShapeDtypeStruct((N_PAD, 8), jnp.float32)],
)

_mid_call = pl.pallas_call(
    _mid_body,
    grid=(_G,),
    in_specs=[_row_spec(8), _row_spec(D_HID),
              _row_spec(D_HID), _row_spec(D_HID), _full_spec(1, D_HID),
              _full_spec(D_HID, D_HID)],
    out_specs=_row_spec(D_HID),
    out_shape=jax.ShapeDtypeStruct((N_PAD, D_HID), jnp.float32),
)

_fin_call = pl.pallas_call(
    _fin_body,
    grid=(_G,),
    in_specs=[_row_spec(8), _row_spec(D_HID),
              _row_spec(D_HID), _row_spec(D_HID), _full_spec(1, D_HID),
              _full_spec(D_HID, D_OUT), _full_spec(1, D_OUT)],
    out_specs=_row_spec(D_OUT),
    out_shape=jax.ShapeDtypeStruct((N_PAD, D_OUT), jnp.float32),
)


def kernel(x, edge_index, W1, b1, W2, b2, Wf, bf):
    src = edge_index[0].astype(jnp.int32)
    dst = edge_index[1].astype(jnp.int32)
    fill_src = (jnp.arange(E_PAD - E, dtype=jnp.int32) * 97) % N
    src_p = jnp.concatenate([src, fill_src]).reshape(CH_TOT, 1, C)
    junk = N + jnp.arange(E_PAD - E, dtype=jnp.int32) % (N_PAD - N)
    dst_p = jnp.concatenate([dst, junk]).reshape(CH_TOT, 1, C)
    ei = jnp.concatenate([src_p, dst_p], axis=2)
    ei4 = ei.reshape(NW, NCH, 2, C)
    ei_f = ei[:NS * CH_F].reshape(NS, CH_F, 2, C)
    ei_s = ei[NS * CH_F:].reshape(NS, CH_S, 2, C)
    x_p = jnp.pad(x, ((0, N_PAD - N), (0, 0)))

    deg_p = _deg_sc(ei4)
    deg0, deg1 = deg_p[0], deg_p[1]

    z1, rs8 = _z1_call(deg0, deg1, x_p, W1)
    s = _scatter_sc(z1, ei_f, ei_s)
    z2 = _mid_call(rs8, s[0], s[1], z1, b1.reshape(1, -1), W2)
    s2 = _scatter_sc(z2, ei_f, ei_s)
    out = _fin_call(rs8, s2[0], s2[1], z2, b2.reshape(1, -1), Wf,
                    bf.reshape(1, -1))
    return out[:N]

# --- scband reference (transcript-rebuilt; emitter-appended) ---
"""Pipeline reference for scband-hpcgcn-23527830847932 (READ-ONLY COPY).

The authoritative reference and input builder live on the scoring server;
editing this copy changes nothing except your own understanding.
"""

import jax, jax.numpy as jnp
import numpy as np

N = 10000
E = 320000
D_IN = 128
D_HID = 128
D_OUT = 64


def gcn_conv(x, edge_index, W, b):
    # PyG-style GCNConv: add self-loops, symmetric normalization,
    # linear transform, scatter-add aggregation, bias.
    n = x.shape[0]
    src = edge_index[0]
    dst = edge_index[1]
    loop = jnp.arange(n, dtype=src.dtype)
    src = jnp.concatenate([src, loop])
    dst = jnp.concatenate([dst, loop])
    deg = jnp.zeros((n,), dtype=x.dtype).at[dst].add(1.0)
    dinv = jnp.where(deg > 0, deg ** -0.5, 0.0)
    norm = dinv[src] * dinv[dst]
    h = x @ W
    msg = h[src] * norm[:, None]
    out = jax.ops.segment_sum(msg, dst, num_segments=n)
    return out + b


def setup_inputs(seed: int = 0):
    key = jax.random.key(seed)
    ks = jax.random.split(key, 9)
    x = jax.random.normal(ks[0], (N, D_IN), dtype=jnp.float32)
    edge_index = jax.random.randint(ks[1], (2, E), 0, N)
    W1 = jax.random.normal(ks[2], (D_IN, D_HID), dtype=jnp.float32) * (1.0 / np.sqrt(D_IN))
    b1 = jnp.zeros((D_HID,), dtype=jnp.float32)
    W2 = jax.random.normal(ks[3], (D_HID, D_HID), dtype=jnp.float32) * (1.0 / np.sqrt(D_HID))
    b2 = jnp.zeros((D_HID,), dtype=jnp.float32)
    Wf = jax.random.normal(ks[4], (D_HID, D_OUT), dtype=jnp.float32) * (1.0 / np.sqrt(D_HID))
    bf = jnp.zeros((D_OUT,), dtype=jnp.float32)
    return {"x": x, "edge_index": edge_index, "W1": W1, "b1": b1, "W2": W2, "b2": b2, "Wf": Wf, "bf": bf}


def reference(x, edge_index, W1, b1, W2, b2, Wf, bf):
    # Dropout is identity in eval mode.
    h = jax.nn.relu(gcn_conv(x, edge_index, W1, b1))
    h = jax.nn.relu(gcn_conv(h, edge_index, W2, b2))
    return h @ Wf + bf

if __name__ == "__main__":
    import jax
    _d = setup_inputs()
    print(jax.jit(kernel)(*tuple(_d.values())))

</pallas_src>

<mosaic_0001>
#map = affine_map<(d0, d1) -> (0, 0)>
#map1 = affine_map<(d0, d1) -> (0, 0, 0, 0)>
#map2 = affine_map<(d0, d1) -> (0, 0, 0)>
module attributes {stable_mosaic.version = 14 : i64} {
  func.func @_scatter_sc(%arg0: i32, %arg1: i32, %arg2: memref<10240x128xf32, #tpu.memory_space<hbm>>, %arg3: memref<16x79x2x128xi32, #tpu.memory_space<hbm>>, %arg4: memref<16x79x2x128xi32, #tpu.memory_space<hbm>>, %arg5: memref<2x10240x128xf32, #tpu.memory_space<hbm>>, %arg6: memref<40x2x128xi32, #tpu.memory_space<vmem>>, %arg7: memref<128x128xf32, #tpu.memory_space<vmem>>, %arg8: memref<128x128xf32, #tpu.memory_space<vmem>>, %arg9: memref<10240x128xf32, #tpu.memory_space<vmem_shared>>, %arg10: memref<!tpu.dma_semaphore, #tpu.memory_space<semaphore_mem>>, %arg11: memref<!tpu.dma_semaphore, #tpu.memory_space<semaphore_mem>>, %arg12: memref<!tpu.dma_semaphore, #tpu.memory_space<semaphore_mem>>, %arg13: memref<!tpu.dma_semaphore, #tpu.memory_space<semaphore_mem>>) attributes {dimension_semantics = [#tpu.dimension_semantics<core_parallel>, #tpu.dimension_semantics<subcore_parallel>], iteration_bounds = array<i64: 2, 16>, scalar_prefetch = 0 : i64, scratch_operands = 8 : i64, tpu.core_type = #tpu.core_type<sc_vector_subcore>, window_params = [{transform_indices = #map}, {transform_indices = #map1}, {transform_indices = #map1}, {transform_indices = #map2}]} {
    %scan3A = arith.constant 0 : i32
    %scan3A_0 = arith.constant 0 : i32
    %scan3A_1 = arith.constant 128 : i32
    %scan3A_2 = arith.addi %scan3A_0, %scan3A_1 : i32
    %scan3A_3 = arith.constant 1 : i32
    %scan3A_4 = scf.for %scan3A_24 = %scan3A_0 to %scan3A_2 step %scan3A_3 iter_args(%scan3A_25 = %scan3A) -> (i32)  : i32 {
      %broadcast_in_dim3A = arith.constant 0.000000e+00 : f32
      %broadcast_in_dim3A_26 = vector.broadcast %broadcast_in_dim3A : f32 to vector<16xf32>
      %swap3A = arith.index_cast %scan3A_24 : i32 to index
      %swap3A_27 = arith.constant 0 : index
      %swap3A_28 = tpu.vector_load %arg7[%swap3A, %swap3A_27] {strides = array<i32>} : memref<128x128xf32, #tpu.memory_space<vmem>>, vector<1x16xf32>,
      %swap3A_29 = vector.shape_cast %swap3A_28 : vector<1x16xf32> to vector<16xf32>
      %swap3A_30 = vector.shape_cast %broadcast_in_dim3A_26 : vector<16xf32> to vector<1x16xf32>
      tpu.vector_store %arg7[%swap3A, %swap3A_27], %swap3A_30 {strides = array<i32>} : memref<128x128xf32, #tpu.memory_space<vmem>>, vector<1x16xf32>,
      %broadcast_in_dim3A_31 = arith.constant 0.000000e+00 : f32
      %broadcast_in_dim3A_32 = vector.broadcast %broadcast_in_dim3A_31 : f32 to vector<16xf32>
      %swap3A_33 = arith.index_cast %scan3A_24 : i32 to index
      %swap3A_34 = arith.constant 16 : index
      %swap3A_35 = tpu.vector_load %arg7[%swap3A_33, %swap3A_34] {strides = array<i32>} : memref<128x128xf32, #tpu.memory_space<vmem>>, vector<1x16xf32>,
      %swap3A_36 = vector.shape_cast %swap3A_35 : vector<1x16xf32> to vector<16xf32>
      %swap3A_37 = vector.shape_cast %broadcast_in_dim3A_32 : vector<16xf32> to vector<1x16xf32>
      tpu.vector_store %arg7[%swap3A_33, %swap3A_34], %swap3A_37 {strides = array<i32>} : memref<128x128xf32, #tpu.memory_space<vmem>>, vector<1x16xf32>,
      %broadcast_in_dim3A_38 = arith.constant 0.000000e+00 : f32
      %broadcast_in_dim3A_39 = vector.broadcast %broadcast_in_dim3A_38 : f32 to vector<16xf32>
      %swap3A_40 = arith.index_cast %scan3A_24 : i32 to index
      %swap3A_41 = arith.constant 32 : index
      %swap3A_42 = tpu.vector_load %arg7[%swap3A_40, %swap3A_41] {strides = array<i32>} : memref<128x128xf32, #tpu.memory_space<vmem>>, vector<1x16xf32>,
      %swap3A_43 = vector.shape_cast %swap3A_42 : vector<1x16xf32> to vector<16xf32>
      %swap3A_44 = vector.shape_cast %broadcast_in_dim3A_39 : vector<16xf32> to vector<1x16xf32>
      tpu.vector_store %arg7[%swap3A_40, %swap3A_41], %swap3A_44 {strides = array<i32>} : memref<128x128xf32, #tpu.memory_space<vmem>>, vector<1x16xf32>,
      %broadcast_in_dim3A_45 = arith.constant 0.000000e+00 : f32
      %broadcast_in_dim3A_46 = vector.broadcast %broadcast_in_dim3A_45 : f32 to vector<16xf32>
      %swap3A_47 = arith.index_cast %scan3A_24 : i32 to index
      %swap3A_48 = arith.constant 48 : index
      %swap3A_49 = tpu.vector_load %arg7[%swap3A_47, %swap3A_48] {strides = array<i32>} : memref<128x128xf32, #tpu.memory_space<vmem>>, vector<1x16xf32>,
      %swap3A_50 = vector.shape_cast %swap3A_49 : vector<1x16xf32> to vector<16xf32>
      %swap3A_51 = vector.shape_cast %broadcast_in_dim3A_46 : vector<16xf32> to vector<1x16xf32>
      tpu.vector_store %arg7[%swap3A_47, %swap3A_48], %swap3A_51 {strides = array<i32>} : memref<128x128xf32, #tpu.memory_space<vmem>>, vector<1x16xf32>,
      %broadcast_in_dim3A_52 = arith.constant 0.000000e+00 : f32
      %broadcast_in_dim3A_53 = vector.broadcast %broadcast_in_dim3A_52 : f32 to vector<16xf32>
      %swap3A_54 = arith.index_cast %scan3A_24 : i32 to index
      %swap3A_55 = arith.constant 64 : index
      %swap3A_56 = tpu.vector_load %arg7[%swap3A_54, %swap3A_55] {strides = array<i32>} : memref<128x128xf32, #tpu.memory_space<vmem>>, vector<1x16xf32>,
      %swap3A_57 = vector.shape_cast %swap3A_56 : vector<1x16xf32> to vector<16xf32>
      %swap3A_58 = vector.shape_cast %broadcast_in_dim3A_53 : vector<16xf32> to vector<1x16xf32>
      tpu.vector_store %arg7[%swap3A_54, %swap3A_55], %swap3A_58 {strides = array<i32>} : memref<128x128xf32, #tpu.memory_space<vmem>>, vector<1x16xf32>,
      %broadcast_in_dim3A_59 = arith.constant 0.000000e+00 : f32
      %broadcast_in_dim3A_60 = vector.broadcast %broadcast_in_dim3A_59 : f32 to vector<16xf32>
      %swap3A_61 = arith.index_cast %scan3A_24 : i32 to index
      %swap3A_62 = arith.constant 80 : index
      %swap3A_63 = tpu.vector_load %arg7[%swap3A_61, %swap3A_62] {strides = array<i32>} : memref<128x128xf32, #tpu.memory_space<vmem>>, vector<1x16xf32>,
      %swap3A_64 = vector.shape_cast %swap3A_63 : vector<1x16xf32> to vector<16xf32>
      %swap3A_65 = vector.shape_cast %broadcast_in_dim3A_60 : vector<16xf32> to vector<1x16xf32>
      tpu.vector_store %arg7[%swap3A_61, %swap3A_62], %swap3A_65 {strides = array<i32>} : memref<128x128xf32, #tpu.memory_space<vmem>>, vector<1x16xf32>,
      %broadcast_in_dim3A_66 = arith.constant 0.000000e+00 : f32
      %broadcast_in_dim3A_67 = vector.broadcast %broadcast_in_dim3A_66 : f32 to vector<16xf32>
      %swap3A_68 = arith.index_cast %scan3A_24 : i32 to index
      %swap3A_69 = arith.constant 96 : index
      %swap3A_70 = tpu.vector_load %arg7[%swap3A_68, %swap3A_69] {strides = array<i32>} : memref<128x128xf32, #tpu.memory_space<vmem>>, vector<1x16xf32>,
      %swap3A_71 = vector.shape_cast %swap3A_70 : vector<1x16xf32> to vector<16xf32>
      %swap3A_72 = vector.shape_cast %broadcast_in_dim3A_67 : vector<16xf32> to vector<1x16xf32>
      tpu.vector_store %arg7[%swap3A_68, %swap3A_69], %swap3A_72 {strides = array<i32>} : memref<128x128xf32, #tpu.memory_space<vmem>>, vector<1x16xf32>,
      %broadcast_in_dim3A_73 = arith.constant 0.000000e+00 : f32
      %broadcast_in_dim3A_74 = vector.broadcast %broadcast_in_dim3A_73 : f32 to vector<16xf32>
      %swap3A_75 = arith.index_cast %scan3A_24 : i32 to index
      %swap3A_76 = arith.constant 112 : index
      %swap3A_77 = tpu.vector_load %arg7[%swap3A_75, %swap3A_76] {strides = array<i32>} : memref<128x128xf32, #tpu.memory_space<vmem>>, vector<1x16xf32>,
      %swap3A_78 = vector.shape_cast %swap3A_77 : vector<1x16xf32> to vector<16xf32>
      %swap3A_79 = vector.shape_cast %broadcast_in_dim3A_74 : vector<16xf32> to vector<1x16xf32>
      tpu.vector_store %arg7[%swap3A_75, %swap3A_76], %swap3A_79 {strides = array<i32>} : memref<128x128xf32, #tpu.memory_space<vmem>>, vector<1x16xf32>,
      %scan3A_80 = arith.constant 0 : i32
      scf.yield %scan3A_80 : i32
    }
    %scan3A_5 = arith.constant 128 : i32
    %scan3A_6 = arith.constant 0 : i32
    %scan3A_7 = arith.constant 0 : i32
    %scan3A_8 = arith.constant 5 : i32
    %scan3A_9 = arith.addi %scan3A_7, %scan3A_8 : i32
    %scan3A_10 = arith.constant 1 : i32
    %scan3A_11 = scf.for %scan3A_24 = %scan3A_7 to %scan3A_9 step %scan3A_10 iter_args(%scan3A_25 = %scan3A_6) -> (i32)  : i32 {
      %mul3A_26 = arith.constant 640 : i32
      %mul3A_27 = arith.muli %arg1, %mul3A_26 : i32
      %mul3A_28 = arith.constant 128 : i32
      %mul3A_29 = arith.muli %scan3A_24, %mul3A_28 : i32
      %add3A = arith.addi %mul3A_27, %mul3A_29 : i32
      "tpu.region"() ({
        %run_scoped3A = tpu.sem_alloc : memref<!tpu.dma_semaphore, #tpu.memory_space<semaphore_mem>>
        %dma_start3A = arith.constant 0 : i32
        %dma_start3A_31 = tpu.memref_slice %arg9[%add3A, %dma_start3A] : memref<10240x128xf32, #tpu.memory_space<vmem_shared>> -> memref<128x128xf32, #tpu.memory_space<vmem_shared>>
        %dma_start3A_32 = arith.constant 0 : i32
        %dma_start3A_33 = tpu.memref_slice %arg9[%add3A, %dma_start3A_32] : memref<10240x128xf32, #tpu.memory_space<vmem_shared>> -> memref<128x128xf32, #tpu.memory_space<vmem_shared>>
        tpu.enqueue_dma source(%arg7 : memref<128x128xf32, #tpu.memory_space<vmem>>) target(%dma_start3A_33 : memref<128x128xf32, #tpu.memory_space<vmem_shared>>) target_semaphore(%run_scoped3A : memref<!tpu.dma_semaphore, #tpu.memory_space<semaphore_mem>>)
        %dma_wait3A = arith.constant 0 : i32
        %dma_wait3A_34 = tpu.memref_slice %arg9[%add3A, %dma_wait3A] : memref<10240x128xf32, #tpu.memory_space<vmem_shared>> -> memref<128x128xf32, #tpu.memory_space<vmem_shared>>
        %dma_wait3A_35 = arith.constant 0 : i32
        %dma_wait3A_36 = tpu.memref_slice %arg9[%add3A, %dma_wait3A_35] : memref<10240x128xf32, #tpu.memory_space<vmem_shared>> -> memref<128x128xf32, #tpu.memory_space<vmem_shared>>
        tpu.wait_dma2 semaphore(%run_scoped3A : memref<!tpu.dma_semaphore, #tpu.memory_space<semaphore_mem>>) src(%arg7 : memref<128x128xf32, #tpu.memory_space<vmem>>) dst(%dma_wait3A_36 : memref<128x128xf32, #tpu.memory_space<vmem_shared>>)
        tpu.yield
      }) : () -> ()
      %scan3A_30 = arith.constant 0 : i32
      scf.yield %scan3A_30 : i32
    }
    %scan3A_12 = arith.constant 5 : i32
    %barrier3A = arith.constant 0 : index
    tpu.barrier barrier_id(%barrier3A)
    %eq3A = arith.constant 0 : i32
    %eq3A_13 = arith.cmpi eq, %arg0, %eq3A : i32
    %convert_element_type3A = arith.extui %eq3A_13 : i1 to i32
    %cond3A = arith.constant 0 : i32
    %cond3A_14 = arith.cmpi ne, %convert_element_type3A, %cond3A : i32
    scf.if %cond3A_14 {
      "tpu.region"() ({
        %run_scoped3A = tpu.sem_alloc : memref<!tpu.dma_semaphore, #tpu.memory_space<semaphore_mem>>
        %dma_start3A_196 = arith.constant 0 : i32
        %dma_start3A_197 = arith.constant 0 : i32
        %dma_start3A_198 = arith.constant 0 : i32
        %dma_start3A_199 = tpu.memref_slice %arg6[%dma_start3A_196, %dma_start3A_197, %dma_start3A_198] : memref<40x2x128xi32, #tpu.memory_space<vmem>> -> memref<40x2x128xi32, #tpu.memory_space<vmem>>
        %dma_start3A_200 = arith.constant 0 : i32
        %dma_start3A_201 = arith.constant 0 : i32
        %dma_start3A_202 = arith.constant 0 : i32
        %dma_start3A_203 = tpu.memref_slice %arg3[%arg1, %dma_start3A_200, %dma_start3A_201, %dma_start3A_202] : memref<16x79x2x128xi32, #tpu.memory_space<hbm>> -> memref<1x40x2x128xi32, #tpu.memory_space<hbm>>
        %dma_start3A_204 = tpu.memref_squeeze %dma_start3A_203 : memref<1x40x2x128xi32, #tpu.memory_space<hbm>> -> memref<40x2x128xi32, #tpu.memory_space<hbm>>
        %dma_start3A_205 = arith.constant 0 : i32
        %dma_start3A_206 = arith.constant 0 : i32
        %dma_start3A_207 = arith.constant 0 : i32
        %dma_start3A_208 = tpu.memref_slice %arg6[%dma_start3A_205, %dma_start3A_206, %dma_start3A_207] : memref<40x2x128xi32, #tpu.memory_space<vmem>> -> memref<40x2x128xi32, #tpu.memory_space<vmem>>
        %dma_start3A_209 = arith.constant 0 : i32
        %dma_start3A_210 = arith.constant 0 : i32
        %dma_start3A_211 = arith.constant 0 : i32
        %dma_start3A_212 = tpu.memref_slice %arg3[%arg1, %dma_start3A_209, %dma_start3A_210, %dma_start3A_211] : memref<16x79x2x128xi32, #tpu.memory_space<hbm>> -> memref<1x40x2x128xi32, #tpu.memory_space<hbm>>
        %dma_start3A_213 = tpu.memref_squeeze %dma_start3A_212 : memref<1x40x2x128xi32, #tpu.memory_space<hbm>> -> memref<40x2x128xi32, #tpu.memory_space<hbm>>
        tpu.enqueue_dma source(%dma_start3A_213 : memref<40x2x128xi32, #tpu.memory_space<hbm>>) target(%dma_start3A_208 : memref<40x2x128xi32, #tpu.memory_space<vmem>>) target_semaphore(%run_scoped3A : memref<!tpu.dma_semaphore, #tpu.memory_space<semaphore_mem>>)
        %dma_wait3A_214 = arith.constant 0 : i32
        %dma_wait3A_215 = arith.constant 0 : i32
        %dma_wait3A_216 = arith.constant 0 : i32
        %dma_wait3A_217 = tpu.memref_slice %arg6[%dma_wait3A_214, %dma_wait3A_215, %dma_wait3A_216] : memref<40x2x128xi32, #tpu.memory_space<vmem>> -> memref<40x2x128xi32, #tpu.memory_space<vmem>>
        %dma_wait3A_218 = arith.constant 0 : i32
        %dma_wait3A_219 = arith.constant 0 : i32
        %dma_wait3A_220 = arith.constant 0 : i32
        %dma_wait3A_221 = tpu.memref_slice %arg3[%arg1, %dma_wait3A_218, %dma_wait3A_219, %dma_wait3A_220] : memref<16x79x2x128xi32, #tpu.memory_space<hbm>> -> memref<1x40x2x128xi32, #tpu.memory_space<hbm>>
        %dma_wait3A_222 = tpu.memref_squeeze %dma_wait3A_221 : memref<1x40x2x128xi32, #tpu.memory_space<hbm>> -> memref<40x2x128xi32, #tpu.memory_space<hbm>>
        %dma_wait3A_223 = arith.constant 0 : i32
        %dma_wait3A_224 = arith.constant 0 : i32
        %dma_wait3A_225 = arith.constant 0 : i32
        %dma_wait3A_226 = tpu.memref_slice %arg6[%dma_wait3A_223, %dma_wait3A_224, %dma_wait3A_225] : memref<40x2x128xi32, #tpu.memory_space<vmem>> -> memref<40x2x128xi32, #tpu.memory_space<vmem>>
        %dma_wait3A_227 = arith.constant 0 : i32
        %dma_wait3A_228 = arith.constant 0 : i32
        %dma_wait3A_229 = arith.constant 0 : i32
        %dma_wait3A_230 = tpu.memref_slice %arg3[%arg1, %dma_wait3A_227, %dma_wait3A_228, %dma_wait3A_229] : memref<16x79x2x128xi32, #tpu.memory_space<hbm>> -> memref<1x40x2x128xi32, #tpu.memory_space<hbm>>
        %dma_wait3A_231 = tpu.memref_squeeze %dma_wait3A_230 : memref<1x40x2x128xi32, #tpu.memory_space<hbm>> -> memref<40x2x128xi32, #tpu.memory_space<hbm>>
        tpu.wait_dma2 semaphore(%run_scoped3A : memref<!tpu.dma_semaphore, #tpu.memory_space<semaphore_mem>>) src(%dma_wait3A_231 : memref<40x2x128xi32, #tpu.memory_space<hbm>>) dst(%dma_wait3A_226 : memref<40x2x128xi32, #tpu.memory_space<vmem>>)
        tpu.yield
      }) : () -> ()
      %dma_start3A = arith.constant 0 : i32
      %dma_start3A_24 = arith.constant 0 : i32
      %dma_start3A_25 = arith.constant 0 : i32
      %dma_start3A_26 = tpu.memref_slice %arg6[%dma_start3A, %dma_start3A_24, %dma_start3A_25] : memref<40x2x128xi32, #tpu.memory_space<vmem>> -> memref<1x1x128xi32, #tpu.memory_space<vmem>>
      %dma_start3A_27 = tpu.memref_squeeze %dma_start3A_26 : memref<1x1x128xi32, #tpu.memory_space<vmem>> -> memref<128xi32, #tpu.memory_space<vmem>>
      %dma_start3A_28 = arith.constant 0 : i32
      %dma_start3A_29 = arith.constant 0 : i32
      %dma_start3A_30 = tpu.memref_slice %arg2[%dma_start3A_28, %dma_start3A_29] : memref<10240x128xf32, #tpu.memory_space<hbm>> -> memref<10240x128xf32, #tpu.memory_space<hbm>>
      tpu.enqueue_indirect_dma source(%dma_start3A_30 : memref<10240x128xf32, #tpu.memory_space<hbm>>) target(%arg7 : memref<128x128xf32, #tpu.memory_space<vmem>>) offsets(%dma_start3A_27 : memref<128xi32, #tpu.memory_space<vmem>>) semaphore(%arg10 : memref<!tpu.dma_semaphore, #tpu.memory_space<semaphore_mem>>)
      %dma_wait3A = arith.constant 0 : i32
      %dma_wait3A_31 = arith.constant 0 : i32
      %dma_wait3A_32 = arith.constant 0 : i32
      %dma_wait3A_33 = tpu.memref_slice %arg6[%dma_wait3A, %dma_wait3A_31, %dma_wait3A_32] : memref<40x2x128xi32, #tpu.memory_space<vmem>> -> memref<1x1x128xi32, #tpu.memory_space<vmem>>
      %dma_wait3A_34 = tpu.memref_squeeze %dma_wait3A_33 : memref<1x1x128xi32, #tpu.memory_space<vmem>> -> memref<128xi32, #tpu.memory_space<vmem>>
      %dma_wait3A_35 = arith.constant 0 : i32
      %dma_wait3A_36 = arith.constant 0 : i32
      %dma_wait3A_37 = tpu.memref_slice %arg2[%dma_wait3A_35, %dma_wait3A_36] : memref<10240x128xf32, #tpu.memory_space<hbm>> -> memref<10240x128xf32, #tpu.memory_space<hbm>>
      tpu.wait_indirect_dma semaphore(%arg10 : memref<!tpu.dma_semaphore, #tpu.memory_space<semaphore_mem>>) src(%dma_wait3A_37 : memref<10240x128xf32, #tpu.memory_space<hbm>>) dst(%arg7 : memref<128x128xf32, #tpu.memory_space<vmem>>)
      %dma_start3A_38 = arith.constant 0 : i32
      %dma_start3A_39 = arith.constant 1 : i32
      %dma_start3A_40 = arith.constant 0 : i32
      %dma_start3A_41 = tpu.memref_slice %arg6[%dma_start3A_38, %dma_start3A_39, %dma_start3A_40] : memref<40x2x128xi32, #tpu.memory_space<vmem>> -> memref<1x1x128xi32, #tpu.memory_space<vmem>>
      %dma_start3A_42 = tpu.memref_squeeze %dma_start3A_41 : memref<1x1x128xi32, #tpu.memory_space<vmem>> -> memref<128xi32, #tpu.memory_space<vmem>>
      %dma_start3A_43 = arith.constant 0 : i32
      %dma_start3A_44 = arith.constant 0 : i32
      %dma_start3A_45 = tpu.memref_slice %arg9[%dma_start3A_43, %dma_start3A_44] : memref<10240x128xf32, #tpu.memory_space<vmem_shared>> -> memref<10240x128xf32, #tpu.memory_space<vmem_shared>>
      tpu.enqueue_indirect_dma source(%arg7 : memref<128x128xf32, #tpu.memory_space<vmem>>) target(%dma_start3A_45 : memref<10240x128xf32, #tpu.memory_space<vmem_shared>>) offsets(%dma_start3A_42 : memref<128xi32, #tpu.memory_space<vmem>>) semaphore(%arg12 : memref<!tpu.dma_semaphore, #tpu.memory_space<semaphore_mem>>) {add = true}
      %dma_start3A_46 = arith.constant 1 : i32
      %dma_start3A_47 = arith.constant 0 : i32
      %dma_start3A_48 = arith.constant 0 : i32
      %dma_start3A_49 = tpu.memref_slice %arg6[%dma_start3A_46, %dma_start3A_47, %dma_start3A_48] : memref<40x2x128xi32, #tpu.memory_space<vmem>> -> memref<1x1x128xi32, #tpu.memory_space<vmem>>
      %dma_start3A_50 = tpu.memref_squeeze %dma_start3A_49 : memref<1x1x128xi32, #tpu.memory_space<vmem>> -> memref<128xi32, #tpu.memory_space<vmem>>
      %dma_start3A_51 = arith.constant 0 : i32
      %dma_start3A_52 = arith.constant 0 : i32
      %dma_start3A_53 = tpu.memref_slice %arg2[%dma_start3A_51, %dma_start3A_52] : memref<10240x128xf32, #tpu.memory_space<hbm>> -> memref<10240x128xf32, #tpu.memory_space<hbm>>
      tpu.enqueue_indirect_dma source(%dma_start3A_53 : memref<10240x128xf32, #tpu.memory_space<hbm>>) target(%arg8 : memref<128x128xf32, #tpu.memory_space<vmem>>) offsets(%dma_start3A_50 : memref<128xi32, #tpu.memory_space<vmem>>) semaphore(%arg11 : memref<!tpu.dma_semaphore, #tpu.memory_space<semaphore_mem>>)
      %scan3A_54 = arith.constant 0 : i32
      %scan3A_55 = arith.constant 0 : i32
      %scan3A_56 = arith.constant 19 : i32
      %scan3A_57 = arith.addi %scan3A_55, %scan3A_56 : i32
      %scan3A_58 = arith.constant 1 : i32
      %scan3A_59 = scf.for %scan3A_196 = %scan3A_55 to %scan3A_57 step %scan3A_58 iter_args(%scan3A_197 = %scan3A_54) -> (i32)  : i32 {
        %mul3A_198 = arith.constant 2 : i32
        %mul3A_199 = arith.muli %mul3A_198, %scan3A_196 : i32
        %add3A = arith.constant 1 : i32
        %add3A_200 = arith.addi %mul3A_199, %add3A : i32
        %dma_wait3A_201 = arith.constant 0 : i32
        %dma_wait3A_202 = arith.constant 0 : i32
        %dma_wait3A_203 = arith.constant 0 : i32
        %dma_wait3A_204 = tpu.memref_slice %arg6[%dma_wait3A_201, %dma_wait3A_202, %dma_wait3A_203] : memref<40x2x128xi32, #tpu.memory_space<vmem>> -> memref<1x1x128xi32, #tpu.memory_space<vmem>>
        %dma_wait3A_205 = tpu.memref_squeeze %dma_wait3A_204 : memref<1x1x128xi32, #tpu.memory_space<vmem>> -> memref<128xi32, #tpu.memory_space<vmem>>
        %dma_wait3A_206 = arith.constant 0 : i32
        %dma_wait3A_207 = arith.constant 0 : i32
        %dma_wait3A_208 = tpu.memref_slice %arg2[%dma_wait3A_206, %dma_wait3A_207] : memref<10240x128xf32, #tpu.memory_space<hbm>> -> memref<10240x128xf32, #tpu.memory_space<hbm>>
        tpu.wait_indirect_dma semaphore(%arg11 : memref<!tpu.dma_semaphore, #tpu.memory_space<semaphore_mem>>) src(%dma_wait3A_208 : memref<10240x128xf32, #tpu.memory_space<hbm>>) dst(%arg8 : memref<128x128xf32, #tpu.memory_space<vmem>>)
        %dma_start3A_209 = arith.constant 1 : i32
        %dma_start3A_210 = arith.constant 0 : i32
        %dma_start3A_211 = tpu.memref_slice %arg6[%add3A_200, %dma_start3A_209, %dma_start3A_210] : memref<40x2x128xi32, #tpu.memory_space<vmem>> -> memref<1x1x128xi32, #tpu.memory_space<vmem>>
        %dma_start3A_212 = tpu.memref_squeeze %dma_start3A_211 : memref<1x1x128xi32, #tpu.memory_space<vmem>> -> memref<128xi32, #tpu.memory_space<vmem>>
        %dma_start3A_213 = arith.constant 0 : i32
        %dma_start3A_214 = arith.constant 0 : i32
        %dma_start3A_215 = tpu.memref_slice %arg9[%dma_start3A_213, %dma_start3A_214] : memref<10240x128xf32, #tpu.memory_space<vmem_shared>> -> memref<10240x128xf32, #tpu.memory_space<vmem_shared>>
        tpu.enqueue_indirect_dma source(%arg8 : memref<128x128xf32, #tpu.memory_space<vmem>>) target(%dma_start3A_215 : memref<10240x128xf32, #tpu.memory_space<vmem_shared>>) offsets(%dma_start3A_212 : memref<128xi32, #tpu.memory_space<vmem>>) semaphore(%arg13 : memref<!tpu.dma_semaphore, #tpu.memory_space<semaphore_mem>>) {add = true}
        %dma_wait3A_216 = arith.constant 0 : i32
        %dma_wait3A_217 = arith.constant 1 : i32
        %dma_wait3A_218 = arith.constant 0 : i32
        %dma_wait3A_219 = tpu.memref_slice %arg6[%dma_wait3A_216, %dma_wait3A_217, %dma_wait3A_218] : memref<40x2x128xi32, #tpu.memory_space<vmem>> -> memref<1x1x128xi32, #tpu.memory_space<vmem>>
        %dma_wait3A_220 = tpu.memref_squeeze %dma_wait3A_219 : memref<1x1x128xi32, #tpu.memory_space<vmem>> -> memref<128xi32, #tpu.memory_space<vmem>>
        %dma_wait3A_221 = arith.constant 0 : i32
        %dma_wait3A_222 = arith.constant 0 : i32
        %dma_wait3A_223 = tpu.memref_slice %arg9[%dma_wait3A_221, %dma_wait3A_222] : memref<10240x128xf32, #tpu.memory_space<vmem_shared>> -> memref<10240x128xf32, #tpu.memory_space<vmem_shared>>
        tpu.wait_indirect_dma semaphore(%arg12 : memref<!tpu.dma_semaphore, #tpu.memory_space<semaphore_mem>>) src(%arg7 : memref<128x128xf32, #tpu.memory_space<vmem>>) dst(%dma_wait3A_223 : memref<10240x128xf32, #tpu.memory_space<vmem_shared>>)
        %add3A_224 = arith.constant 1 : i32
        %add3A_225 = arith.addi %add3A_200, %add3A_224 : i32
        %dma_start3A_226 = arith.constant 0 : i32
        %dma_start3A_227 = arith.constant 0 : i32
        %dma_start3A_228 = tpu.memref_slice %arg6[%add3A_225, %dma_start3A_226, %dma_start3A_227] : memref<40x2x128xi32, #tpu.memory_space<vmem>> -> memref<1x1x128xi32, #tpu.memory_space<vmem>>
        %dma_start3A_229 = tpu.memref_squeeze %dma_start3A_228 : memref<1x1x128xi32, #tpu.memory_space<vmem>> -> memref<128xi32, #tpu.memory_space<vmem>>
        %dma_start3A_230 = arith.constant 0 : i32
        %dma_start3A_231 = arith.constant 0 : i32
        %dma_start3A_232 = tpu.memref_slice %arg2[%dma_start3A_230, %dma_start3A_231] : memref<10240x128xf32, #tpu.memory_space<hbm>> -> memref<10240x128xf32, #tpu.memory_space<hbm>>
        tpu.enqueue_indirect_dma source(%dma_start3A_232 : memref<10240x128xf32, #tpu.memory_space<hbm>>) target(%arg7 : memref<128x128xf32, #tpu.memory_space<vmem>>) offsets(%dma_start3A_229 : memref<128xi32, #tpu.memory_space<vmem>>) semaphore(%arg10 : memref<!tpu.dma_semaphore, #tpu.memory_space<semaphore_mem>>)
        %dma_wait3A_233 = arith.constant 0 : i32
        %dma_wait3A_234 = arith.constant 0 : i32
        %dma_wait3A_235 = arith.constant 0 : i32
        %dma_wait3A_236 = tpu.memref_slice %arg6[%dma_wait3A_233, %dma_wait3A_234, %dma_wait3A_235] : memref<40x2x128xi32, #tpu.memory_space<vmem>> -> memref<1x1x128xi32, #tpu.memory_space<vmem>>
        %dma_wait3A_237 = tpu.memref_squeeze %dma_wait3A_236 : memref<1x1x128xi32, #tpu.memory_space<vmem>> -> memref<128xi32, #tpu.memory_space<vmem>>
        %dma_wait3A_238 = arith.constant 0 : i32
        %dma_wait3A_239 = arith.constant 0 : i32
        %dma_wait3A_240 = tpu.memref_slice %arg2[%dma_wait3A_238, %dma_wait3A_239] : memref<10240x128xf32, #tpu.memory_space<hbm>> -> memref<10240x128xf32, #tpu.memory_space<hbm>>
        tpu.wait_indirect_dma semaphore(%arg10 : memref<!tpu.dma_semaphore, #tpu.memory_space<semaphore_mem>>) src(%dma_wait3A_240 : memref<10240x128xf32, #tpu.memory_space<hbm>>) dst(%arg7 : memref<128x128xf32, #tpu.memory_space<vmem>>)
        %add3A_241 = arith.constant 1 : i32
        %add3A_242 = arith.addi %add3A_200, %add3A_241 : i32
        %dma_start3A_243 = arith.constant 1 : i32
        %dma_start3A_244 = arith.constant 0 : i32
        %dma_start3A_245 = tpu.memref_slice %arg6[%add3A_242, %dma_start3A_243, %dma_start3A_244] : memref<40x2x128xi32, #tpu.memory_space<vmem>> -> memref<1x1x128xi32, #tpu.memory_space<vmem>>
        %dma_start3A_246 = tpu.memref_squeeze %dma_start3A_245 : memref<1x1x128xi32, #tpu.memory_space<vmem>> -> memref<128xi32, #tpu.memory_space<vmem>>
        %dma_start3A_247 = arith.constant 0 : i32
        %dma_start3A_248 = arith.constant 0 : i32
        %dma_start3A_249 = tpu.memref_slice %arg9[%dma_start3A_247, %dma_start3A_248] : memref<10240x128xf32, #tpu.memory_space<vmem_shared>> -> memref<10240x128xf32, #tpu.memory_space<vmem_shared>>
        tpu.enqueue_indirect_dma source(%arg7 : memref<128x128xf32, #tpu.memory_space<vmem>>) target(%dma_start3A_249 : memref<10240x128xf32, #tpu.memory_space<vmem_shared>>) offsets(%dma_start3A_246 : memref<128xi32, #tpu.memory_space<vmem>>) semaphore(%arg12 : memref<!tpu.dma_semaphore, #tpu.memory_space<semaphore_mem>>) {add = true}
        %dma_wait3A_250 = arith.constant 0 : i32
        %dma_wait3A_251 = arith.constant 1 : i32
        %dma_wait3A_252 = arith.constant 0 : i32
        %dma_wait3A_253 = tpu.memref_slice %arg6[%dma_wait3A_250, %dma_wait3A_251, %dma_wait3A_252] : memref<40x2x128xi32, #tpu.memory_space<vmem>> -> memref<1x1x128xi32, #tpu.memory_space<vmem>>
        %dma_wait3A_254 = tpu.memref_squeeze %dma_wait3A_253 : memref<1x1x128xi32, #tpu.memory_space<vmem>> -> memref<128xi32, #tpu.memory_space<vmem>>
        %dma_wait3A_255 = arith.constant 0 : i32
        %dma_wait3A_256 = arith.constant 0 : i32
        %dma_wait3A_257 = tpu.memref_slice %arg9[%dma_wait3A_255, %dma_wait3A_256] : memref<10240x128xf32, #tpu.memory_space<vmem_shared>> -> memref<10240x128xf32, #tpu.memory_space<vmem_shared>>
        tpu.wait_indirect_dma semaphore(%arg13 : memref<!tpu.dma_semaphore, #tpu.memory_space<semaphore_mem>>) src(%arg8 : memref<128x128xf32, #tpu.memory_space<vmem>>) dst(%dma_wait3A_257 : memref<10240x128xf32, #tpu.memory_space<vmem_shared>>)
        %add3A_258 = arith.constant 2 : i32
        %add3A_259 = arith.addi %add3A_200, %add3A_258 : i32
        %dma_start3A_260 = arith.constant 0 : i32
        %dma_start3A_261 = arith.constant 0 : i32
        %dma_start3A_262 = tpu.memref_slice %arg6[%add3A_259, %dma_start3A_260, %dma_start3A_261] : memref<40x2x128xi32, #tpu.memory_space<vmem>> -> memref<1x1x128xi32, #tpu.memory_space<vmem>>
        %dma_start3A_263 = tpu.memref_squeeze %dma_start3A_262 : memref<1x1x128xi32, #tpu.memory_space<vmem>> -> memref<128xi32, #tpu.memory_space<vmem>>
        %dma_start3A_264 = arith.constant 0 : i32
        %dma_start3A_265 = arith.constant 0 : i32
        %dma_start3A_266 = tpu.memref_slice %arg2[%dma_start3A_264, %dma_start3A_265] : memref<10240x128xf32, #tpu.memory_space<hbm>> -> memref<10240x128xf32, #tpu.memory_space<hbm>>
        tpu.enqueue_indirect_dma source(%dma_start3A_266 : memref<10240x128xf32, #tpu.memory_space<hbm>>) target(%arg8 : memref<128x128xf32, #tpu.memory_space<vmem>>) offsets(%dma_start3A_263 : memref<128xi32, #tpu.memory_space<vmem>>) semaphore(%arg11 : memref<!tpu.dma_semaphore, #tpu.memory_space<semaphore_mem>>)
        %scan3A_267 = arith.constant 0 : i32
        scf.yield %scan3A_267 : i32
      }
      %scan3A_60 = arith.constant 19 : i32
      %dma_wait3A_61 = arith.constant 0 : i32
      %dma_wait3A_62 = arith.constant 0 : i32
      %dma_wait3A_63 = arith.constant 0 : i32
      %dma_wait3A_64 = tpu.memref_slice %arg6[%dma_wait3A_61, %dma_wait3A_62, %dma_wait3A_63] : memref<40x2x128xi32, #tpu.memory_space<vmem>> -> memref<1x1x128xi32, #tpu.memory_space<vmem>>
      %dma_wait3A_65 = tpu.memref_squeeze %dma_wait3A_64 : memref<1x1x128xi32, #tpu.memory_space<vmem>> -> memref<128xi32, #tpu.memory_space<vmem>>
      %dma_wait3A_66 = arith.constant 0 : i32
      %dma_wait3A_67 = arith.constant 0 : i32
      %dma_wait3A_68 = tpu.memref_slice %arg2[%dma_wait3A_66, %dma_wait3A_67] : memref<10240x128xf32, #tpu.memory_space<hbm>> -> memref<10240x128xf32, #tpu.memory_space<hbm>>
      tpu.wait_indirect_dma semaphore(%arg11 : memref<!tpu.dma_semaphore, #tpu.memory_space<semaphore_mem>>) src(%dma_wait3A_68 : memref<10240x128xf32, #tpu.memory_space<hbm>>) dst(%arg8 : memref<128x128xf32, #tpu.memory_space<vmem>>)
      %dma_start3A_69 = arith.constant 39 : i32
      %dma_start3A_70 = arith.constant 1 : i32
      %dma_start3A_71 = arith.constant 0 : i32
      %dma_start3A_72 = tpu.memref_slice %arg6[%dma_start3A_69, %dma_start3A_70, %dma_start3A_71] : memref<40x2x128xi32, #tpu.memory_space<vmem>> -> memref<1x1x128xi32, #tpu.memory_space<vmem>>
      %dma_start3A_73 = tpu.memref_squeeze %dma_start3A_72 : memref<1x1x128xi32, #tpu.memory_space<vmem>> -> memref<128xi32, #tpu.memory_space<vmem>>
      %dma_start3A_74 = arith.constant 0 : i32
      %dma_start3A_75 = arith.constant 0 : i32
      %dma_start3A_76 = tpu.memref_slice %arg9[%dma_start3A_74, %dma_start3A_75] : memref<10240x128xf32, #tpu.memory_space<vmem_shared>> -> memref<10240x128xf32, #tpu.memory_space<vmem_shared>>
      tpu.enqueue_indirect_dma source(%arg8 : memref<128x128xf32, #tpu.memory_space<vmem>>) target(%dma_start3A_76 : memref<10240x128xf32, #tpu.memory_space<vmem_shared>>) offsets(%dma_start3A_73 : memref<128xi32, #tpu.memory_space<vmem>>) semaphore(%arg13 : memref<!tpu.dma_semaphore, #tpu.memory_space<semaphore_mem>>) {add = true}
      %dma_wait3A_77 = arith.constant 0 : i32
      %dma_wait3A_78 = arith.constant 1 : i32
      %dma_wait3A_79 = arith.constant 0 : i32
      %dma_wait3A_80 = tpu.memref_slice %arg6[%dma_wait3A_77, %dma_wait3A_78, %dma_wait3A_79] : memref<40x2x128xi32, #tpu.memory_space<vmem>> -> memref<1x1x128xi32, #tpu.memory_space<vmem>>
      %dma_wait3A_81 = tpu.memref_squeeze %dma_wait3A_80 : memref<1x1x128xi32, #tpu.memory_space<vmem>> -> memref<128xi32, #tpu.memory_space<vmem>>
      %dma_wait3A_82 = arith.constant 0 : i32
      %dma_wait3A_83 = arith.constant 0 : i32
      %dma_wait3A_84 = tpu.memref_slice %arg9[%dma_wait3A_82, %dma_wait3A_83] : memref<10240x128xf32, #tpu.memory_space<vmem_shared>> -> memref<10240x128xf32, #tpu.memory_space<vmem_shared>>
      tpu.wait_indirect_dma semaphore(%arg12 : memref<!tpu.dma_semaphore, #tpu.memory_space<semaphore_mem>>) src(%arg7 : memref<128x128xf32, #tpu.memory_space<vmem>>) dst(%dma_wait3A_84 : memref<10240x128xf32, #tpu.memory_space<vmem_shared>>)
      %dma_wait3A_85 = arith.constant 0 : i32
      %dma_wait3A_86 = arith.constant 1 : i32
      %dma_wait3A_87 = arith.constant 0 : i32
      %dma_wait3A_88 = tpu.memref_slice %arg6[%dma_wait3A_85, %dma_wait3A_86, %dma_wait3A_87] : memref<40x2x128xi32, #tpu.memory_space<vmem>> -> memref<1x1x128xi32, #tpu.memory_space<vmem>>
      %dma_wait3A_89 = tpu.memref_squeeze %dma_wait3A_88 : memref<1x1x128xi32, #tpu.memory_space<vmem>> -> memref<128xi32, #tpu.memory_space<vmem>>
      %dma_wait3A_90 = arith.constant 0 : i32
      %dma_wait3A_91 = arith.constant 0 : i32
      %dma_wait3A_92 = tpu.memref_slice %arg9[%dma_wait3A_90, %dma_wait3A_91] : memref<10240x128xf32, #tpu.memory_space<vmem_shared>> -> memref<10240x128xf32, #tpu.memory_space<vmem_shared>>
      tpu.wait_indirect_dma semaphore(%arg13 : memref<!tpu.dma_semaphore, #tpu.memory_space<semaphore_mem>>) src(%arg8 : memref<128x128xf32, #tpu.memory_space<vmem>>) dst(%dma_wait3A_92 : memref<10240x128xf32, #tpu.memory_space<vmem_shared>>)
      "tpu.region"() ({
        %run_scoped3A = tpu.sem_alloc : memref<!tpu.dma_semaphore, #tpu.memory_space<semaphore_mem>>
        %dma_start3A_196 = arith.constant 0 : i32
        %dma_start3A_197 = arith.constant 0 : i32
        %dma_start3A_198 = arith.constant 0 : i32
        %dma_start3A_199 = tpu.memref_slice %arg6[%dma_start3A_196, %dma_start3A_197, %dma_start3A_198] : memref<40x2x128xi32, #tpu.memory_space<vmem>> -> memref<39x2x128xi32, #tpu.memory_space<vmem>>
        %dma_start3A_200 = arith.constant 40 : i32
        %dma_start3A_201 = arith.constant 0 : i32
        %dma_start3A_202 = arith.constant 0 : i32
        %dma_start3A_203 = tpu.memref_slice %arg3[%arg1, %dma_start3A_200, %dma_start3A_201, %dma_start3A_202] : memref<16x79x2x128xi32, #tpu.memory_space<hbm>> -> memref<1x39x2x128xi32, #tpu.memory_space<hbm>>
        %dma_start3A_204 = tpu.memref_squeeze %dma_start3A_203 : memref<1x39x2x128xi32, #tpu.memory_space<hbm>> -> memref<39x2x128xi32, #tpu.memory_space<hbm>>
        %dma_start3A_205 = arith.constant 0 : i32
        %dma_start3A_206 = arith.constant 0 : i32
        %dma_start3A_207 = arith.constant 0 : i32
        %dma_start3A_208 = tpu.memref_slice %arg6[%dma_start3A_205, %dma_start3A_206, %dma_start3A_207] : memref<40x2x128xi32, #tpu.memory_space<vmem>> -> memref<39x2x128xi32, #tpu.memory_space<vmem>>
        %dma_start3A_209 = arith.constant 40 : i32
        %dma_start3A_210 = arith.constant 0 : i32
        %dma_start3A_211 = arith.constant 0 : i32
        %dma_start3A_212 = tpu.memref_slice %arg3[%arg1, %dma_start3A_209, %dma_start3A_210, %dma_start3A_211] : memref<16x79x2x128xi32, #tpu.memory_space<hbm>> -> memref<1x39x2x128xi32, #tpu.memory_space<hbm>>
        %dma_start3A_213 = tpu.memref_squeeze %dma_start3A_212 : memref<1x39x2x128xi32, #tpu.memory_space<hbm>> -> memref<39x2x128xi32, #tpu.memory_space<hbm>>
        tpu.enqueue_dma source(%dma_start3A_213 : memref<39x2x128xi32, #tpu.memory_space<hbm>>) target(%dma_start3A_208 : memref<39x2x128xi32, #tpu.memory_space<vmem>>) target_semaphore(%run_scoped3A : memref<!tpu.dma_semaphore, #tpu.memory_space<semaphore_mem>>)
        %dma_wait3A_214 = arith.constant 0 : i32
        %dma_wait3A_215 = arith.constant 0 : i32
        %dma_wait3A_216 = arith.constant 0 : i32
        %dma_wait3A_217 = tpu.memref_slice %arg6[%dma_wait3A_214, %dma_wait3A_215, %dma_wait3A_216] : memref<40x2x128xi32, #tpu.memory_space<vmem>> -> memref<39x2x128xi32, #tpu.memory_space<vmem>>
        %dma_wait3A_218 = arith.constant 40 : i32
        %dma_wait3A_219 = arith.constant 0 : i32
        %dma_wait3A_220 = arith.constant 0 : i32
        %dma_wait3A_221 = tpu.memref_slice %arg3[%arg1, %dma_wait3A_218, %dma_wait3A_219, %dma_wait3A_220] : memref<16x79x2x128xi32, #tpu.memory_space<hbm>> -> memref<1x39x2x128xi32, #tpu.memory_space<hbm>>
        %dma_wait3A_222 = tpu.memref_squeeze %dma_wait3A_221 : memref<1x39x2x128xi32, #tpu.memory_space<hbm>> -> memref<39x2x128xi32, #tpu.memory_space<hbm>>
        %dma_wait3A_223 = arith.constant 0 : i32
        %dma_wait3A_224 = arith.constant 0 : i32
        %dma_wait3A_225 = arith.constant 0 : i32
        %dma_wait3A_226 = tpu.memref_slice %arg6[%dma_wait3A_223, %dma_wait3A_224, %dma_wait3A_225] : memref<40x2x128xi32, #tpu.memory_space<vmem>> -> memref<39x2x128xi32, #tpu.memory_space<vmem>>
        %dma_wait3A_227 = arith.constant 40 : i32
        %dma_wait3A_228 = arith.constant 0 : i32
        %dma_wait3A_229 = arith.constant 0 : i32
        %dma_wait3A_230 = tpu.memref_slice %arg3[%arg1, %dma_wait3A_227, %dma_wait3A_228, %dma_wait3A_229] : memref<16x79x2x128xi32, #tpu.memory_space<hbm>> -> memref<1x39x2x128xi32, #tpu.memory_space<hbm>>
        %dma_wait3A_231 = tpu.memref_squeeze %dma_wait3A_230 : memref<1x39x2x128xi32, #tpu.memory_space<hbm>> -> memref<39x2x128xi32, #tpu.memory_space<hbm>>
        tpu.wait_dma2 semaphore(%run_scoped3A : memref<!tpu.dma_semaphore, #tpu.memory_space<semaphore_mem>>) src(%dma_wait3A_231 : memref<39x2x128xi32, #tpu.memory_space<hbm>>) dst(%dma_wait3A_226 : memref<39x2x128xi32, #tpu.memory_space<vmem>>)
        tpu.yield
      }) : () -> ()
      %dma_start3A_93 = arith.constant 0 : i32
      %dma_start3A_94 = arith.constant 0 : i32
      %dma_start3A_95 = arith.constant 0 : i32
      %dma_start3A_96 = tpu.memref_slice %arg6[%dma_start3A_93, %dma_start3A_94, %dma_start3A_95] : memref<40x2x128xi32, #tpu.memory_space<vmem>> -> memref<1x1x128xi32, #tpu.memory_space<vmem>>
      %dma_start3A_97 = tpu.memref_squeeze %dma_start3A_96 : memref<1x1x128xi32, #tpu.memory_space<vmem>> -> memref<128xi32, #tpu.memory_space<vmem>>
      %dma_start3A_98 = arith.constant 0 : i32
      %dma_start3A_99 = arith.constant 0 : i32
      %dma_start3A_100 = tpu.memref_slice %arg2[%dma_start3A_98, %dma_start3A_99] : memref<10240x128xf32, #tpu.memory_space<hbm>> -> memref<10240x128xf32, #tpu.memory_space<hbm>>
      tpu.enqueue_indirect_dma source(%dma_start3A_100 : memref<10240x128xf32, #tpu.memory_space<hbm>>) target(%arg7 : memref<128x128xf32, #tpu.memory_space<vmem>>) offsets(%dma_start3A_97 : memref<128xi32, #tpu.memory_space<vmem>>) semaphore(%arg10 : memref<!tpu.dma_semaphore, #tpu.memory_space<semaphore_mem>>)
      %dma_wait3A_101 = arith.constant 0 : i32
      %dma_wait3A_102 = arith.constant 0 : i32
      %dma_wait3A_103 = arith.constant 0 : i32
      %dma_wait3A_104 = tpu.memref_slice %arg6[%dma_wait3A_101, %dma_wait3A_102, %dma_wait3A_103] : memref<40x2x128xi32, #tpu.memory_space<vmem>> -> memref<1x1x128xi32, #tpu.memory_space<vmem>>
      %dma_wait3A_105 = tpu.memref_squeeze %dma_wait3A_104 : memref<1x1x128xi32, #tpu.memory_space<vmem>> -> memref<128xi32, #tpu.memory_space<vmem>>
      %dma_wait3A_106 = arith.constant 0 : i32
      %dma_wait3A_107 = arith.constant 0 : i32
      %dma_wait3A_108 = tpu.memref_slice %arg2[%dma_wait3A_106, %dma_wait3A_107] : memref<10240x128xf32, #tpu.memory_space<hbm>> -> memref<10240x128xf32, #tpu.memory_space<hbm>>
      tpu.wait_indirect_dma semaphore(%arg10 : memref<!tpu.dma_semaphore, #tpu.memory_space<semaphore_mem>>) src(%dma_wait3A_108 : memref<10240x128xf32, #tpu.memory_space<hbm>>) dst(%arg7 : memref<128x128xf32, #tpu.memory_space<vmem>>)
      %dma_start3A_109 = arith.constant 0 : i32
      %dma_start3A_110 = arith.constant 1 : i32
      %dma_start3A_111 = arith.constant 0 : i32
      %dma_start3A_112 = tpu.memref_slice %arg6[%dma_start3A_109, %dma_start3A_110, %dma_start3A_111] : memref<40x2x128xi32, #tpu.memory_space<vmem>> -> memref<1x1x128xi32, #tpu.memory_space<vmem>>
      %dma_start3A_113 = tpu.memref_squeeze %dma_start3A_112 : memref<1x1x128xi32, #tpu.memory_space<vmem>> -> memref<128xi32, #tpu.memory_space<vmem>>
      %dma_start3A_114 = arith.constant 0 : i32
      %dma_start3A_115 = arith.constant 0 : i32
      %dma_start3A_116 = tpu.memref_slice %arg9[%dma_start3A_114, %dma_start3A_115] : memref<10240x128xf32, #tpu.memory_space<vmem_shared>> -> memref<10240x128xf32, #tpu.memory_space<vmem_shared>>
      tpu.enqueue_indirect_dma source(%arg7 : memref<128x128xf32, #tpu.memory_space<vmem>>) target(%dma_start3A_116 : memref<10240x128xf32, #tpu.memory_space<vmem_shared>>) offsets(%dma_start3A_113 : memref<128xi32, #tpu.memory_space<vmem>>) semaphore(%arg12 : memref<!tpu.dma_semaphore, #tpu.memory_space<semaphore_mem>>) {add = true}
      %dma_start3A_117 = arith.constant 1 : i32
      %dma_start3A_118 = arith.constant 0 : i32
      %dma_start3A_119 = arith.constant 0 : i32
      %dma_start3A_120 = tpu.memref_slice %arg6[%dma_start3A_117, %dma_start3A_118, %dma_start3A_119] : memref<40x2x128xi32, #tpu.memory_space<vmem>> -> memref<1x1x128xi32, #tpu.memory_space<vmem>>
      %dma_start3A_121 = tpu.memref_squeeze %dma_start3A_120 : memref<1x1x128xi32, #tpu.memory_space<vmem>> -> memref<128xi32, #tpu.memory_space<vmem>>
      %dma_start3A_122 = arith.constant 0 : i32
      %dma_start3A_123 = arith.constant 0 : i32
      %dma_start3A_124 = tpu.memref_slice %arg2[%dma_start3A_122, %dma_start3A_123] : memref<10240x128xf32, #tpu.memory_space<hbm>> -> memref<10240x128xf32, #tpu.memory_space<hbm>>
      tpu.enqueue_indirect_dma source(%dma_start3A_124 : memref<10240x128xf32, #tpu.memory_space<hbm>>) target(%arg8 : memref<128x128xf32, #tpu.memory_space<vmem>>) offsets(%dma_start3A_121 : memref<128xi32, #tpu.memory_space<vmem>>) semaphore(%arg11 : memref<!tpu.dma_semaphore, #tpu.memory_space<semaphore_mem>>)
      %scan3A_125 = arith.constant 0 : i32
      %scan3A_126 = arith.constant 0 : i32
      %scan3A_127 = arith.constant 18 : i32
      %scan3A_128 = arith.addi %scan3A_126, %scan3A_127 : i32
      %scan3A_129 = arith.constant 1 : i32
      %scan3A_130 = scf.for %scan3A_196 = %scan3A_126 to %scan3A_128 step %scan3A_129 iter_args(%scan3A_197 = %scan3A_125) -> (i32)  : i32 {
        %mul3A_198 = arith.constant 2 : i32
        %mul3A_199 = arith.muli %mul3A_198, %scan3A_196 : i32
        %add3A = arith.constant 1 : i32
        %add3A_200 = arith.addi %mul3A_199, %add3A : i32
        %dma_wait3A_201 = arith.constant 0 : i32
        %dma_wait3A_202 = arith.constant 0 : i32
        %dma_wait3A_203 = arith.constant 0 : i32
        %dma_wait3A_204 = tpu.memref_slice %arg6[%dma_wait3A_201, %dma_wait3A_202, %dma_wait3A_203] : memref<40x2x128xi32, #tpu.memory_space<vmem>> -> memref<1x1x128xi32, #tpu.memory_space<vmem>>
        %dma_wait3A_205 = tpu.memref_squeeze %dma_wait3A_204 : memref<1x1x128xi32, #tpu.memory_space<vmem>> -> memref<128xi32, #tpu.memory_space<vmem>>
        %dma_wait3A_206 = arith.constant 0 : i32
        %dma_wait3A_207 = arith.constant 0 : i32
        %dma_wait3A_208 = tpu.memref_slice %arg2[%dma_wait3A_206, %dma_wait3A_207] : memref<10240x128xf32, #tpu.memory_space<hbm>> -> memref<10240x128xf32, #tpu.memory_space<hbm>>
        tpu.wait_indirect_dma semaphore(%arg11 : memref<!tpu.dma_semaphore, #tpu.memory_space<semaphore_mem>>) src(%dma_wait3A_208 : memref<10240x128xf32, #tpu.memory_space<hbm>>) dst(%arg8 : memref<128x128xf32, #tpu.memory_space<vmem>>)
        %dma_start3A_209 = arith.constant 1 : i32
        %dma_start3A_210 = arith.constant 0 : i32
        %dma_start3A_211 = tpu.memref_slice %arg6[%add3A_200, %dma_start3A_209, %dma_start3A_210] : memref<40x2x128xi32, #tpu.memory_space<vmem>> -> memref<1x1x128xi32, #tpu.memory_space<vmem>>
        %dma_start3A_212 = tpu.memref_squeeze %dma_start3A_211 : memref<1x1x128xi32, #tpu.memory_space<vmem>> -> memref<128xi32, #tpu.memory_space<vmem>>
        %dma_start3A_213 = arith.constant 0 : i32
        %dma_start3A_214 = arith.constant 0 : i32
        %dma_start3A_215 = tpu.memref_slice %arg9[%dma_start3A_213, %dma_start3A_214] : memref<10240x128xf32, #tpu.memory_space<vmem_shared>> -> memref<10240x128xf32, #tpu.memory_space<vmem_shared>>
        tpu.enqueue_indirect_dma source(%arg8 : memref<128x128xf32, #tpu.memory_space<vmem>>) target(%dma_start3A_215 : memref<10240x128xf32, #tpu.memory_space<vmem_shared>>) offsets(%dma_start3A_212 : memref<128xi32, #tpu.memory_space<vmem>>) semaphore(%arg13 : memref<!tpu.dma_semaphore, #tpu.memory_space<semaphore_mem>>) {add = true}
        %dma_wait3A_216 = arith.constant 0 : i32
        %dma_wait3A_217 = arith.constant 1 : i32
        %dma_wait3A_218 = arith.constant 0 : i32
        %dma_wait3A_219 = tpu.memref_slice %arg6[%dma_wait3A_216, %dma_wait3A_217, %dma_wait3A_218] : memref<40x2x128xi32, #tpu.memory_space<vmem>> -> memref<1x1x128xi32, #tpu.memory_space<vmem>>
        %dma_wait3A_220 = tpu.memref_squeeze %dma_wait3A_219 : memref<1x1x128xi32, #tpu.memory_space<vmem>> -> memref<128xi32, #tpu.memory_space<vmem>>
        %dma_wait3A_221 = arith.constant 0 : i32
        %dma_wait3A_222 = arith.constant 0 : i32
        %dma_wait3A_223 = tpu.memref_slice %arg9[%dma_wait3A_221, %dma_wait3A_222] : memref<10240x128xf32, #tpu.memory_space<vmem_shared>> -> memref<10240x128xf32, #tpu.memory_space<vmem_shared>>
        tpu.wait_indirect_dma semaphore(%arg12 : memref<!tpu.dma_semaphore, #tpu.memory_space<semaphore_mem>>) src(%arg7 : memref<128x128xf32, #tpu.memory_space<vmem>>) dst(%dma_wait3A_223 : memref<10240x128xf32, #tpu.memory_space<vmem_shared>>)
        %add3A_224 = arith.constant 1 : i32
        %add3A_225 = arith.addi %add3A_200, %add3A_224 : i32
        %dma_start3A_226 = arith.constant 0 : i32
        %dma_start3A_227 = arith.constant 0 : i32
        %dma_start3A_228 = tpu.memref_slice %arg6[%add3A_225, %dma_start3A_226, %dma_start3A_227] : memref<40x2x128xi32, #tpu.memory_space<vmem>> -> memref<1x1x128xi32, #tpu.memory_space<vmem>>
        %dma_start3A_229 = tpu.memref_squeeze %dma_start3A_228 : memref<1x1x128xi32, #tpu.memory_space<vmem>> -> memref<128xi32, #tpu.memory_space<vmem>>
        %dma_start3A_230 = arith.constant 0 : i32
        %dma_start3A_231 = arith.constant 0 : i32
        %dma_start3A_232 = tpu.memref_slice %arg2[%dma_start3A_230, %dma_start3A_231] : memref<10240x128xf32, #tpu.memory_space<hbm>> -> memref<10240x128xf32, #tpu.memory_space<hbm>>
        tpu.enqueue_indirect_dma source(%dma_start3A_232 : memref<10240x128xf32, #tpu.memory_space<hbm>>) target(%arg7 : memref<128x128xf32, #tpu.memory_space<vmem>>) offsets(%dma_start3A_229 : memref<128xi32, #tpu.memory_space<vmem>>) semaphore(%arg10 : memref<!tpu.dma_semaphore, #tpu.memory_space<semaphore_mem>>)
        %dma_wait3A_233 = arith.constant 0 : i32
        %dma_wait3A_234 = arith.constant 0 : i32
        %dma_wait3A_235 = arith.constant 0 : i32
        %dma_wait3A_236 = tpu.memref_slice %arg6[%dma_wait3A_233, %dma_wait3A_234, %dma_wait3A_235] : memref<40x2x128xi32, #tpu.memory_space<vmem>> -> memref<1x1x128xi32, #tpu.memory_space<vmem>>
        %dma_wait3A_237 = tpu.memref_squeeze %dma_wait3A_236 : memref<1x1x128xi32, #tpu.memory_space<vmem>> -> memref<128xi32, #tpu.memory_space<vmem>>
        %dma_wait3A_238 = arith.constant 0 : i32
        %dma_wait3A_239 = arith.constant 0 : i32
        %dma_wait3A_240 = tpu.memref_slice %arg2[%dma_wait3A_238, %dma_wait3A_239] : memref<10240x128xf32, #tpu.memory_space<hbm>> -> memref<10240x128xf32, #tpu.memory_space<hbm>>
        tpu.wait_indirect_dma semaphore(%arg10 : memref<!tpu.dma_semaphore, #tpu.memory_space<semaphore_mem>>) src(%dma_wait3A_240 : memref<10240x128xf32, #tpu.memory_space<hbm>>) dst(%arg7 : memref<128x128xf32, #tpu.memory_space<vmem>>)
        %add3A_241 = arith.constant 1 : i32
        %add3A_242 = arith.addi %add3A_200, %add3A_241 : i32
        %dma_start3A_243 = arith.constant 1 : i32
        %dma_start3A_244 = arith.constant 0 : i32
        %dma_start3A_245 = tpu.memref_slice %arg6[%add3A_242, %dma_start3A_243, %dma_start3A_244] : memref<40x2x128xi32, #tpu.memory_space<vmem>> -> memref<1x1x128xi32, #tpu.memory_space<vmem>>
        %dma_start3A_246 = tpu.memref_squeeze %dma_start3A_245 : memref<1x1x128xi32, #tpu.memory_space<vmem>> -> memref<128xi32, #tpu.memory_space<vmem>>
        %dma_start3A_247 = arith.constant 0 : i32
        %dma_start3A_248 = arith.constant 0 : i32
        %dma_start3A_249 = tpu.memref_slice %arg9[%dma_start3A_247, %dma_start3A_248] : memref<10240x128xf32, #tpu.memory_space<vmem_shared>> -> memref<10240x128xf32, #tpu.memory_space<vmem_shared>>
        tpu.enqueue_indirect_dma source(%arg7 : memref<128x128xf32, #tpu.memory_space<vmem>>) target(%dma_start3A_249 : memref<10240x128xf32, #tpu.memory_space<vmem_shared>>) offsets(%dma_start3A_246 : memref<128xi32, #tpu.memory_space<vmem>>) semaphore(%arg12 : memref<!tpu.dma_semaphore, #tpu.memory_space<semaphore_mem>>) {add = true}
        %dma_wait3A_250 = arith.constant 0 : i32
        %dma_wait3A_251 = arith.constant 1 : i32
        %dma_wait3A_252 = arith.constant 0 : i32
        %dma_wait3A_253 = tpu.memref_slice %arg6[%dma_wait3A_250, %dma_wait3A_251, %dma_wait3A_252] : memref<40x2x128xi32, #tpu.memory_space<vmem>> -> memref<1x1x128xi32, #tpu.memory_space<vmem>>
        %dma_wait3A_254 = tpu.memref_squeeze %dma_wait3A_253 : memref<1x1x128xi32, #tpu.memory_space<vmem>> -> memref<128xi32, #tpu.memory_space<vmem>>
        %dma_wait3A_255 = arith.constant 0 : i32
        %dma_wait3A_256 = arith.constant 0 : i32
        %dma_wait3A_257 = tpu.memref_slice %arg9[%dma_wait3A_255, %dma_wait3A_256] : memref<10240x128xf32, #tpu.memory_space<vmem_shared>> -> memref<10240x128xf32, #tpu.memory_space<vmem_shared>>
        tpu.wait_indirect_dma semaphore(%arg13 : memref<!tpu.dma_semaphore, #tpu.memory_space<semaphore_mem>>) src(%arg8 : memref<128x128xf32, #tpu.memory_space<vmem>>) dst(%dma_wait3A_257 : memref<10240x128xf32, #tpu.memory_space<vmem_shared>>)
        %add3A_258 = arith.constant 2 : i32
        %add3A_259 = arith.addi %add3A_200, %add3A_258 : i32
        %dma_start3A_260 = arith.constant 0 : i32
        %dma_start3A_261 = arith.constant 0 : i32
        %dma_start3A_262 = tpu.memref_slice %arg6[%add3A_259, %dma_start3A_260, %dma_start3A_261] : memref<40x2x128xi32, #tpu.memory_space<vmem>> -> memref<1x1x128xi32, #tpu.memory_space<vmem>>
        %dma_start3A_263 = tpu.memref_squeeze %dma_start3A_262 : memref<1x1x128xi32, #tpu.memory_space<vmem>> -> memref<128xi32, #tpu.memory_space<vmem>>
        %dma_start3A_264 = arith.constant 0 : i32
        %dma_start3A_265 = arith.constant 0 : i32
        %dma_start3A_266 = tpu.memref_slice %arg2[%dma_start3A_264, %dma_start3A_265] : memref<10240x128xf32, #tpu.memory_space<hbm>> -> memref<10240x128xf32, #tpu.memory_space<hbm>>
        tpu.enqueue_indirect_dma source(%dma_start3A_266 : memref<10240x128xf32, #tpu.memory_space<hbm>>) target(%arg8 : memref<128x128xf32, #tpu.memory_space<vmem>>) offsets(%dma_start3A_263 : memref<128xi32, #tpu.memory_space<vmem>>) semaphore(%arg11 : memref<!tpu.dma_semaphore, #tpu.memory_space<semaphore_mem>>)
        %scan3A_267 = arith.constant 0 : i32
        scf.yield %scan3A_267 : i32
      }
      %scan3A_131 = arith.constant 18 : i32
      %dma_wait3A_132 = arith.constant 0 : i32
      %dma_wait3A_133 = arith.constant 0 : i32
      %dma_wait3A_134 = arith.constant 0 : i32
      %dma_wait3A_135 = tpu.memref_slice %arg6[%dma_wait3A_132, %dma_wait3A_133, %dma_wait3A_134] : memref<40x2x128xi32, #tpu.memory_space<vmem>> -> memref<1x1x128xi32, #tpu.memory_space<vmem>>
      %dma_wait3A_136 = tpu.memref_squeeze %dma_wait3A_135 : memref<1x1x128xi32, #tpu.memory_space<vmem>> -> memref<128xi32, #tpu.memory_space<vmem>>
      %dma_wait3A_137 = arith.constant 0 : i32
      %dma_wait3A_138 = arith.constant 0 : i32
      %dma_wait3A_139 = tpu.memref_slice %arg2[%dma_wait3A_137, %dma_wait3A_138] : memref<10240x128xf32, #tpu.memory_space<hbm>> -> memref<10240x128xf32, #tpu.memory_space<hbm>>
      tpu.wait_indirect_dma semaphore(%arg11 : memref<!tpu.dma_semaphore, #tpu.memory_space<semaphore_mem>>) src(%dma_wait3A_139 : memref<10240x128xf32, #tpu.memory_space<hbm>>) dst(%arg8 : memref<128x128xf32, #tpu.memory_space<vmem>>)
      %dma_start3A_140 = arith.constant 37 : i32
      %dma_start3A_141 = arith.constant 1 : i32
      %dma_start3A_142 = arith.constant 0 : i32
      %dma_start3A_143 = tpu.memref_slice %arg6[%dma_start3A_140, %dma_start3A_141, %dma_start3A_142] : memref<40x2x128xi32, #tpu.memory_space<vmem>> -> memref<1x1x128xi32, #tpu.memory_space<vmem>>
      %dma_start3A_144 = tpu.memref_squeeze %dma_start3A_143 : memref<1x1x128xi32, #tpu.memory_space<vmem>> -> memref<128xi32, #tpu.memory_space<vmem>>
      %dma_start3A_145 = arith.constant 0 : i32
      %dma_start3A_146 = arith.constant 0 : i32
      %dma_start3A_147 = tpu.memref_slice %arg9[%dma_start3A_145, %dma_start3A_146] : memref<10240x128xf32, #tpu.memory_space<vmem_shared>> -> memref<10240x128xf32, #tpu.memory_space<vmem_shared>>
      tpu.enqueue_indirect_dma source(%arg8 : memref<128x128xf32, #tpu.memory_space<vmem>>) target(%dma_start3A_147 : memref<10240x128xf32, #tpu.memory_space<vmem_shared>>) offsets(%dma_start3A_144 : memref<128xi32, #tpu.memory_space<vmem>>) semaphore(%arg13 : memref<!tpu.dma_semaphore, #tpu.memory_space<semaphore_mem>>) {add = true}
      %dma_wait3A_148 = arith.constant 0 : i32
      %dma_wait3A_149 = arith.constant 1 : i32
      %dma_wait3A_150 = arith.constant 0 : i32
      %dma_wait3A_151 = tpu.memref_slice %arg6[%dma_wait3A_148, %dma_wait3A_149, %dma_wait3A_150] : memref<40x2x128xi32, #tpu.memory_space<vmem>> -> memref<1x1x128xi32, #tpu.memory_space<vmem>>
      %dma_wait3A_152 = tpu.memref_squeeze %dma_wait3A_151 : memref<1x1x128xi32, #tpu.memory_space<vmem>> -> memref<128xi32, #tpu.memory_space<vmem>>
      %dma_wait3A_153 = arith.constant 0 : i32
      %dma_wait3A_154 = arith.constant 0 : i32
      %dma_wait3A_155 = tpu.memref_slice %arg9[%dma_wait3A_153, %dma_wait3A_154] : memref<10240x128xf32, #tpu.memory_space<vmem_shared>> -> memref<10240x128xf32, #tpu.memory_space<vmem_shared>>
      tpu.wait_indirect_dma semaphore(%arg12 : memref<!tpu.dma_semaphore, #tpu.memory_space<semaphore_mem>>) src(%arg7 : memref<128x128xf32, #tpu.memory_space<vmem>>) dst(%dma_wait3A_155 : memref<10240x128xf32, #tpu.memory_space<vmem_shared>>)
      %dma_start3A_156 = arith.constant 38 : i32
      %dma_start3A_157 = arith.constant 0 : i32
      %dma_start3A_158 = arith.constant 0 : i32
      %dma_start3A_159 = tpu.memref_slice %arg6[%dma_start3A_156, %dma_start3A_157, %dma_start3A_158] : memref<40x2x128xi32, #tpu.memory_space<vmem>> -> memref<1x1x128xi32, #tpu.memory_space<vmem>>
      %dma_start3A_160 = tpu.memref_squeeze %dma_start3A_159 : memref<1x1x128xi32, #tpu.memory_space<vmem>> -> memref<128xi32, #tpu.memory_space<vmem>>
      %dma_start3A_161 = arith.constant 0 : i32
      %dma_start3A_162 = arith.constant 0 : i32
      %dma_start3A_163 = tpu.memref_slice %arg2[%dma_start3A_161, %dma_start3A_162] : memref<10240x128xf32, #tpu.memory_space<hbm>> -> memref<10240x128xf32, #tpu.memory_space<hbm>>
      tpu.enqueue_indirect_dma source(%dma_start3A_163 : memref<10240x128xf32, #tpu.memory_space<hbm>>) target(%arg7 : memref<128x128xf32, #tpu.memory_space<vmem>>) offsets(%dma_start3A_160 : memref<128xi32, #tpu.memory_space<vmem>>) semaphore(%arg10 : memref<!tpu.dma_semaphore, #tpu.memory_space<semaphore_mem>>)
      %dma_wait3A_164 = arith.constant 0 : i32
      %dma_wait3A_165 = arith.constant 0 : i32
      %dma_wait3A_166 = arith.constant 0 : i32
      %dma_wait3A_167 = tpu.memref_slice %arg6[%dma_wait3A_164, %dma_wait3A_165, %dma_wait3A_166] : memref<40x2x128xi32, #tpu.memory_space<vmem>> -> memref<1x1x128xi32, #tpu.memory_space<vmem>>
      %dma_wait3A_168 = tpu.memref_squeeze %dma_wait3A_167 : memref<1x1x128xi32, #tpu.memory_space<vmem>> -> memref<128xi32, #tpu.memory_space<vmem>>
      %dma_wait3A_169 = arith.constant 0 : i32
      %dma_wait3A_170 = arith.constant 0 : i32
      %dma_wait3A_171 = tpu.memref_slice %arg2[%dma_wait3A_169, %dma_wait3A_170] : memref<10240x128xf32, #tpu.memory_space<hbm>> -> memref<10240x128xf32, #tpu.memory_space<hbm>>
      tpu.wait_indirect_dma semaphore(%arg10 : memref<!tpu.dma_semaphore, #tpu.memory_space<semaphore_mem>>) src(%dma_wait3A_171 : memref<10240x128xf32, #tpu.memory_space<hbm>>) dst(%arg7 : memref<128x128xf32, #tpu.memory_space<vmem>>)
      %dma_start3A_172 = arith.constant 38 : i32
      %dma_start3A_173 = arith.constant 1 : i32
      %dma_start3A_174 = arith.constant 0 : i32
      %dma_start3A_175 = tpu.memref_slice %arg6[%dma_start3A_172, %dma_start3A_173, %dma_start3A_174] : memref<40x2x128xi32, #tpu.memory_space<vmem>> -> memref<1x1x128xi32, #tpu.memory_space<vmem>>
      %dma_start3A_176 = tpu.memref_squeeze %dma_start3A_175 : memref<1x1x128xi32, #tpu.memory_space<vmem>> -> memref<128xi32, #tpu.memory_space<vmem>>
      %dma_start3A_177 = arith.constant 0 : i32
      %dma_start3A_178 = arith.constant 0 : i32
      %dma_start3A_179 = tpu.memref_slice %arg9[%dma_start3A_177, %dma_start3A_178] : memref<10240x128xf32, #tpu.memory_space<vmem_shared>> -> memref<10240x128xf32, #tpu.memory_space<vmem_shared>>
      tpu.enqueue_indirect_dma source(%arg7 : memref<128x128xf32, #tpu.memory_space<vmem>>) target(%dma_start3A_179 : memref<10240x128xf32, #tpu.memory_space<vmem_shared>>) offsets(%dma_start3A_176 : memref<128xi32, #tpu.memory_space<vmem>>) semaphore(%arg12 : memref<!tpu.dma_semaphore, #tpu.memory_space<semaphore_mem>>) {add = true}
      %dma_wait3A_180 = arith.constant 0 : i32
      %dma_wait3A_181 = arith.constant 1 : i32
      %dma_wait3A_182 = arith.constant 0 : i32
      %dma_wait3A_183 = tpu.memref_slice %arg6[%dma_wait3A_180, %dma_wait3A_181, %dma_wait3A_182] : memref<40x2x128xi32, #tpu.memory_space<vmem>> -> memref<1x1x128xi32, #tpu.memory_space<vmem>>
      %dma_wait3A_184 = tpu.memref_squeeze %dma_wait3A_183 : memref<1x1x128xi32, #tpu.memory_space<vmem>> -> memref<128xi32, #tpu.memory_space<vmem>>
      %dma_wait3A_185 = arith.constant 0 : i32
      %dma_wait3A_186 = arith.constant 0 : i32
      %dma_wait3A_187 = tpu.memref_slice %arg9[%dma_wait3A_185, %dma_wait3A_186] : memref<10240x128xf32, #tpu.memory_space<vmem_shared>> -> memref<10240x128xf32, #tpu.memory_space<vmem_shared>>
      tpu.wait_indirect_dma semaphore(%arg12 : memref<!tpu.dma_semaphore, #tpu.memory_space<semaphore_mem>>) src(%arg7 : memref<128x128xf32, #tpu.memory_space<vmem>>) dst(%dma_wait3A_187 : memref<10240x128xf32, #tpu.memory_space<vmem_shared>>)
      %dma_wait3A_188 = arith.constant 0 : i32
      %dma_wait3A_189 = arith.constant 1 : i32
      %dma_wait3A_190 = arith.constant 0 : i32
      %dma_wait3A_191 = tpu.memref_slice %arg6[%dma_wait3A_188, %dma_wait3A_189, %dma_wait3A_190] : memref<40x2x128xi32, #tpu.memory_space<vmem>> -> memref<1x1x128xi32, #tpu.memory_space<vmem>>
      %dma_wait3A_192 = tpu.memref_squeeze %dma_wait3A_191 : memref<1x1x128xi32, #tpu.memory_space<vmem>> -> memref<128xi32, #tpu.memory_space<vmem>>
      %dma_wait3A_193 = arith.constant 0 : i32
      %dma_wait3A_194 = arith.constant 0 : i32
      %dma_wait3A_195 = tpu.memref_slice %arg9[%dma_wait3A_193, %dma_wait3A_194] : memref<10240x128xf32, #tpu.memory_space<vmem_shared>> -> memref<10240x128xf32, #tpu.memory_space<vmem_shared>>
      tpu.wait_indirect_dma semaphore(%arg13 : memref<!tpu.dma_semaphore, #tpu.memory_space<semaphore_mem>>) src(%arg8 : memref<128x128xf32, #tpu.memory_space<vmem>>) dst(%dma_wait3A_195 : memref<10240x128xf32, #tpu.memory_space<vmem_shared>>)
    } else {
    }
    %eq3A_15 = arith.constant 1 : i32
    %eq3A_16 = arith.cmpi eq, %arg0, %eq3A_15 : i32
    %convert_element_type3A_17 = arith.extui %eq3A_16 : i1 to i32
    %cond3A_18 = arith.constant 0 : i32
    %cond3A_19 = arith.cmpi ne, %convert_element_type3A_17, %cond3A_18 : i32
    scf.if %cond3A_19 {
      "tpu.region"() ({
        %run_scoped3A = tpu.sem_alloc : memref<!tpu.dma_semaphore, #tpu.memory_space<semaphore_mem>>
        %dma_start3A_196 = arith.constant 0 : i32
        %dma_start3A_197 = arith.constant 0 : i32
        %dma_start3A_198 = arith.constant 0 : i32
        %dma_start3A_199 = tpu.memref_slice %arg6[%dma_start3A_196, %dma_start3A_197, %dma_start3A_198] : memref<40x2x128xi32, #tpu.memory_space<vmem>> -> memref<40x2x128xi32, #tpu.memory_space<vmem>>
        %dma_start3A_200 = arith.constant 0 : i32
        %dma_start3A_201 = arith.constant 0 : i32
        %dma_start3A_202 = arith.constant 0 : i32
        %dma_start3A_203 = tpu.memref_slice %arg4[%arg1, %dma_start3A_200, %dma_start3A_201, %dma_start3A_202] : memref<16x79x2x128xi32, #tpu.memory_space<hbm>> -> memref<1x40x2x128xi32, #tpu.memory_space<hbm>>
        %dma_start3A_204 = tpu.memref_squeeze %dma_start3A_203 : memref<1x40x2x128xi32, #tpu.memory_space<hbm>> -> memref<40x2x128xi32, #tpu.memory_space<hbm>>
        %dma_start3A_205 = arith.constant 0 : i32
        %dma_start3A_206 = arith.constant 0 : i32
        %dma_start3A_207 = arith.constant 0 : i32
        %dma_start3A_208 = tpu.memref_slice %arg6[%dma_start3A_205, %dma_start3A_206, %dma_start3A_207] : memref<40x2x128xi32, #tpu.memory_space<vmem>> -> memref<40x2x128xi32, #tpu.memory_space<vmem>>
        %dma_start3A_209 = arith.constant 0 : i32
        %dma_start3A_210 = arith.constant 0 : i32
        %dma_start3A_211 = arith.constant 0 : i32
        %dma_start3A_212 = tpu.memref_slice %arg4[%arg1, %dma_start3A_209, %dma_start3A_210, %dma_start3A_211] : memref<16x79x2x128xi32, #tpu.memory_space<hbm>> -> memref<1x40x2x128xi32, #tpu.memory_space<hbm>>
        %dma_start3A_213 = tpu.memref_squeeze %dma_start3A_212 : memref<1x40x2x128xi32, #tpu.memory_space<hbm>> -> memref<40x2x128xi32, #tpu.memory_space<hbm>>
        tpu.enqueue_dma source(%dma_start3A_213 : memref<40x2x128xi32, #tpu.memory_space<hbm>>) target(%dma_start3A_208 : memref<40x2x128xi32, #tpu.memory_space<vmem>>) target_semaphore(%run_scoped3A : memref<!tpu.dma_semaphore, #tpu.memory_space<semaphore_mem>>)
        %dma_wait3A_214 = arith.constant 0 : i32
        %dma_wait3A_215 = arith.constant 0 : i32
        %dma_wait3A_216 = arith.constant 0 : i32
        %dma_wait3A_217 = tpu.memref_slice %arg6[%dma_wait3A_214, %dma_wait3A_215, %dma_wait3A_216] : memref<40x2x128xi32, #tpu.memory_space<vmem>> -> memref<40x2x128xi32, #tpu.memory_space<vmem>>
        %dma_wait3A_218 = arith.constant 0 : i32
        %dma_wait3A_219 = arith.constant 0 : i32
        %dma_wait3A_220 = arith.constant 0 : i32
        %dma_wait3A_221 = tpu.memref_slice %arg4[%arg1, %dma_wait3A_218, %dma_wait3A_219, %dma_wait3A_220] : memref<16x79x2x128xi32, #tpu.memory_space<hbm>> -> memref<1x40x2x128xi32, #tpu.memory_space<hbm>>
        %dma_wait3A_222 = tpu.memref_squeeze %dma_wait3A_221 : memref<1x40x2x128xi32, #tpu.memory_space<hbm>> -> memref<40x2x128xi32, #tpu.memory_space<hbm>>
        %dma_wait3A_223 = arith.constant 0 : i32
        %dma_wait3A_224 = arith.constant 0 : i32
        %dma_wait3A_225 = arith.constant 0 : i32
        %dma_wait3A_226 = tpu.memref_slice %arg6[%dma_wait3A_223, %dma_wait3A_224, %dma_wait3A_225] : memref<40x2x128xi32, #tpu.memory_space<vmem>> -> memref<40x2x128xi32, #tpu.memory_space<vmem>>
        %dma_wait3A_227 = arith.constant 0 : i32
        %dma_wait3A_228 = arith.constant 0 : i32
        %dma_wait3A_229 = arith.constant 0 : i32
        %dma_wait3A_230 = tpu.memref_slice %arg4[%arg1, %dma_wait3A_227, %dma_wait3A_228, %dma_wait3A_229] : memref<16x79x2x128xi32, #tpu.memory_space<hbm>> -> memref<1x40x2x128xi32, #tpu.memory_space<hbm>>
        %dma_wait3A_231 = tpu.memref_squeeze %dma_wait3A_230 : memref<1x40x2x128xi32, #tpu.memory_space<hbm>> -> memref<40x2x128xi32, #tpu.memory_space<hbm>>
        tpu.wait_dma2 semaphore(%run_scoped3A : memref<!tpu.dma_semaphore, #tpu.memory_space<semaphore_mem>>) src(%dma_wait3A_231 : memref<40x2x128xi32, #tpu.memory_space<hbm>>) dst(%dma_wait3A_226 : memref<40x2x128xi32, #tpu.memory_space<vmem>>)
        tpu.yield
      }) : () -> ()
      %dma_start3A = arith.constant 0 : i32
      %dma_start3A_24 = arith.constant 0 : i32
      %dma_start3A_25 = arith.constant 0 : i32
      %dma_start3A_26 = tpu.memref_slice %arg6[%dma_start3A, %dma_start3A_24, %dma_start3A_25] : memref<40x2x128xi32, #tpu.memory_space<vmem>> -> memref<1x1x128xi32, #tpu.memory_space<vmem>>
      %dma_start3A_27 = tpu.memref_squeeze %dma_start3A_26 : memref<1x1x128xi32, #tpu.memory_space<vmem>> -> memref<128xi32, #tpu.memory_space<vmem>>
      %dma_start3A_28 = arith.constant 0 : i32
      %dma_start3A_29 = arith.constant 0 : i32
      %dma_start3A_30 = tpu.memref_slice %arg2[%dma_start3A_28, %dma_start3A_29] : memref<10240x128xf32, #tpu.memory_space<hbm>> -> memref<10240x128xf32, #tpu.memory_space<hbm>>
      tpu.enqueue_indirect_dma source(%dma_start3A_30 : memref<10240x128xf32, #tpu.memory_space<hbm>>) target(%arg7 : memref<128x128xf32, #tpu.memory_space<vmem>>) offsets(%dma_start3A_27 : memref<128xi32, #tpu.memory_space<vmem>>) semaphore(%arg10 : memref<!tpu.dma_semaphore, #tpu.memory_space<semaphore_mem>>)
      %dma_wait3A = arith.constant 0 : i32
      %dma_wait3A_31 = arith.constant 0 : i32
      %dma_wait3A_32 = arith.constant 0 : i32
      %dma_wait3A_33 = tpu.memref_slice %arg6[%dma_wait3A, %dma_wait3A_31, %dma_wait3A_32] : memref<40x2x128xi32, #tpu.memory_space<vmem>> -> memref<1x1x128xi32, #tpu.memory_space<vmem>>
      %dma_wait3A_34 = tpu.memref_squeeze %dma_wait3A_33 : memref<1x1x128xi32, #tpu.memory_space<vmem>> -> memref<128xi32, #tpu.memory_space<vmem>>
      %dma_wait3A_35 = arith.constant 0 : i32
      %dma_wait3A_36 = arith.constant 0 : i32
      %dma_wait3A_37 = tpu.memref_slice %arg2[%dma_wait3A_35, %dma_wait3A_36] : memref<10240x128xf32, #tpu.memory_space<hbm>> -> memref<10240x128xf32, #tpu.memory_space<hbm>>
      tpu.wait_indirect_dma semaphore(%arg10 : memref<!tpu.dma_semaphore, #tpu.memory_space<semaphore_mem>>) src(%dma_wait3A_37 : memref<10240x128xf32, #tpu.memory_space<hbm>>) dst(%arg7 : memref<128x128xf32, #tpu.memory_space<vmem>>)
      %dma_start3A_38 = arith.constant 0 : i32
      %dma_start3A_39 = arith.constant 1 : i32
      %dma_start3A_40 = arith.constant 0 : i32
      %dma_start3A_41 = tpu.memref_slice %arg6[%dma_start3A_38, %dma_start3A_39, %dma_start3A_40] : memref<40x2x128xi32, #tpu.memory_space<vmem>> -> memref<1x1x128xi32, #tpu.memory_space<vmem>>
      %dma_start3A_42 = tpu.memref_squeeze %dma_start3A_41 : memref<1x1x128xi32, #tpu.memory_space<vmem>> -> memref<128xi32, #tpu.memory_space<vmem>>
      %dma_start3A_43 = arith.constant 0 : i32
      %dma_start3A_44 = arith.constant 0 : i32
      %dma_start3A_45 = tpu.memref_slice %arg9[%dma_start3A_43, %dma_start3A_44] : memref<10240x128xf32, #tpu.memory_space<vmem_shared>> -> memref<10240x128xf32, #tpu.memory_space<vmem_shared>>
      tpu.enqueue_indirect_dma source(%arg7 : memref<128x128xf32, #tpu.memory_space<vmem>>) target(%dma_start3A_45 : memref<10240x128xf32, #tpu.memory_space<vmem_shared>>) offsets(%dma_start3A_42 : memref<128xi32, #tpu.memory_space<vmem>>) semaphore(%arg12 : memref<!tpu.dma_semaphore, #tpu.memory_space<semaphore_mem>>) {add = true}
      %dma_start3A_46 = arith.constant 1 : i32
      %dma_start3A_47 = arith.constant 0 : i32
      %dma_start3A_48 = arith.constant 0 : i32
      %dma_start3A_49 = tpu.memref_slice %arg6[%dma_start3A_46, %dma_start3A_47, %dma_start3A_48] : memref<40x2x128xi32, #tpu.memory_space<vmem>> -> memref<1x1x128xi32, #tpu.memory_space<vmem>>
      %dma_start3A_50 = tpu.memref_squeeze %dma_start3A_49 : memref<1x1x128xi32, #tpu.memory_space<vmem>> -> memref<128xi32, #tpu.memory_space<vmem>>
      %dma_start3A_51 = arith.constant 0 : i32
      %dma_start3A_52 = arith.constant 0 : i32
      %dma_start3A_53 = tpu.memref_slice %arg2[%dma_start3A_51, %dma_start3A_52] : memref<10240x128xf32, #tpu.memory_space<hbm>> -> memref<10240x128xf32, #tpu.memory_space<hbm>>
      tpu.enqueue_indirect_dma source(%dma_start3A_53 : memref<10240x128xf32, #tpu.memory_space<hbm>>) target(%arg8 : memref<128x128xf32, #tpu.memory_space<vmem>>) offsets(%dma_start3A_50 : memref<128xi32, #tpu.memory_space<vmem>>) semaphore(%arg11 : memref<!tpu.dma_semaphore, #tpu.memory_space<semaphore_mem>>)
      %scan3A_54 = arith.constant 0 : i32
      %scan3A_55 = arith.constant 0 : i32
      %scan3A_56 = arith.constant 19 : i32
      %scan3A_57 = arith.addi %scan3A_55, %scan3A_56 : i32
      %scan3A_58 = arith.constant 1 : i32
      %scan3A_59 = scf.for %scan3A_196 = %scan3A_55 to %scan3A_57 step %scan3A_58 iter_args(%scan3A_197 = %scan3A_54) -> (i32)  : i32 {
        %mul3A_198 = arith.constant 2 : i32
        %mul3A_199 = arith.muli %mul3A_198, %scan3A_196 : i32
        %add3A = arith.constant 1 : i32
        %add3A_200 = arith.addi %mul3A_199, %add3A : i32
        %dma_wait3A_201 = arith.constant 0 : i32
        %dma_wait3A_202 = arith.constant 0 : i32
        %dma_wait3A_203 = arith.constant 0 : i32
        %dma_wait3A_204 = tpu.memref_slice %arg6[%dma_wait3A_201, %dma_wait3A_202, %dma_wait3A_203] : memref<40x2x128xi32, #tpu.memory_space<vmem>> -> memref<1x1x128xi32, #tpu.memory_space<vmem>>
        %dma_wait3A_205 = tpu.memref_squeeze %dma_wait3A_204 : memref<1x1x128xi32, #tpu.memory_space<vmem>> -> memref<128xi32, #tpu.memory_space<vmem>>
        %dma_wait3A_206 = arith.constant 0 : i32
        %dma_wait3A_207 = arith.constant 0 : i32
        %dma_wait3A_208 = tpu.memref_slice %arg2[%dma_wait3A_206, %dma_wait3A_207] : memref<10240x128xf32, #tpu.memory_space<hbm>> -> memref<10240x128xf32, #tpu.memory_space<hbm>>
        tpu.wait_indirect_dma semaphore(%arg11 : memref<!tpu.dma_semaphore, #tpu.memory_space<semaphore_mem>>) src(%dma_wait3A_208 : memref<10240x128xf32, #tpu.memory_space<hbm>>) dst(%arg8 : memref<128x128xf32, #tpu.memory_space<vmem>>)
        %dma_start3A_209 = arith.constant 1 : i32
        %dma_start3A_210 = arith.constant 0 : i32
        %dma_start3A_211 = tpu.memref_slice %arg6[%add3A_200, %dma_start3A_209, %dma_start3A_210] : memref<40x2x128xi32, #tpu.memory_space<vmem>> -> memref<1x1x128xi32, #tpu.memory_space<vmem>>
        %dma_start3A_212 = tpu.memref_squeeze %dma_start3A_211 : memref<1x1x128xi32, #tpu.memory_space<vmem>> -> memref<128xi32, #tpu.memory_space<vmem>>
        %dma_start3A_213 = arith.constant 0 : i32
        %dma_start3A_214 = arith.constant 0 : i32
        %dma_start3A_215 = tpu.memref_slice %arg9[%dma_start3A_213, %dma_start3A_214] : memref<10240x128xf32, #tpu.memory_space<vmem_shared>> -> memref<10240x128xf32, #tpu.memory_space<vmem_shared>>
        tpu.enqueue_indirect_dma source(%arg8 : memref<128x128xf32, #tpu.memory_space<vmem>>) target(%dma_start3A_215 : memref<10240x128xf32, #tpu.memory_space<vmem_shared>>) offsets(%dma_start3A_212 : memref<128xi32, #tpu.memory_space<vmem>>) semaphore(%arg13 : memref<!tpu.dma_semaphore, #tpu.memory_space<semaphore_mem>>) {add = true}
        %dma_wait3A_216 = arith.constant 0 : i32
        %dma_wait3A_217 = arith.constant 1 : i32
        %dma_wait3A_218 = arith.constant 0 : i32
        %dma_wait3A_219 = tpu.memref_slice %arg6[%dma_wait3A_216, %dma_wait3A_217, %dma_wait3A_218] : memref<40x2x128xi32, #tpu.memory_space<vmem>> -> memref<1x1x128xi32, #tpu.memory_space<vmem>>
        %dma_wait3A_220 = tpu.memref_squeeze %dma_wait3A_219 : memref<1x1x128xi32, #tpu.memory_space<vmem>> -> memref<128xi32, #tpu.memory_space<vmem>>
        %dma_wait3A_221 = arith.constant 0 : i32
        %dma_wait3A_222 = arith.constant 0 : i32
        %dma_wait3A_223 = tpu.memref_slice %arg9[%dma_wait3A_221, %dma_wait3A_222] : memref<10240x128xf32, #tpu.memory_space<vmem_shared>> -> memref<10240x128xf32, #tpu.memory_space<vmem_shared>>
        tpu.wait_indirect_dma semaphore(%arg12 : memref<!tpu.dma_semaphore, #tpu.memory_space<semaphore_mem>>) src(%arg7 : memref<128x128xf32, #tpu.memory_space<vmem>>) dst(%dma_wait3A_223 : memref<10240x128xf32, #tpu.memory_space<vmem_shared>>)
        %add3A_224 = arith.constant 1 : i32
        %add3A_225 = arith.addi %add3A_200, %add3A_224 : i32
        %dma_start3A_226 = arith.constant 0 : i32
        %dma_start3A_227 = arith.constant 0 : i32
        %dma_start3A_228 = tpu.memref_slice %arg6[%add3A_225, %dma_start3A_226, %dma_start3A_227] : memref<40x2x128xi32, #tpu.memory_space<vmem>> -> memref<1x1x128xi32, #tpu.memory_space<vmem>>
        %dma_start3A_229 = tpu.memref_squeeze %dma_start3A_228 : memref<1x1x128xi32, #tpu.memory_space<vmem>> -> memref<128xi32, #tpu.memory_space<vmem>>
        %dma_start3A_230 = arith.constant 0 : i32
        %dma_start3A_231 = arith.constant 0 : i32
        %dma_start3A_232 = tpu.memref_slice %arg2[%dma_start3A_230, %dma_start3A_231] : memref<10240x128xf32, #tpu.memory_space<hbm>> -> memref<10240x128xf32, #tpu.memory_space<hbm>>
        tpu.enqueue_indirect_dma source(%dma_start3A_232 : memref<10240x128xf32, #tpu.memory_space<hbm>>) target(%arg7 : memref<128x128xf32, #tpu.memory_space<vmem>>) offsets(%dma_start3A_229 : memref<128xi32, #tpu.memory_space<vmem>>) semaphore(%arg10 : memref<!tpu.dma_semaphore, #tpu.memory_space<semaphore_mem>>)
        %dma_wait3A_233 = arith.constant 0 : i32
        %dma_wait3A_234 = arith.constant 0 : i32
        %dma_wait3A_235 = arith.constant 0 : i32
        %dma_wait3A_236 = tpu.memref_slice %arg6[%dma_wait3A_233, %dma_wait3A_234, %dma_wait3A_235] : memref<40x2x128xi32, #tpu.memory_space<vmem>> -> memref<1x1x128xi32, #tpu.memory_space<vmem>>
        %dma_wait3A_237 = tpu.memref_squeeze %dma_wait3A_236 : memref<1x1x128xi32, #tpu.memory_space<vmem>> -> memref<128xi32, #tpu.memory_space<vmem>>
        %dma_wait3A_238 = arith.constant 0 : i32
        %dma_wait3A_239 = arith.constant 0 : i32
        %dma_wait3A_240 = tpu.memref_slice %arg2[%dma_wait3A_238, %dma_wait3A_239] : memref<10240x128xf32, #tpu.memory_space<hbm>> -> memref<10240x128xf32, #tpu.memory_space<hbm>>
        tpu.wait_indirect_dma semaphore(%arg10 : memref<!tpu.dma_semaphore, #tpu.memory_space<semaphore_mem>>) src(%dma_wait3A_240 : memref<10240x128xf32, #tpu.memory_space<hbm>>) dst(%arg7 : memref<128x128xf32, #tpu.memory_space<vmem>>)
        %add3A_241 = arith.constant 1 : i32
        %add3A_242 = arith.addi %add3A_200, %add3A_241 : i32
        %dma_start3A_243 = arith.constant 1 : i32
        %dma_start3A_244 = arith.constant 0 : i32
        %dma_start3A_245 = tpu.memref_slice %arg6[%add3A_242, %dma_start3A_243, %dma_start3A_244] : memref<40x2x128xi32, #tpu.memory_space<vmem>> -> memref<1x1x128xi32, #tpu.memory_space<vmem>>
        %dma_start3A_246 = tpu.memref_squeeze %dma_start3A_245 : memref<1x1x128xi32, #tpu.memory_space<vmem>> -> memref<128xi32, #tpu.memory_space<vmem>>
        %dma_start3A_247 = arith.constant 0 : i32
        %dma_start3A_248 = arith.constant 0 : i32
        %dma_start3A_249 = tpu.memref_slice %arg9[%dma_start3A_247, %dma_start3A_248] : memref<10240x128xf32, #tpu.memory_space<vmem_shared>> -> memref<10240x128xf32, #tpu.memory_space<vmem_shared>>
        tpu.enqueue_indirect_dma source(%arg7 : memref<128x128xf32, #tpu.memory_space<vmem>>) target(%dma_start3A_249 : memref<10240x128xf32, #tpu.memory_space<vmem_shared>>) offsets(%dma_start3A_246 : memref<128xi32, #tpu.memory_space<vmem>>) semaphore(%arg12 : memref<!tpu.dma_semaphore, #tpu.memory_space<semaphore_mem>>) {add = true}
        %dma_wait3A_250 = arith.constant 0 : i32
        %dma_wait3A_251 = arith.constant 1 : i32
        %dma_wait3A_252 = arith.constant 0 : i32
        %dma_wait3A_253 = tpu.memref_slice %arg6[%dma_wait3A_250, %dma_wait3A_251, %dma_wait3A_252] : memref<40x2x128xi32, #tpu.memory_space<vmem>> -> memref<1x1x128xi32, #tpu.memory_space<vmem>>
        %dma_wait3A_254 = tpu.memref_squeeze %dma_wait3A_253 : memref<1x1x128xi32, #tpu.memory_space<vmem>> -> memref<128xi32, #tpu.memory_space<vmem>>
        %dma_wait3A_255 = arith.constant 0 : i32
        %dma_wait3A_256 = arith.constant 0 : i32
        %dma_wait3A_257 = tpu.memref_slice %arg9[%dma_wait3A_255, %dma_wait3A_256] : memref<10240x128xf32, #tpu.memory_space<vmem_shared>> -> memref<10240x128xf32, #tpu.memory_space<vmem_shared>>
        tpu.wait_indirect_dma semaphore(%arg13 : memref<!tpu.dma_semaphore, #tpu.memory_space<semaphore_mem>>) src(%arg8 : memref<128x128xf32, #tpu.memory_space<vmem>>) dst(%dma_wait3A_257 : memref<10240x128xf32, #tpu.memory_space<vmem_shared>>)
        %add3A_258 = arith.constant 2 : i32
        %add3A_259 = arith.addi %add3A_200, %add3A_258 : i32
        %dma_start3A_260 = arith.constant 0 : i32
        %dma_start3A_261 = arith.constant 0 : i32
        %dma_start3A_262 = tpu.memref_slice %arg6[%add3A_259, %dma_start3A_260, %dma_start3A_261] : memref<40x2x128xi32, #tpu.memory_space<vmem>> -> memref<1x1x128xi32, #tpu.memory_space<vmem>>
        %dma_start3A_263 = tpu.memref_squeeze %dma_start3A_262 : memref<1x1x128xi32, #tpu.memory_space<vmem>> -> memref<128xi32, #tpu.memory_space<vmem>>
        %dma_start3A_264 = arith.constant 0 : i32
        %dma_start3A_265 = arith.constant 0 : i32
        %dma_start3A_266 = tpu.memref_slice %arg2[%dma_start3A_264, %dma_start3A_265] : memref<10240x128xf32, #tpu.memory_space<hbm>> -> memref<10240x128xf32, #tpu.memory_space<hbm>>
        tpu.enqueue_indirect_dma source(%dma_start3A_266 : memref<10240x128xf32, #tpu.memory_space<hbm>>) target(%arg8 : memref<128x128xf32, #tpu.memory_space<vmem>>) offsets(%dma_start3A_263 : memref<128xi32, #tpu.memory_space<vmem>>) semaphore(%arg11 : memref<!tpu.dma_semaphore, #tpu.memory_space<semaphore_mem>>)
        %scan3A_267 = arith.constant 0 : i32
        scf.yield %scan3A_267 : i32
      }
      %scan3A_60 = arith.constant 19 : i32
      %dma_wait3A_61 = arith.constant 0 : i32
      %dma_wait3A_62 = arith.constant 0 : i32
      %dma_wait3A_63 = arith.constant 0 : i32
      %dma_wait3A_64 = tpu.memref_slice %arg6[%dma_wait3A_61, %dma_wait3A_62, %dma_wait3A_63] : memref<40x2x128xi32, #tpu.memory_space<vmem>> -> memref<1x1x128xi32, #tpu.memory_space<vmem>>
      %dma_wait3A_65 = tpu.memref_squeeze %dma_wait3A_64 : memref<1x1x128xi32, #tpu.memory_space<vmem>> -> memref<128xi32, #tpu.memory_space<vmem>>
      %dma_wait3A_66 = arith.constant 0 : i32
      %dma_wait3A_67 = arith.constant 0 : i32
      %dma_wait3A_68 = tpu.memref_slice %arg2[%dma_wait3A_66, %dma_wait3A_67] : memref<10240x128xf32, #tpu.memory_space<hbm>> -> memref<10240x128xf32, #tpu.memory_space<hbm>>
      tpu.wait_indirect_dma semaphore(%arg11 : memref<!tpu.dma_semaphore, #tpu.memory_space<semaphore_mem>>) src(%dma_wait3A_68 : memref<10240x128xf32, #tpu.memory_space<hbm>>) dst(%arg8 : memref<128x128xf32, #tpu.memory_space<vmem>>)
      %dma_start3A_69 = arith.constant 39 : i32
      %dma_start3A_70 = arith.constant 1 : i32
      %dma_start3A_71 = arith.constant 0 : i32
      %dma_start3A_72 = tpu.memref_slice %arg6[%dma_start3A_69, %dma_start3A_70, %dma_start3A_71] : memref<40x2x128xi32, #tpu.memory_space<vmem>> -> memref<1x1x128xi32, #tpu.memory_space<vmem>>
      %dma_start3A_73 = tpu.memref_squeeze %dma_start3A_72 : memref<1x1x128xi32, #tpu.memory_space<vmem>> -> memref<128xi32, #tpu.memory_space<vmem>>
      %dma_start3A_74 = arith.constant 0 : i32
      %dma_start3A_75 = arith.constant 0 : i32
      %dma_start3A_76 = tpu.memref_slice %arg9[%dma_start3A_74, %dma_start3A_75] : memref<10240x128xf32, #tpu.memory_space<vmem_shared>> -> memref<10240x128xf32, #tpu.memory_space<vmem_shared>>
      tpu.enqueue_indirect_dma source(%arg8 : memref<128x128xf32, #tpu.memory_space<vmem>>) target(%dma_start3A_76 : memref<10240x128xf32, #tpu.memory_space<vmem_shared>>) offsets(%dma_start3A_73 : memref<128xi32, #tpu.memory_space<vmem>>) semaphore(%arg13 : memref<!tpu.dma_semaphore, #tpu.memory_space<semaphore_mem>>) {add = true}
      %dma_wait3A_77 = arith.constant 0 : i32
      %dma_wait3A_78 = arith.constant 1 : i32
      %dma_wait3A_79 = arith.constant 0 : i32
      %dma_wait3A_80 = tpu.memref_slice %arg6[%dma_wait3A_77, %dma_wait3A_78, %dma_wait3A_79] : memref<40x2x128xi32, #tpu.memory_space<vmem>> -> memref<1x1x128xi32, #tpu.memory_space<vmem>>
      %dma_wait3A_81 = tpu.memref_squeeze %dma_wait3A_80 : memref<1x1x128xi32, #tpu.memory_space<vmem>> -> memref<128xi32, #tpu.memory_space<vmem>>
      %dma_wait3A_82 = arith.constant 0 : i32
      %dma_wait3A_83 = arith.constant 0 : i32
      %dma_wait3A_84 = tpu.memref_slice %arg9[%dma_wait3A_82, %dma_wait3A_83] : memref<10240x128xf32, #tpu.memory_space<vmem_shared>> -> memref<10240x128xf32, #tpu.memory_space<vmem_shared>>
      tpu.wait_indirect_dma semaphore(%arg12 : memref<!tpu.dma_semaphore, #tpu.memory_space<semaphore_mem>>) src(%arg7 : memref<128x128xf32, #tpu.memory_space<vmem>>) dst(%dma_wait3A_84 : memref<10240x128xf32, #tpu.memory_space<vmem_shared>>)
      %dma_wait3A_85 = arith.constant 0 : i32
      %dma_wait3A_86 = arith.constant 1 : i32
      %dma_wait3A_87 = arith.constant 0 : i32
      %dma_wait3A_88 = tpu.memref_slice %arg6[%dma_wait3A_85, %dma_wait3A_86, %dma_wait3A_87] : memref<40x2x128xi32, #tpu.memory_space<vmem>> -> memref<1x1x128xi32, #tpu.memory_space<vmem>>
      %dma_wait3A_89 = tpu.memref_squeeze %dma_wait3A_88 : memref<1x1x128xi32, #tpu.memory_space<vmem>> -> memref<128xi32, #tpu.memory_space<vmem>>
      %dma_wait3A_90 = arith.constant 0 : i32
      %dma_wait3A_91 = arith.constant 0 : i32
      %dma_wait3A_92 = tpu.memref_slice %arg9[%dma_wait3A_90, %dma_wait3A_91] : memref<10240x128xf32, #tpu.memory_space<vmem_shared>> -> memref<10240x128xf32, #tpu.memory_space<vmem_shared>>
      tpu.wait_indirect_dma semaphore(%arg13 : memref<!tpu.dma_semaphore, #tpu.memory_space<semaphore_mem>>) src(%arg8 : memref<128x128xf32, #tpu.memory_space<vmem>>) dst(%dma_wait3A_92 : memref<10240x128xf32, #tpu.memory_space<vmem_shared>>)
      "tpu.region"() ({
        %run_scoped3A = tpu.sem_alloc : memref<!tpu.dma_semaphore, #tpu.memory_space<semaphore_mem>>
        %dma_start3A_196 = arith.constant 0 : i32
        %dma_start3A_197 = arith.constant 0 : i32
        %dma_start3A_198 = arith.constant 0 : i32
        %dma_start3A_199 = tpu.memref_slice %arg6[%dma_start3A_196, %dma_start3A_197, %dma_start3A_198] : memref<40x2x128xi32, #tpu.memory_space<vmem>> -> memref<39x2x128xi32, #tpu.memory_space<vmem>>
        %dma_start3A_200 = arith.constant 40 : i32
        %dma_start3A_201 = arith.constant 0 : i32
        %dma_start3A_202 = arith.constant 0 : i32
        %dma_start3A_203 = tpu.memref_slice %arg4[%arg1, %dma_start3A_200, %dma_start3A_201, %dma_start3A_202] : memref<16x79x2x128xi32, #tpu.memory_space<hbm>> -> memref<1x39x2x128xi32, #tpu.memory_space<hbm>>
        %dma_start3A_204 = tpu.memref_squeeze %dma_start3A_203 : memref<1x39x2x128xi32, #tpu.memory_space<hbm>> -> memref<39x2x128xi32, #tpu.memory_space<hbm>>
        %dma_start3A_205 = arith.constant 0 : i32
        %dma_start3A_206 = arith.constant 0 : i32
        %dma_start3A_207 = arith.constant 0 : i32
        %dma_start3A_208 = tpu.memref_slice %arg6[%dma_start3A_205, %dma_start3A_206, %dma_start3A_207] : memref<40x2x128xi32, #tpu.memory_space<vmem>> -> memref<39x2x128xi32, #tpu.memory_space<vmem>>
        %dma_start3A_209 = arith.constant 40 : i32
        %dma_start3A_210 = arith.constant 0 : i32
        %dma_start3A_211 = arith.constant 0 : i32
        %dma_start3A_212 = tpu.memref_slice %arg4[%arg1, %dma_start3A_209, %dma_start3A_210, %dma_start3A_211] : memref<16x79x2x128xi32, #tpu.memory_space<hbm>> -> memref<1x39x2x128xi32, #tpu.memory_space<hbm>>
        %dma_start3A_213 = tpu.memref_squeeze %dma_start3A_212 : memref<1x39x2x128xi32, #tpu.memory_space<hbm>> -> memref<39x2x128xi32, #tpu.memory_space<hbm>>
        tpu.enqueue_dma source(%dma_start3A_213 : memref<39x2x128xi32, #tpu.memory_space<hbm>>) target(%dma_start3A_208 : memref<39x2x128xi32, #tpu.memory_space<vmem>>) target_semaphore(%run_scoped3A : memref<!tpu.dma_semaphore, #tpu.memory_space<semaphore_mem>>)
        %dma_wait3A_214 = arith.constant 0 : i32
        %dma_wait3A_215 = arith.constant 0 : i32
        %dma_wait3A_216 = arith.constant 0 : i32
        %dma_wait3A_217 = tpu.memref_slice %arg6[%dma_wait3A_214, %dma_wait3A_215, %dma_wait3A_216] : memref<40x2x128xi32, #tpu.memory_space<vmem>> -> memref<39x2x128xi32, #tpu.memory_space<vmem>>
        %dma_wait3A_218 = arith.constant 40 : i32
        %dma_wait3A_219 = arith.constant 0 : i32
        %dma_wait3A_220 = arith.constant 0 : i32
        %dma_wait3A_221 = tpu.memref_slice %arg4[%arg1, %dma_wait3A_218, %dma_wait3A_219, %dma_wait3A_220] : memref<16x79x2x128xi32, #tpu.memory_space<hbm>> -> memref<1x39x2x128xi32, #tpu.memory_space<hbm>>
        %dma_wait3A_222 = tpu.memref_squeeze %dma_wait3A_221 : memref<1x39x2x128xi32, #tpu.memory_space<hbm>> -> memref<39x2x128xi32, #tpu.memory_space<hbm>>
        %dma_wait3A_223 = arith.constant 0 : i32
        %dma_wait3A_224 = arith.constant 0 : i32
        %dma_wait3A_225 = arith.constant 0 : i32
        %dma_wait3A_226 = tpu.memref_slice %arg6[%dma_wait3A_223, %dma_wait3A_224, %dma_wait3A_225] : memref<40x2x128xi32, #tpu.memory_space<vmem>> -> memref<39x2x128xi32, #tpu.memory_space<vmem>>
        %dma_wait3A_227 = arith.constant 40 : i32
        %dma_wait3A_228 = arith.constant 0 : i32
        %dma_wait3A_229 = arith.constant 0 : i32
        %dma_wait3A_230 = tpu.memref_slice %arg4[%arg1, %dma_wait3A_227, %dma_wait3A_228, %dma_wait3A_229] : memref<16x79x2x128xi32, #tpu.memory_space<hbm>> -> memref<1x39x2x128xi32, #tpu.memory_space<hbm>>
        %dma_wait3A_231 = tpu.memref_squeeze %dma_wait3A_230 : memref<1x39x2x128xi32, #tpu.memory_space<hbm>> -> memref<39x2x128xi32, #tpu.memory_space<hbm>>
        tpu.wait_dma2 semaphore(%run_scoped3A : memref<!tpu.dma_semaphore, #tpu.memory_space<semaphore_mem>>) src(%dma_wait3A_231 : memref<39x2x128xi32, #tpu.memory_space<hbm>>) dst(%dma_wait3A_226 : memref<39x2x128xi32, #tpu.memory_space<vmem>>)
        tpu.yield
      }) : () -> ()
      %dma_start3A_93 = arith.constant 0 : i32
      %dma_start3A_94 = arith.constant 0 : i32
      %dma_start3A_95 = arith.constant 0 : i32
      %dma_start3A_96 = tpu.memref_slice %arg6[%dma_start3A_93, %dma_start3A_94, %dma_start3A_95] : memref<40x2x128xi32, #tpu.memory_space<vmem>> -> memref<1x1x128xi32, #tpu.memory_space<vmem>>
      %dma_start3A_97 = tpu.memref_squeeze %dma_start3A_96 : memref<1x1x128xi32, #tpu.memory_space<vmem>> -> memref<128xi32, #tpu.memory_space<vmem>>
      %dma_start3A_98 = arith.constant 0 : i32
      %dma_start3A_99 = arith.constant 0 : i32
      %dma_start3A_100 = tpu.memref_slice %arg2[%dma_start3A_98, %dma_start3A_99] : memref<10240x128xf32, #tpu.memory_space<hbm>> -> memref<10240x128xf32, #tpu.memory_space<hbm>>
      tpu.enqueue_indirect_dma source(%dma_start3A_100 : memref<10240x128xf32, #tpu.memory_space<hbm>>) target(%arg7 : memref<128x128xf32, #tpu.memory_space<vmem>>) offsets(%dma_start3A_97 : memref<128xi32, #tpu.memory_space<vmem>>) semaphore(%arg10 : memref<!tpu.dma_semaphore, #tpu.memory_space<semaphore_mem>>)
      %dma_wait3A_101 = arith.constant 0 : i32
      %dma_wait3A_102 = arith.constant 0 : i32
      %dma_wait3A_103 = arith.constant 0 : i32
      %dma_wait3A_104 = tpu.memref_slice %arg6[%dma_wait3A_101, %dma_wait3A_102, %dma_wait3A_103] : memref<40x2x128xi32, #tpu.memory_space<vmem>> -> memref<1x1x128xi32, #tpu.memory_space<vmem>>
      %dma_wait3A_105 = tpu.memref_squeeze %dma_wait3A_104 : memref<1x1x128xi32, #tpu.memory_space<vmem>> -> memref<128xi32, #tpu.memory_space<vmem>>
      %dma_wait3A_106 = arith.constant 0 : i32
      %dma_wait3A_107 = arith.constant 0 : i32
      %dma_wait3A_108 = tpu.memref_slice %arg2[%dma_wait3A_106, %dma_wait3A_107] : memref<10240x128xf32, #tpu.memory_space<hbm>> -> memref<10240x128xf32, #tpu.memory_space<hbm>>
      tpu.wait_indirect_dma semaphore(%arg10 : memref<!tpu.dma_semaphore, #tpu.memory_space<semaphore_mem>>) src(%dma_wait3A_108 : memref<10240x128xf32, #tpu.memory_space<hbm>>) dst(%arg7 : memref<128x128xf32, #tpu.memory_space<vmem>>)
      %dma_start3A_109 = arith.constant 0 : i32
      %dma_start3A_110 = arith.constant 1 : i32
      %dma_start3A_111 = arith.constant 0 : i32
      %dma_start3A_112 = tpu.memref_slice %arg6[%dma_start3A_109, %dma_start3A_110, %dma_start3A_111] : memref<40x2x128xi32, #tpu.memory_space<vmem>> -> memref<1x1x128xi32, #tpu.memory_space<vmem>>
      %dma_start3A_113 = tpu.memref_squeeze %dma_start3A_112 : memref<1x1x128xi32, #tpu.memory_space<vmem>> -> memref<128xi32, #tpu.memory_space<vmem>>
      %dma_start3A_114 = arith.constant 0 : i32
      %dma_start3A_115 = arith.constant 0 : i32
      %dma_start3A_116 = tpu.memref_slice %arg9[%dma_start3A_114, %dma_start3A_115] : memref<10240x128xf32, #tpu.memory_space<vmem_shared>> -> memref<10240x128xf32, #tpu.memory_space<vmem_shared>>
      tpu.enqueue_indirect_dma source(%arg7 : memref<128x128xf32, #tpu.memory_space<vmem>>) target(%dma_start3A_116 : memref<10240x128xf32, #tpu.memory_space<vmem_shared>>) offsets(%dma_start3A_113 : memref<128xi32, #tpu.memory_space<vmem>>) semaphore(%arg12 : memref<!tpu.dma_semaphore, #tpu.memory_space<semaphore_mem>>) {add = true}
      %dma_start3A_117 = arith.constant 1 : i32
      %dma_start3A_118 = arith.constant 0 : i32
      %dma_start3A_119 = arith.constant 0 : i32
      %dma_start3A_120 = tpu.memref_slice %arg6[%dma_start3A_117, %dma_start3A_118, %dma_start3A_119] : memref<40x2x128xi32, #tpu.memory_space<vmem>> -> memref<1x1x128xi32, #tpu.memory_space<vmem>>
      %dma_start3A_121 = tpu.memref_squeeze %dma_start3A_120 : memref<1x1x128xi32, #tpu.memory_space<vmem>> -> memref<128xi32, #tpu.memory_space<vmem>>
      %dma_start3A_122 = arith.constant 0 : i32
      %dma_start3A_123 = arith.constant 0 : i32
      %dma_start3A_124 = tpu.memref_slice %arg2[%dma_start3A_122, %dma_start3A_123] : memref<10240x128xf32, #tpu.memory_space<hbm>> -> memref<10240x128xf32, #tpu.memory_space<hbm>>
      tpu.enqueue_indirect_dma source(%dma_start3A_124 : memref<10240x128xf32, #tpu.memory_space<hbm>>) target(%arg8 : memref<128x128xf32, #tpu.memory_space<vmem>>) offsets(%dma_start3A_121 : memref<128xi32, #tpu.memory_space<vmem>>) semaphore(%arg11 : memref<!tpu.dma_semaphore, #tpu.memory_space<semaphore_mem>>)
      %scan3A_125 = arith.constant 0 : i32
      %scan3A_126 = arith.constant 0 : i32
      %scan3A_127 = arith.constant 18 : i32
      %scan3A_128 = arith.addi %scan3A_126, %scan3A_127 : i32
      %scan3A_129 = arith.constant 1 : i32
      %scan3A_130 = scf.for %scan3A_196 = %scan3A_126 to %scan3A_128 step %scan3A_129 iter_args(%scan3A_197 = %scan3A_125) -> (i32)  : i32 {
        %mul3A_198 = arith.constant 2 : i32
        %mul3A_199 = arith.muli %mul3A_198, %scan3A_196 : i32
        %add3A = arith.constant 1 : i32
        %add3A_200 = arith.addi %mul3A_199, %add3A : i32
        %dma_wait3A_201 = arith.constant 0 : i32
        %dma_wait3A_202 = arith.constant 0 : i32
        %dma_wait3A_203 = arith.constant 0 : i32
        %dma_wait3A_204 = tpu.memref_slice %arg6[%dma_wait3A_201, %dma_wait3A_202, %dma_wait3A_203] : memref<40x2x128xi32, #tpu.memory_space<vmem>> -> memref<1x1x128xi32, #tpu.memory_space<vmem>>
        %dma_wait3A_205 = tpu.memref_squeeze %dma_wait3A_204 : memref<1x1x128xi32, #tpu.memory_space<vmem>> -> memref<128xi32, #tpu.memory_space<vmem>>
        %dma_wait3A_206 = arith.constant 0 : i32
        %dma_wait3A_207 = arith.constant 0 : i32
        %dma_wait3A_208 = tpu.memref_slice %arg2[%dma_wait3A_206, %dma_wait3A_207] : memref<10240x128xf32, #tpu.memory_space<hbm>> -> memref<10240x128xf32, #tpu.memory_space<hbm>>
        tpu.wait_indirect_dma semaphore(%arg11 : memref<!tpu.dma_semaphore, #tpu.memory_space<semaphore_mem>>) src(%dma_wait3A_208 : memref<10240x128xf32, #tpu.memory_space<hbm>>) dst(%arg8 : memref<128x128xf32, #tpu.memory_space<vmem>>)
        %dma_start3A_209 = arith.constant 1 : i32
        %dma_start3A_210 = arith.constant 0 : i32
        %dma_start3A_211 = tpu.memref_slice %arg6[%add3A_200, %dma_start3A_209, %dma_start3A_210] : memref<40x2x128xi32, #tpu.memory_space<vmem>> -> memref<1x1x128xi32, #tpu.memory_space<vmem>>
        %dma_start3A_212 = tpu.memref_squeeze %dma_start3A_211 : memref<1x1x128xi32, #tpu.memory_space<vmem>> -> memref<128xi32, #tpu.memory_space<vmem>>
        %dma_start3A_213 = arith.constant 0 : i32
        %dma_start3A_214 = arith.constant 0 : i32
        %dma_start3A_215 = tpu.memref_slice %arg9[%dma_start3A_213, %dma_start3A_214] : memref<10240x128xf32, #tpu.memory_space<vmem_shared>> -> memref<10240x128xf32, #tpu.memory_space<vmem_shared>>
        tpu.enqueue_indirect_dma source(%arg8 : memref<128x128xf32, #tpu.memory_space<vmem>>) target(%dma_start3A_215 : memref<10240x128xf32, #tpu.memory_space<vmem_shared>>) offsets(%dma_start3A_212 : memref<128xi32, #tpu.memory_space<vmem>>) semaphore(%arg13 : memref<!tpu.dma_semaphore, #tpu.memory_space<semaphore_mem>>) {add = true}
        %dma_wait3A_216 = arith.constant 0 : i32
        %dma_wait3A_217 = arith.constant 1 : i32
        %dma_wait3A_218 = arith.constant 0 : i32
        %dma_wait3A_219 = tpu.memref_slice %arg6[%dma_wait3A_216, %dma_wait3A_217, %dma_wait3A_218] : memref<40x2x128xi32, #tpu.memory_space<vmem>> -> memref<1x1x128xi32, #tpu.memory_space<vmem>>
        %dma_wait3A_220 = tpu.memref_squeeze %dma_wait3A_219 : memref<1x1x128xi32, #tpu.memory_space<vmem>> -> memref<128xi32, #tpu.memory_space<vmem>>
        %dma_wait3A_221 = arith.constant 0 : i32
        %dma_wait3A_222 = arith.constant 0 : i32
        %dma_wait3A_223 = tpu.memref_slice %arg9[%dma_wait3A_221, %dma_wait3A_222] : memref<10240x128xf32, #tpu.memory_space<vmem_shared>> -> memref<10240x128xf32, #tpu.memory_space<vmem_shared>>
        tpu.wait_indirect_dma semaphore(%arg12 : memref<!tpu.dma_semaphore, #tpu.memory_space<semaphore_mem>>) src(%arg7 : memref<128x128xf32, #tpu.memory_space<vmem>>) dst(%dma_wait3A_223 : memref<10240x128xf32, #tpu.memory_space<vmem_shared>>)
        %add3A_224 = arith.constant 1 : i32
        %add3A_225 = arith.addi %add3A_200, %add3A_224 : i32
        %dma_start3A_226 = arith.constant 0 : i32
        %dma_start3A_227 = arith.constant 0 : i32
        %dma_start3A_228 = tpu.memref_slice %arg6[%add3A_225, %dma_start3A_226, %dma_start3A_227] : memref<40x2x128xi32, #tpu.memory_space<vmem>> -> memref<1x1x128xi32, #tpu.memory_space<vmem>>
        %dma_start3A_229 = tpu.memref_squeeze %dma_start3A_228 : memref<1x1x128xi32, #tpu.memory_space<vmem>> -> memref<128xi32, #tpu.memory_space<vmem>>
        %dma_start3A_230 = arith.constant 0 : i32
        %dma_start3A_231 = arith.constant 0 : i32
        %dma_start3A_232 = tpu.memref_slice %arg2[%dma_start3A_230, %dma_start3A_231] : memref<10240x128xf32, #tpu.memory_space<hbm>> -> memref<10240x128xf32, #tpu.memory_space<hbm>>
        tpu.enqueue_indirect_dma source(%dma_start3A_232 : memref<10240x128xf32, #tpu.memory_space<hbm>>) target(%arg7 : memref<128x128xf32, #tpu.memory_space<vmem>>) offsets(%dma_start3A_229 : memref<128xi32, #tpu.memory_space<vmem>>) semaphore(%arg10 : memref<!tpu.dma_semaphore, #tpu.memory_space<semaphore_mem>>)
        %dma_wait3A_233 = arith.constant 0 : i32
        %dma_wait3A_234 = arith.constant 0 : i32
        %dma_wait3A_235 = arith.constant 0 : i32
        %dma_wait3A_236 = tpu.memref_slice %arg6[%dma_wait3A_233, %dma_wait3A_234, %dma_wait3A_235] : memref<40x2x128xi32, #tpu.memory_space<vmem>> -> memref<1x1x128xi32, #tpu.memory_space<vmem>>
        %dma_wait3A_237 = tpu.memref_squeeze %dma_wait3A_236 : memref<1x1x128xi32, #tpu.memory_space<vmem>> -> memref<128xi32, #tpu.memory_space<vmem>>
        %dma_wait3A_238 = arith.constant 0 : i32
        %dma_wait3A_239 = arith.constant 0 : i32
        %dma_wait3A_240 = tpu.memref_slice %arg2[%dma_wait3A_238, %dma_wait3A_239] : memref<10240x128xf32, #tpu.memory_space<hbm>> -> memref<10240x128xf32, #tpu.memory_space<hbm>>
        tpu.wait_indirect_dma semaphore(%arg10 : memref<!tpu.dma_semaphore, #tpu.memory_space<semaphore_mem>>) src(%dma_wait3A_240 : memref<10240x128xf32, #tpu.memory_space<hbm>>) dst(%arg7 : memref<128x128xf32, #tpu.memory_space<vmem>>)
        %add3A_241 = arith.constant 1 : i32
        %add3A_242 = arith.addi %add3A_200, %add3A_241 : i32
        %dma_start3A_243 = arith.constant 1 : i32
        %dma_start3A_244 = arith.constant 0 : i32
        %dma_start3A_245 = tpu.memref_slice %arg6[%add3A_242, %dma_start3A_243, %dma_start3A_244] : memref<40x2x128xi32, #tpu.memory_space<vmem>> -> memref<1x1x128xi32, #tpu.memory_space<vmem>>
        %dma_start3A_246 = tpu.memref_squeeze %dma_start3A_245 : memref<1x1x128xi32, #tpu.memory_space<vmem>> -> memref<128xi32, #tpu.memory_space<vmem>>
        %dma_start3A_247 = arith.constant 0 : i32
        %dma_start3A_248 = arith.constant 0 : i32
        %dma_start3A_249 = tpu.memref_slice %arg9[%dma_start3A_247, %dma_start3A_248] : memref<10240x128xf32, #tpu.memory_space<vmem_shared>> -> memref<10240x128xf32, #tpu.memory_space<vmem_shared>>
        tpu.enqueue_indirect_dma source(%arg7 : memref<128x128xf32, #tpu.memory_space<vmem>>) target(%dma_start3A_249 : memref<10240x128xf32, #tpu.memory_space<vmem_shared>>) offsets(%dma_start3A_246 : memref<128xi32, #tpu.memory_space<vmem>>) semaphore(%arg12 : memref<!tpu.dma_semaphore, #tpu.memory_space<semaphore_mem>>) {add = true}
        %dma_wait3A_250 = arith.constant 0 : i32
        %dma_wait3A_251 = arith.constant 1 : i32
        %dma_wait3A_252 = arith.constant 0 : i32
        %dma_wait3A_253 = tpu.memref_slice %arg6[%dma_wait3A_250, %dma_wait3A_251, %dma_wait3A_252] : memref<40x2x128xi32, #tpu.memory_space<vmem>> -> memref<1x1x128xi32, #tpu.memory_space<vmem>>
        %dma_wait3A_254 = tpu.memref_squeeze %dma_wait3A_253 : memref<1x1x128xi32, #tpu.memory_space<vmem>> -> memref<128xi32, #tpu.memory_space<vmem>>
        %dma_wait3A_255 = arith.constant 0 : i32
        %dma_wait3A_256 = arith.constant 0 : i32
        %dma_wait3A_257 = tpu.memref_slice %arg9[%dma_wait3A_255, %dma_wait3A_256] : memref<10240x128xf32, #tpu.memory_space<vmem_shared>> -> memref<10240x128xf32, #tpu.memory_space<vmem_shared>>
        tpu.wait_indirect_dma semaphore(%arg13 : memref<!tpu.dma_semaphore, #tpu.memory_space<semaphore_mem>>) src(%arg8 : memref<128x128xf32, #tpu.memory_space<vmem>>) dst(%dma_wait3A_257 : memref<10240x128xf32, #tpu.memory_space<vmem_shared>>)
        %add3A_258 = arith.constant 2 : i32
        %add3A_259 = arith.addi %add3A_200, %add3A_258 : i32
        %dma_start3A_260 = arith.constant 0 : i32
        %dma_start3A_261 = arith.constant 0 : i32
        %dma_start3A_262 = tpu.memref_slice %arg6[%add3A_259, %dma_start3A_260, %dma_start3A_261] : memref<40x2x128xi32, #tpu.memory_space<vmem>> -> memref<1x1x128xi32, #tpu.memory_space<vmem>>
        %dma_start3A_263 = tpu.memref_squeeze %dma_start3A_262 : memref<1x1x128xi32, #tpu.memory_space<vmem>> -> memref<128xi32, #tpu.memory_space<vmem>>
        %dma_start3A_264 = arith.constant 0 : i32
        %dma_start3A_265 = arith.constant 0 : i32
        %dma_start3A_266 = tpu.memref_slice %arg2[%dma_start3A_264, %dma_start3A_265] : memref<10240x128xf32, #tpu.memory_space<hbm>> -> memref<10240x128xf32, #tpu.memory_space<hbm>>
        tpu.enqueue_indirect_dma source(%dma_start3A_266 : memref<10240x128xf32, #tpu.memory_space<hbm>>) target(%arg8 : memref<128x128xf32, #tpu.memory_space<vmem>>) offsets(%dma_start3A_263 : memref<128xi32, #tpu.memory_space<vmem>>) semaphore(%arg11 : memref<!tpu.dma_semaphore, #tpu.memory_space<semaphore_mem>>)
        %scan3A_267 = arith.constant 0 : i32
        scf.yield %scan3A_267 : i32
      }
      %scan3A_131 = arith.constant 18 : i32
      %dma_wait3A_132 = arith.constant 0 : i32
      %dma_wait3A_133 = arith.constant 0 : i32
      %dma_wait3A_134 = arith.constant 0 : i32
      %dma_wait3A_135 = tpu.memref_slice %arg6[%dma_wait3A_132, %dma_wait3A_133, %dma_wait3A_134] : memref<40x2x128xi32, #tpu.memory_space<vmem>> -> memref<1x1x128xi32, #tpu.memory_space<vmem>>
      %dma_wait3A_136 = tpu.memref_squeeze %dma_wait3A_135 : memref<1x1x128xi32, #tpu.memory_space<vmem>> -> memref<128xi32, #tpu.memory_space<vmem>>
      %dma_wait3A_137 = arith.constant 0 : i32
      %dma_wait3A_138 = arith.constant 0 : i32
      %dma_wait3A_139 = tpu.memref_slice %arg2[%dma_wait3A_137, %dma_wait3A_138] : memref<10240x128xf32, #tpu.memory_space<hbm>> -> memref<10240x128xf32, #tpu.memory_space<hbm>>
      tpu.wait_indirect_dma semaphore(%arg11 : memref<!tpu.dma_semaphore, #tpu.memory_space<semaphore_mem>>) src(%dma_wait3A_139 : memref<10240x128xf32, #tpu.memory_space<hbm>>) dst(%arg8 : memref<128x128xf32, #tpu.memory_space<vmem>>)
      %dma_start3A_140 = arith.constant 37 : i32
      %dma_start3A_141 = arith.constant 1 : i32
      %dma_start3A_142 = arith.constant 0 : i32
      %dma_start3A_143 = tpu.memref_slice %arg6[%dma_start3A_140, %dma_start3A_141, %dma_start3A_142] : memref<40x2x128xi32, #tpu.memory_space<vmem>> -> memref<1x1x128xi32, #tpu.memory_space<vmem>>
      %dma_start3A_144 = tpu.memref_squeeze %dma_start3A_143 : memref<1x1x128xi32, #tpu.memory_space<vmem>> -> memref<128xi32, #tpu.memory_space<vmem>>
      %dma_start3A_145 = arith.constant 0 : i32
      %dma_start3A_146 = arith.constant 0 : i32
      %dma_start3A_147 = tpu.memref_slice %arg9[%dma_start3A_145, %dma_start3A_146] : memref<10240x128xf32, #tpu.memory_space<vmem_shared>> -> memref<10240x128xf32, #tpu.memory_space<vmem_shared>>
      tpu.enqueue_indirect_dma source(%arg8 : memref<128x128xf32, #tpu.memory_space<vmem>>) target(%dma_start3A_147 : memref<10240x128xf32, #tpu.memory_space<vmem_shared>>) offsets(%dma_start3A_144 : memref<128xi32, #tpu.memory_space<vmem>>) semaphore(%arg13 : memref<!tpu.dma_semaphore, #tpu.memory_space<semaphore_mem>>) {add = true}
      %dma_wait3A_148 = arith.constant 0 : i32
      %dma_wait3A_149 = arith.constant 1 : i32
      %dma_wait3A_150 = arith.constant 0 : i32
      %dma_wait3A_151 = tpu.memref_slice %arg6[%dma_wait3A_148, %dma_wait3A_149, %dma_wait3A_150] : memref<40x2x128xi32, #tpu.memory_space<vmem>> -> memref<1x1x128xi32, #tpu.memory_space<vmem>>
      %dma_wait3A_152 = tpu.memref_squeeze %dma_wait3A_151 : memref<1x1x128xi32, #tpu.memory_space<vmem>> -> memref<128xi32, #tpu.memory_space<vmem>>
      %dma_wait3A_153 = arith.constant 0 : i32
      %dma_wait3A_154 = arith.constant 0 : i32
      %dma_wait3A_155 = tpu.memref_slice %arg9[%dma_wait3A_153, %dma_wait3A_154] : memref<10240x128xf32, #tpu.memory_space<vmem_shared>> -> memref<10240x128xf32, #tpu.memory_space<vmem_shared>>
      tpu.wait_indirect_dma semaphore(%arg12 : memref<!tpu.dma_semaphore, #tpu.memory_space<semaphore_mem>>) src(%arg7 : memref<128x128xf32, #tpu.memory_space<vmem>>) dst(%dma_wait3A_155 : memref<10240x128xf32, #tpu.memory_space<vmem_shared>>)
      %dma_start3A_156 = arith.constant 38 : i32
      %dma_start3A_157 = arith.constant 0 : i32
      %dma_start3A_158 = arith.constant 0 : i32
      %dma_start3A_159 = tpu.memref_slice %arg6[%dma_start3A_156, %dma_start3A_157, %dma_start3A_158] : memref<40x2x128xi32, #tpu.memory_space<vmem>> -> memref<1x1x128xi32, #tpu.memory_space<vmem>>
      %dma_start3A_160 = tpu.memref_squeeze %dma_start3A_159 : memref<1x1x128xi32, #tpu.memory_space<vmem>> -> memref<128xi32, #tpu.memory_space<vmem>>
      %dma_start3A_161 = arith.constant 0 : i32
      %dma_start3A_162 = arith.constant 0 : i32
      %dma_start3A_163 = tpu.memref_slice %arg2[%dma_start3A_161, %dma_start3A_162] : memref<10240x128xf32, #tpu.memory_space<hbm>> -> memref<10240x128xf32, #tpu.memory_space<hbm>>
      tpu.enqueue_indirect_dma source(%dma_start3A_163 : memref<10240x128xf32, #tpu.memory_space<hbm>>) target(%arg7 : memref<128x128xf32, #tpu.memory_space<vmem>>) offsets(%dma_start3A_160 : memref<128xi32, #tpu.memory_space<vmem>>) semaphore(%arg10 : memref<!tpu.dma_semaphore, #tpu.memory_space<semaphore_mem>>)
      %dma_wait3A_164 = arith.constant 0 : i32
      %dma_wait3A_165 = arith.constant 0 : i32
      %dma_wait3A_166 = arith.constant 0 : i32
      %dma_wait3A_167 = tpu.memref_slice %arg6[%dma_wait3A_164, %dma_wait3A_165, %dma_wait3A_166] : memref<40x2x128xi32, #tpu.memory_space<vmem>> -> memref<1x1x128xi32, #tpu.memory_space<vmem>>
      %dma_wait3A_168 = tpu.memref_squeeze %dma_wait3A_167 : memref<1x1x128xi32, #tpu.memory_space<vmem>> -> memref<128xi32, #tpu.memory_space<vmem>>
      %dma_wait3A_169 = arith.constant 0 : i32
      %dma_wait3A_170 = arith.constant 0 : i32
      %dma_wait3A_171 = tpu.memref_slice %arg2[%dma_wait3A_169, %dma_wait3A_170] : memref<10240x128xf32, #tpu.memory_space<hbm>> -> memref<10240x128xf32, #tpu.memory_space<hbm>>
      tpu.wait_indirect_dma semaphore(%arg10 : memref<!tpu.dma_semaphore, #tpu.memory_space<semaphore_mem>>) src(%dma_wait3A_171 : memref<10240x128xf32, #tpu.memory_space<hbm>>) dst(%arg7 : memref<128x128xf32, #tpu.memory_space<vmem>>)
      %dma_start3A_172 = arith.constant 38 : i32
      %dma_start3A_173 = arith.constant 1 : i32
      %dma_start3A_174 = arith.constant 0 : i32
      %dma_start3A_175 = tpu.memref_slice %arg6[%dma_start3A_172, %dma_start3A_173, %dma_start3A_174] : memref<40x2x128xi32, #tpu.memory_space<vmem>> -> memref<1x1x128xi32, #tpu.memory_space<vmem>>
      %dma_start3A_176 = tpu.memref_squeeze %dma_start3A_175 : memref<1x1x128xi32, #tpu.memory_space<vmem>> -> memref<128xi32, #tpu.memory_space<vmem>>
      %dma_start3A_177 = arith.constant 0 : i32
      %dma_start3A_178 = arith.constant 0 : i32
      %dma_start3A_179 = tpu.memref_slice %arg9[%dma_start3A_177, %dma_start3A_178] : memref<10240x128xf32, #tpu.memory_space<vmem_shared>> -> memref<10240x128xf32, #tpu.memory_space<vmem_shared>>
      tpu.enqueue_indirect_dma source(%arg7 : memref<128x128xf32, #tpu.memory_space<vmem>>) target(%dma_start3A_179 : memref<10240x128xf32, #tpu.memory_space<vmem_shared>>) offsets(%dma_start3A_176 : memref<128xi32, #tpu.memory_space<vmem>>) semaphore(%arg12 : memref<!tpu.dma_semaphore, #tpu.memory_space<semaphore_mem>>) {add = true}
      %dma_wait3A_180 = arith.constant 0 : i32
      %dma_wait3A_181 = arith.constant 1 : i32
      %dma_wait3A_182 = arith.constant 0 : i32
      %dma_wait3A_183 = tpu.memref_slice %arg6[%dma_wait3A_180, %dma_wait3A_181, %dma_wait3A_182] : memref<40x2x128xi32, #tpu.memory_space<vmem>> -> memref<1x1x128xi32, #tpu.memory_space<vmem>>
      %dma_wait3A_184 = tpu.memref_squeeze %dma_wait3A_183 : memref<1x1x128xi32, #tpu.memory_space<vmem>> -> memref<128xi32, #tpu.memory_space<vmem>>
      %dma_wait3A_185 = arith.constant 0 : i32
      %dma_wait3A_186 = arith.constant 0 : i32
      %dma_wait3A_187 = tpu.memref_slice %arg9[%dma_wait3A_185, %dma_wait3A_186] : memref<10240x128xf32, #tpu.memory_space<vmem_shared>> -> memref<10240x128xf32, #tpu.memory_space<vmem_shared>>
      tpu.wait_indirect_dma semaphore(%arg12 : memref<!tpu.dma_semaphore, #tpu.memory_space<semaphore_mem>>) src(%arg7 : memref<128x128xf32, #tpu.memory_space<vmem>>) dst(%dma_wait3A_187 : memref<10240x128xf32, #tpu.memory_space<vmem_shared>>)
      %dma_wait3A_188 = arith.constant 0 : i32
      %dma_wait3A_189 = arith.constant 1 : i32
      %dma_wait3A_190 = arith.constant 0 : i32
      %dma_wait3A_191 = tpu.memref_slice %arg6[%dma_wait3A_188, %dma_wait3A_189, %dma_wait3A_190] : memref<40x2x128xi32, #tpu.memory_space<vmem>> -> memref<1x1x128xi32, #tpu.memory_space<vmem>>
      %dma_wait3A_192 = tpu.memref_squeeze %dma_wait3A_191 : memref<1x1x128xi32, #tpu.memory_space<vmem>> -> memref<128xi32, #tpu.memory_space<vmem>>
      %dma_wait3A_193 = arith.constant 0 : i32
      %dma_wait3A_194 = arith.constant 0 : i32
      %dma_wait3A_195 = tpu.memref_slice %arg9[%dma_wait3A_193, %dma_wait3A_194] : memref<10240x128xf32, #tpu.memory_space<vmem_shared>> -> memref<10240x128xf32, #tpu.memory_space<vmem_shared>>
      tpu.wait_indirect_dma semaphore(%arg13 : memref<!tpu.dma_semaphore, #tpu.memory_space<semaphore_mem>>) src(%arg8 : memref<128x128xf32, #tpu.memory_space<vmem>>) dst(%dma_wait3A_195 : memref<10240x128xf32, #tpu.memory_space<vmem_shared>>)
    } else {
    }
    %barrier3A_20 = arith.constant 0 : index
    tpu.barrier barrier_id(%barrier3A_20)
    %mul3A = arith.constant 640 : i32
    %mul3A_21 = arith.muli %arg1, %mul3A : i32
    %mul3A_22 = arith.constant 640 : i32
    %mul3A_23 = arith.muli %arg1, %mul3A_22 : i32
    "tpu.region"() ({
      %run_scoped3A = tpu.sem_alloc : memref<!tpu.dma_semaphore, #tpu.memory_space<semaphore_mem>>
      %dma_start3A = arith.constant 0 : i32
      %dma_start3A_24 = tpu.memref_slice %arg5[%arg0, %mul3A_23, %dma_start3A] : memref<2x10240x128xf32, #tpu.memory_space<hbm>> -> memref<1x640x128xf32, #tpu.memory_space<hbm>>
      %dma_start3A_25 = tpu.memref_squeeze %dma_start3A_24 : memref<1x640x128xf32, #tpu.memory_space<hbm>> -> memref<640x128xf32, #tpu.memory_space<hbm>>
      %dma_start3A_26 = arith.constant 0 : i32
      %dma_start3A_27 = tpu.memref_slice %arg9[%mul3A_21, %dma_start3A_26] : memref<10240x128xf32, #tpu.memory_space<vmem_shared>> -> memref<640x128xf32, #tpu.memory_space<vmem_shared>>
      tpu.enqueue_dma source(%dma_start3A_27 : memref<640x128xf32, #tpu.memory_space<vmem_shared>>) target(%dma_start3A_25 : memref<640x128xf32, #tpu.memory_space<hbm>>) target_semaphore(%run_scoped3A : memref<!tpu.dma_semaphore, #tpu.memory_space<semaphore_mem>>)
      %dma_wait3A = arith.constant 0 : i32
      %dma_wait3A_28 = tpu.memref_slice %arg5[%arg0, %mul3A_23, %dma_wait3A] : memref<2x10240x128xf32, #tpu.memory_space<hbm>> -> memref<1x640x128xf32, #tpu.memory_space<hbm>>
      %dma_wait3A_29 = tpu.memref_squeeze %dma_wait3A_28 : memref<1x640x128xf32, #tpu.memory_space<hbm>> -> memref<640x128xf32, #tpu.memory_space<hbm>>
      %dma_wait3A_30 = arith.constant 0 : i32
      %dma_wait3A_31 = tpu.memref_slice %arg9[%mul3A_21, %dma_wait3A_30] : memref<10240x128xf32, #tpu.memory_space<vmem_shared>> -> memref<640x128xf32, #tpu.memory_space<vmem_shared>>
      tpu.wait_dma2 semaphore(%run_scoped3A : memref<!tpu.dma_semaphore, #tpu.memory_space<semaphore_mem>>) src(%dma_wait3A_31 : memref<640x128xf32, #tpu.memory_space<vmem_shared>>) dst(%dma_wait3A_29 : memref<640x128xf32, #tpu.memory_space<hbm>>)
      tpu.yield
    }) : () -> ()
    return
  }
}

#map = affine_map<(d0, d1) -> (0, 0, 0, 0)>
#map1 = affine_map<(d0, d1) -> (0, 0, 0)>
module attributes {stable_mosaic.version = 14 : i64} {
  func.func @_deg_sc(%arg0: i32, %arg1: i32, %arg2: memref<32x79x2x128xi32, #tpu.memory_space<hbm>>, %arg3: memref<2x10240x128xf32, #tpu.memory_space<hbm>>, %arg4: memref<40x2x128xi32, #tpu.memory_space<vmem>>, %arg5: memref<128x128xf32, #tpu.memory_space<vmem>>, %arg6: memref<10240x128xf32, #tpu.memory_space<vmem_shared>>, %arg7: memref<!tpu.dma_semaphore, #tpu.memory_space<semaphore_mem>>, %arg8: memref<!tpu.dma_semaphore, #tpu.memory_space<semaphore_mem>>) attributes {dimension_semantics = [#tpu.dimension_semantics<core_parallel>, #tpu.dimension_semantics<subcore_parallel>], iteration_bounds = array<i64: 2, 16>, scalar_prefetch = 0 : i64, scratch_operands = 5 : i64, tpu.core_type = #tpu.core_type<sc_vector_subcore>, window_params = [{transform_indices = #map}, {transform_indices = #map1}]} {
    %mul3A = arith.constant 2 : i32
    %mul3A_0 = arith.muli %arg1, %mul3A : i32
    %add3A = arith.addi %mul3A_0, %arg0 : i32
    %scan3A = arith.constant 0 : i32
    %scan3A_1 = arith.constant 0 : i32
    %scan3A_2 = arith.constant 128 : i32
    %scan3A_3 = arith.addi %scan3A_1, %scan3A_2 : i32
    %scan3A_4 = arith.constant 1 : i32
    %scan3A_5 = scf.for %scan3A_54 = %scan3A_1 to %scan3A_3 step %scan3A_4 iter_args(%scan3A_55 = %scan3A) -> (i32)  : i32 {
      %broadcast_in_dim3A = arith.constant 0.000000e+00 : f32
      %broadcast_in_dim3A_56 = vector.broadcast %broadcast_in_dim3A : f32 to vector<16xf32>
      %swap3A = arith.index_cast %scan3A_54 : i32 to index
      %swap3A_57 = arith.constant 0 : index
      %swap3A_58 = tpu.vector_load %arg5[%swap3A, %swap3A_57] {strides = array<i32>} : memref<128x128xf32, #tpu.memory_space<vmem>>, vector<1x16xf32>,
      %swap3A_59 = vector.shape_cast %swap3A_58 : vector<1x16xf32> to vector<16xf32>
      %swap3A_60 = vector.shape_cast %broadcast_in_dim3A_56 : vector<16xf32> to vector<1x16xf32>
      tpu.vector_store %arg5[%swap3A, %swap3A_57], %swap3A_60 {strides = array<i32>} : memref<128x128xf32, #tpu.memory_space<vmem>>, vector<1x16xf32>,
      %broadcast_in_dim3A_61 = arith.constant 0.000000e+00 : f32
      %broadcast_in_dim3A_62 = vector.broadcast %broadcast_in_dim3A_61 : f32 to vector<16xf32>
      %swap3A_63 = arith.index_cast %scan3A_54 : i32 to index
      %swap3A_64 = arith.constant 16 : index
      %swap3A_65 = tpu.vector_load %arg5[%swap3A_63, %swap3A_64] {strides = array<i32>} : memref<128x128xf32, #tpu.memory_space<vmem>>, vector<1x16xf32>,
      %swap3A_66 = vector.shape_cast %swap3A_65 : vector<1x16xf32> to vector<16xf32>
      %swap3A_67 = vector.shape_cast %broadcast_in_dim3A_62 : vector<16xf32> to vector<1x16xf32>
      tpu.vector_store %arg5[%swap3A_63, %swap3A_64], %swap3A_67 {strides = array<i32>} : memref<128x128xf32, #tpu.memory_space<vmem>>, vector<1x16xf32>,
      %broadcast_in_dim3A_68 = arith.constant 0.000000e+00 : f32
      %broadcast_in_dim3A_69 = vector.broadcast %broadcast_in_dim3A_68 : f32 to vector<16xf32>
      %swap3A_70 = arith.index_cast %scan3A_54 : i32 to index
      %swap3A_71 = arith.constant 32 : index
      %swap3A_72 = tpu.vector_load %arg5[%swap3A_70, %swap3A_71] {strides = array<i32>} : memref<128x128xf32, #tpu.memory_space<vmem>>, vector<1x16xf32>,
      %swap3A_73 = vector.shape_cast %swap3A_72 : vector<1x16xf32> to vector<16xf32>
      %swap3A_74 = vector.shape_cast %broadcast_in_dim3A_69 : vector<16xf32> to vector<1x16xf32>
      tpu.vector_store %arg5[%swap3A_70, %swap3A_71], %swap3A_74 {strides = array<i32>} : memref<128x128xf32, #tpu.memory_space<vmem>>, vector<1x16xf32>,
      %broadcast_in_dim3A_75 = arith.constant 0.000000e+00 : f32
      %broadcast_in_dim3A_76 = vector.broadcast %broadcast_in_dim3A_75 : f32 to vector<16xf32>
      %swap3A_77 = arith.index_cast %scan3A_54 : i32 to index
      %swap3A_78 = arith.constant 48 : index
      %swap3A_79 = tpu.vector_load %arg5[%swap3A_77, %swap3A_78] {strides = array<i32>} : memref<128x128xf32, #tpu.memory_space<vmem>>, vector<1x16xf32>,
      %swap3A_80 = vector.shape_cast %swap3A_79 : vector<1x16xf32> to vector<16xf32>
      %swap3A_81 = vector.shape_cast %broadcast_in_dim3A_76 : vector<16xf32> to vector<1x16xf32>
      tpu.vector_store %arg5[%swap3A_77, %swap3A_78], %swap3A_81 {strides = array<i32>} : memref<128x128xf32, #tpu.memory_space<vmem>>, vector<1x16xf32>,
      %broadcast_in_dim3A_82 = arith.constant 0.000000e+00 : f32
      %broadcast_in_dim3A_83 = vector.broadcast %broadcast_in_dim3A_82 : f32 to vector<16xf32>
      %swap3A_84 = arith.index_cast %scan3A_54 : i32 to index
      %swap3A_85 = arith.constant 64 : index
      %swap3A_86 = tpu.vector_load %arg5[%swap3A_84, %swap3A_85] {strides = array<i32>} : memref<128x128xf32, #tpu.memory_space<vmem>>, vector<1x16xf32>,
      %swap3A_87 = vector.shape_cast %swap3A_86 : vector<1x16xf32> to vector<16xf32>
      %swap3A_88 = vector.shape_cast %broadcast_in_dim3A_83 : vector<16xf32> to vector<1x16xf32>
      tpu.vector_store %arg5[%swap3A_84, %swap3A_85], %swap3A_88 {strides = array<i32>} : memref<128x128xf32, #tpu.memory_space<vmem>>, vector<1x16xf32>,
      %broadcast_in_dim3A_89 = arith.constant 0.000000e+00 : f32
      %broadcast_in_dim3A_90 = vector.broadcast %broadcast_in_dim3A_89 : f32 to vector<16xf32>
      %swap3A_91 = arith.index_cast %scan3A_54 : i32 to index
      %swap3A_92 = arith.constant 80 : index
      %swap3A_93 = tpu.vector_load %arg5[%swap3A_91, %swap3A_92] {strides = array<i32>} : memref<128x128xf32, #tpu.memory_space<vmem>>, vector<1x16xf32>,
      %swap3A_94 = vector.shape_cast %swap3A_93 : vector<1x16xf32> to vector<16xf32>
      %swap3A_95 = vector.shape_cast %broadcast_in_dim3A_90 : vector<16xf32> to vector<1x16xf32>
      tpu.vector_store %arg5[%swap3A_91, %swap3A_92], %swap3A_95 {strides = array<i32>} : memref<128x128xf32, #tpu.memory_space<vmem>>, vector<1x16xf32>,
      %broadcast_in_dim3A_96 = arith.constant 0.000000e+00 : f32
      %broadcast_in_dim3A_97 = vector.broadcast %broadcast_in_dim3A_96 : f32 to vector<16xf32>
      %swap3A_98 = arith.index_cast %scan3A_54 : i32 to index
      %swap3A_99 = arith.constant 96 : index
      %swap3A_100 = tpu.vector_load %arg5[%swap3A_98, %swap3A_99] {strides = array<i32>} : memref<128x128xf32, #tpu.memory_space<vmem>>, vector<1x16xf32>,
      %swap3A_101 = vector.shape_cast %swap3A_100 : vector<1x16xf32> to vector<16xf32>
      %swap3A_102 = vector.shape_cast %broadcast_in_dim3A_97 : vector<16xf32> to vector<1x16xf32>
      tpu.vector_store %arg5[%swap3A_98, %swap3A_99], %swap3A_102 {strides = array<i32>} : memref<128x128xf32, #tpu.memory_space<vmem>>, vector<1x16xf32>,
      %broadcast_in_dim3A_103 = arith.constant 0.000000e+00 : f32
      %broadcast_in_dim3A_104 = vector.broadcast %broadcast_in_dim3A_103 : f32 to vector<16xf32>
      %swap3A_105 = arith.index_cast %scan3A_54 : i32 to index
      %swap3A_106 = arith.constant 112 : index
      %swap3A_107 = tpu.vector_load %arg5[%swap3A_105, %swap3A_106] {strides = array<i32>} : memref<128x128xf32, #tpu.memory_space<vmem>>, vector<1x16xf32>,
      %swap3A_108 = vector.shape_cast %swap3A_107 : vector<1x16xf32> to vector<16xf32>
      %swap3A_109 = vector.shape_cast %broadcast_in_dim3A_104 : vector<16xf32> to vector<1x16xf32>
      tpu.vector_store %arg5[%swap3A_105, %swap3A_106], %swap3A_109 {strides = array<i32>} : memref<128x128xf32, #tpu.memory_space<vmem>>, vector<1x16xf32>,
      %scan3A_110 = arith.constant 0 : i32
      scf.yield %scan3A_110 : i32
    }
    %scan3A_6 = arith.constant 128 : i32
    %scan3A_7 = arith.constant 0 : i32
    %scan3A_8 = arith.constant 0 : i32
    %scan3A_9 = arith.constant 5 : i32
    %scan3A_10 = arith.addi %scan3A_8, %scan3A_9 : i32
    %scan3A_11 = arith.constant 1 : i32
    %scan3A_12 = scf.for %scan3A_54 = %scan3A_8 to %scan3A_10 step %scan3A_11 iter_args(%scan3A_55 = %scan3A_7) -> (i32)  : i32 {
      %mul3A_56 = arith.constant 640 : i32
      %mul3A_57 = arith.muli %arg1, %mul3A_56 : i32
      %mul3A_58 = arith.constant 128 : i32
      %mul3A_59 = arith.muli %scan3A_54, %mul3A_58 : i32
      %add3A_60 = arith.addi %mul3A_57, %mul3A_59 : i32
      "tpu.region"() ({
        %run_scoped3A = tpu.sem_alloc : memref<!tpu.dma_semaphore, #tpu.memory_space<semaphore_mem>>
        %dma_start3A_62 = arith.constant 0 : i32
        %dma_start3A_63 = tpu.memref_slice %arg6[%add3A_60, %dma_start3A_62] : memref<10240x128xf32, #tpu.memory_space<vmem_shared>> -> memref<128x128xf32, #tpu.memory_space<vmem_shared>>
        %dma_start3A_64 = arith.constant 0 : i32
        %dma_start3A_65 = tpu.memref_slice %arg6[%add3A_60, %dma_start3A_64] : memref<10240x128xf32, #tpu.memory_space<vmem_shared>> -> memref<128x128xf32, #tpu.memory_space<vmem_shared>>
        tpu.enqueue_dma source(%arg5 : memref<128x128xf32, #tpu.memory_space<vmem>>) target(%dma_start3A_65 : memref<128x128xf32, #tpu.memory_space<vmem_shared>>) target_semaphore(%run_scoped3A : memref<!tpu.dma_semaphore, #tpu.memory_space<semaphore_mem>>)
        %dma_wait3A_66 = arith.constant 0 : i32
        %dma_wait3A_67 = tpu.memref_slice %arg6[%add3A_60, %dma_wait3A_66] : memref<10240x128xf32, #tpu.memory_space<vmem_shared>> -> memref<128x128xf32, #tpu.memory_space<vmem_shared>>
        %dma_wait3A_68 = arith.constant 0 : i32
        %dma_wait3A_69 = tpu.memref_slice %arg6[%add3A_60, %dma_wait3A_68] : memref<10240x128xf32, #tpu.memory_space<vmem_shared>> -> memref<128x128xf32, #tpu.memory_space<vmem_shared>>
        tpu.wait_dma2 semaphore(%run_scoped3A : memref<!tpu.dma_semaphore, #tpu.memory_space<semaphore_mem>>) src(%arg5 : memref<128x128xf32, #tpu.memory_space<vmem>>) dst(%dma_wait3A_69 : memref<128x128xf32, #tpu.memory_space<vmem_shared>>)
        tpu.yield
      }) : () -> ()
      %scan3A_61 = arith.constant 0 : i32
      scf.yield %scan3A_61 : i32
    }
    %scan3A_13 = arith.constant 5 : i32
    %barrier3A = arith.constant 0 : index
    tpu.barrier barrier_id(%barrier3A)
    %scan3A_14 = arith.constant 0 : i32
    %scan3A_15 = arith.constant 0 : i32
    %scan3A_16 = arith.constant 128 : i32
    %scan3A_17 = arith.addi %scan3A_15, %scan3A_16 : i32
    %scan3A_18 = arith.constant 1 : i32
    %scan3A_19 = scf.for %scan3A_54 = %scan3A_15 to %scan3A_17 step %scan3A_18 iter_args(%scan3A_55 = %scan3A_14) -> (i32)  : i32 {
      %broadcast_in_dim3A = arith.constant 1.000000e+00 : f32
      %broadcast_in_dim3A_56 = vector.broadcast %broadcast_in_dim3A : f32 to vector<16xf32>
      %swap3A = arith.index_cast %scan3A_54 : i32 to index
      %swap3A_57 = arith.constant 0 : index
      %swap3A_58 = tpu.vector_load %arg5[%swap3A, %swap3A_57] {strides = array<i32>} : memref<128x128xf32, #tpu.memory_space<vmem>>, vector<1x16xf32>,
      %swap3A_59 = vector.shape_cast %swap3A_58 : vector<1x16xf32> to vector<16xf32>
      %swap3A_60 = vector.shape_cast %broadcast_in_dim3A_56 : vector<16xf32> to vector<1x16xf32>
      tpu.vector_store %arg5[%swap3A, %swap3A_57], %swap3A_60 {strides = array<i32>} : memref<128x128xf32, #tpu.memory_space<vmem>>, vector<1x16xf32>,
      %broadcast_in_dim3A_61 = arith.constant 1.000000e+00 : f32
      %broadcast_in_dim3A_62 = vector.broadcast %broadcast_in_dim3A_61 : f32 to vector<16xf32>
      %swap3A_63 = arith.index_cast %scan3A_54 : i32 to index
      %swap3A_64 = arith.constant 16 : index
      %swap3A_65 = tpu.vector_load %arg5[%swap3A_63, %swap3A_64] {strides = array<i32>} : memref<128x128xf32, #tpu.memory_space<vmem>>, vector<1x16xf32>,
      %swap3A_66 = vector.shape_cast %swap3A_65 : vector<1x16xf32> to vector<16xf32>
      %swap3A_67 = vector.shape_cast %broadcast_in_dim3A_62 : vector<16xf32> to vector<1x16xf32>
      tpu.vector_store %arg5[%swap3A_63, %swap3A_64], %swap3A_67 {strides = array<i32>} : memref<128x128xf32, #tpu.memory_space<vmem>>, vector<1x16xf32>,
      %broadcast_in_dim3A_68 = arith.constant 1.000000e+00 : f32
      %broadcast_in_dim3A_69 = vector.broadcast %broadcast_in_dim3A_68 : f32 to vector<16xf32>
      %swap3A_70 = arith.index_cast %scan3A_54 : i32 to index
      %swap3A_71 = arith.constant 32 : index
      %swap3A_72 = tpu.vector_load %arg5[%swap3A_70, %swap3A_71] {strides = array<i32>} : memref<128x128xf32, #tpu.memory_space<vmem>>, vector<1x16xf32>,
      %swap3A_73 = vector.shape_cast %swap3A_72 : vector<1x16xf32> to vector<16xf32>
      %swap3A_74 = vector.shape_cast %broadcast_in_dim3A_69 : vector<16xf32> to vector<1x16xf32>
      tpu.vector_store %arg5[%swap3A_70, %swap3A_71], %swap3A_74 {strides = array<i32>} : memref<128x128xf32, #tpu.memory_space<vmem>>, vector<1x16xf32>,
      %broadcast_in_dim3A_75 = arith.constant 1.000000e+00 : f32
      %broadcast_in_dim3A_76 = vector.broadcast %broadcast_in_dim3A_75 : f32 to vector<16xf32>
      %swap3A_77 = arith.index_cast %scan3A_54 : i32 to index
      %swap3A_78 = arith.constant 48 : index
      %swap3A_79 = tpu.vector_load %arg5[%swap3A_77, %swap3A_78] {strides = array<i32>} : memref<128x128xf32, #tpu.memory_space<vmem>>, vector<1x16xf32>,
      %swap3A_80 = vector.shape_cast %swap3A_79 : vector<1x16xf32> to vector<16xf32>
      %swap3A_81 = vector.shape_cast %broadcast_in_dim3A_76 : vector<16xf32> to vector<1x16xf32>
      tpu.vector_store %arg5[%swap3A_77, %swap3A_78], %swap3A_81 {strides = array<i32>} : memref<128x128xf32, #tpu.memory_space<vmem>>, vector<1x16xf32>,
      %broadcast_in_dim3A_82 = arith.constant 1.000000e+00 : f32
      %broadcast_in_dim3A_83 = vector.broadcast %broadcast_in_dim3A_82 : f32 to vector<16xf32>
      %swap3A_84 = arith.index_cast %scan3A_54 : i32 to index
      %swap3A_85 = arith.constant 64 : index
      %swap3A_86 = tpu.vector_load %arg5[%swap3A_84, %swap3A_85] {strides = array<i32>} : memref<128x128xf32, #tpu.memory_space<vmem>>, vector<1x16xf32>,
      %swap3A_87 = vector.shape_cast %swap3A_86 : vector<1x16xf32> to vector<16xf32>
      %swap3A_88 = vector.shape_cast %broadcast_in_dim3A_83 : vector<16xf32> to vector<1x16xf32>
      tpu.vector_store %arg5[%swap3A_84, %swap3A_85], %swap3A_88 {strides = array<i32>} : memref<128x128xf32, #tpu.memory_space<vmem>>, vector<1x16xf32>,
      %broadcast_in_dim3A_89 = arith.constant 1.000000e+00 : f32
      %broadcast_in_dim3A_90 = vector.broadcast %broadcast_in_dim3A_89 : f32 to vector<16xf32>
      %swap3A_91 = arith.index_cast %scan3A_54 : i32 to index
      %swap3A_92 = arith.constant 80 : index
      %swap3A_93 = tpu.vector_load %arg5[%swap3A_91, %swap3A_92] {strides = array<i32>} : memref<128x128xf32, #tpu.memory_space<vmem>>, vector<1x16xf32>,
      %swap3A_94 = vector.shape_cast %swap3A_93 : vector<1x16xf32> to vector<16xf32>
      %swap3A_95 = vector.shape_cast %broadcast_in_dim3A_90 : vector<16xf32> to vector<1x16xf32>
      tpu.vector_store %arg5[%swap3A_91, %swap3A_92], %swap3A_95 {strides = array<i32>} : memref<128x128xf32, #tpu.memory_space<vmem>>, vector<1x16xf32>,
      %broadcast_in_dim3A_96 = arith.constant 1.000000e+00 : f32
      %broadcast_in_dim3A_97 = vector.broadcast %broadcast_in_dim3A_96 : f32 to vector<16xf32>
      %swap3A_98 = arith.index_cast %scan3A_54 : i32 to index
      %swap3A_99 = arith.constant 96 : index
      %swap3A_100 = tpu.vector_load %arg5[%swap3A_98, %swap3A_99] {strides = array<i32>} : memref<128x128xf32, #tpu.memory_space<vmem>>, vector<1x16xf32>,
      %swap3A_101 = vector.shape_cast %swap3A_100 : vector<1x16xf32> to vector<16xf32>
      %swap3A_102 = vector.shape_cast %broadcast_in_dim3A_97 : vector<16xf32> to vector<1x16xf32>
      tpu.vector_store %arg5[%swap3A_98, %swap3A_99], %swap3A_102 {strides = array<i32>} : memref<128x128xf32, #tpu.memory_space<vmem>>, vector<1x16xf32>,
      %broadcast_in_dim3A_103 = arith.constant 1.000000e+00 : f32
      %broadcast_in_dim3A_104 = vector.broadcast %broadcast_in_dim3A_103 : f32 to vector<16xf32>
      %swap3A_105 = arith.index_cast %scan3A_54 : i32 to index
      %swap3A_106 = arith.constant 112 : index
      %swap3A_107 = tpu.vector_load %arg5[%swap3A_105, %swap3A_106] {strides = array<i32>} : memref<128x128xf32, #tpu.memory_space<vmem>>, vector<1x16xf32>,
      %swap3A_108 = vector.shape_cast %swap3A_107 : vector<1x16xf32> to vector<16xf32>
      %swap3A_109 = vector.shape_cast %broadcast_in_dim3A_104 : vector<16xf32> to vector<1x16xf32>
      tpu.vector_store %arg5[%swap3A_105, %swap3A_106], %swap3A_109 {strides = array<i32>} : memref<128x128xf32, #tpu.memory_space<vmem>>, vector<1x16xf32>,
      %scan3A_110 = arith.constant 0 : i32
      scf.yield %scan3A_110 : i32
    }
    %scan3A_20 = arith.constant 128 : i32
    "tpu.region"() ({
      %run_scoped3A = tpu.sem_alloc : memref<!tpu.dma_semaphore, #tpu.memory_space<semaphore_mem>>
      %dma_start3A_54 = arith.constant 0 : i32
      %dma_start3A_55 = arith.constant 0 : i32
      %dma_start3A_56 = arith.constant 0 : i32
      %dma_start3A_57 = tpu.memref_slice %arg4[%dma_start3A_54, %dma_start3A_55, %dma_start3A_56] : memref<40x2x128xi32, #tpu.memory_space<vmem>> -> memref<40x2x128xi32, #tpu.memory_space<vmem>>
      %dma_start3A_58 = arith.constant 0 : i32
      %dma_start3A_59 = arith.constant 0 : i32
      %dma_start3A_60 = arith.constant 0 : i32
      %dma_start3A_61 = tpu.memref_slice %arg2[%add3A, %dma_start3A_58, %dma_start3A_59, %dma_start3A_60] : memref<32x79x2x128xi32, #tpu.memory_space<hbm>> -> memref<1x40x2x128xi32, #tpu.memory_space<hbm>>
      %dma_start3A_62 = tpu.memref_squeeze %dma_start3A_61 : memref<1x40x2x128xi32, #tpu.memory_space<hbm>> -> memref<40x2x128xi32, #tpu.memory_space<hbm>>
      %dma_start3A_63 = arith.constant 0 : i32
      %dma_start3A_64 = arith.constant 0 : i32
      %dma_start3A_65 = arith.constant 0 : i32
      %dma_start3A_66 = tpu.memref_slice %arg4[%dma_start3A_63, %dma_start3A_64, %dma_start3A_65] : memref<40x2x128xi32, #tpu.memory_space<vmem>> -> memref<40x2x128xi32, #tpu.memory_space<vmem>>
      %dma_start3A_67 = arith.constant 0 : i32
      %dma_start3A_68 = arith.constant 0 : i32
      %dma_start3A_69 = arith.constant 0 : i32
      %dma_start3A_70 = tpu.memref_slice %arg2[%add3A, %dma_start3A_67, %dma_start3A_68, %dma_start3A_69] : memref<32x79x2x128xi32, #tpu.memory_space<hbm>> -> memref<1x40x2x128xi32, #tpu.memory_space<hbm>>
      %dma_start3A_71 = tpu.memref_squeeze %dma_start3A_70 : memref<1x40x2x128xi32, #tpu.memory_space<hbm>> -> memref<40x2x128xi32, #tpu.memory_space<hbm>>
      tpu.enqueue_dma source(%dma_start3A_71 : memref<40x2x128xi32, #tpu.memory_space<hbm>>) target(%dma_start3A_66 : memref<40x2x128xi32, #tpu.memory_space<vmem>>) target_semaphore(%run_scoped3A : memref<!tpu.dma_semaphore, #tpu.memory_space<semaphore_mem>>)
      %dma_wait3A_72 = arith.constant 0 : i32
      %dma_wait3A_73 = arith.constant 0 : i32
      %dma_wait3A_74 = arith.constant 0 : i32
      %dma_wait3A_75 = tpu.memref_slice %arg4[%dma_wait3A_72, %dma_wait3A_73, %dma_wait3A_74] : memref<40x2x128xi32, #tpu.memory_space<vmem>> -> memref<40x2x128xi32, #tpu.memory_space<vmem>>
      %dma_wait3A_76 = arith.constant 0 : i32
      %dma_wait3A_77 = arith.constant 0 : i32
      %dma_wait3A_78 = arith.constant 0 : i32
      %dma_wait3A_79 = tpu.memref_slice %arg2[%add3A, %dma_wait3A_76, %dma_wait3A_77, %dma_wait3A_78] : memref<32x79x2x128xi32, #tpu.memory_space<hbm>> -> memref<1x40x2x128xi32, #tpu.memory_space<hbm>>
      %dma_wait3A_80 = tpu.memref_squeeze %dma_wait3A_79 : memref<1x40x2x128xi32, #tpu.memory_space<hbm>> -> memref<40x2x128xi32, #tpu.memory_space<hbm>>
      %dma_wait3A_81 = arith.constant 0 : i32
      %dma_wait3A_82 = arith.constant 0 : i32
      %dma_wait3A_83 = arith.constant 0 : i32
      %dma_wait3A_84 = tpu.memref_slice %arg4[%dma_wait3A_81, %dma_wait3A_82, %dma_wait3A_83] : memref<40x2x128xi32, #tpu.memory_space<vmem>> -> memref<40x2x128xi32, #tpu.memory_space<vmem>>
      %dma_wait3A_85 = arith.constant 0 : i32
      %dma_wait3A_86 = arith.constant 0 : i32
      %dma_wait3A_87 = arith.constant 0 : i32
      %dma_wait3A_88 = tpu.memref_slice %arg2[%add3A, %dma_wait3A_85, %dma_wait3A_86, %dma_wait3A_87] : memref<32x79x2x128xi32, #tpu.memory_space<hbm>> -> memref<1x40x2x128xi32, #tpu.memory_space<hbm>>
      %dma_wait3A_89 = tpu.memref_squeeze %dma_wait3A_88 : memref<1x40x2x128xi32, #tpu.memory_space<hbm>> -> memref<40x2x128xi32, #tpu.memory_space<hbm>>
      tpu.wait_dma2 semaphore(%run_scoped3A : memref<!tpu.dma_semaphore, #tpu.memory_space<semaphore_mem>>) src(%dma_wait3A_89 : memref<40x2x128xi32, #tpu.memory_space<hbm>>) dst(%dma_wait3A_84 : memref<40x2x128xi32, #tpu.memory_space<vmem>>)
      tpu.yield
    }) : () -> ()
    %scan3A_21 = arith.constant 0 : i32
    %scan3A_22 = arith.constant 0 : i32
    %scan3A_23 = arith.constant 20 : i32
    %scan3A_24 = arith.addi %scan3A_22, %scan3A_23 : i32
    %scan3A_25 = arith.constant 1 : i32
    %scan3A_26 = scf.for %scan3A_54 = %scan3A_22 to %scan3A_24 step %scan3A_25 iter_args(%scan3A_55 = %scan3A_21) -> (i32)  : i32 {
      %mul3A_56 = arith.constant 2 : i32
      %mul3A_57 = arith.muli %mul3A_56, %scan3A_54 : i32
      %dma_start3A_58 = arith.constant 1 : i32
      %dma_start3A_59 = arith.constant 0 : i32
      %dma_start3A_60 = tpu.memref_slice %arg4[%mul3A_57, %dma_start3A_58, %dma_start3A_59] : memref<40x2x128xi32, #tpu.memory_space<vmem>> -> memref<1x1x128xi32, #tpu.memory_space<vmem>>
      %dma_start3A_61 = tpu.memref_squeeze %dma_start3A_60 : memref<1x1x128xi32, #tpu.memory_space<vmem>> -> memref<128xi32, #tpu.memory_space<vmem>>
      %dma_start3A_62 = arith.constant 0 : i32
      %dma_start3A_63 = arith.constant 0 : i32
      %dma_start3A_64 = tpu.memref_slice %arg6[%dma_start3A_62, %dma_start3A_63] : memref<10240x128xf32, #tpu.memory_space<vmem_shared>> -> memref<10240x128xf32, #tpu.memory_space<vmem_shared>>
      tpu.enqueue_indirect_dma source(%arg5 : memref<128x128xf32, #tpu.memory_space<vmem>>) target(%dma_start3A_64 : memref<10240x128xf32, #tpu.memory_space<vmem_shared>>) offsets(%dma_start3A_61 : memref<128xi32, #tpu.memory_space<vmem>>) semaphore(%arg7 : memref<!tpu.dma_semaphore, #tpu.memory_space<semaphore_mem>>) {add = true}
      %mul3A_65 = arith.constant 2 : i32
      %mul3A_66 = arith.muli %mul3A_65, %scan3A_54 : i32
      %add3A_67 = arith.constant 1 : i32
      %add3A_68 = arith.addi %mul3A_66, %add3A_67 : i32
      %dma_start3A_69 = arith.constant 1 : i32
      %dma_start3A_70 = arith.constant 0 : i32
      %dma_start3A_71 = tpu.memref_slice %arg4[%add3A_68, %dma_start3A_69, %dma_start3A_70] : memref<40x2x128xi32, #tpu.memory_space<vmem>> -> memref<1x1x128xi32, #tpu.memory_space<vmem>>
      %dma_start3A_72 = tpu.memref_squeeze %dma_start3A_71 : memref<1x1x128xi32, #tpu.memory_space<vmem>> -> memref<128xi32, #tpu.memory_space<vmem>>
      %dma_start3A_73 = arith.constant 0 : i32
      %dma_start3A_74 = arith.constant 0 : i32
      %dma_start3A_75 = tpu.memref_slice %arg6[%dma_start3A_73, %dma_start3A_74] : memref<10240x128xf32, #tpu.memory_space<vmem_shared>> -> memref<10240x128xf32, #tpu.memory_space<vmem_shared>>
      tpu.enqueue_indirect_dma source(%arg5 : memref<128x128xf32, #tpu.memory_space<vmem>>) target(%dma_start3A_75 : memref<10240x128xf32, #tpu.memory_space<vmem_shared>>) offsets(%dma_start3A_72 : memref<128xi32, #tpu.memory_space<vmem>>) semaphore(%arg8 : memref<!tpu.dma_semaphore, #tpu.memory_space<semaphore_mem>>) {add = true}
      %dma_wait3A_76 = arith.constant 0 : i32
      %dma_wait3A_77 = arith.constant 1 : i32
      %dma_wait3A_78 = arith.constant 0 : i32
      %dma_wait3A_79 = tpu.memref_slice %arg4[%dma_wait3A_76, %dma_wait3A_77, %dma_wait3A_78] : memref<40x2x128xi32, #tpu.memory_space<vmem>> -> memref<1x1x128xi32, #tpu.memory_space<vmem>>
      %dma_wait3A_80 = tpu.memref_squeeze %dma_wait3A_79 : memref<1x1x128xi32, #tpu.memory_space<vmem>> -> memref<128xi32, #tpu.memory_space<vmem>>
      %dma_wait3A_81 = arith.constant 0 : i32
      %dma_wait3A_82 = arith.constant 0 : i32
      %dma_wait3A_83 = tpu.memref_slice %arg6[%dma_wait3A_81, %dma_wait3A_82] : memref<10240x128xf32, #tpu.memory_space<vmem_shared>> -> memref<10240x128xf32, #tpu.memory_space<vmem_shared>>
      tpu.wait_indirect_dma semaphore(%arg7 : memref<!tpu.dma_semaphore, #tpu.memory_space<semaphore_mem>>) src(%arg5 : memref<128x128xf32, #tpu.memory_space<vmem>>) dst(%dma_wait3A_83 : memref<10240x128xf32, #tpu.memory_space<vmem_shared>>)
      %dma_wait3A_84 = arith.constant 0 : i32
      %dma_wait3A_85 = arith.constant 1 : i32
      %dma_wait3A_86 = arith.constant 0 : i32
      %dma_wait3A_87 = tpu.memref_slice %arg4[%dma_wait3A_84, %dma_wait3A_85, %dma_wait3A_86] : memref<40x2x128xi32, #tpu.memory_space<vmem>> -> memref<1x1x128xi32, #tpu.memory_space<vmem>>
      %dma_wait3A_88 = tpu.memref_squeeze %dma_wait3A_87 : memref<1x1x128xi32, #tpu.memory_space<vmem>> -> memref<128xi32, #tpu.memory_space<vmem>>
      %dma_wait3A_89 = arith.constant 0 : i32
      %dma_wait3A_90 = arith.constant 0 : i32
      %dma_wait3A_91 = tpu.memref_slice %arg6[%dma_wait3A_89, %dma_wait3A_90] : memref<10240x128xf32, #tpu.memory_space<vmem_shared>> -> memref<10240x128xf32, #tpu.memory_space<vmem_shared>>
      tpu.wait_indirect_dma semaphore(%arg8 : memref<!tpu.dma_semaphore, #tpu.memory_space<semaphore_mem>>) src(%arg5 : memref<128x128xf32, #tpu.memory_space<vmem>>) dst(%dma_wait3A_91 : memref<10240x128xf32, #tpu.memory_space<vmem_shared>>)
      %scan3A_92 = arith.constant 0 : i32
      scf.yield %scan3A_92 : i32
    }
    %scan3A_27 = arith.constant 20 : i32
    "tpu.region"() ({
      %run_scoped3A = tpu.sem_alloc : memref<!tpu.dma_semaphore, #tpu.memory_space<semaphore_mem>>
      %dma_start3A_54 = arith.constant 0 : i32
      %dma_start3A_55 = arith.constant 0 : i32
      %dma_start3A_56 = arith.constant 0 : i32
      %dma_start3A_57 = tpu.memref_slice %arg4[%dma_start3A_54, %dma_start3A_55, %dma_start3A_56] : memref<40x2x128xi32, #tpu.memory_space<vmem>> -> memref<39x2x128xi32, #tpu.memory_space<vmem>>
      %dma_start3A_58 = arith.constant 40 : i32
      %dma_start3A_59 = arith.constant 0 : i32
      %dma_start3A_60 = arith.constant 0 : i32
      %dma_start3A_61 = tpu.memref_slice %arg2[%add3A, %dma_start3A_58, %dma_start3A_59, %dma_start3A_60] : memref<32x79x2x128xi32, #tpu.memory_space<hbm>> -> memref<1x39x2x128xi32, #tpu.memory_space<hbm>>
      %dma_start3A_62 = tpu.memref_squeeze %dma_start3A_61 : memref<1x39x2x128xi32, #tpu.memory_space<hbm>> -> memref<39x2x128xi32, #tpu.memory_space<hbm>>
      %dma_start3A_63 = arith.constant 0 : i32
      %dma_start3A_64 = arith.constant 0 : i32
      %dma_start3A_65 = arith.constant 0 : i32
      %dma_start3A_66 = tpu.memref_slice %arg4[%dma_start3A_63, %dma_start3A_64, %dma_start3A_65] : memref<40x2x128xi32, #tpu.memory_space<vmem>> -> memref<39x2x128xi32, #tpu.memory_space<vmem>>
      %dma_start3A_67 = arith.constant 40 : i32
      %dma_start3A_68 = arith.constant 0 : i32
      %dma_start3A_69 = arith.constant 0 : i32
      %dma_start3A_70 = tpu.memref_slice %arg2[%add3A, %dma_start3A_67, %dma_start3A_68, %dma_start3A_69] : memref<32x79x2x128xi32, #tpu.memory_space<hbm>> -> memref<1x39x2x128xi32, #tpu.memory_space<hbm>>
      %dma_start3A_71 = tpu.memref_squeeze %dma_start3A_70 : memref<1x39x2x128xi32, #tpu.memory_space<hbm>> -> memref<39x2x128xi32, #tpu.memory_space<hbm>>
      tpu.enqueue_dma source(%dma_start3A_71 : memref<39x2x128xi32, #tpu.memory_space<hbm>>) target(%dma_start3A_66 : memref<39x2x128xi32, #tpu.memory_space<vmem>>) target_semaphore(%run_scoped3A : memref<!tpu.dma_semaphore, #tpu.memory_space<semaphore_mem>>)
      %dma_wait3A_72 = arith.constant 0 : i32
      %dma_wait3A_73 = arith.constant 0 : i32
      %dma_wait3A_74 = arith.constant 0 : i32
      %dma_wait3A_75 = tpu.memref_slice %arg4[%dma_wait3A_72, %dma_wait3A_73, %dma_wait3A_74] : memref<40x2x128xi32, #tpu.memory_space<vmem>> -> memref<39x2x128xi32, #tpu.memory_space<vmem>>
      %dma_wait3A_76 = arith.constant 40 : i32
      %dma_wait3A_77 = arith.constant 0 : i32
      %dma_wait3A_78 = arith.constant 0 : i32
      %dma_wait3A_79 = tpu.memref_slice %arg2[%add3A, %dma_wait3A_76, %dma_wait3A_77, %dma_wait3A_78] : memref<32x79x2x128xi32, #tpu.memory_space<hbm>> -> memref<1x39x2x128xi32, #tpu.memory_space<hbm>>
      %dma_wait3A_80 = tpu.memref_squeeze %dma_wait3A_79 : memref<1x39x2x128xi32, #tpu.memory_space<hbm>> -> memref<39x2x128xi32, #tpu.memory_space<hbm>>
      %dma_wait3A_81 = arith.constant 0 : i32
      %dma_wait3A_82 = arith.constant 0 : i32
      %dma_wait3A_83 = arith.constant 0 : i32
      %dma_wait3A_84 = tpu.memref_slice %arg4[%dma_wait3A_81, %dma_wait3A_82, %dma_wait3A_83] : memref<40x2x128xi32, #tpu.memory_space<vmem>> -> memref<39x2x128xi32, #tpu.memory_space<vmem>>
      %dma_wait3A_85 = arith.constant 40 : i32
      %dma_wait3A_86 = arith.constant 0 : i32
      %dma_wait3A_87 = arith.constant 0 : i32
      %dma_wait3A_88 = tpu.memref_slice %arg2[%add3A, %dma_wait3A_85, %dma_wait3A_86, %dma_wait3A_87] : memref<32x79x2x128xi32, #tpu.memory_space<hbm>> -> memref<1x39x2x128xi32, #tpu.memory_space<hbm>>
      %dma_wait3A_89 = tpu.memref_squeeze %dma_wait3A_88 : memref<1x39x2x128xi32, #tpu.memory_space<hbm>> -> memref<39x2x128xi32, #tpu.memory_space<hbm>>
      tpu.wait_dma2 semaphore(%run_scoped3A : memref<!tpu.dma_semaphore, #tpu.memory_space<semaphore_mem>>) src(%dma_wait3A_89 : memref<39x2x128xi32, #tpu.memory_space<hbm>>) dst(%dma_wait3A_84 : memref<39x2x128xi32, #tpu.memory_space<vmem>>)
      tpu.yield
    }) : () -> ()
    %scan3A_28 = arith.constant 0 : i32
    %scan3A_29 = arith.constant 0 : i32
    %scan3A_30 = arith.constant 19 : i32
    %scan3A_31 = arith.addi %scan3A_29, %scan3A_30 : i32
    %scan3A_32 = arith.constant 1 : i32
    %scan3A_33 = scf.for %scan3A_54 = %scan3A_29 to %scan3A_31 step %scan3A_32 iter_args(%scan3A_55 = %scan3A_28) -> (i32)  : i32 {
      %mul3A_56 = arith.constant 2 : i32
      %mul3A_57 = arith.muli %mul3A_56, %scan3A_54 : i32
      %dma_start3A_58 = arith.constant 1 : i32
      %dma_start3A_59 = arith.constant 0 : i32
      %dma_start3A_60 = tpu.memref_slice %arg4[%mul3A_57, %dma_start3A_58, %dma_start3A_59] : memref<40x2x128xi32, #tpu.memory_space<vmem>> -> memref<1x1x128xi32, #tpu.memory_space<vmem>>
      %dma_start3A_61 = tpu.memref_squeeze %dma_start3A_60 : memref<1x1x128xi32, #tpu.memory_space<vmem>> -> memref<128xi32, #tpu.memory_space<vmem>>
      %dma_start3A_62 = arith.constant 0 : i32
      %dma_start3A_63 = arith.constant 0 : i32
      %dma_start3A_64 = tpu.memref_slice %arg6[%dma_start3A_62, %dma_start3A_63] : memref<10240x128xf32, #tpu.memory_space<vmem_shared>> -> memref<10240x128xf32, #tpu.memory_space<vmem_shared>>
      tpu.enqueue_indirect_dma source(%arg5 : memref<128x128xf32, #tpu.memory_space<vmem>>) target(%dma_start3A_64 : memref<10240x128xf32, #tpu.memory_space<vmem_shared>>) offsets(%dma_start3A_61 : memref<128xi32, #tpu.memory_space<vmem>>) semaphore(%arg7 : memref<!tpu.dma_semaphore, #tpu.memory_space<semaphore_mem>>) {add = true}
      %mul3A_65 = arith.constant 2 : i32
      %mul3A_66 = arith.muli %mul3A_65, %scan3A_54 : i32
      %add3A_67 = arith.constant 1 : i32
      %add3A_68 = arith.addi %mul3A_66, %add3A_67 : i32
      %dma_start3A_69 = arith.constant 1 : i32
      %dma_start3A_70 = arith.constant 0 : i32
      %dma_start3A_71 = tpu.memref_slice %arg4[%add3A_68, %dma_start3A_69, %dma_start3A_70] : memref<40x2x128xi32, #tpu.memory_space<vmem>> -> memref<1x1x128xi32, #tpu.memory_space<vmem>>
      %dma_start3A_72 = tpu.memref_squeeze %dma_start3A_71 : memref<1x1x128xi32, #tpu.memory_space<vmem>> -> memref<128xi32, #tpu.memory_space<vmem>>
      %dma_start3A_73 = arith.constant 0 : i32
      %dma_start3A_74 = arith.constant 0 : i32
      %dma_start3A_75 = tpu.memref_slice %arg6[%dma_start3A_73, %dma_start3A_74] : memref<10240x128xf32, #tpu.memory_space<vmem_shared>> -> memref<10240x128xf32, #tpu.memory_space<vmem_shared>>
      tpu.enqueue_indirect_dma source(%arg5 : memref<128x128xf32, #tpu.memory_space<vmem>>) target(%dma_start3A_75 : memref<10240x128xf32, #tpu.memory_space<vmem_shared>>) offsets(%dma_start3A_72 : memref<128xi32, #tpu.memory_space<vmem>>) semaphore(%arg8 : memref<!tpu.dma_semaphore, #tpu.memory_space<semaphore_mem>>) {add = true}
      %dma_wait3A_76 = arith.constant 0 : i32
      %dma_wait3A_77 = arith.constant 1 : i32
      %dma_wait3A_78 = arith.constant 0 : i32
      %dma_wait3A_79 = tpu.memref_slice %arg4[%dma_wait3A_76, %dma_wait3A_77, %dma_wait3A_78] : memref<40x2x128xi32, #tpu.memory_space<vmem>> -> memref<1x1x128xi32, #tpu.memory_space<vmem>>
      %dma_wait3A_80 = tpu.memref_squeeze %dma_wait3A_79 : memref<1x1x128xi32, #tpu.memory_space<vmem>> -> memref<128xi32, #tpu.memory_space<vmem>>
      %dma_wait3A_81 = arith.constant 0 : i32
      %dma_wait3A_82 = arith.constant 0 : i32
      %dma_wait3A_83 = tpu.memref_slice %arg6[%dma_wait3A_81, %dma_wait3A_82] : memref<10240x128xf32, #tpu.memory_space<vmem_shared>> -> memref<10240x128xf32, #tpu.memory_space<vmem_shared>>
      tpu.wait_indirect_dma semaphore(%arg7 : memref<!tpu.dma_semaphore, #tpu.memory_space<semaphore_mem>>) src(%arg5 : memref<128x128xf32, #tpu.memory_space<vmem>>) dst(%dma_wait3A_83 : memref<10240x128xf32, #tpu.memory_space<vmem_shared>>)
      %dma_wait3A_84 = arith.constant 0 : i32
      %dma_wait3A_85 = arith.constant 1 : i32
      %dma_wait3A_86 = arith.constant 0 : i32
      %dma_wait3A_87 = tpu.memref_slice %arg4[%dma_wait3A_84, %dma_wait3A_85, %dma_wait3A_86] : memref<40x2x128xi32, #tpu.memory_space<vmem>> -> memref<1x1x128xi32, #tpu.memory_space<vmem>>
      %dma_wait3A_88 = tpu.memref_squeeze %dma_wait3A_87 : memref<1x1x128xi32, #tpu.memory_space<vmem>> -> memref<128xi32, #tpu.memory_space<vmem>>
      %dma_wait3A_89 = arith.constant 0 : i32
      %dma_wait3A_90 = arith.constant 0 : i32
      %dma_wait3A_91 = tpu.memref_slice %arg6[%dma_wait3A_89, %dma_wait3A_90] : memref<10240x128xf32, #tpu.memory_space<vmem_shared>> -> memref<10240x128xf32, #tpu.memory_space<vmem_shared>>
      tpu.wait_indirect_dma semaphore(%arg8 : memref<!tpu.dma_semaphore, #tpu.memory_space<semaphore_mem>>) src(%arg5 : memref<128x128xf32, #tpu.memory_space<vmem>>) dst(%dma_wait3A_91 : memref<10240x128xf32, #tpu.memory_space<vmem_shared>>)
      %scan3A_92 = arith.constant 0 : i32
      scf.yield %scan3A_92 : i32
    }
    %scan3A_34 = arith.constant 19 : i32
    %dma_start3A = arith.constant 38 : i32
    %dma_start3A_35 = arith.constant 1 : i32
    %dma_start3A_36 = arith.constant 0 : i32
    %dma_start3A_37 = tpu.memref_slice %arg4[%dma_start3A, %dma_start3A_35, %dma_start3A_36] : memref<40x2x128xi32, #tpu.memory_space<vmem>> -> memref<1x1x128xi32, #tpu.memory_space<vmem>>
    %dma_start3A_38 = tpu.memref_squeeze %dma_start3A_37 : memref<1x1x128xi32, #tpu.memory_space<vmem>> -> memref<128xi32, #tpu.memory_space<vmem>>
    %dma_start3A_39 = arith.constant 0 : i32
    %dma_start3A_40 = arith.constant 0 : i32
    %dma_start3A_41 = tpu.memref_slice %arg6[%dma_start3A_39, %dma_start3A_40] : memref<10240x128xf32, #tpu.memory_space<vmem_shared>> -> memref<10240x128xf32, #tpu.memory_space<vmem_shared>>
    tpu.enqueue_indirect_dma source(%arg5 : memref<128x128xf32, #tpu.memory_space<vmem>>) target(%dma_start3A_41 : memref<10240x128xf32, #tpu.memory_space<vmem_shared>>) offsets(%dma_start3A_38 : memref<128xi32, #tpu.memory_space<vmem>>) semaphore(%arg7 : memref<!tpu.dma_semaphore, #tpu.memory_space<semaphore_mem>>) {add = true}
    %dma_wait3A = arith.constant 0 : i32
    %dma_wait3A_42 = arith.constant 1 : i32
    %dma_wait3A_43 = arith.constant 0 : i32
    %dma_wait3A_44 = tpu.memref_slice %arg4[%dma_wait3A, %dma_wait3A_42, %dma_wait3A_43] : memref<40x2x128xi32, #tpu.memory_space<vmem>> -> memref<1x1x128xi32, #tpu.memory_space<vmem>>
    %dma_wait3A_45 = tpu.memref_squeeze %dma_wait3A_44 : memref<1x1x128xi32, #tpu.memory_space<vmem>> -> memref<128xi32, #tpu.memory_space<vmem>>
    %dma_wait3A_46 = arith.constant 0 : i32
    %dma_wait3A_47 = arith.constant 0 : i32
    %dma_wait3A_48 = tpu.memref_slice %arg6[%dma_wait3A_46, %dma_wait3A_47] : memref<10240x128xf32, #tpu.memory_space<vmem_shared>> -> memref<10240x128xf32, #tpu.memory_space<vmem_shared>>
    tpu.wait_indirect_dma semaphore(%arg7 : memref<!tpu.dma_semaphore, #tpu.memory_space<semaphore_mem>>) src(%arg5 : memref<128x128xf32, #tpu.memory_space<vmem>>) dst(%dma_wait3A_48 : memref<10240x128xf32, #tpu.memory_space<vmem_shared>>)
    %barrier3A_49 = arith.constant 0 : index
    tpu.barrier barrier_id(%barrier3A_49)
    %mul3A_50 = arith.constant 640 : i32
    %mul3A_51 = arith.muli %arg1, %mul3A_50 : i32
    %mul3A_52 = arith.constant 640 : i32
    %mul3A_53 = arith.muli %arg1, %mul3A_52 : i32
    "tpu.region"() ({
      %run_scoped3A = tpu.sem_alloc : memref<!tpu.dma_semaphore, #tpu.memory_space<semaphore_mem>>
      %dma_start3A_54 = arith.constant 0 : i32
      %dma_start3A_55 = tpu.memref_slice %arg3[%arg0, %mul3A_53, %dma_start3A_54] : memref<2x10240x128xf32, #tpu.memory_space<hbm>> -> memref<1x640x128xf32, #tpu.memory_space<hbm>>
      %dma_start3A_56 = tpu.memref_squeeze %dma_start3A_55 : memref<1x640x128xf32, #tpu.memory_space<hbm>> -> memref<640x128xf32, #tpu.memory_space<hbm>>
      %dma_start3A_57 = arith.constant 0 : i32
      %dma_start3A_58 = tpu.memref_slice %arg6[%mul3A_51, %dma_start3A_57] : memref<10240x128xf32, #tpu.memory_space<vmem_shared>> -> memref<640x128xf32, #tpu.memory_space<vmem_shared>>
      tpu.enqueue_dma source(%dma_start3A_58 : memref<640x128xf32, #tpu.memory_space<vmem_shared>>) target(%dma_start3A_56 : memref<640x128xf32, #tpu.memory_space<hbm>>) target_semaphore(%run_scoped3A : memref<!tpu.dma_semaphore, #tpu.memory_space<semaphore_mem>>)
      %dma_wait3A_59 = arith.constant 0 : i32
      %dma_wait3A_60 = tpu.memref_slice %arg3[%arg0, %mul3A_53, %dma_wait3A_59] : memref<2x10240x128xf32, #tpu.memory_space<hbm>> -> memref<1x640x128xf32, #tpu.memory_space<hbm>>
      %dma_wait3A_61 = tpu.memref_squeeze %dma_wait3A_60 : memref<1x640x128xf32, #tpu.memory_space<hbm>> -> memref<640x128xf32, #tpu.memory_space<hbm>>
      %dma_wait3A_62 = arith.constant 0 : i32
      %dma_wait3A_63 = tpu.memref_slice %arg6[%mul3A_51, %dma_wait3A_62] : memref<10240x128xf32, #tpu.memory_space<vmem_shared>> -> memref<640x128xf32, #tpu.memory_space<vmem_shared>>
      tpu.wait_dma2 semaphore(%run_scoped3A : memref<!tpu.dma_semaphore, #tpu.memory_space<semaphore_mem>>) src(%dma_wait3A_63 : memref<640x128xf32, #tpu.memory_space<vmem_shared>>) dst(%dma_wait3A_61 : memref<640x128xf32, #tpu.memory_space<hbm>>)
      tpu.yield
    }) : () -> ()
    return
  }
}

#map = affine_map<(d0, d1) -> (0, 0)>
#map1 = affine_map<(d0, d1) -> (0, 0, 0, 0)>
#map2 = affine_map<(d0, d1) -> (0, 0, 0)>
module attributes {stable_mosaic.version = 14 : i64} {
  func.func @_scatter_sc(%arg0: i32, %arg1: i32, %arg2: memref<10240x128xf32, #tpu.memory_space<hbm>>, %arg3: memref<16x79x2x128xi32, #tpu.memory_space<hbm>>, %arg4: memref<16x79x2x128xi32, #tpu.memory_space<hbm>>, %arg5: memref<2x10240x128xf32, #tpu.memory_space<hbm>>, %arg6: memref<40x2x128xi32, #tpu.memory_space<vmem>>, %arg7: memref<128x128xf32, #tpu.memory_space<vmem>>, %arg8: memref<128x128xf32, #tpu.memory_space<vmem>>, %arg9: memref<10240x128xf32, #tpu.memory_space<vmem_shared>>, %arg10: memref<!tpu.dma_semaphore, #tpu.memory_space<semaphore_mem>>, %arg11: memref<!tpu.dma_semaphore, #tpu.memory_space<semaphore_mem>>, %arg12: memref<!tpu.dma_semaphore, #tpu.memory_space<semaphore_mem>>, %arg13: memref<!tpu.dma_semaphore, #tpu.memory_space<semaphore_mem>>) attributes {dimension_semantics = [#tpu.dimension_semantics<core_parallel>, #tpu.dimension_semantics<subcore_parallel>], iteration_bounds = array<i64: 2, 16>, scalar_prefetch = 0 : i64, scratch_operands = 8 : i64, tpu.core_type = #tpu.core_type<sc_vector_subcore>, window_params = [{transform_indices = #map}, {transform_indices = #map1}, {transform_indices = #map1}, {transform_indices = #map2}]} {
    %scan3A = arith.constant 0 : i32
    %scan3A_0 = arith.constant 0 : i32
    %scan3A_1 = arith.constant 128 : i32
    %scan3A_2 = arith.addi %scan3A_0, %scan3A_1 : i32
    %scan3A_3 = arith.constant 1 : i32
    %scan3A_4 = scf.for %scan3A_24 = %scan3A_0 to %scan3A_2 step %scan3A_3 iter_args(%scan3A_25 = %scan3A) -> (i32)  : i32 {
      %broadcast_in_dim3A = arith.constant 0.000000e+00 : f32
      %broadcast_in_dim3A_26 = vector.broadcast %broadcast_in_dim3A : f32 to vector<16xf32>
      %swap3A = arith.index_cast %scan3A_24 : i32 to index
      %swap3A_27 = arith.constant 0 : index
      %swap3A_28 = tpu.vector_load %arg7[%swap3A, %swap3A_27] {strides = array<i32>} : memref<128x128xf32, #tpu.memory_space<vmem>>, vector<1x16xf32>,
      %swap3A_29 = vector.shape_cast %swap3A_28 : vector<1x16xf32> to vector<16xf32>
      %swap3A_30 = vector.shape_cast %broadcast_in_dim3A_26 : vector<16xf32> to vector<1x16xf32>
      tpu.vector_store %arg7[%swap3A, %swap3A_27], %swap3A_30 {strides = array<i32>} : memref<128x128xf32, #tpu.memory_space<vmem>>, vector<1x16xf32>,
      %broadcast_in_dim3A_31 = arith.constant 0.000000e+00 : f32
      %broadcast_in_dim3A_32 = vector.broadcast %broadcast_in_dim3A_31 : f32 to vector<16xf32>
      %swap3A_33 = arith.index_cast %scan3A_24 : i32 to index
      %swap3A_34 = arith.constant 16 : index
      %swap3A_35 = tpu.vector_load %arg7[%swap3A_33, %swap3A_34] {strides = array<i32>} : memref<128x128xf32, #tpu.memory_space<vmem>>, vector<1x16xf32>,
      %swap3A_36 = vector.shape_cast %swap3A_35 : vector<1x16xf32> to vector<16xf32>
      %swap3A_37 = vector.shape_cast %broadcast_in_dim3A_32 : vector<16xf32> to vector<1x16xf32>
      tpu.vector_store %arg7[%swap3A_33, %swap3A_34], %swap3A_37 {strides = array<i32>} : memref<128x128xf32, #tpu.memory_space<vmem>>, vector<1x16xf32>,
      %broadcast_in_dim3A_38 = arith.constant 0.000000e+00 : f32
      %broadcast_in_dim3A_39 = vector.broadcast %broadcast_in_dim3A_38 : f32 to vector<16xf32>
      %swap3A_40 = arith.index_cast %scan3A_24 : i32 to index
      %swap3A_41 = arith.constant 32 : index
      %swap3A_42 = tpu.vector_load %arg7[%swap3A_40, %swap3A_41] {strides = array<i32>} : memref<128x128xf32, #tpu.memory_space<vmem>>, vector<1x16xf32>,
      %swap3A_43 = vector.shape_cast %swap3A_42 : vector<1x16xf32> to vector<16xf32>
      %swap3A_44 = vector.shape_cast %broadcast_in_dim3A_39 : vector<16xf32> to vector<1x16xf32>
      tpu.vector_store %arg7[%swap3A_40, %swap3A_41], %swap3A_44 {strides = array<i32>} : memref<128x128xf32, #tpu.memory_space<vmem>>, vector<1x16xf32>,
      %broadcast_in_dim3A_45 = arith.constant 0.000000e+00 : f32
      %broadcast_in_dim3A_46 = vector.broadcast %broadcast_in_dim3A_45 : f32 to vector<16xf32>
      %swap3A_47 = arith.index_cast %scan3A_24 : i32 to index
      %swap3A_48 = arith.constant 48 : index
      %swap3A_49 = tpu.vector_load %arg7[%swap3A_47, %swap3A_48] {strides = array<i32>} : memref<128x128xf32, #tpu.memory_space<vmem>>, vector<1x16xf32>,
      %swap3A_50 = vector.shape_cast %swap3A_49 : vector<1x16xf32> to vector<16xf32>
      %swap3A_51 = vector.shape_cast %broadcast_in_dim3A_46 : vector<16xf32> to vector<1x16xf32>
      tpu.vector_store %arg7[%swap3A_47, %swap3A_48], %swap3A_51 {strides = array<i32>} : memref<128x128xf32, #tpu.memory_space<vmem>>, vector<1x16xf32>,
      %broadcast_in_dim3A_52 = arith.constant 0.000000e+00 : f32
      %broadcast_in_dim3A_53 = vector.broadcast %broadcast_in_dim3A_52 : f32 to vector<16xf32>
      %swap3A_54 = arith.index_cast %scan3A_24 : i32 to index
      %swap3A_55 = arith.constant 64 : index
      %swap3A_56 = tpu.vector_load %arg7[%swap3A_54, %swap3A_55] {strides = array<i32>} : memref<128x128xf32, #tpu.memory_space<vmem>>, vector<1x16xf32>,
      %swap3A_57 = vector.shape_cast %swap3A_56 : vector<1x16xf32> to vector<16xf32>
      %swap3A_58 = vector.shape_cast %broadcast_in_dim3A_53 : vector<16xf32> to vector<1x16xf32>
      tpu.vector_store %arg7[%swap3A_54, %swap3A_55], %swap3A_58 {strides = array<i32>} : memref<128x128xf32, #tpu.memory_space<vmem>>, vector<1x16xf32>,
      %broadcast_in_dim3A_59 = arith.constant 0.000000e+00 : f32
      %broadcast_in_dim3A_60 = vector.broadcast %broadcast_in_dim3A_59 : f32 to vector<16xf32>
      %swap3A_61 = arith.index_cast %scan3A_24 : i32 to index
      %swap3A_62 = arith.constant 80 : index
      %swap3A_63 = tpu.vector_load %arg7[%swap3A_61, %swap3A_62] {strides = array<i32>} : memref<128x128xf32, #tpu.memory_space<vmem>>, vector<1x16xf32>,
      %swap3A_64 = vector.shape_cast %swap3A_63 : vector<1x16xf32> to vector<16xf32>
      %swap3A_65 = vector.shape_cast %broadcast_in_dim3A_60 : vector<16xf32> to vector<1x16xf32>
      tpu.vector_store %arg7[%swap3A_61, %swap3A_62], %swap3A_65 {strides = array<i32>} : memref<128x128xf32, #tpu.memory_space<vmem>>, vector<1x16xf32>,
      %broadcast_in_dim3A_66 = arith.constant 0.000000e+00 : f32
      %broadcast_in_dim3A_67 = vector.broadcast %broadcast_in_dim3A_66 : f32 to vector<16xf32>
      %swap3A_68 = arith.index_cast %scan3A_24 : i32 to index
      %swap3A_69 = arith.constant 96 : index
      %swap3A_70 = tpu.vector_load %arg7[%swap3A_68, %swap3A_69] {strides = array<i32>} : memref<128x128xf32, #tpu.memory_space<vmem>>, vector<1x16xf32>,
      %swap3A_71 = vector.shape_cast %swap3A_70 : vector<1x16xf32> to vector<16xf32>
      %swap3A_72 = vector.shape_cast %broadcast_in_dim3A_67 : vector<16xf32> to vector<1x16xf32>
      tpu.vector_store %arg7[%swap3A_68, %swap3A_69], %swap3A_72 {strides = array<i32>} : memref<128x128xf32, #tpu.memory_space<vmem>>, vector<1x16xf32>,
      %broadcast_in_dim3A_73 = arith.constant 0.000000e+00 : f32
      %broadcast_in_dim3A_74 = vector.broadcast %broadcast_in_dim3A_73 : f32 to vector<16xf32>
      %swap3A_75 = arith.index_cast %scan3A_24 : i32 to index
      %swap3A_76 = arith.constant 112 : index
      %swap3A_77 = tpu.vector_load %arg7[%swap3A_75, %swap3A_76] {strides = array<i32>} : memref<128x128xf32, #tpu.memory_space<vmem>>, vector<1x16xf32>,
      %swap3A_78 = vector.shape_cast %swap3A_77 : vector<1x16xf32> to vector<16xf32>
      %swap3A_79 = vector.shape_cast %broadcast_in_dim3A_74 : vector<16xf32> to vector<1x16xf32>
      tpu.vector_store %arg7[%swap3A_75, %swap3A_76], %swap3A_79 {strides = array<i32>} : memref<128x128xf32, #tpu.memory_space<vmem>>, vector<1x16xf32>,
      %scan3A_80 = arith.constant 0 : i32
      scf.yield %scan3A_80 : i32
    }
    %scan3A_5 = arith.constant 128 : i32
    %scan3A_6 = arith.constant 0 : i32
    %scan3A_7 = arith.constant 0 : i32
    %scan3A_8 = arith.constant 5 : i32
    %scan3A_9 = arith.addi %scan3A_7, %scan3A_8 : i32
    %scan3A_10 = arith.constant 1 : i32
    %scan3A_11 = scf.for %scan3A_24 = %scan3A_7 to %scan3A_9 step %scan3A_10 iter_args(%scan3A_25 = %scan3A_6) -> (i32)  : i32 {
      %mul3A_26 = arith.constant 640 : i32
      %mul3A_27 = arith.muli %arg1, %mul3A_26 : i32
      %mul3A_28 = arith.constant 128 : i32
      %mul3A_29 = arith.muli %scan3A_24, %mul3A_28 : i32
      %add3A = arith.addi %mul3A_27, %mul3A_29 : i32
      "tpu.region"() ({
        %run_scoped3A = tpu.sem_alloc : memref<!tpu.dma_semaphore, #tpu.memory_space<semaphore_mem>>
        %dma_start3A = arith.constant 0 : i32
        %dma_start3A_31 = tpu.memref_slice %arg9[%add3A, %dma_start3A] : memref<10240x128xf32, #tpu.memory_space<vmem_shared>> -> memref<128x128xf32, #tpu.memory_space<vmem_shared>>
        %dma_start3A_32 = arith.constant 0 : i32
        %dma_start3A_33 = tpu.memref_slice %arg9[%add3A, %dma_start3A_32] : memref<10240x128xf32, #tpu.memory_space<vmem_shared>> -> memref<128x128xf32, #tpu.memory_space<vmem_shared>>
        tpu.enqueue_dma source(%arg7 : memref<128x128xf32, #tpu.memory_space<vmem>>) target(%dma_start3A_33 : memref<128x128xf32, #tpu.memory_space<vmem_shared>>) target_semaphore(%run_scoped3A : memref<!tpu.dma_semaphore, #tpu.memory_space<semaphore_mem>>)
        %dma_wait3A = arith.constant 0 : i32
        %dma_wait3A_34 = tpu.memref_slice %arg9[%add3A, %dma_wait3A] : memref<10240x128xf32, #tpu.memory_space<vmem_shared>> -> memref<128x128xf32, #tpu.memory_space<vmem_shared>>
        %dma_wait3A_35 = arith.constant 0 : i32
        %dma_wait3A_36 = tpu.memref_slice %arg9[%add3A, %dma_wait3A_35] : memref<10240x128xf32, #tpu.memory_space<vmem_shared>> -> memref<128x128xf32, #tpu.memory_space<vmem_shared>>
        tpu.wait_dma2 semaphore(%run_scoped3A : memref<!tpu.dma_semaphore, #tpu.memory_space<semaphore_mem>>) src(%arg7 : memref<128x128xf32, #tpu.memory_space<vmem>>) dst(%dma_wait3A_36 : memref<128x128xf32, #tpu.memory_space<vmem_shared>>)
        tpu.yield
      }) : () -> ()
      %scan3A_30 = arith.constant 0 : i32
      scf.yield %scan3A_30 : i32
    }
    %scan3A_12 = arith.constant 5 : i32
    %barrier3A = arith.constant 0 : index
    tpu.barrier barrier_id(%barrier3A)
    %eq3A = arith.constant 0 : i32
    %eq3A_13 = arith.cmpi eq, %arg0, %eq3A : i32
    %convert_element_type3A = arith.extui %eq3A_13 : i1 to i32
    %cond3A = arith.constant 0 : i32
    %cond3A_14 = arith.cmpi ne, %convert_element_type3A, %cond3A : i32
    scf.if %cond3A_14 {
      "tpu.region"() ({
        %run_scoped3A = tpu.sem_alloc : memref<!tpu.dma_semaphore, #tpu.memory_space<semaphore_mem>>
        %dma_start3A_196 = arith.constant 0 : i32
        %dma_start3A_197 = arith.constant 0 : i32
        %dma_start3A_198 = arith.constant 0 : i32
        %dma_start3A_199 = tpu.memref_slice %arg6[%dma_start3A_196, %dma_start3A_197, %dma_start3A_198] : memref<40x2x128xi32, #tpu.memory_space<vmem>> -> memref<40x2x128xi32, #tpu.memory_space<vmem>>
        %dma_start3A_200 = arith.constant 0 : i32
        %dma_start3A_201 = arith.constant 0 : i32
        %dma_start3A_202 = arith.constant 0 : i32
        %dma_start3A_203 = tpu.memref_slice %arg3[%arg1, %dma_start3A_200, %dma_start3A_201, %dma_start3A_202] : memref<16x79x2x128xi32, #tpu.memory_space<hbm>> -> memref<1x40x2x128xi32, #tpu.memory_space<hbm>>
        %dma_start3A_204 = tpu.memref_squeeze %dma_start3A_203 : memref<1x40x2x128xi32, #tpu.memory_space<hbm>> -> memref<40x2x128xi32, #tpu.memory_space<hbm>>
        %dma_start3A_205 = arith.constant 0 : i32
        %dma_start3A_206 = arith.constant 0 : i32
        %dma_start3A_207 = arith.constant 0 : i32
        %dma_start3A_208 = tpu.memref_slice %arg6[%dma_start3A_205, %dma_start3A_206, %dma_start3A_207] : memref<40x2x128xi32, #tpu.memory_space<vmem>> -> memref<40x2x128xi32, #tpu.memory_space<vmem>>
        %dma_start3A_209 = arith.constant 0 : i32
        %dma_start3A_210 = arith.constant 0 : i32
        %dma_start3A_211 = arith.constant 0 : i32
        %dma_start3A_212 = tpu.memref_slice %arg3[%arg1, %dma_start3A_209, %dma_start3A_210, %dma_start3A_211] : memref<16x79x2x128xi32, #tpu.memory_space<hbm>> -> memref<1x40x2x128xi32, #tpu.memory_space<hbm>>
        %dma_start3A_213 = tpu.memref_squeeze %dma_start3A_212 : memref<1x40x2x128xi32, #tpu.memory_space<hbm>> -> memref<40x2x128xi32, #tpu.memory_space<hbm>>
        tpu.enqueue_dma source(%dma_start3A_213 : memref<40x2x128xi32, #tpu.memory_space<hbm>>) target(%dma_start3A_208 : memref<40x2x128xi32, #tpu.memory_space<vmem>>) target_semaphore(%run_scoped3A : memref<!tpu.dma_semaphore, #tpu.memory_space<semaphore_mem>>)
        %dma_wait3A_214 = arith.constant 0 : i32
        %dma_wait3A_215 = arith.constant 0 : i32
        %dma_wait3A_216 = arith.constant 0 : i32
        %dma_wait3A_217 = tpu.memref_slice %arg6[%dma_wait3A_214, %dma_wait3A_215, %dma_wait3A_216] : memref<40x2x128xi32, #tpu.memory_space<vmem>> -> memref<40x2x128xi32, #tpu.memory_space<vmem>>
        %dma_wait3A_218 = arith.constant 0 : i32
        %dma_wait3A_219 = arith.constant 0 : i32
        %dma_wait3A_220 = arith.constant 0 : i32
        %dma_wait3A_221 = tpu.memref_slice %arg3[%arg1, %dma_wait3A_218, %dma_wait3A_219, %dma_wait3A_220] : memref<16x79x2x128xi32, #tpu.memory_space<hbm>> -> memref<1x40x2x128xi32, #tpu.memory_space<hbm>>
        %dma_wait3A_222 = tpu.memref_squeeze %dma_wait3A_221 : memref<1x40x2x128xi32, #tpu.memory_space<hbm>> -> memref<40x2x128xi32, #tpu.memory_space<hbm>>
        %dma_wait3A_223 = arith.constant 0 : i32
        %dma_wait3A_224 = arith.constant 0 : i32
        %dma_wait3A_225 = arith.constant 0 : i32
        %dma_wait3A_226 = tpu.memref_slice %arg6[%dma_wait3A_223, %dma_wait3A_224, %dma_wait3A_225] : memref<40x2x128xi32, #tpu.memory_space<vmem>> -> memref<40x2x128xi32, #tpu.memory_space<vmem>>
        %dma_wait3A_227 = arith.constant 0 : i32
        %dma_wait3A_228 = arith.constant 0 : i32
        %dma_wait3A_229 = arith.constant 0 : i32
        %dma_wait3A_230 = tpu.memref_slice %arg3[%arg1, %dma_wait3A_227, %dma_wait3A_228, %dma_wait3A_229] : memref<16x79x2x128xi32, #tpu.memory_space<hbm>> -> memref<1x40x2x128xi32, #tpu.memory_space<hbm>>
        %dma_wait3A_231 = tpu.memref_squeeze %dma_wait3A_230 : memref<1x40x2x128xi32, #tpu.memory_space<hbm>> -> memref<40x2x128xi32, #tpu.memory_space<hbm>>
        tpu.wait_dma2 semaphore(%run_scoped3A : memref<!tpu.dma_semaphore, #tpu.memory_space<semaphore_mem>>) src(%dma_wait3A_231 : memref<40x2x128xi32, #tpu.memory_space<hbm>>) dst(%dma_wait3A_226 : memref<40x2x128xi32, #tpu.memory_space<vmem>>)
        tpu.yield
      }) : () -> ()
      %dma_start3A = arith.constant 0 : i32
      %dma_start3A_24 = arith.constant 0 : i32
      %dma_start3A_25 = arith.constant 0 : i32
      %dma_start3A_26 = tpu.memref_slice %arg6[%dma_start3A, %dma_start3A_24, %dma_start3A_25] : memref<40x2x128xi32, #tpu.memory_space<vmem>> -> memref<1x1x128xi32, #tpu.memory_space<vmem>>
      %dma_start3A_27 = tpu.memref_squeeze %dma_start3A_26 : memref<1x1x128xi32, #tpu.memory_space<vmem>> -> memref<128xi32, #tpu.memory_space<vmem>>
      %dma_start3A_28 = arith.constant 0 : i32
      %dma_start3A_29 = arith.constant 0 : i32
      %dma_start3A_30 = tpu.memref_slice %arg2[%dma_start3A_28, %dma_start3A_29] : memref<10240x128xf32, #tpu.memory_space<hbm>> -> memref<10240x128xf32, #tpu.memory_space<hbm>>
      tpu.enqueue_indirect_dma source(%dma_start3A_30 : memref<10240x128xf32, #tpu.memory_space<hbm>>) target(%arg7 : memref<128x128xf32, #tpu.memory_space<vmem>>) offsets(%dma_start3A_27 : memref<128xi32, #tpu.memory_space<vmem>>) semaphore(%arg10 : memref<!tpu.dma_semaphore, #tpu.memory_space<semaphore_mem>>)
      %dma_wait3A = arith.constant 0 : i32
      %dma_wait3A_31 = arith.constant 0 : i32
      %dma_wait3A_32 = arith.constant 0 : i32
      %dma_wait3A_33 = tpu.memref_slice %arg6[%dma_wait3A, %dma_wait3A_31, %dma_wait3A_32] : memref<40x2x128xi32, #tpu.memory_space<vmem>> -> memref<1x1x128xi32, #tpu.memory_space<vmem>>
      %dma_wait3A_34 = tpu.memref_squeeze %dma_wait3A_33 : memref<1x1x128xi32, #tpu.memory_space<vmem>> -> memref<128xi32, #tpu.memory_space<vmem>>
      %dma_wait3A_35 = arith.constant 0 : i32
      %dma_wait3A_36 = arith.constant 0 : i32
      %dma_wait3A_37 = tpu.memref_slice %arg2[%dma_wait3A_35, %dma_wait3A_36] : memref<10240x128xf32, #tpu.memory_space<hbm>> -> memref<10240x128xf32, #tpu.memory_space<hbm>>
      tpu.wait_indirect_dma semaphore(%arg10 : memref<!tpu.dma_semaphore, #tpu.memory_space<semaphore_mem>>) src(%dma_wait3A_37 : memref<10240x128xf32, #tpu.memory_space<hbm>>) dst(%arg7 : memref<128x128xf32, #tpu.memory_space<vmem>>)
      %dma_start3A_38 = arith.constant 0 : i32
      %dma_start3A_39 = arith.constant 1 : i32
      %dma_start3A_40 = arith.constant 0 : i32
      %dma_start3A_41 = tpu.memref_slice %arg6[%dma_start3A_38, %dma_start3A_39, %dma_start3A_40] : memref<40x2x128xi32, #tpu.memory_space<vmem>> -> memref<1x1x128xi32, #tpu.memory_space<vmem>>
      %dma_start3A_42 = tpu.memref_squeeze %dma_start3A_41 : memref<1x1x128xi32, #tpu.memory_space<vmem>> -> memref<128xi32, #tpu.memory_space<vmem>>
      %dma_start3A_43 = arith.constant 0 : i32
      %dma_start3A_44 = arith.constant 0 : i32
      %dma_start3A_45 = tpu.memref_slice %arg9[%dma_start3A_43, %dma_start3A_44] : memref<10240x128xf32, #tpu.memory_space<vmem_shared>> -> memref<10240x128xf32, #tpu.memory_space<vmem_shared>>
      tpu.enqueue_indirect_dma source(%arg7 : memref<128x128xf32, #tpu.memory_space<vmem>>) target(%dma_start3A_45 : memref<10240x128xf32, #tpu.memory_space<vmem_shared>>) offsets(%dma_start3A_42 : memref<128xi32, #tpu.memory_space<vmem>>) semaphore(%arg12 : memref<!tpu.dma_semaphore, #tpu.memory_space<semaphore_mem>>) {add = true}
      %dma_start3A_46 = arith.constant 1 : i32
      %dma_start3A_47 = arith.constant 0 : i32
      %dma_start3A_48 = arith.constant 0 : i32
      %dma_start3A_49 = tpu.memref_slice %arg6[%dma_start3A_46, %dma_start3A_47, %dma_start3A_48] : memref<40x2x128xi32, #tpu.memory_space<vmem>> -> memref<1x1x128xi32, #tpu.memory_space<vmem>>
      %dma_start3A_50 = tpu.memref_squeeze %dma_start3A_49 : memref<1x1x128xi32, #tpu.memory_space<vmem>> -> memref<128xi32, #tpu.memory_space<vmem>>
      %dma_start3A_51 = arith.constant 0 : i32
      %dma_start3A_52 = arith.constant 0 : i32
      %dma_start3A_53 = tpu.memref_slice %arg2[%dma_start3A_51, %dma_start3A_52] : memref<10240x128xf32, #tpu.memory_space<hbm>> -> memref<10240x128xf32, #tpu.memory_space<hbm>>
      tpu.enqueue_indirect_dma source(%dma_start3A_53 : memref<10240x128xf32, #tpu.memory_space<hbm>>) target(%arg8 : memref<128x128xf32, #tpu.memory_space<vmem>>) offsets(%dma_start3A_50 : memref<128xi32, #tpu.memory_space<vmem>>) semaphore(%arg11 : memref<!tpu.dma_semaphore, #tpu.memory_space<semaphore_mem>>)
      %scan3A_54 = arith.constant 0 : i32
      %scan3A_55 = arith.constant 0 : i32
      %scan3A_56 = arith.constant 19 : i32
      %scan3A_57 = arith.addi %scan3A_55, %scan3A_56 : i32
      %scan3A_58 = arith.constant 1 : i32
      %scan3A_59 = scf.for %scan3A_196 = %scan3A_55 to %scan3A_57 step %scan3A_58 iter_args(%scan3A_197 = %scan3A_54) -> (i32)  : i32 {
        %mul3A_198 = arith.constant 2 : i32
        %mul3A_199 = arith.muli %mul3A_198, %scan3A_196 : i32
        %add3A = arith.constant 1 : i32
        %add3A_200 = arith.addi %mul3A_199, %add3A : i32
        %dma_wait3A_201 = arith.constant 0 : i32
        %dma_wait3A_202 = arith.constant 0 : i32
        %dma_wait3A_203 = arith.constant 0 : i32
        %dma_wait3A_204 = tpu.memref_slice %arg6[%dma_wait3A_201, %dma_wait3A_202, %dma_wait3A_203] : memref<40x2x128xi32, #tpu.memory_space<vmem>> -> memref<1x1x128xi32, #tpu.memory_space<vmem>>
        %dma_wait3A_205 = tpu.memref_squeeze %dma_wait3A_204 : memref<1x1x128xi32, #tpu.memory_space<vmem>> -> memref<128xi32, #tpu.memory_space<vmem>>
        %dma_wait3A_206 = arith.constant 0 : i32
        %dma_wait3A_207 = arith.constant 0 : i32
        %dma_wait3A_208 = tpu.memref_slice %arg2[%dma_wait3A_206, %dma_wait3A_207] : memref<10240x128xf32, #tpu.memory_space<hbm>> -> memref<10240x128xf32, #tpu.memory_space<hbm>>
        tpu.wait_indirect_dma semaphore(%arg11 : memref<!tpu.dma_semaphore, #tpu.memory_space<semaphore_mem>>) src(%dma_wait3A_208 : memref<10240x128xf32, #tpu.memory_space<hbm>>) dst(%arg8 : memref<128x128xf32, #tpu.memory_space<vmem>>)
        %dma_start3A_209 = arith.constant 1 : i32
        %dma_start3A_210 = arith.constant 0 : i32
        %dma_start3A_211 = tpu.memref_slice %arg6[%add3A_200, %dma_start3A_209, %dma_start3A_210] : memref<40x2x128xi32, #tpu.memory_space<vmem>> -> memref<1x1x128xi32, #tpu.memory_space<vmem>>
        %dma_start3A_212 = tpu.memref_squeeze %dma_start3A_211 : memref<1x1x128xi32, #tpu.memory_space<vmem>> -> memref<128xi32, #tpu.memory_space<vmem>>
        %dma_start3A_213 = arith.constant 0 : i32
        %dma_start3A_214 = arith.constant 0 : i32
        %dma_start3A_215 = tpu.memref_slice %arg9[%dma_start3A_213, %dma_start3A_214] : memref<10240x128xf32, #tpu.memory_space<vmem_shared>> -> memref<10240x128xf32, #tpu.memory_space<vmem_shared>>
        tpu.enqueue_indirect_dma source(%arg8 : memref<128x128xf32, #tpu.memory_space<vmem>>) target(%dma_start3A_215 : memref<10240x128xf32, #tpu.memory_space<vmem_shared>>) offsets(%dma_start3A_212 : memref<128xi32, #tpu.memory_space<vmem>>) semaphore(%arg13 : memref<!tpu.dma_semaphore, #tpu.memory_space<semaphore_mem>>) {add = true}
        %dma_wait3A_216 = arith.constant 0 : i32
        %dma_wait3A_217 = arith.constant 1 : i32
        %dma_wait3A_218 = arith.constant 0 : i32
        %dma_wait3A_219 = tpu.memref_slice %arg6[%dma_wait3A_216, %dma_wait3A_217, %dma_wait3A_218] : memref<40x2x128xi32, #tpu.memory_space<vmem>> -> memref<1x1x128xi32, #tpu.memory_space<vmem>>
        %dma_wait3A_220 = tpu.memref_squeeze %dma_wait3A_219 : memref<1x1x128xi32, #tpu.memory_space<vmem>> -> memref<128xi32, #tpu.memory_space<vmem>>
        %dma_wait3A_221 = arith.constant 0 : i32
        %dma_wait3A_222 = arith.constant 0 : i32
        %dma_wait3A_223 = tpu.memref_slice %arg9[%dma_wait3A_221, %dma_wait3A_222] : memref<10240x128xf32, #tpu.memory_space<vmem_shared>> -> memref<10240x128xf32, #tpu.memory_space<vmem_shared>>
        tpu.wait_indirect_dma semaphore(%arg12 : memref<!tpu.dma_semaphore, #tpu.memory_space<semaphore_mem>>) src(%arg7 : memref<128x128xf32, #tpu.memory_space<vmem>>) dst(%dma_wait3A_223 : memref<10240x128xf32, #tpu.memory_space<vmem_shared>>)
        %add3A_224 = arith.constant 1 : i32
        %add3A_225 = arith.addi %add3A_200, %add3A_224 : i32
        %dma_start3A_226 = arith.constant 0 : i32
        %dma_start3A_227 = arith.constant 0 : i32
        %dma_start3A_228 = tpu.memref_slice %arg6[%add3A_225, %dma_start3A_226, %dma_start3A_227] : memref<40x2x128xi32, #tpu.memory_space<vmem>> -> memref<1x1x128xi32, #tpu.memory_space<vmem>>
        %dma_start3A_229 = tpu.memref_squeeze %dma_start3A_228 : memref<1x1x128xi32, #tpu.memory_space<vmem>> -> memref<128xi32, #tpu.memory_space<vmem>>
        %dma_start3A_230 = arith.constant 0 : i32
        %dma_start3A_231 = arith.constant 0 : i32
        %dma_start3A_232 = tpu.memref_slice %arg2[%dma_start3A_230, %dma_start3A_231] : memref<10240x128xf32, #tpu.memory_space<hbm>> -> memref<10240x128xf32, #tpu.memory_space<hbm>>
        tpu.enqueue_indirect_dma source(%dma_start3A_232 : memref<10240x128xf32, #tpu.memory_space<hbm>>) target(%arg7 : memref<128x128xf32, #tpu.memory_space<vmem>>) offsets(%dma_start3A_229 : memref<128xi32, #tpu.memory_space<vmem>>) semaphore(%arg10 : memref<!tpu.dma_semaphore, #tpu.memory_space<semaphore_mem>>)
        %dma_wait3A_233 = arith.constant 0 : i32
        %dma_wait3A_234 = arith.constant 0 : i32
        %dma_wait3A_235 = arith.constant 0 : i32
        %dma_wait3A_236 = tpu.memref_slice %arg6[%dma_wait3A_233, %dma_wait3A_234, %dma_wait3A_235] : memref<40x2x128xi32, #tpu.memory_space<vmem>> -> memref<1x1x128xi32, #tpu.memory_space<vmem>>
        %dma_wait3A_237 = tpu.memref_squeeze %dma_wait3A_236 : memref<1x1x128xi32, #tpu.memory_space<vmem>> -> memref<128xi32, #tpu.memory_space<vmem>>
        %dma_wait3A_238 = arith.constant 0 : i32
        %dma_wait3A_239 = arith.constant 0 : i32
        %dma_wait3A_240 = tpu.memref_slice %arg2[%dma_wait3A_238, %dma_wait3A_239] : memref<10240x128xf32, #tpu.memory_space<hbm>> -> memref<10240x128xf32, #tpu.memory_space<hbm>>
        tpu.wait_indirect_dma semaphore(%arg10 : memref<!tpu.dma_semaphore, #tpu.memory_space<semaphore_mem>>) src(%dma_wait3A_240 : memref<10240x128xf32, #tpu.memory_space<hbm>>) dst(%arg7 : memref<128x128xf32, #tpu.memory_space<vmem>>)
        %add3A_241 = arith.constant 1 : i32
        %add3A_242 = arith.addi %add3A_200, %add3A_241 : i32
        %dma_start3A_243 = arith.constant 1 : i32
        %dma_start3A_244 = arith.constant 0 : i32
        %dma_start3A_245 = tpu.memref_slice %arg6[%add3A_242, %dma_start3A_243, %dma_start3A_244] : memref<40x2x128xi32, #tpu.memory_space<vmem>> -> memref<1x1x128xi32, #tpu.memory_space<vmem>>
        %dma_start3A_246 = tpu.memref_squeeze %dma_start3A_245 : memref<1x1x128xi32, #tpu.memory_space<vmem>> -> memref<128xi32, #tpu.memory_space<vmem>>
        %dma_start3A_247 = arith.constant 0 : i32
        %dma_start3A_248 = arith.constant 0 : i32
        %dma_start3A_249 = tpu.memref_slice %arg9[%dma_start3A_247, %dma_start3A_248] : memref<10240x128xf32, #tpu.memory_space<vmem_shared>> -> memref<10240x128xf32, #tpu.memory_space<vmem_shared>>
        tpu.enqueue_indirect_dma source(%arg7 : memref<128x128xf32, #tpu.memory_space<vmem>>) target(%dma_start3A_249 : memref<10240x128xf32, #tpu.memory_space<vmem_shared>>) offsets(%dma_start3A_246 : memref<128xi32, #tpu.memory_space<vmem>>) semaphore(%arg12 : memref<!tpu.dma_semaphore, #tpu.memory_space<semaphore_mem>>) {add = true}
        %dma_wait3A_250 = arith.constant 0 : i32
        %dma_wait3A_251 = arith.constant 1 : i32
        %dma_wait3A_252 = arith.constant 0 : i32
        %dma_wait3A_253 = tpu.memref_slice %arg6[%dma_wait3A_250, %dma_wait3A_251, %dma_wait3A_252] : memref<40x2x128xi32, #tpu.memory_space<vmem>> -> memref<1x1x128xi32, #tpu.memory_space<vmem>>
        %dma_wait3A_254 = tpu.memref_squeeze %dma_wait3A_253 : memref<1x1x128xi32, #tpu.memory_space<vmem>> -> memref<128xi32, #tpu.memory_space<vmem>>
        %dma_wait3A_255 = arith.constant 0 : i32
        %dma_wait3A_256 = arith.constant 0 : i32
        %dma_wait3A_257 = tpu.memref_slice %arg9[%dma_wait3A_255, %dma_wait3A_256] : memref<10240x128xf32, #tpu.memory_space<vmem_shared>> -> memref<10240x128xf32, #tpu.memory_space<vmem_shared>>
        tpu.wait_indirect_dma semaphore(%arg13 : memref<!tpu.dma_semaphore, #tpu.memory_space<semaphore_mem>>) src(%arg8 : memref<128x128xf32, #tpu.memory_space<vmem>>) dst(%dma_wait3A_257 : memref<10240x128xf32, #tpu.memory_space<vmem_shared>>)
        %add3A_258 = arith.constant 2 : i32
        %add3A_259 = arith.addi %add3A_200, %add3A_258 : i32
        %dma_start3A_260 = arith.constant 0 : i32
        %dma_start3A_261 = arith.constant 0 : i32
        %dma_start3A_262 = tpu.memref_slice %arg6[%add3A_259, %dma_start3A_260, %dma_start3A_261] : memref<40x2x128xi32, #tpu.memory_space<vmem>> -> memref<1x1x128xi32, #tpu.memory_space<vmem>>
        %dma_start3A_263 = tpu.memref_squeeze %dma_start3A_262 : memref<1x1x128xi32, #tpu.memory_space<vmem>> -> memref<128xi32, #tpu.memory_space<vmem>>
        %dma_start3A_264 = arith.constant 0 : i32
        %dma_start3A_265 = arith.constant 0 : i32
        %dma_start3A_266 = tpu.memref_slice %arg2[%dma_start3A_264, %dma_start3A_265] : memref<10240x128xf32, #tpu.memory_space<hbm>> -> memref<10240x128xf32, #tpu.memory_space<hbm>>
        tpu.enqueue_indirect_dma source(%dma_start3A_266 : memref<10240x128xf32, #tpu.memory_space<hbm>>) target(%arg8 : memref<128x128xf32, #tpu.memory_space<vmem>>) offsets(%dma_start3A_263 : memref<128xi32, #tpu.memory_space<vmem>>) semaphore(%arg11 : memref<!tpu.dma_semaphore, #tpu.memory_space<semaphore_mem>>)
        %scan3A_267 = arith.constant 0 : i32
        scf.yield %scan3A_267 : i32
      }
      %scan3A_60 = arith.constant 19 : i32
      %dma_wait3A_61 = arith.constant 0 : i32
      %dma_wait3A_62 = arith.constant 0 : i32
      %dma_wait3A_63 = arith.constant 0 : i32
      %dma_wait3A_64 = tpu.memref_slice %arg6[%dma_wait3A_61, %dma_wait3A_62, %dma_wait3A_63] : memref<40x2x128xi32, #tpu.memory_space<vmem>> -> memref<1x1x128xi32, #tpu.memory_space<vmem>>
      %dma_wait3A_65 = tpu.memref_squeeze %dma_wait3A_64 : memref<1x1x128xi32, #tpu.memory_space<vmem>> -> memref<128xi32, #tpu.memory_space<vmem>>
      %dma_wait3A_66 = arith.constant 0 : i32
      %dma_wait3A_67 = arith.constant 0 : i32
      %dma_wait3A_68 = tpu.memref_slice %arg2[%dma_wait3A_66, %dma_wait3A_67] : memref<10240x128xf32, #tpu.memory_space<hbm>> -> memref<10240x128xf32, #tpu.memory_space<hbm>>
      tpu.wait_indirect_dma semaphore(%arg11 : memref<!tpu.dma_semaphore, #tpu.memory_space<semaphore_mem>>) src(%dma_wait3A_68 : memref<10240x128xf32, #tpu.memory_space<hbm>>) dst(%arg8 : memref<128x128xf32, #tpu.memory_space<vmem>>)
      %dma_start3A_69 = arith.constant 39 : i32
      %dma_start3A_70 = arith.constant 1 : i32
      %dma_start3A_71 = arith.constant 0 : i32
      %dma_start3A_72 = tpu.memref_slice %arg6[%dma_start3A_69, %dma_start3A_70, %dma_start3A_71] : memref<40x2x128xi32, #tpu.memory_space<vmem>> -> memref<1x1x128xi32, #tpu.memory_space<vmem>>
      %dma_start3A_73 = tpu.memref_squeeze %dma_start3A_72 : memref<1x1x128xi32, #tpu.memory_space<vmem>> -> memref<128xi32, #tpu.memory_space<vmem>>
      %dma_start3A_74 = arith.constant 0 : i32
      %dma_start3A_75 = arith.constant 0 : i32
      %dma_start3A_76 = tpu.memref_slice %arg9[%dma_start3A_74, %dma_start3A_75] : memref<10240x128xf32, #tpu.memory_space<vmem_shared>> -> memref<10240x128xf32, #tpu.memory_space<vmem_shared>>
      tpu.enqueue_indirect_dma source(%arg8 : memref<128x128xf32, #tpu.memory_space<vmem>>) target(%dma_start3A_76 : memref<10240x128xf32, #tpu.memory_space<vmem_shared>>) offsets(%dma_start3A_73 : memref<128xi32, #tpu.memory_space<vmem>>) semaphore(%arg13 : memref<!tpu.dma_semaphore, #tpu.memory_space<semaphore_mem>>) {add = true}
      %dma_wait3A_77 = arith.constant 0 : i32
      %dma_wait3A_78 = arith.constant 1 : i32
      %dma_wait3A_79 = arith.constant 0 : i32
      %dma_wait3A_80 = tpu.memref_slice %arg6[%dma_wait3A_77, %dma_wait3A_78, %dma_wait3A_79] : memref<40x2x128xi32, #tpu.memory_space<vmem>> -> memref<1x1x128xi32, #tpu.memory_space<vmem>>
      %dma_wait3A_81 = tpu.memref_squeeze %dma_wait3A_80 : memref<1x1x128xi32, #tpu.memory_space<vmem>> -> memref<128xi32, #tpu.memory_space<vmem>>
      %dma_wait3A_82 = arith.constant 0 : i32
      %dma_wait3A_83 = arith.constant 0 : i32
      %dma_wait3A_84 = tpu.memref_slice %arg9[%dma_wait3A_82, %dma_wait3A_83] : memref<10240x128xf32, #tpu.memory_space<vmem_shared>> -> memref<10240x128xf32, #tpu.memory_space<vmem_shared>>
      tpu.wait_indirect_dma semaphore(%arg12 : memref<!tpu.dma_semaphore, #tpu.memory_space<semaphore_mem>>) src(%arg7 : memref<128x128xf32, #tpu.memory_space<vmem>>) dst(%dma_wait3A_84 : memref<10240x128xf32, #tpu.memory_space<vmem_shared>>)
      %dma_wait3A_85 = arith.constant 0 : i32
      %dma_wait3A_86 = arith.constant 1 : i32
      %dma_wait3A_87 = arith.constant 0 : i32
      %dma_wait3A_88 = tpu.memref_slice %arg6[%dma_wait3A_85, %dma_wait3A_86, %dma_wait3A_87] : memref<40x2x128xi32, #tpu.memory_space<vmem>> -> memref<1x1x128xi32, #tpu.memory_space<vmem>>
      %dma_wait3A_89 = tpu.memref_squeeze %dma_wait3A_88 : memref<1x1x128xi32, #tpu.memory_space<vmem>> -> memref<128xi32, #tpu.memory_space<vmem>>
      %dma_wait3A_90 = arith.constant 0 : i32
      %dma_wait3A_91 = arith.constant 0 : i32
      %dma_wait3A_92 = tpu.memref_slice %arg9[%dma_wait3A_90, %dma_wait3A_91] : memref<10240x128xf32, #tpu.memory_space<vmem_shared>> -> memref<10240x128xf32, #tpu.memory_space<vmem_shared>>
      tpu.wait_indirect_dma semaphore(%arg13 : memref<!tpu.dma_semaphore, #tpu.memory_space<semaphore_mem>>) src(%arg8 : memref<128x128xf32, #tpu.memory_space<vmem>>) dst(%dma_wait3A_92 : memref<10240x128xf32, #tpu.memory_space<vmem_shared>>)
      "tpu.region"() ({
        %run_scoped3A = tpu.sem_alloc : memref<!tpu.dma_semaphore, #tpu.memory_space<semaphore_mem>>
        %dma_start3A_196 = arith.constant 0 : i32
        %dma_start3A_197 = arith.constant 0 : i32
        %dma_start3A_198 = arith.constant 0 : i32
        %dma_start3A_199 = tpu.memref_slice %arg6[%dma_start3A_196, %dma_start3A_197, %dma_start3A_198] : memref<40x2x128xi32, #tpu.memory_space<vmem>> -> memref<39x2x128xi32, #tpu.memory_space<vmem>>
        %dma_start3A_200 = arith.constant 40 : i32
        %dma_start3A_201 = arith.constant 0 : i32
        %dma_start3A_202 = arith.constant 0 : i32
        %dma_start3A_203 = tpu.memref_slice %arg3[%arg1, %dma_start3A_200, %dma_start3A_201, %dma_start3A_202] : memref<16x79x2x128xi32, #tpu.memory_space<hbm>> -> memref<1x39x2x128xi32, #tpu.memory_space<hbm>>
        %dma_start3A_204 = tpu.memref_squeeze %dma_start3A_203 : memref<1x39x2x128xi32, #tpu.memory_space<hbm>> -> memref<39x2x128xi32, #tpu.memory_space<hbm>>
        %dma_start3A_205 = arith.constant 0 : i32
        %dma_start3A_206 = arith.constant 0 : i32
        %dma_start3A_207 = arith.constant 0 : i32
        %dma_start3A_208 = tpu.memref_slice %arg6[%dma_start3A_205, %dma_start3A_206, %dma_start3A_207] : memref<40x2x128xi32, #tpu.memory_space<vmem>> -> memref<39x2x128xi32, #tpu.memory_space<vmem>>
        %dma_start3A_209 = arith.constant 40 : i32
        %dma_start3A_210 = arith.constant 0 : i32
        %dma_start3A_211 = arith.constant 0 : i32
        %dma_start3A_212 = tpu.memref_slice %arg3[%arg1, %dma_start3A_209, %dma_start3A_210, %dma_start3A_211] : memref<16x79x2x128xi32, #tpu.memory_space<hbm>> -> memref<1x39x2x128xi32, #tpu.memory_space<hbm>>
        %dma_start3A_213 = tpu.memref_squeeze %dma_start3A_212 : memref<1x39x2x128xi32, #tpu.memory_space<hbm>> -> memref<39x2x128xi32, #tpu.memory_space<hbm>>
        tpu.enqueue_dma source(%dma_start3A_213 : memref<39x2x128xi32, #tpu.memory_space<hbm>>) target(%dma_start3A_208 : memref<39x2x128xi32, #tpu.memory_space<vmem>>) target_semaphore(%run_scoped3A : memref<!tpu.dma_semaphore, #tpu.memory_space<semaphore_mem>>)
        %dma_wait3A_214 = arith.constant 0 : i32
        %dma_wait3A_215 = arith.constant 0 : i32
        %dma_wait3A_216 = arith.constant 0 : i32
        %dma_wait3A_217 = tpu.memref_slice %arg6[%dma_wait3A_214, %dma_wait3A_215, %dma_wait3A_216] : memref<40x2x128xi32, #tpu.memory_space<vmem>> -> memref<39x2x128xi32, #tpu.memory_space<vmem>>
        %dma_wait3A_218 = arith.constant 40 : i32
        %dma_wait3A_219 = arith.constant 0 : i32
        %dma_wait3A_220 = arith.constant 0 : i32
        %dma_wait3A_221 = tpu.memref_slice %arg3[%arg1, %dma_wait3A_218, %dma_wait3A_219, %dma_wait3A_220] : memref<16x79x2x128xi32, #tpu.memory_space<hbm>> -> memref<1x39x2x128xi32, #tpu.memory_space<hbm>>
        %dma_wait3A_222 = tpu.memref_squeeze %dma_wait3A_221 : memref<1x39x2x128xi32, #tpu.memory_space<hbm>> -> memref<39x2x128xi32, #tpu.memory_space<hbm>>
        %dma_wait3A_223 = arith.constant 0 : i32
        %dma_wait3A_224 = arith.constant 0 : i32
        %dma_wait3A_225 = arith.constant 0 : i32
        %dma_wait3A_226 = tpu.memref_slice %arg6[%dma_wait3A_223, %dma_wait3A_224, %dma_wait3A_225] : memref<40x2x128xi32, #tpu.memory_space<vmem>> -> memref<39x2x128xi32, #tpu.memory_space<vmem>>
        %dma_wait3A_227 = arith.constant 40 : i32
        %dma_wait3A_228 = arith.constant 0 : i32
        %dma_wait3A_229 = arith.constant 0 : i32
        %dma_wait3A_230 = tpu.memref_slice %arg3[%arg1, %dma_wait3A_227, %dma_wait3A_228, %dma_wait3A_229] : memref<16x79x2x128xi32, #tpu.memory_space<hbm>> -> memref<1x39x2x128xi32, #tpu.memory_space<hbm>>
        %dma_wait3A_231 = tpu.memref_squeeze %dma_wait3A_230 : memref<1x39x2x128xi32, #tpu.memory_space<hbm>> -> memref<39x2x128xi32, #tpu.memory_space<hbm>>
        tpu.wait_dma2 semaphore(%run_scoped3A : memref<!tpu.dma_semaphore, #tpu.memory_space<semaphore_mem>>) src(%dma_wait3A_231 : memref<39x2x128xi32, #tpu.memory_space<hbm>>) dst(%dma_wait3A_226 : memref<39x2x128xi32, #tpu.memory_space<vmem>>)
        tpu.yield
      }) : () -> ()
      %dma_start3A_93 = arith.constant 0 : i32
      %dma_start3A_94 = arith.constant 0 : i32
      %dma_start3A_95 = arith.constant 0 : i32
      %dma_start3A_96 = tpu.memref_slice %arg6[%dma_start3A_93, %dma_start3A_94, %dma_start3A_95] : memref<40x2x128xi32, #tpu.memory_space<vmem>> -> memref<1x1x128xi32, #tpu.memory_space<vmem>>
      %dma_start3A_97 = tpu.memref_squeeze %dma_start3A_96 : memref<1x1x128xi32, #tpu.memory_space<vmem>> -> memref<128xi32, #tpu.memory_space<vmem>>
      %dma_start3A_98 = arith.constant 0 : i32
      %dma_start3A_99 = arith.constant 0 : i32
      %dma_start3A_100 = tpu.memref_slice %arg2[%dma_start3A_98, %dma_start3A_99] : memref<10240x128xf32, #tpu.memory_space<hbm>> -> memref<10240x128xf32, #tpu.memory_space<hbm>>
      tpu.enqueue_indirect_dma source(%dma_start3A_100 : memref<10240x128xf32, #tpu.memory_space<hbm>>) target(%arg7 : memref<128x128xf32, #tpu.memory_space<vmem>>) offsets(%dma_start3A_97 : memref<128xi32, #tpu.memory_space<vmem>>) semaphore(%arg10 : memref<!tpu.dma_semaphore, #tpu.memory_space<semaphore_mem>>)
      %dma_wait3A_101 = arith.constant 0 : i32
      %dma_wait3A_102 = arith.constant 0 : i32
      %dma_wait3A_103 = arith.constant 0 : i32
      %dma_wait3A_104 = tpu.memref_slice %arg6[%dma_wait3A_101, %dma_wait3A_102, %dma_wait3A_103] : memref<40x2x128xi32, #tpu.memory_space<vmem>> -> memref<1x1x128xi32, #tpu.memory_space<vmem>>
      %dma_wait3A_105 = tpu.memref_squeeze %dma_wait3A_104 : memref<1x1x128xi32, #tpu.memory_space<vmem>> -> memref<128xi32, #tpu.memory_space<vmem>>
      %dma_wait3A_106 = arith.constant 0 : i32
      %dma_wait3A_107 = arith.constant 0 : i32
      %dma_wait3A_108 = tpu.memref_slice %arg2[%dma_wait3A_106, %dma_wait3A_107] : memref<10240x128xf32, #tpu.memory_space<hbm>> -> memref<10240x128xf32, #tpu.memory_space<hbm>>
      tpu.wait_indirect_dma semaphore(%arg10 : memref<!tpu.dma_semaphore, #tpu.memory_space<semaphore_mem>>) src(%dma_wait3A_108 : memref<10240x128xf32, #tpu.memory_space<hbm>>) dst(%arg7 : memref<128x128xf32, #tpu.memory_space<vmem>>)
      %dma_start3A_109 = arith.constant 0 : i32
      %dma_start3A_110 = arith.constant 1 : i32
      %dma_start3A_111 = arith.constant 0 : i32
      %dma_start3A_112 = tpu.memref_slice %arg6[%dma_start3A_109, %dma_start3A_110, %dma_start3A_111] : memref<40x2x128xi32, #tpu.memory_space<vmem>> -> memref<1x1x128xi32, #tpu.memory_space<vmem>>
      %dma_start3A_113 = tpu.memref_squeeze %dma_start3A_112 : memref<1x1x128xi32, #tpu.memory_space<vmem>> -> memref<128xi32, #tpu.memory_space<vmem>>
      %dma_start3A_114 = arith.constant 0 : i32
      %dma_start3A_115 = arith.constant 0 : i32
      %dma_start3A_116 = tpu.memref_slice %arg9[%dma_start3A_114, %dma_start3A_115] : memref<10240x128xf32, #tpu.memory_space<vmem_shared>> -> memref<10240x128xf32, #tpu.memory_space<vmem_shared>>
      tpu.enqueue_indirect_dma source(%arg7 : memref<128x128xf32, #tpu.memory_space<vmem>>) target(%dma_start3A_116 : memref<10240x128xf32, #tpu.memory_space<vmem_shared>>) offsets(%dma_start3A_113 : memref<128xi32, #tpu.memory_space<vmem>>) semaphore(%arg12 : memref<!tpu.dma_semaphore, #tpu.memory_space<semaphore_mem>>) {add = true}
      %dma_start3A_117 = arith.constant 1 : i32
      %dma_start3A_118 = arith.constant 0 : i32
      %dma_start3A_119 = arith.constant 0 : i32
      %dma_start3A_120 = tpu.memref_slice %arg6[%dma_start3A_117, %dma_start3A_118, %dma_start3A_119] : memref<40x2x128xi32, #tpu.memory_space<vmem>> -> memref<1x1x128xi32, #tpu.memory_space<vmem>>
      %dma_start3A_121 = tpu.memref_squeeze %dma_start3A_120 : memref<1x1x128xi32, #tpu.memory_space<vmem>> -> memref<128xi32, #tpu.memory_space<vmem>>
      %dma_start3A_122 = arith.constant 0 : i32
      %dma_start3A_123 = arith.constant 0 : i32
      %dma_start3A_124 = tpu.memref_slice %arg2[%dma_start3A_122, %dma_start3A_123] : memref<10240x128xf32, #tpu.memory_space<hbm>> -> memref<10240x128xf32, #tpu.memory_space<hbm>>
      tpu.enqueue_indirect_dma source(%dma_start3A_124 : memref<10240x128xf32, #tpu.memory_space<hbm>>) target(%arg8 : memref<128x128xf32, #tpu.memory_space<vmem>>) offsets(%dma_start3A_121 : memref<128xi32, #tpu.memory_space<vmem>>) semaphore(%arg11 : memref<!tpu.dma_semaphore, #tpu.memory_space<semaphore_mem>>)
      %scan3A_125 = arith.constant 0 : i32
      %scan3A_126 = arith.constant 0 : i32
      %scan3A_127 = arith.constant 18 : i32
      %scan3A_128 = arith.addi %scan3A_126, %scan3A_127 : i32
      %scan3A_129 = arith.constant 1 : i32
      %scan3A_130 = scf.for %scan3A_196 = %scan3A_126 to %scan3A_128 step %scan3A_129 iter_args(%scan3A_197 = %scan3A_125) -> (i32)  : i32 {
        %mul3A_198 = arith.constant 2 : i32
        %mul3A_199 = arith.muli %mul3A_198, %scan3A_196 : i32
        %add3A = arith.constant 1 : i32
        %add3A_200 = arith.addi %mul3A_199, %add3A : i32
        %dma_wait3A_201 = arith.constant 0 : i32
        %dma_wait3A_202 = arith.constant 0 : i32
        %dma_wait3A_203 = arith.constant 0 : i32
        %dma_wait3A_204 = tpu.memref_slice %arg6[%dma_wait3A_201, %dma_wait3A_202, %dma_wait3A_203] : memref<40x2x128xi32, #tpu.memory_space<vmem>> -> memref<1x1x128xi32, #tpu.memory_space<vmem>>
        %dma_wait3A_205 = tpu.memref_squeeze %dma_wait3A_204 : memref<1x1x128xi32, #tpu.memory_space<vmem>> -> memref<128xi32, #tpu.memory_space<vmem>>
        %dma_wait3A_206 = arith.constant 0 : i32
        %dma_wait3A_207 = arith.constant 0 : i32
        %dma_wait3A_208 = tpu.memref_slice %arg2[%dma_wait3A_206, %dma_wait3A_207] : memref<10240x128xf32, #tpu.memory_space<hbm>> -> memref<10240x128xf32, #tpu.memory_space<hbm>>
        tpu.wait_indirect_dma semaphore(%arg11 : memref<!tpu.dma_semaphore, #tpu.memory_space<semaphore_mem>>) src(%dma_wait3A_208 : memref<10240x128xf32, #tpu.memory_space<hbm>>) dst(%arg8 : memref<128x128xf32, #tpu.memory_space<vmem>>)
        %dma_start3A_209 = arith.constant 1 : i32
        %dma_start3A_210 = arith.constant 0 : i32
        %dma_start3A_211 = tpu.memref_slice %arg6[%add3A_200, %dma_start3A_209, %dma_start3A_210] : memref<40x2x128xi32, #tpu.memory_space<vmem>> -> memref<1x1x128xi32, #tpu.memory_space<vmem>>
        %dma_start3A_212 = tpu.memref_squeeze %dma_start3A_211 : memref<1x1x128xi32, #tpu.memory_space<vmem>> -> memref<128xi32, #tpu.memory_space<vmem>>
        %dma_start3A_213 = arith.constant 0 : i32
        %dma_start3A_214 = arith.constant 0 : i32
        %dma_start3A_215 = tpu.memref_slice %arg9[%dma_start3A_213, %dma_start3A_214] : memref<10240x128xf32, #tpu.memory_space<vmem_shared>> -> memref<10240x128xf32, #tpu.memory_space<vmem_shared>>
        tpu.enqueue_indirect_dma source(%arg8 : memref<128x128xf32, #tpu.memory_space<vmem>>) target(%dma_start3A_215 : memref<10240x128xf32, #tpu.memory_space<vmem_shared>>) offsets(%dma_start3A_212 : memref<128xi32, #tpu.memory_space<vmem>>) semaphore(%arg13 : memref<!tpu.dma_semaphore, #tpu.memory_space<semaphore_mem>>) {add = true}
        %dma_wait3A_216 = arith.constant 0 : i32
        %dma_wait3A_217 = arith.constant 1 : i32
        %dma_wait3A_218 = arith.constant 0 : i32
        %dma_wait3A_219 = tpu.memref_slice %arg6[%dma_wait3A_216, %dma_wait3A_217, %dma_wait3A_218] : memref<40x2x128xi32, #tpu.memory_space<vmem>> -> memref<1x1x128xi32, #tpu.memory_space<vmem>>
        %dma_wait3A_220 = tpu.memref_squeeze %dma_wait3A_219 : memref<1x1x128xi32, #tpu.memory_space<vmem>> -> memref<128xi32, #tpu.memory_space<vmem>>
        %dma_wait3A_221 = arith.constant 0 : i32
        %dma_wait3A_222 = arith.constant 0 : i32
        %dma_wait3A_223 = tpu.memref_slice %arg9[%dma_wait3A_221, %dma_wait3A_222] : memref<10240x128xf32, #tpu.memory_space<vmem_shared>> -> memref<10240x128xf32, #tpu.memory_space<vmem_shared>>
        tpu.wait_indirect_dma semaphore(%arg12 : memref<!tpu.dma_semaphore, #tpu.memory_space<semaphore_mem>>) src(%arg7 : memref<128x128xf32, #tpu.memory_space<vmem>>) dst(%dma_wait3A_223 : memref<10240x128xf32, #tpu.memory_space<vmem_shared>>)
        %add3A_224 = arith.constant 1 : i32
        %add3A_225 = arith.addi %add3A_200, %add3A_224 : i32
        %dma_start3A_226 = arith.constant 0 : i32
        %dma_start3A_227 = arith.constant 0 : i32
        %dma_start3A_228 = tpu.memref_slice %arg6[%add3A_225, %dma_start3A_226, %dma_start3A_227] : memref<40x2x128xi32, #tpu.memory_space<vmem>> -> memref<1x1x128xi32, #tpu.memory_space<vmem>>
        %dma_start3A_229 = tpu.memref_squeeze %dma_start3A_228 : memref<1x1x128xi32, #tpu.memory_space<vmem>> -> memref<128xi32, #tpu.memory_space<vmem>>
        %dma_start3A_230 = arith.constant 0 : i32
        %dma_start3A_231 = arith.constant 0 : i32
        %dma_start3A_232 = tpu.memref_slice %arg2[%dma_start3A_230, %dma_start3A_231] : memref<10240x128xf32, #tpu.memory_space<hbm>> -> memref<10240x128xf32, #tpu.memory_space<hbm>>
        tpu.enqueue_indirect_dma source(%dma_start3A_232 : memref<10240x128xf32, #tpu.memory_space<hbm>>) target(%arg7 : memref<128x128xf32, #tpu.memory_space<vmem>>) offsets(%dma_start3A_229 : memref<128xi32, #tpu.memory_space<vmem>>) semaphore(%arg10 : memref<!tpu.dma_semaphore, #tpu.memory_space<semaphore_mem>>)
        %dma_wait3A_233 = arith.constant 0 : i32
        %dma_wait3A_234 = arith.constant 0 : i32
        %dma_wait3A_235 = arith.constant 0 : i32
        %dma_wait3A_236 = tpu.memref_slice %arg6[%dma_wait3A_233, %dma_wait3A_234, %dma_wait3A_235] : memref<40x2x128xi32, #tpu.memory_space<vmem>> -> memref<1x1x128xi32, #tpu.memory_space<vmem>>
        %dma_wait3A_237 = tpu.memref_squeeze %dma_wait3A_236 : memref<1x1x128xi32, #tpu.memory_space<vmem>> -> memref<128xi32, #tpu.memory_space<vmem>>
        %dma_wait3A_238 = arith.constant 0 : i32
        %dma_wait3A_239 = arith.constant 0 : i32
        %dma_wait3A_240 = tpu.memref_slice %arg2[%dma_wait3A_238, %dma_wait3A_239] : memref<10240x128xf32, #tpu.memory_space<hbm>> -> memref<10240x128xf32, #tpu.memory_space<hbm>>
        tpu.wait_indirect_dma semaphore(%arg10 : memref<!tpu.dma_semaphore, #tpu.memory_space<semaphore_mem>>) src(%dma_wait3A_240 : memref<10240x128xf32, #tpu.memory_space<hbm>>) dst(%arg7 : memref<128x128xf32, #tpu.memory_space<vmem>>)
        %add3A_241 = arith.constant 1 : i32
        %add3A_242 = arith.addi %add3A_200, %add3A_241 : i32
        %dma_start3A_243 = arith.constant 1 : i32
        %dma_start3A_244 = arith.constant 0 : i32
        %dma_start3A_245 = tpu.memref_slice %arg6[%add3A_242, %dma_start3A_243, %dma_start3A_244] : memref<40x2x128xi32, #tpu.memory_space<vmem>> -> memref<1x1x128xi32, #tpu.memory_space<vmem>>
        %dma_start3A_246 = tpu.memref_squeeze %dma_start3A_245 : memref<1x1x128xi32, #tpu.memory_space<vmem>> -> memref<128xi32, #tpu.memory_space<vmem>>
        %dma_start3A_247 = arith.constant 0 : i32
        %dma_start3A_248 = arith.constant 0 : i32
        %dma_start3A_249 = tpu.memref_slice %arg9[%dma_start3A_247, %dma_start3A_248] : memref<10240x128xf32, #tpu.memory_space<vmem_shared>> -> memref<10240x128xf32, #tpu.memory_space<vmem_shared>>
        tpu.enqueue_indirect_dma source(%arg7 : memref<128x128xf32, #tpu.memory_space<vmem>>) target(%dma_start3A_249 : memref<10240x128xf32, #tpu.memory_space<vmem_shared>>) offsets(%dma_start3A_246 : memref<128xi32, #tpu.memory_space<vmem>>) semaphore(%arg12 : memref<!tpu.dma_semaphore, #tpu.memory_space<semaphore_mem>>) {add = true}
        %dma_wait3A_250 = arith.constant 0 : i32
        %dma_wait3A_251 = arith.constant 1 : i32
        %dma_wait3A_252 = arith.constant 0 : i32
        %dma_wait3A_253 = tpu.memref_slice %arg6[%dma_wait3A_250, %dma_wait3A_251, %dma_wait3A_252] : memref<40x2x128xi32, #tpu.memory_space<vmem>> -> memref<1x1x128xi32, #tpu.memory_space<vmem>>
        %dma_wait3A_254 = tpu.memref_squeeze %dma_wait3A_253 : memref<1x1x128xi32, #tpu.memory_space<vmem>> -> memref<128xi32, #tpu.memory_space<vmem>>
        %dma_wait3A_255 = arith.constant 0 : i32
        %dma_wait3A_256 = arith.constant 0 : i32
        %dma_wait3A_257 = tpu.memref_slice %arg9[%dma_wait3A_255, %dma_wait3A_256] : memref<10240x128xf32, #tpu.memory_space<vmem_shared>> -> memref<10240x128xf32, #tpu.memory_space<vmem_shared>>
        tpu.wait_indirect_dma semaphore(%arg13 : memref<!tpu.dma_semaphore, #tpu.memory_space<semaphore_mem>>) src(%arg8 : memref<128x128xf32, #tpu.memory_space<vmem>>) dst(%dma_wait3A_257 : memref<10240x128xf32, #tpu.memory_space<vmem_shared>>)
        %add3A_258 = arith.constant 2 : i32
        %add3A_259 = arith.addi %add3A_200, %add3A_258 : i32
        %dma_start3A_260 = arith.constant 0 : i32
        %dma_start3A_261 = arith.constant 0 : i32
        %dma_start3A_262 = tpu.memref_slice %arg6[%add3A_259, %dma_start3A_260, %dma_start3A_261] : memref<40x2x128xi32, #tpu.memory_space<vmem>> -> memref<1x1x128xi32, #tpu.memory_space<vmem>>
        %dma_start3A_263 = tpu.memref_squeeze %dma_start3A_262 : memref<1x1x128xi32, #tpu.memory_space<vmem>> -> memref<128xi32, #tpu.memory_space<vmem>>
        %dma_start3A_264 = arith.constant 0 : i32
        %dma_start3A_265 = arith.constant 0 : i32
        %dma_start3A_266 = tpu.memref_slice %arg2[%dma_start3A_264, %dma_start3A_265] : memref<10240x128xf32, #tpu.memory_space<hbm>> -> memref<10240x128xf32, #tpu.memory_space<hbm>>
        tpu.enqueue_indirect_dma source(%dma_start3A_266 : memref<10240x128xf32, #tpu.memory_space<hbm>>) target(%arg8 : memref<128x128xf32, #tpu.memory_space<vmem>>) offsets(%dma_start3A_263 : memref<128xi32, #tpu.memory_space<vmem>>) semaphore(%arg11 : memref<!tpu.dma_semaphore, #tpu.memory_space<semaphore_mem>>)
        %scan3A_267 = arith.constant 0 : i32
        scf.yield %scan3A_267 : i32
      }
      %scan3A_131 = arith.constant 18 : i32
      %dma_wait3A_132 = arith.constant 0 : i32
      %dma_wait3A_133 = arith.constant 0 : i32
      %dma_wait3A_134 = arith.constant 0 : i32
      %dma_wait3A_135 = tpu.memref_slice %arg6[%dma_wait3A_132, %dma_wait3A_133, %dma_wait3A_134] : memref<40x2x128xi32, #tpu.memory_space<vmem>> -> memref<1x1x128xi32, #tpu.memory_space<vmem>>
      %dma_wait3A_136 = tpu.memref_squeeze %dma_wait3A_135 : memref<1x1x128xi32, #tpu.memory_space<vmem>> -> memref<128xi32, #tpu.memory_space<vmem>>
      %dma_wait3A_137 = arith.constant 0 : i32
      %dma_wait3A_138 = arith.constant 0 : i32
      %dma_wait3A_139 = tpu.memref_slice %arg2[%dma_wait3A_137, %dma_wait3A_138] : memref<10240x128xf32, #tpu.memory_space<hbm>> -> memref<10240x128xf32, #tpu.memory_space<hbm>>
      tpu.wait_indirect_dma semaphore(%arg11 : memref<!tpu.dma_semaphore, #tpu.memory_space<semaphore_mem>>) src(%dma_wait3A_139 : memref<10240x128xf32, #tpu.memory_space<hbm>>) dst(%arg8 : memref<128x128xf32, #tpu.memory_space<vmem>>)
      %dma_start3A_140 = arith.constant 37 : i32
      %dma_start3A_141 = arith.constant 1 : i32
      %dma_start3A_142 = arith.constant 0 : i32
      %dma_start3A_143 = tpu.memref_slice %arg6[%dma_start3A_140, %dma_start3A_141, %dma_start3A_142] : memref<40x2x128xi32, #tpu.memory_space<vmem>> -> memref<1x1x128xi32, #tpu.memory_space<vmem>>
      %dma_start3A_144 = tpu.memref_squeeze %dma_start3A_143 : memref<1x1x128xi32, #tpu.memory_space<vmem>> -> memref<128xi32, #tpu.memory_space<vmem>>
      %dma_start3A_145 = arith.constant 0 : i32
      %dma_start3A_146 = arith.constant 0 : i32
      %dma_start3A_147 = tpu.memref_slice %arg9[%dma_start3A_145, %dma_start3A_146] : memref<10240x128xf32, #tpu.memory_space<vmem_shared>> -> memref<10240x128xf32, #tpu.memory_space<vmem_shared>>
      tpu.enqueue_indirect_dma source(%arg8 : memref<128x128xf32, #tpu.memory_space<vmem>>) target(%dma_start3A_147 : memref<10240x128xf32, #tpu.memory_space<vmem_shared>>) offsets(%dma_start3A_144 : memref<128xi32, #tpu.memory_space<vmem>>) semaphore(%arg13 : memref<!tpu.dma_semaphore, #tpu.memory_space<semaphore_mem>>) {add = true}
      %dma_wait3A_148 = arith.constant 0 : i32
      %dma_wait3A_149 = arith.constant 1 : i32
      %dma_wait3A_150 = arith.constant 0 : i32
      %dma_wait3A_151 = tpu.memref_slice %arg6[%dma_wait3A_148, %dma_wait3A_149, %dma_wait3A_150] : memref<40x2x128xi32, #tpu.memory_space<vmem>> -> memref<1x1x128xi32, #tpu.memory_space<vmem>>
      %dma_wait3A_152 = tpu.memref_squeeze %dma_wait3A_151 : memref<1x1x128xi32, #tpu.memory_space<vmem>> -> memref<128xi32, #tpu.memory_space<vmem>>
      %dma_wait3A_153 = arith.constant 0 : i32
      %dma_wait3A_154 = arith.constant 0 : i32
      %dma_wait3A_155 = tpu.memref_slice %arg9[%dma_wait3A_153, %dma_wait3A_154] : memref<10240x128xf32, #tpu.memory_space<vmem_shared>> -> memref<10240x128xf32, #tpu.memory_space<vmem_shared>>
      tpu.wait_indirect_dma semaphore(%arg12 : memref<!tpu.dma_semaphore, #tpu.memory_space<semaphore_mem>>) src(%arg7 : memref<128x128xf32, #tpu.memory_space<vmem>>) dst(%dma_wait3A_155 : memref<10240x128xf32, #tpu.memory_space<vmem_shared>>)
      %dma_start3A_156 = arith.constant 38 : i32
      %dma_start3A_157 = arith.constant 0 : i32
      %dma_start3A_158 = arith.constant 0 : i32
      %dma_start3A_159 = tpu.memref_slice %arg6[%dma_start3A_156, %dma_start3A_157, %dma_start3A_158] : memref<40x2x128xi32, #tpu.memory_space<vmem>> -> memref<1x1x128xi32, #tpu.memory_space<vmem>>
      %dma_start3A_160 = tpu.memref_squeeze %dma_start3A_159 : memref<1x1x128xi32, #tpu.memory_space<vmem>> -> memref<128xi32, #tpu.memory_space<vmem>>
      %dma_start3A_161 = arith.constant 0 : i32
      %dma_start3A_162 = arith.constant 0 : i32
      %dma_start3A_163 = tpu.memref_slice %arg2[%dma_start3A_161, %dma_start3A_162] : memref<10240x128xf32, #tpu.memory_space<hbm>> -> memref<10240x128xf32, #tpu.memory_space<hbm>>
      tpu.enqueue_indirect_dma source(%dma_start3A_163 : memref<10240x128xf32, #tpu.memory_space<hbm>>) target(%arg7 : memref<128x128xf32, #tpu.memory_space<vmem>>) offsets(%dma_start3A_160 : memref<128xi32, #tpu.memory_space<vmem>>) semaphore(%arg10 : memref<!tpu.dma_semaphore, #tpu.memory_space<semaphore_mem>>)
      %dma_wait3A_164 = arith.constant 0 : i32
      %dma_wait3A_165 = arith.constant 0 : i32
      %dma_wait3A_166 = arith.constant 0 : i32
      %dma_wait3A_167 = tpu.memref_slice %arg6[%dma_wait3A_164, %dma_wait3A_165, %dma_wait3A_166] : memref<40x2x128xi32, #tpu.memory_space<vmem>> -> memref<1x1x128xi32, #tpu.memory_space<vmem>>
      %dma_wait3A_168 = tpu.memref_squeeze %dma_wait3A_167 : memref<1x1x128xi32, #tpu.memory_space<vmem>> -> memref<128xi32, #tpu.memory_space<vmem>>
      %dma_wait3A_169 = arith.constant 0 : i32
      %dma_wait3A_170 = arith.constant 0 : i32
      %dma_wait3A_171 = tpu.memref_slice %arg2[%dma_wait3A_169, %dma_wait3A_170] : memref<10240x128xf32, #tpu.memory_space<hbm>> -> memref<10240x128xf32, #tpu.memory_space<hbm>>
      tpu.wait_indirect_dma semaphore(%arg10 : memref<!tpu.dma_semaphore, #tpu.memory_space<semaphore_mem>>) src(%dma_wait3A_171 : memref<10240x128xf32, #tpu.memory_space<hbm>>) dst(%arg7 : memref<128x128xf32, #tpu.memory_space<vmem>>)
      %dma_start3A_172 = arith.constant 38 : i32
      %dma_start3A_173 = arith.constant 1 : i32
      %dma_start3A_174 = arith.constant 0 : i32
      %dma_start3A_175 = tpu.memref_slice %arg6[%dma_start3A_172, %dma_start3A_173, %dma_start3A_174] : memref<40x2x128xi32, #tpu.memory_space<vmem>> -> memref<1x1x128xi32, #tpu.memory_space<vmem>>
      %dma_start3A_176 = tpu.memref_squeeze %dma_start3A_175 : memref<1x1x128xi32, #tpu.memory_space<vmem>> -> memref<128xi32, #tpu.memory_space<vmem>>
      %dma_start3A_177 = arith.constant 0 : i32
      %dma_start3A_178 = arith.constant 0 : i32
      %dma_start3A_179 = tpu.memref_slice %arg9[%dma_start3A_177, %dma_start3A_178] : memref<10240x128xf32, #tpu.memory_space<vmem_shared>> -> memref<10240x128xf32, #tpu.memory_space<vmem_shared>>
      tpu.enqueue_indirect_dma source(%arg7 : memref<128x128xf32, #tpu.memory_space<vmem>>) target(%dma_start3A_179 : memref<10240x128xf32, #tpu.memory_space<vmem_shared>>) offsets(%dma_start3A_176 : memref<128xi32, #tpu.memory_space<vmem>>) semaphore(%arg12 : memref<!tpu.dma_semaphore, #tpu.memory_space<semaphore_mem>>) {add = true}
      %dma_wait3A_180 = arith.constant 0 : i32
      %dma_wait3A_181 = arith.constant 1 : i32
      %dma_wait3A_182 = arith.constant 0 : i32
      %dma_wait3A_183 = tpu.memref_slice %arg6[%dma_wait3A_180, %dma_wait3A_181, %dma_wait3A_182] : memref<40x2x128xi32, #tpu.memory_space<vmem>> -> memref<1x1x128xi32, #tpu.memory_space<vmem>>
      %dma_wait3A_184 = tpu.memref_squeeze %dma_wait3A_183 : memref<1x1x128xi32, #tpu.memory_space<vmem>> -> memref<128xi32, #tpu.memory_space<vmem>>
      %dma_wait3A_185 = arith.constant 0 : i32
      %dma_wait3A_186 = arith.constant 0 : i32
      %dma_wait3A_187 = tpu.memref_slice %arg9[%dma_wait3A_185, %dma_wait3A_186] : memref<10240x128xf32, #tpu.memory_space<vmem_shared>> -> memref<10240x128xf32, #tpu.memory_space<vmem_shared>>
      tpu.wait_indirect_dma semaphore(%arg12 : memref<!tpu.dma_semaphore, #tpu.memory_space<semaphore_mem>>) src(%arg7 : memref<128x128xf32, #tpu.memory_space<vmem>>) dst(%dma_wait3A_187 : memref<10240x128xf32, #tpu.memory_space<vmem_shared>>)
      %dma_wait3A_188 = arith.constant 0 : i32
      %dma_wait3A_189 = arith.constant 1 : i32
      %dma_wait3A_190 = arith.constant 0 : i32
      %dma_wait3A_191 = tpu.memref_slice %arg6[%dma_wait3A_188, %dma_wait3A_189, %dma_wait3A_190] : memref<40x2x128xi32, #tpu.memory_space<vmem>> -> memref<1x1x128xi32, #tpu.memory_space<vmem>>
      %dma_wait3A_192 = tpu.memref_squeeze %dma_wait3A_191 : memref<1x1x128xi32, #tpu.memory_space<vmem>> -> memref<128xi32, #tpu.memory_space<vmem>>
      %dma_wait3A_193 = arith.constant 0 : i32
      %dma_wait3A_194 = arith.constant 0 : i32
      %dma_wait3A_195 = tpu.memref_slice %arg9[%dma_wait3A_193, %dma_wait3A_194] : memref<10240x128xf32, #tpu.memory_space<vmem_shared>> -> memref<10240x128xf32, #tpu.memory_space<vmem_shared>>
      tpu.wait_indirect_dma semaphore(%arg13 : memref<!tpu.dma_semaphore, #tpu.memory_space<semaphore_mem>>) src(%arg8 : memref<128x128xf32, #tpu.memory_space<vmem>>) dst(%dma_wait3A_195 : memref<10240x128xf32, #tpu.memory_space<vmem_shared>>)
    } else {
    }
    %eq3A_15 = arith.constant 1 : i32
    %eq3A_16 = arith.cmpi eq, %arg0, %eq3A_15 : i32
    %convert_element_type3A_17 = arith.extui %eq3A_16 : i1 to i32
    %cond3A_18 = arith.constant 0 : i32
    %cond3A_19 = arith.cmpi ne, %convert_element_type3A_17, %cond3A_18 : i32
    scf.if %cond3A_19 {
      "tpu.region"() ({
        %run_scoped3A = tpu.sem_alloc : memref<!tpu.dma_semaphore, #tpu.memory_space<semaphore_mem>>
        %dma_start3A_196 = arith.constant 0 : i32
        %dma_start3A_197 = arith.constant 0 : i32
        %dma_start3A_198 = arith.constant 0 : i32
        %dma_start3A_199 = tpu.memref_slice %arg6[%dma_start3A_196, %dma_start3A_197, %dma_start3A_198] : memref<40x2x128xi32, #tpu.memory_space<vmem>> -> memref<40x2x128xi32, #tpu.memory_space<vmem>>
        %dma_start3A_200 = arith.constant 0 : i32
        %dma_start3A_201 = arith.constant 0 : i32
        %dma_start3A_202 = arith.constant 0 : i32
        %dma_start3A_203 = tpu.memref_slice %arg4[%arg1, %dma_start3A_200, %dma_start3A_201, %dma_start3A_202] : memref<16x79x2x128xi32, #tpu.memory_space<hbm>> -> memref<1x40x2x128xi32, #tpu.memory_space<hbm>>
        %dma_start3A_204 = tpu.memref_squeeze %dma_start3A_203 : memref<1x40x2x128xi32, #tpu.memory_space<hbm>> -> memref<40x2x128xi32, #tpu.memory_space<hbm>>
        %dma_start3A_205 = arith.constant 0 : i32
        %dma_start3A_206 = arith.constant 0 : i32
        %dma_start3A_207 = arith.constant 0 : i32
        %dma_start3A_208 = tpu.memref_slice %arg6[%dma_start3A_205, %dma_start3A_206, %dma_start3A_207] : memref<40x2x128xi32, #tpu.memory_space<vmem>> -> memref<40x2x128xi32, #tpu.memory_space<vmem>>
        %dma_start3A_209 = arith.constant 0 : i32
        %dma_start3A_210 = arith.constant 0 : i32
        %dma_start3A_211 = arith.constant 0 : i32
        %dma_start3A_212 = tpu.memref_slice %arg4[%arg1, %dma_start3A_209, %dma_start3A_210, %dma_start3A_211] : memref<16x79x2x128xi32, #tpu.memory_space<hbm>> -> memref<1x40x2x128xi32, #tpu.memory_space<hbm>>
        %dma_start3A_213 = tpu.memref_squeeze %dma_start3A_212 : memref<1x40x2x128xi32, #tpu.memory_space<hbm>> -> memref<40x2x128xi32, #tpu.memory_space<hbm>>
        tpu.enqueue_dma source(%dma_start3A_213 : memref<40x2x128xi32, #tpu.memory_space<hbm>>) target(%dma_start3A_208 : memref<40x2x128xi32, #tpu.memory_space<vmem>>) target_semaphore(%run_scoped3A : memref<!tpu.dma_semaphore, #tpu.memory_space<semaphore_mem>>)
        %dma_wait3A_214 = arith.constant 0 : i32
        %dma_wait3A_215 = arith.constant 0 : i32
        %dma_wait3A_216 = arith.constant 0 : i32
        %dma_wait3A_217 = tpu.memref_slice %arg6[%dma_wait3A_214, %dma_wait3A_215, %dma_wait3A_216] : memref<40x2x128xi32, #tpu.memory_space<vmem>> -> memref<40x2x128xi32, #tpu.memory_space<vmem>>
        %dma_wait3A_218 = arith.constant 0 : i32
        %dma_wait3A_219 = arith.constant 0 : i32
        %dma_wait3A_220 = arith.constant 0 : i32
        %dma_wait3A_221 = tpu.memref_slice %arg4[%arg1, %dma_wait3A_218, %dma_wait3A_219, %dma_wait3A_220] : memref<16x79x2x128xi32, #tpu.memory_space<hbm>> -> memref<1x40x2x128xi32, #tpu.memory_space<hbm>>
        %dma_wait3A_222 = tpu.memref_squeeze %dma_wait3A_221 : memref<1x40x2x128xi32, #tpu.memory_space<hbm>> -> memref<40x2x128xi32, #tpu.memory_space<hbm>>
        %dma_wait3A_223 = arith.constant 0 : i32
        %dma_wait3A_224 = arith.constant 0 : i32
        %dma_wait3A_225 = arith.constant 0 : i32
        %dma_wait3A_226 = tpu.memref_slice %arg6[%dma_wait3A_223, %dma_wait3A_224, %dma_wait3A_225] : memref<40x2x128xi32, #tpu.memory_space<vmem>> -> memref<40x2x128xi32, #tpu.memory_space<vmem>>
        %dma_wait3A_227 = arith.constant 0 : i32
        %dma_wait3A_228 = arith.constant 0 : i32
        %dma_wait3A_229 = arith.constant 0 : i32
        %dma_wait3A_230 = tpu.memref_slice %arg4[%arg1, %dma_wait3A_227, %dma_wait3A_228, %dma_wait3A_229] : memref<16x79x2x128xi32, #tpu.memory_space<hbm>> -> memref<1x40x2x128xi32, #tpu.memory_space<hbm>>
        %dma_wait3A_231 = tpu.memref_squeeze %dma_wait3A_230 : memref<1x40x2x128xi32, #tpu.memory_space<hbm>> -> memref<40x2x128xi32, #tpu.memory_space<hbm>>
        tpu.wait_dma2 semaphore(%run_scoped3A : memref<!tpu.dma_semaphore, #tpu.memory_space<semaphore_mem>>) src(%dma_wait3A_231 : memref<40x2x128xi32, #tpu.memory_space<hbm>>) dst(%dma_wait3A_226 : memref<40x2x128xi32, #tpu.memory_space<vmem>>)
        tpu.yield
      }) : () -> ()
      %dma_start3A = arith.constant 0 : i32
      %dma_start3A_24 = arith.constant 0 : i32
      %dma_start3A_25 = arith.constant 0 : i32
      %dma_start3A_26 = tpu.memref_slice %arg6[%dma_start3A, %dma_start3A_24, %dma_start3A_25] : memref<40x2x128xi32, #tpu.memory_space<vmem>> -> memref<1x1x128xi32, #tpu.memory_space<vmem>>
      %dma_start3A_27 = tpu.memref_squeeze %dma_start3A_26 : memref<1x1x128xi32, #tpu.memory_space<vmem>> -> memref<128xi32, #tpu.memory_space<vmem>>
      %dma_start3A_28 = arith.constant 0 : i32
      %dma_start3A_29 = arith.constant 0 : i32
      %dma_start3A_30 = tpu.memref_slice %arg2[%dma_start3A_28, %dma_start3A_29] : memref<10240x128xf32, #tpu.memory_space<hbm>> -> memref<10240x128xf32, #tpu.memory_space<hbm>>
      tpu.enqueue_indirect_dma source(%dma_start3A_30 : memref<10240x128xf32, #tpu.memory_space<hbm>>) target(%arg7 : memref<128x128xf32, #tpu.memory_space<vmem>>) offsets(%dma_start3A_27 : memref<128xi32, #tpu.memory_space<vmem>>) semaphore(%arg10 : memref<!tpu.dma_semaphore, #tpu.memory_space<semaphore_mem>>)
      %dma_wait3A = arith.constant 0 : i32
      %dma_wait3A_31 = arith.constant 0 : i32
      %dma_wait3A_32 = arith.constant 0 : i32
      %dma_wait3A_33 = tpu.memref_slice %arg6[%dma_wait3A, %dma_wait3A_31, %dma_wait3A_32] : memref<40x2x128xi32, #tpu.memory_space<vmem>> -> memref<1x1x128xi32, #tpu.memory_space<vmem>>
      %dma_wait3A_34 = tpu.memref_squeeze %dma_wait3A_33 : memref<1x1x128xi32, #tpu.memory_space<vmem>> -> memref<128xi32, #tpu.memory_space<vmem>>
      %dma_wait3A_35 = arith.constant 0 : i32
      %dma_wait3A_36 = arith.constant 0 : i32
      %dma_wait3A_37 = tpu.memref_slice %arg2[%dma_wait3A_35, %dma_wait3A_36] : memref<10240x128xf32, #tpu.memory_space<hbm>> -> memref<10240x128xf32, #tpu.memory_space<hbm>>
      tpu.wait_indirect_dma semaphore(%arg10 : memref<!tpu.dma_semaphore, #tpu.memory_space<semaphore_mem>>) src(%dma_wait3A_37 : memref<10240x128xf32, #tpu.memory_space<hbm>>) dst(%arg7 : memref<128x128xf32, #tpu.memory_space<vmem>>)
      %dma_start3A_38 = arith.constant 0 : i32
      %dma_start3A_39 = arith.constant 1 : i32
      %dma_start3A_40 = arith.constant 0 : i32
      %dma_start3A_41 = tpu.memref_slice %arg6[%dma_start3A_38, %dma_start3A_39, %dma_start3A_40] : memref<40x2x128xi32, #tpu.memory_space<vmem>> -> memref<1x1x128xi32, #tpu.memory_space<vmem>>
      %dma_start3A_42 = tpu.memref_squeeze %dma_start3A_41 : memref<1x1x128xi32, #tpu.memory_space<vmem>> -> memref<128xi32, #tpu.memory_space<vmem>>
      %dma_start3A_43 = arith.constant 0 : i32
      %dma_start3A_44 = arith.constant 0 : i32
      %dma_start3A_45 = tpu.memref_slice %arg9[%dma_start3A_43, %dma_start3A_44] : memref<10240x128xf32, #tpu.memory_space<vmem_shared>> -> memref<10240x128xf32, #tpu.memory_space<vmem_shared>>
      tpu.enqueue_indirect_dma source(%arg7 : memref<128x128xf32, #tpu.memory_space<vmem>>) target(%dma_start3A_45 : memref<10240x128xf32, #tpu.memory_space<vmem_shared>>) offsets(%dma_start3A_42 : memref<128xi32, #tpu.memory_space<vmem>>) semaphore(%arg12 : memref<!tpu.dma_semaphore, #tpu.memory_space<semaphore_mem>>) {add = true}
      %dma_start3A_46 = arith.constant 1 : i32
      %dma_start3A_47 = arith.constant 0 : i32
      %dma_start3A_48 = arith.constant 0 : i32
      %dma_start3A_49 = tpu.memref_slice %arg6[%dma_start3A_46, %dma_start3A_47, %dma_start3A_48] : memref<40x2x128xi32, #tpu.memory_space<vmem>> -> memref<1x1x128xi32, #tpu.memory_space<vmem>>
      %dma_start3A_50 = tpu.memref_squeeze %dma_start3A_49 : memref<1x1x128xi32, #tpu.memory_space<vmem>> -> memref<128xi32, #tpu.memory_space<vmem>>
      %dma_start3A_51 = arith.constant 0 : i32
      %dma_start3A_52 = arith.constant 0 : i32
      %dma_start3A_53 = tpu.memref_slice %arg2[%dma_start3A_51, %dma_start3A_52] : memref<10240x128xf32, #tpu.memory_space<hbm>> -> memref<10240x128xf32, #tpu.memory_space<hbm>>
      tpu.enqueue_indirect_dma source(%dma_start3A_53 : memref<10240x128xf32, #tpu.memory_space<hbm>>) target(%arg8 : memref<128x128xf32, #tpu.memory_space<vmem>>) offsets(%dma_start3A_50 : memref<128xi32, #tpu.memory_space<vmem>>) semaphore(%arg11 : memref<!tpu.dma_semaphore, #tpu.memory_space<semaphore_mem>>)
      %scan3A_54 = arith.constant 0 : i32
      %scan3A_55 = arith.constant 0 : i32
      %scan3A_56 = arith.constant 19 : i32
      %scan3A_57 = arith.addi %scan3A_55, %scan3A_56 : i32
      %scan3A_58 = arith.constant 1 : i32
      %scan3A_59 = scf.for %scan3A_196 = %scan3A_55 to %scan3A_57 step %scan3A_58 iter_args(%scan3A_197 = %scan3A_54) -> (i32)  : i32 {
        %mul3A_198 = arith.constant 2 : i32
        %mul3A_199 = arith.muli %mul3A_198, %scan3A_196 : i32
        %add3A = arith.constant 1 : i32
        %add3A_200 = arith.addi %mul3A_199, %add3A : i32
        %dma_wait3A_201 = arith.constant 0 : i32
        %dma_wait3A_202 = arith.constant 0 : i32
        %dma_wait3A_203 = arith.constant 0 : i32
        %dma_wait3A_204 = tpu.memref_slice %arg6[%dma_wait3A_201, %dma_wait3A_202, %dma_wait3A_203] : memref<40x2x128xi32, #tpu.memory_space<vmem>> -> memref<1x1x128xi32, #tpu.memory_space<vmem>>
        %dma_wait3A_205 = tpu.memref_squeeze %dma_wait3A_204 : memref<1x1x128xi32, #tpu.memory_space<vmem>> -> memref<128xi32, #tpu.memory_space<vmem>>
        %dma_wait3A_206 = arith.constant 0 : i32
        %dma_wait3A_207 = arith.constant 0 : i32
        %dma_wait3A_208 = tpu.memref_slice %arg2[%dma_wait3A_206, %dma_wait3A_207] : memref<10240x128xf32, #tpu.memory_space<hbm>> -> memref<10240x128xf32, #tpu.memory_space<hbm>>
        tpu.wait_indirect_dma semaphore(%arg11 : memref<!tpu.dma_semaphore, #tpu.memory_space<semaphore_mem>>) src(%dma_wait3A_208 : memref<10240x128xf32, #tpu.memory_space<hbm>>) dst(%arg8 : memref<128x128xf32, #tpu.memory_space<vmem>>)
        %dma_start3A_209 = arith.constant 1 : i32
        %dma_start3A_210 = arith.constant 0 : i32
        %dma_start3A_211 = tpu.memref_slice %arg6[%add3A_200, %dma_start3A_209, %dma_start3A_210] : memref<40x2x128xi32, #tpu.memory_space<vmem>> -> memref<1x1x128xi32, #tpu.memory_space<vmem>>
        %dma_start3A_212 = tpu.memref_squeeze %dma_start3A_211 : memref<1x1x128xi32, #tpu.memory_space<vmem>> -> memref<128xi32, #tpu.memory_space<vmem>>
        %dma_start3A_213 = arith.constant 0 : i32
        %dma_start3A_214 = arith.constant 0 : i32
        %dma_start3A_215 = tpu.memref_slice %arg9[%dma_start3A_213, %dma_start3A_214] : memref<10240x128xf32, #tpu.memory_space<vmem_shared>> -> memref<10240x128xf32, #tpu.memory_space<vmem_shared>>
        tpu.enqueue_indirect_dma source(%arg8 : memref<128x128xf32, #tpu.memory_space<vmem>>) target(%dma_start3A_215 : memref<10240x128xf32, #tpu.memory_space<vmem_shared>>) offsets(%dma_start3A_212 : memref<128xi32, #tpu.memory_space<vmem>>) semaphore(%arg13 : memref<!tpu.dma_semaphore, #tpu.memory_space<semaphore_mem>>) {add = true}
        %dma_wait3A_216 = arith.constant 0 : i32
        %dma_wait3A_217 = arith.constant 1 : i32
        %dma_wait3A_218 = arith.constant 0 : i32
        %dma_wait3A_219 = tpu.memref_slice %arg6[%dma_wait3A_216, %dma_wait3A_217, %dma_wait3A_218] : memref<40x2x128xi32, #tpu.memory_space<vmem>> -> memref<1x1x128xi32, #tpu.memory_space<vmem>>
        %dma_wait3A_220 = tpu.memref_squeeze %dma_wait3A_219 : memref<1x1x128xi32, #tpu.memory_space<vmem>> -> memref<128xi32, #tpu.memory_space<vmem>>
        %dma_wait3A_221 = arith.constant 0 : i32
        %dma_wait3A_222 = arith.constant 0 : i32
        %dma_wait3A_223 = tpu.memref_slice %arg9[%dma_wait3A_221, %dma_wait3A_222] : memref<10240x128xf32, #tpu.memory_space<vmem_shared>> -> memref<10240x128xf32, #tpu.memory_space<vmem_shared>>
        tpu.wait_indirect_dma semaphore(%arg12 : memref<!tpu.dma_semaphore, #tpu.memory_space<semaphore_mem>>) src(%arg7 : memref<128x128xf32, #tpu.memory_space<vmem>>) dst(%dma_wait3A_223 : memref<10240x128xf32, #tpu.memory_space<vmem_shared>>)
        %add3A_224 = arith.constant 1 : i32
        %add3A_225 = arith.addi %add3A_200, %add3A_224 : i32
        %dma_start3A_226 = arith.constant 0 : i32
        %dma_start3A_227 = arith.constant 0 : i32
        %dma_start3A_228 = tpu.memref_slice %arg6[%add3A_225, %dma_start3A_226, %dma_start3A_227] : memref<40x2x128xi32, #tpu.memory_space<vmem>> -> memref<1x1x128xi32, #tpu.memory_space<vmem>>
        %dma_start3A_229 = tpu.memref_squeeze %dma_start3A_228 : memref<1x1x128xi32, #tpu.memory_space<vmem>> -> memref<128xi32, #tpu.memory_space<vmem>>
        %dma_start3A_230 = arith.constant 0 : i32
        %dma_start3A_231 = arith.constant 0 : i32
        %dma_start3A_232 = tpu.memref_slice %arg2[%dma_start3A_230, %dma_start3A_231] : memref<10240x128xf32, #tpu.memory_space<hbm>> -> memref<10240x128xf32, #tpu.memory_space<hbm>>
        tpu.enqueue_indirect_dma source(%dma_start3A_232 : memref<10240x128xf32, #tpu.memory_space<hbm>>) target(%arg7 : memref<128x128xf32, #tpu.memory_space<vmem>>) offsets(%dma_start3A_229 : memref<128xi32, #tpu.memory_space<vmem>>) semaphore(%arg10 : memref<!tpu.dma_semaphore, #tpu.memory_space<semaphore_mem>>)
        %dma_wait3A_233 = arith.constant 0 : i32
        %dma_wait3A_234 = arith.constant 0 : i32
        %dma_wait3A_235 = arith.constant 0 : i32
        %dma_wait3A_236 = tpu.memref_slice %arg6[%dma_wait3A_233, %dma_wait3A_234, %dma_wait3A_235] : memref<40x2x128xi32, #tpu.memory_space<vmem>> -> memref<1x1x128xi32, #tpu.memory_space<vmem>>
        %dma_wait3A_237 = tpu.memref_squeeze %dma_wait3A_236 : memref<1x1x128xi32, #tpu.memory_space<vmem>> -> memref<128xi32, #tpu.memory_space<vmem>>
        %dma_wait3A_238 = arith.constant 0 : i32
        %dma_wait3A_239 = arith.constant 0 : i32
        %dma_wait3A_240 = tpu.memref_slice %arg2[%dma_wait3A_238, %dma_wait3A_239] : memref<10240x128xf32, #tpu.memory_space<hbm>> -> memref<10240x128xf32, #tpu.memory_space<hbm>>
        tpu.wait_indirect_dma semaphore(%arg10 : memref<!tpu.dma_semaphore, #tpu.memory_space<semaphore_mem>>) src(%dma_wait3A_240 : memref<10240x128xf32, #tpu.memory_space<hbm>>) dst(%arg7 : memref<128x128xf32, #tpu.memory_space<vmem>>)
        %add3A_241 = arith.constant 1 : i32
        %add3A_242 = arith.addi %add3A_200, %add3A_241 : i32
        %dma_start3A_243 = arith.constant 1 : i32
        %dma_start3A_244 = arith.constant 0 : i32
        %dma_start3A_245 = tpu.memref_slice %arg6[%add3A_242, %dma_start3A_243, %dma_start3A_244] : memref<40x2x128xi32, #tpu.memory_space<vmem>> -> memref<1x1x128xi32, #tpu.memory_space<vmem>>
        %dma_start3A_246 = tpu.memref_squeeze %dma_start3A_245 : memref<1x1x128xi32, #tpu.memory_space<vmem>> -> memref<128xi32, #tpu.memory_space<vmem>>
        %dma_start3A_247 = arith.constant 0 : i32
        %dma_start3A_248 = arith.constant 0 : i32
        %dma_start3A_249 = tpu.memref_slice %arg9[%dma_start3A_247, %dma_start3A_248] : memref<10240x128xf32, #tpu.memory_space<vmem_shared>> -> memref<10240x128xf32, #tpu.memory_space<vmem_shared>>
        tpu.enqueue_indirect_dma source(%arg7 : memref<128x128xf32, #tpu.memory_space<vmem>>) target(%dma_start3A_249 : memref<10240x128xf32, #tpu.memory_space<vmem_shared>>) offsets(%dma_start3A_246 : memref<128xi32, #tpu.memory_space<vmem>>) semaphore(%arg12 : memref<!tpu.dma_semaphore, #tpu.memory_space<semaphore_mem>>) {add = true}
        %dma_wait3A_250 = arith.constant 0 : i32
        %dma_wait3A_251 = arith.constant 1 : i32
        %dma_wait3A_252 = arith.constant 0 : i32
        %dma_wait3A_253 = tpu.memref_slice %arg6[%dma_wait3A_250, %dma_wait3A_251, %dma_wait3A_252] : memref<40x2x128xi32, #tpu.memory_space<vmem>> -> memref<1x1x128xi32, #tpu.memory_space<vmem>>
        %dma_wait3A_254 = tpu.memref_squeeze %dma_wait3A_253 : memref<1x1x128xi32, #tpu.memory_space<vmem>> -> memref<128xi32, #tpu.memory_space<vmem>>
        %dma_wait3A_255 = arith.constant 0 : i32
        %dma_wait3A_256 = arith.constant 0 : i32
        %dma_wait3A_257 = tpu.memref_slice %arg9[%dma_wait3A_255, %dma_wait3A_256] : memref<10240x128xf32, #tpu.memory_space<vmem_shared>> -> memref<10240x128xf32, #tpu.memory_space<vmem_shared>>
        tpu.wait_indirect_dma semaphore(%arg13 : memref<!tpu.dma_semaphore, #tpu.memory_space<semaphore_mem>>) src(%arg8 : memref<128x128xf32, #tpu.memory_space<vmem>>) dst(%dma_wait3A_257 : memref<10240x128xf32, #tpu.memory_space<vmem_shared>>)
        %add3A_258 = arith.constant 2 : i32
        %add3A_259 = arith.addi %add3A_200, %add3A_258 : i32
        %dma_start3A_260 = arith.constant 0 : i32
        %dma_start3A_261 = arith.constant 0 : i32
        %dma_start3A_262 = tpu.memref_slice %arg6[%add3A_259, %dma_start3A_260, %dma_start3A_261] : memref<40x2x128xi32, #tpu.memory_space<vmem>> -> memref<1x1x128xi32, #tpu.memory_space<vmem>>
        %dma_start3A_263 = tpu.memref_squeeze %dma_start3A_262 : memref<1x1x128xi32, #tpu.memory_space<vmem>> -> memref<128xi32, #tpu.memory_space<vmem>>
        %dma_start3A_264 = arith.constant 0 : i32
        %dma_start3A_265 = arith.constant 0 : i32
        %dma_start3A_266 = tpu.memref_slice %arg2[%dma_start3A_264, %dma_start3A_265] : memref<10240x128xf32, #tpu.memory_space<hbm>> -> memref<10240x128xf32, #tpu.memory_space<hbm>>
        tpu.enqueue_indirect_dma source(%dma_start3A_266 : memref<10240x128xf32, #tpu.memory_space<hbm>>) target(%arg8 : memref<128x128xf32, #tpu.memory_space<vmem>>) offsets(%dma_start3A_263 : memref<128xi32, #tpu.memory_space<vmem>>) semaphore(%arg11 : memref<!tpu.dma_semaphore, #tpu.memory_space<semaphore_mem>>)
        %scan3A_267 = arith.constant 0 : i32
        scf.yield %scan3A_267 : i32
      }
      %scan3A_60 = arith.constant 19 : i32
      %dma_wait3A_61 = arith.constant 0 : i32
      %dma_wait3A_62 = arith.constant 0 : i32
      %dma_wait3A_63 = arith.constant 0 : i32
      %dma_wait3A_64 = tpu.memref_slice %arg6[%dma_wait3A_61, %dma_wait3A_62, %dma_wait3A_63] : memref<40x2x128xi32, #tpu.memory_space<vmem>> -> memref<1x1x128xi32, #tpu.memory_space<vmem>>
      %dma_wait3A_65 = tpu.memref_squeeze %dma_wait3A_64 : memref<1x1x128xi32, #tpu.memory_space<vmem>> -> memref<128xi32, #tpu.memory_space<vmem>>
      %dma_wait3A_66 = arith.constant 0 : i32
      %dma_wait3A_67 = arith.constant 0 : i32
      %dma_wait3A_68 = tpu.memref_slice %arg2[%dma_wait3A_66, %dma_wait3A_67] : memref<10240x128xf32, #tpu.memory_space<hbm>> -> memref<10240x128xf32, #tpu.memory_space<hbm>>
      tpu.wait_indirect_dma semaphore(%arg11 : memref<!tpu.dma_semaphore, #tpu.memory_space<semaphore_mem>>) src(%dma_wait3A_68 : memref<10240x128xf32, #tpu.memory_space<hbm>>) dst(%arg8 : memref<128x128xf32, #tpu.memory_space<vmem>>)
      %dma_start3A_69 = arith.constant 39 : i32
      %dma_start3A_70 = arith.constant 1 : i32
      %dma_start3A_71 = arith.constant 0 : i32
      %dma_start3A_72 = tpu.memref_slice %arg6[%dma_start3A_69, %dma_start3A_70, %dma_start3A_71] : memref<40x2x128xi32, #tpu.memory_space<vmem>> -> memref<1x1x128xi32, #tpu.memory_space<vmem>>
      %dma_start3A_73 = tpu.memref_squeeze %dma_start3A_72 : memref<1x1x128xi32, #tpu.memory_space<vmem>> -> memref<128xi32, #tpu.memory_space<vmem>>
      %dma_start3A_74 = arith.constant 0 : i32
      %dma_start3A_75 = arith.constant 0 : i32
      %dma_start3A_76 = tpu.memref_slice %arg9[%dma_start3A_74, %dma_start3A_75] : memref<10240x128xf32, #tpu.memory_space<vmem_shared>> -> memref<10240x128xf32, #tpu.memory_space<vmem_shared>>
      tpu.enqueue_indirect_dma source(%arg8 : memref<128x128xf32, #tpu.memory_space<vmem>>) target(%dma_start3A_76 : memref<10240x128xf32, #tpu.memory_space<vmem_shared>>) offsets(%dma_start3A_73 : memref<128xi32, #tpu.memory_space<vmem>>) semaphore(%arg13 : memref<!tpu.dma_semaphore, #tpu.memory_space<semaphore_mem>>) {add = true}
      %dma_wait3A_77 = arith.constant 0 : i32
      %dma_wait3A_78 = arith.constant 1 : i32
      %dma_wait3A_79 = arith.constant 0 : i32
      %dma_wait3A_80 = tpu.memref_slice %arg6[%dma_wait3A_77, %dma_wait3A_78, %dma_wait3A_79] : memref<40x2x128xi32, #tpu.memory_space<vmem>> -> memref<1x1x128xi32, #tpu.memory_space<vmem>>
      %dma_wait3A_81 = tpu.memref_squeeze %dma_wait3A_80 : memref<1x1x128xi32, #tpu.memory_space<vmem>> -> memref<128xi32, #tpu.memory_space<vmem>>
      %dma_wait3A_82 = arith.constant 0 : i32
      %dma_wait3A_83 = arith.constant 0 : i32
      %dma_wait3A_84 = tpu.memref_slice %arg9[%dma_wait3A_82, %dma_wait3A_83] : memref<10240x128xf32, #tpu.memory_space<vmem_shared>> -> memref<10240x128xf32, #tpu.memory_space<vmem_shared>>
      tpu.wait_indirect_dma semaphore(%arg12 : memref<!tpu.dma_semaphore, #tpu.memory_space<semaphore_mem>>) src(%arg7 : memref<128x128xf32, #tpu.memory_space<vmem>>) dst(%dma_wait3A_84 : memref<10240x128xf32, #tpu.memory_space<vmem_shared>>)
      %dma_wait3A_85 = arith.constant 0 : i32
      %dma_wait3A_86 = arith.constant 1 : i32
      %dma_wait3A_87 = arith.constant 0 : i32
      %dma_wait3A_88 = tpu.memref_slice %arg6[%dma_wait3A_85, %dma_wait3A_86, %dma_wait3A_87] : memref<40x2x128xi32, #tpu.memory_space<vmem>> -> memref<1x1x128xi32, #tpu.memory_space<vmem>>
      %dma_wait3A_89 = tpu.memref_squeeze %dma_wait3A_88 : memref<1x1x128xi32, #tpu.memory_space<vmem>> -> memref<128xi32, #tpu.memory_space<vmem>>
      %dma_wait3A_90 = arith.constant 0 : i32
      %dma_wait3A_91 = arith.constant 0 : i32
      %dma_wait3A_92 = tpu.memref_slice %arg9[%dma_wait3A_90, %dma_wait3A_91] : memref<10240x128xf32, #tpu.memory_space<vmem_shared>> -> memref<10240x128xf32, #tpu.memory_space<vmem_shared>>
      tpu.wait_indirect_dma semaphore(%arg13 : memref<!tpu.dma_semaphore, #tpu.memory_space<semaphore_mem>>) src(%arg8 : memref<128x128xf32, #tpu.memory_space<vmem>>) dst(%dma_wait3A_92 : memref<10240x128xf32, #tpu.memory_space<vmem_shared>>)
      "tpu.region"() ({
        %run_scoped3A = tpu.sem_alloc : memref<!tpu.dma_semaphore, #tpu.memory_space<semaphore_mem>>
        %dma_start3A_196 = arith.constant 0 : i32
        %dma_start3A_197 = arith.constant 0 : i32
        %dma_start3A_198 = arith.constant 0 : i32
        %dma_start3A_199 = tpu.memref_slice %arg6[%dma_start3A_196, %dma_start3A_197, %dma_start3A_198] : memref<40x2x128xi32, #tpu.memory_space<vmem>> -> memref<39x2x128xi32, #tpu.memory_space<vmem>>
        %dma_start3A_200 = arith.constant 40 : i32
        %dma_start3A_201 = arith.constant 0 : i32
        %dma_start3A_202 = arith.constant 0 : i32
        %dma_start3A_203 = tpu.memref_slice %arg4[%arg1, %dma_start3A_200, %dma_start3A_201, %dma_start3A_202] : memref<16x79x2x128xi32, #tpu.memory_space<hbm>> -> memref<1x39x2x128xi32, #tpu.memory_space<hbm>>
        %dma_start3A_204 = tpu.memref_squeeze %dma_start3A_203 : memref<1x39x2x128xi32, #tpu.memory_space<hbm>> -> memref<39x2x128xi32, #tpu.memory_space<hbm>>
        %dma_start3A_205 = arith.constant 0 : i32
        %dma_start3A_206 = arith.constant 0 : i32
        %dma_start3A_207 = arith.constant 0 : i32
        %dma_start3A_208 = tpu.memref_slice %arg6[%dma_start3A_205, %dma_start3A_206, %dma_start3A_207] : memref<40x2x128xi32, #tpu.memory_space<vmem>> -> memref<39x2x128xi32, #tpu.memory_space<vmem>>
        %dma_start3A_209 = arith.constant 40 : i32
        %dma_start3A_210 = arith.constant 0 : i32
        %dma_start3A_211 = arith.constant 0 : i32
        %dma_start3A_212 = tpu.memref_slice %arg4[%arg1, %dma_start3A_209, %dma_start3A_210, %dma_start3A_211] : memref<16x79x2x128xi32, #tpu.memory_space<hbm>> -> memref<1x39x2x128xi32, #tpu.memory_space<hbm>>
        %dma_start3A_213 = tpu.memref_squeeze %dma_start3A_212 : memref<1x39x2x128xi32, #tpu.memory_space<hbm>> -> memref<39x2x128xi32, #tpu.memory_space<hbm>>
        tpu.enqueue_dma source(%dma_start3A_213 : memref<39x2x128xi32, #tpu.memory_space<hbm>>) target(%dma_start3A_208 : memref<39x2x128xi32, #tpu.memory_space<vmem>>) target_semaphore(%run_scoped3A : memref<!tpu.dma_semaphore, #tpu.memory_space<semaphore_mem>>)
        %dma_wait3A_214 = arith.constant 0 : i32
        %dma_wait3A_215 = arith.constant 0 : i32
        %dma_wait3A_216 = arith.constant 0 : i32
        %dma_wait3A_217 = tpu.memref_slice %arg6[%dma_wait3A_214, %dma_wait3A_215, %dma_wait3A_216] : memref<40x2x128xi32, #tpu.memory_space<vmem>> -> memref<39x2x128xi32, #tpu.memory_space<vmem>>
        %dma_wait3A_218 = arith.constant 40 : i32
        %dma_wait3A_219 = arith.constant 0 : i32
        %dma_wait3A_220 = arith.constant 0 : i32
        %dma_wait3A_221 = tpu.memref_slice %arg4[%arg1, %dma_wait3A_218, %dma_wait3A_219, %dma_wait3A_220] : memref<16x79x2x128xi32, #tpu.memory_space<hbm>> -> memref<1x39x2x128xi32, #tpu.memory_space<hbm>>
        %dma_wait3A_222 = tpu.memref_squeeze %dma_wait3A_221 : memref<1x39x2x128xi32, #tpu.memory_space<hbm>> -> memref<39x2x128xi32, #tpu.memory_space<hbm>>
        %dma_wait3A_223 = arith.constant 0 : i32
        %dma_wait3A_224 = arith.constant 0 : i32
        %dma_wait3A_225 = arith.constant 0 : i32
        %dma_wait3A_226 = tpu.memref_slice %arg6[%dma_wait3A_223, %dma_wait3A_224, %dma_wait3A_225] : memref<40x2x128xi32, #tpu.memory_space<vmem>> -> memref<39x2x128xi32, #tpu.memory_space<vmem>>
        %dma_wait3A_227 = arith.constant 40 : i32
        %dma_wait3A_228 = arith.constant 0 : i32
        %dma_wait3A_229 = arith.constant 0 : i32
        %dma_wait3A_230 = tpu.memref_slice %arg4[%arg1, %dma_wait3A_227, %dma_wait3A_228, %dma_wait3A_229] : memref<16x79x2x128xi32, #tpu.memory_space<hbm>> -> memref<1x39x2x128xi32, #tpu.memory_space<hbm>>
        %dma_wait3A_231 = tpu.memref_squeeze %dma_wait3A_230 : memref<1x39x2x128xi32, #tpu.memory_space<hbm>> -> memref<39x2x128xi32, #tpu.memory_space<hbm>>
        tpu.wait_dma2 semaphore(%run_scoped3A : memref<!tpu.dma_semaphore, #tpu.memory_space<semaphore_mem>>) src(%dma_wait3A_231 : memref<39x2x128xi32, #tpu.memory_space<hbm>>) dst(%dma_wait3A_226 : memref<39x2x128xi32, #tpu.memory_space<vmem>>)
        tpu.yield
      }) : () -> ()
      %dma_start3A_93 = arith.constant 0 : i32
      %dma_start3A_94 = arith.constant 0 : i32
      %dma_start3A_95 = arith.constant 0 : i32
      %dma_start3A_96 = tpu.memref_slice %arg6[%dma_start3A_93, %dma_start3A_94, %dma_start3A_95] : memref<40x2x128xi32, #tpu.memory_space<vmem>> -> memref<1x1x128xi32, #tpu.memory_space<vmem>>
      %dma_start3A_97 = tpu.memref_squeeze %dma_start3A_96 : memref<1x1x128xi32, #tpu.memory_space<vmem>> -> memref<128xi32, #tpu.memory_space<vmem>>
      %dma_start3A_98 = arith.constant 0 : i32
      %dma_start3A_99 = arith.constant 0 : i32
      %dma_start3A_100 = tpu.memref_slice %arg2[%dma_start3A_98, %dma_start3A_99] : memref<10240x128xf32, #tpu.memory_space<hbm>> -> memref<10240x128xf32, #tpu.memory_space<hbm>>
      tpu.enqueue_indirect_dma source(%dma_start3A_100 : memref<10240x128xf32, #tpu.memory_space<hbm>>) target(%arg7 : memref<128x128xf32, #tpu.memory_space<vmem>>) offsets(%dma_start3A_97 : memref<128xi32, #tpu.memory_space<vmem>>) semaphore(%arg10 : memref<!tpu.dma_semaphore, #tpu.memory_space<semaphore_mem>>)
      %dma_wait3A_101 = arith.constant 0 : i32
      %dma_wait3A_102 = arith.constant 0 : i32
      %dma_wait3A_103 = arith.constant 0 : i32
      %dma_wait3A_104 = tpu.memref_slice %arg6[%dma_wait3A_101, %dma_wait3A_102, %dma_wait3A_103] : memref<40x2x128xi32, #tpu.memory_space<vmem>> -> memref<1x1x128xi32, #tpu.memory_space<vmem>>
      %dma_wait3A_105 = tpu.memref_squeeze %dma_wait3A_104 : memref<1x1x128xi32, #tpu.memory_space<vmem>> -> memref<128xi32, #tpu.memory_space<vmem>>
      %dma_wait3A_106 = arith.constant 0 : i32
      %dma_wait3A_107 = arith.constant 0 : i32
      %dma_wait3A_108 = tpu.memref_slice %arg2[%dma_wait3A_106, %dma_wait3A_107] : memref<10240x128xf32, #tpu.memory_space<hbm>> -> memref<10240x128xf32, #tpu.memory_space<hbm>>
      tpu.wait_indirect_dma semaphore(%arg10 : memref<!tpu.dma_semaphore, #tpu.memory_space<semaphore_mem>>) src(%dma_wait3A_108 : memref<10240x128xf32, #tpu.memory_space<hbm>>) dst(%arg7 : memref<128x128xf32, #tpu.memory_space<vmem>>)
      %dma_start3A_109 = arith.constant 0 : i32
      %dma_start3A_110 = arith.constant 1 : i32
      %dma_start3A_111 = arith.constant 0 : i32
      %dma_start3A_112 = tpu.memref_slice %arg6[%dma_start3A_109, %dma_start3A_110, %dma_start3A_111] : memref<40x2x128xi32, #tpu.memory_space<vmem>> -> memref<1x1x128xi32, #tpu.memory_space<vmem>>
      %dma_start3A_113 = tpu.memref_squeeze %dma_start3A_112 : memref<1x1x128xi32, #tpu.memory_space<vmem>> -> memref<128xi32, #tpu.memory_space<vmem>>
      %dma_start3A_114 = arith.constant 0 : i32
      %dma_start3A_115 = arith.constant 0 : i32
      %dma_start3A_116 = tpu.memref_slice %arg9[%dma_start3A_114, %dma_start3A_115] : memref<10240x128xf32, #tpu.memory_space<vmem_shared>> -> memref<10240x128xf32, #tpu.memory_space<vmem_shared>>
      tpu.enqueue_indirect_dma source(%arg7 : memref<128x128xf32, #tpu.memory_space<vmem>>) target(%dma_start3A_116 : memref<10240x128xf32, #tpu.memory_space<vmem_shared>>) offsets(%dma_start3A_113 : memref<128xi32, #tpu.memory_space<vmem>>) semaphore(%arg12 : memref<!tpu.dma_semaphore, #tpu.memory_space<semaphore_mem>>) {add = true}
      %dma_start3A_117 = arith.constant 1 : i32
      %dma_start3A_118 = arith.constant 0 : i32
      %dma_start3A_119 = arith.constant 0 : i32
      %dma_start3A_120 = tpu.memref_slice %arg6[%dma_start3A_117, %dma_start3A_118, %dma_start3A_119] : memref<40x2x128xi32, #tpu.memory_space<vmem>> -> memref<1x1x128xi32, #tpu.memory_space<vmem>>
      %dma_start3A_121 = tpu.memref_squeeze %dma_start3A_120 : memref<1x1x128xi32, #tpu.memory_space<vmem>> -> memref<128xi32, #tpu.memory_space<vmem>>
      %dma_start3A_122 = arith.constant 0 : i32
      %dma_start3A_123 = arith.constant 0 : i32
      %dma_start3A_124 = tpu.memref_slice %arg2[%dma_start3A_122, %dma_start3A_123] : memref<10240x128xf32, #tpu.memory_space<hbm>> -> memref<10240x128xf32, #tpu.memory_space<hbm>>
      tpu.enqueue_indirect_dma source(%dma_start3A_124 : memref<10240x128xf32, #tpu.memory_space<hbm>>) target(%arg8 : memref<128x128xf32, #tpu.memory_space<vmem>>) offsets(%dma_start3A_121 : memref<128xi32, #tpu.memory_space<vmem>>) semaphore(%arg11 : memref<!tpu.dma_semaphore, #tpu.memory_space<semaphore_mem>>)
      %scan3A_125 = arith.constant 0 : i32
      %scan3A_126 = arith.constant 0 : i32
      %scan3A_127 = arith.constant 18 : i32
      %scan3A_128 = arith.addi %scan3A_126, %scan3A_127 : i32
      %scan3A_129 = arith.constant 1 : i32
      %scan3A_130 = scf.for %scan3A_196 = %scan3A_126 to %scan3A_128 step %scan3A_129 iter_args(%scan3A_197 = %scan3A_125) -> (i32)  : i32 {
        %mul3A_198 = arith.constant 2 : i32
        %mul3A_199 = arith.muli %mul3A_198, %scan3A_196 : i32
        %add3A = arith.constant 1 : i32
        %add3A_200 = arith.addi %mul3A_199, %add3A : i32
        %dma_wait3A_201 = arith.constant 0 : i32
        %dma_wait3A_202 = arith.constant 0 : i32
        %dma_wait3A_203 = arith.constant 0 : i32
        %dma_wait3A_204 = tpu.memref_slice %arg6[%dma_wait3A_201, %dma_wait3A_202, %dma_wait3A_203] : memref<40x2x128xi32, #tpu.memory_space<vmem>> -> memref<1x1x128xi32, #tpu.memory_space<vmem>>
        %dma_wait3A_205 = tpu.memref_squeeze %dma_wait3A_204 : memref<1x1x128xi32, #tpu.memory_space<vmem>> -> memref<128xi32, #tpu.memory_space<vmem>>
        %dma_wait3A_206 = arith.constant 0 : i32
        %dma_wait3A_207 = arith.constant 0 : i32
        %dma_wait3A_208 = tpu.memref_slice %arg2[%dma_wait3A_206, %dma_wait3A_207] : memref<10240x128xf32, #tpu.memory_space<hbm>> -> memref<10240x128xf32, #tpu.memory_space<hbm>>
        tpu.wait_indirect_dma semaphore(%arg11 : memref<!tpu.dma_semaphore, #tpu.memory_space<semaphore_mem>>) src(%dma_wait3A_208 : memref<10240x128xf32, #tpu.memory_space<hbm>>) dst(%arg8 : memref<128x128xf32, #tpu.memory_space<vmem>>)
        %dma_start3A_209 = arith.constant 1 : i32
        %dma_start3A_210 = arith.constant 0 : i32
        %dma_start3A_211 = tpu.memref_slice %arg6[%add3A_200, %dma_start3A_209, %dma_start3A_210] : memref<40x2x128xi32, #tpu.memory_space<vmem>> -> memref<1x1x128xi32, #tpu.memory_space<vmem>>
        %dma_start3A_212 = tpu.memref_squeeze %dma_start3A_211 : memref<1x1x128xi32, #tpu.memory_space<vmem>> -> memref<128xi32, #tpu.memory_space<vmem>>
        %dma_start3A_213 = arith.constant 0 : i32
        %dma_start3A_214 = arith.constant 0 : i32
        %dma_start3A_215 = tpu.memref_slice %arg9[%dma_start3A_213, %dma_start3A_214] : memref<10240x128xf32, #tpu.memory_space<vmem_shared>> -> memref<10240x128xf32, #tpu.memory_space<vmem_shared>>
        tpu.enqueue_indirect_dma source(%arg8 : memref<128x128xf32, #tpu.memory_space<vmem>>) target(%dma_start3A_215 : memref<10240x128xf32, #tpu.memory_space<vmem_shared>>) offsets(%dma_start3A_212 : memref<128xi32, #tpu.memory_space<vmem>>) semaphore(%arg13 : memref<!tpu.dma_semaphore, #tpu.memory_space<semaphore_mem>>) {add = true}
        %dma_wait3A_216 = arith.constant 0 : i32
        %dma_wait3A_217 = arith.constant 1 : i32
        %dma_wait3A_218 = arith.constant 0 : i32
        %dma_wait3A_219 = tpu.memref_slice %arg6[%dma_wait3A_216, %dma_wait3A_217, %dma_wait3A_218] : memref<40x2x128xi32, #tpu.memory_space<vmem>> -> memref<1x1x128xi32, #tpu.memory_space<vmem>>
        %dma_wait3A_220 = tpu.memref_squeeze %dma_wait3A_219 : memref<1x1x128xi32, #tpu.memory_space<vmem>> -> memref<128xi32, #tpu.memory_space<vmem>>
        %dma_wait3A_221 = arith.constant 0 : i32
        %dma_wait3A_222 = arith.constant 0 : i32
        %dma_wait3A_223 = tpu.memref_slice %arg9[%dma_wait3A_221, %dma_wait3A_222] : memref<10240x128xf32, #tpu.memory_space<vmem_shared>> -> memref<10240x128xf32, #tpu.memory_space<vmem_shared>>
        tpu.wait_indirect_dma semaphore(%arg12 : memref<!tpu.dma_semaphore, #tpu.memory_space<semaphore_mem>>) src(%arg7 : memref<128x128xf32, #tpu.memory_space<vmem>>) dst(%dma_wait3A_223 : memref<10240x128xf32, #tpu.memory_space<vmem_shared>>)
        %add3A_224 = arith.constant 1 : i32
        %add3A_225 = arith.addi %add3A_200, %add3A_224 : i32
        %dma_start3A_226 = arith.constant 0 : i32
        %dma_start3A_227 = arith.constant 0 : i32
        %dma_start3A_228 = tpu.memref_slice %arg6[%add3A_225, %dma_start3A_226, %dma_start3A_227] : memref<40x2x128xi32, #tpu.memory_space<vmem>> -> memref<1x1x128xi32, #tpu.memory_space<vmem>>
        %dma_start3A_229 = tpu.memref_squeeze %dma_start3A_228 : memref<1x1x128xi32, #tpu.memory_space<vmem>> -> memref<128xi32, #tpu.memory_space<vmem>>
        %dma_start3A_230 = arith.constant 0 : i32
        %dma_start3A_231 = arith.constant 0 : i32
        %dma_start3A_232 = tpu.memref_slice %arg2[%dma_start3A_230, %dma_start3A_231] : memref<10240x128xf32, #tpu.memory_space<hbm>> -> memref<10240x128xf32, #tpu.memory_space<hbm>>
        tpu.enqueue_indirect_dma source(%dma_start3A_232 : memref<10240x128xf32, #tpu.memory_space<hbm>>) target(%arg7 : memref<128x128xf32, #tpu.memory_space<vmem>>) offsets(%dma_start3A_229 : memref<128xi32, #tpu.memory_space<vmem>>) semaphore(%arg10 : memref<!tpu.dma_semaphore, #tpu.memory_space<semaphore_mem>>)
        %dma_wait3A_233 = arith.constant 0 : i32
        %dma_wait3A_234 = arith.constant 0 : i32
        %dma_wait3A_235 = arith.constant 0 : i32
        %dma_wait3A_236 = tpu.memref_slice %arg6[%dma_wait3A_233, %dma_wait3A_234, %dma_wait3A_235] : memref<40x2x128xi32, #tpu.memory_space<vmem>> -> memref<1x1x128xi32, #tpu.memory_space<vmem>>
        %dma_wait3A_237 = tpu.memref_squeeze %dma_wait3A_236 : memref<1x1x128xi32, #tpu.memory_space<vmem>> -> memref<128xi32, #tpu.memory_space<vmem>>
        %dma_wait3A_238 = arith.constant 0 : i32
        %dma_wait3A_239 = arith.constant 0 : i32
        %dma_wait3A_240 = tpu.memref_slice %arg2[%dma_wait3A_238, %dma_wait3A_239] : memref<10240x128xf32, #tpu.memory_space<hbm>> -> memref<10240x128xf32, #tpu.memory_space<hbm>>
        tpu.wait_indirect_dma semaphore(%arg10 : memref<!tpu.dma_semaphore, #tpu.memory_space<semaphore_mem>>) src(%dma_wait3A_240 : memref<10240x128xf32, #tpu.memory_space<hbm>>) dst(%arg7 : memref<128x128xf32, #tpu.memory_space<vmem>>)
        %add3A_241 = arith.constant 1 : i32
        %add3A_242 = arith.addi %add3A_200, %add3A_241 : i32
        %dma_start3A_243 = arith.constant 1 : i32
        %dma_start3A_244 = arith.constant 0 : i32
        %dma_start3A_245 = tpu.memref_slice %arg6[%add3A_242, %dma_start3A_243, %dma_start3A_244] : memref<40x2x128xi32, #tpu.memory_space<vmem>> -> memref<1x1x128xi32, #tpu.memory_space<vmem>>
        %dma_start3A_246 = tpu.memref_squeeze %dma_start3A_245 : memref<1x1x128xi32, #tpu.memory_space<vmem>> -> memref<128xi32, #tpu.memory_space<vmem>>
        %dma_start3A_247 = arith.constant 0 : i32
        %dma_start3A_248 = arith.constant 0 : i32
        %dma_start3A_249 = tpu.memref_slice %arg9[%dma_start3A_247, %dma_start3A_248] : memref<10240x128xf32, #tpu.memory_space<vmem_shared>> -> memref<10240x128xf32, #tpu.memory_space<vmem_shared>>
        tpu.enqueue_indirect_dma source(%arg7 : memref<128x128xf32, #tpu.memory_space<vmem>>) target(%dma_start3A_249 : memref<10240x128xf32, #tpu.memory_space<vmem_shared>>) offsets(%dma_start3A_246 : memref<128xi32, #tpu.memory_space<vmem>>) semaphore(%arg12 : memref<!tpu.dma_semaphore, #tpu.memory_space<semaphore_mem>>) {add = true}
        %dma_wait3A_250 = arith.constant 0 : i32
        %dma_wait3A_251 = arith.constant 1 : i32
        %dma_wait3A_252 = arith.constant 0 : i32
        %dma_wait3A_253 = tpu.memref_slice %arg6[%dma_wait3A_250, %dma_wait3A_251, %dma_wait3A_252] : memref<40x2x128xi32, #tpu.memory_space<vmem>> -> memref<1x1x128xi32, #tpu.memory_space<vmem>>
        %dma_wait3A_254 = tpu.memref_squeeze %dma_wait3A_253 : memref<1x1x128xi32, #tpu.memory_space<vmem>> -> memref<128xi32, #tpu.memory_space<vmem>>
        %dma_wait3A_255 = arith.constant 0 : i32
        %dma_wait3A_256 = arith.constant 0 : i32
        %dma_wait3A_257 = tpu.memref_slice %arg9[%dma_wait3A_255, %dma_wait3A_256] : memref<10240x128xf32, #tpu.memory_space<vmem_shared>> -> memref<10240x128xf32, #tpu.memory_space<vmem_shared>>
        tpu.wait_indirect_dma semaphore(%arg13 : memref<!tpu.dma_semaphore, #tpu.memory_space<semaphore_mem>>) src(%arg8 : memref<128x128xf32, #tpu.memory_space<vmem>>) dst(%dma_wait3A_257 : memref<10240x128xf32, #tpu.memory_space<vmem_shared>>)
        %add3A_258 = arith.constant 2 : i32
        %add3A_259 = arith.addi %add3A_200, %add3A_258 : i32
        %dma_start3A_260 = arith.constant 0 : i32
        %dma_start3A_261 = arith.constant 0 : i32
        %dma_start3A_262 = tpu.memref_slice %arg6[%add3A_259, %dma_start3A_260, %dma_start3A_261] : memref<40x2x128xi32, #tpu.memory_space<vmem>> -> memref<1x1x128xi32, #tpu.memory_space<vmem>>
        %dma_start3A_263 = tpu.memref_squeeze %dma_start3A_262 : memref<1x1x128xi32, #tpu.memory_space<vmem>> -> memref<128xi32, #tpu.memory_space<vmem>>
        %dma_start3A_264 = arith.constant 0 : i32
        %dma_start3A_265 = arith.constant 0 : i32
        %dma_start3A_266 = tpu.memref_slice %arg2[%dma_start3A_264, %dma_start3A_265] : memref<10240x128xf32, #tpu.memory_space<hbm>> -> memref<10240x128xf32, #tpu.memory_space<hbm>>
        tpu.enqueue_indirect_dma source(%dma_start3A_266 : memref<10240x128xf32, #tpu.memory_space<hbm>>) target(%arg8 : memref<128x128xf32, #tpu.memory_space<vmem>>) offsets(%dma_start3A_263 : memref<128xi32, #tpu.memory_space<vmem>>) semaphore(%arg11 : memref<!tpu.dma_semaphore, #tpu.memory_space<semaphore_mem>>)
        %scan3A_267 = arith.constant 0 : i32
        scf.yield %scan3A_267 : i32
      }
      %scan3A_131 = arith.constant 18 : i32
      %dma_wait3A_132 = arith.constant 0 : i32
      %dma_wait3A_133 = arith.constant 0 : i32
      %dma_wait3A_134 = arith.constant 0 : i32
      %dma_wait3A_135 = tpu.memref_slice %arg6[%dma_wait3A_132, %dma_wait3A_133, %dma_wait3A_134] : memref<40x2x128xi32, #tpu.memory_space<vmem>> -> memref<1x1x128xi32, #tpu.memory_space<vmem>>
      %dma_wait3A_136 = tpu.memref_squeeze %dma_wait3A_135 : memref<1x1x128xi32, #tpu.memory_space<vmem>> -> memref<128xi32, #tpu.memory_space<vmem>>
      %dma_wait3A_137 = arith.constant 0 : i32
      %dma_wait3A_138 = arith.constant 0 : i32
      %dma_wait3A_139 = tpu.memref_slice %arg2[%dma_wait3A_137, %dma_wait3A_138] : memref<10240x128xf32, #tpu.memory_space<hbm>> -> memref<10240x128xf32, #tpu.memory_space<hbm>>
      tpu.wait_indirect_dma semaphore(%arg11 : memref<!tpu.dma_semaphore, #tpu.memory_space<semaphore_mem>>) src(%dma_wait3A_139 : memref<10240x128xf32, #tpu.memory_space<hbm>>) dst(%arg8 : memref<128x128xf32, #tpu.memory_space<vmem>>)
      %dma_start3A_140 = arith.constant 37 : i32
      %dma_start3A_141 = arith.constant 1 : i32
      %dma_start3A_142 = arith.constant 0 : i32
      %dma_start3A_143 = tpu.memref_slice %arg6[%dma_start3A_140, %dma_start3A_141, %dma_start3A_142] : memref<40x2x128xi32, #tpu.memory_space<vmem>> -> memref<1x1x128xi32, #tpu.memory_space<vmem>>
      %dma_start3A_144 = tpu.memref_squeeze %dma_start3A_143 : memref<1x1x128xi32, #tpu.memory_space<vmem>> -> memref<128xi32, #tpu.memory_space<vmem>>
      %dma_start3A_145 = arith.constant 0 : i32
      %dma_start3A_146 = arith.constant 0 : i32
      %dma_start3A_147 = tpu.memref_slice %arg9[%dma_start3A_145, %dma_start3A_146] : memref<10240x128xf32, #tpu.memory_space<vmem_shared>> -> memref<10240x128xf32, #tpu.memory_space<vmem_shared>>
      tpu.enqueue_indirect_dma source(%arg8 : memref<128x128xf32, #tpu.memory_space<vmem>>) target(%dma_start3A_147 : memref<10240x128xf32, #tpu.memory_space<vmem_shared>>) offsets(%dma_start3A_144 : memref<128xi32, #tpu.memory_space<vmem>>) semaphore(%arg13 : memref<!tpu.dma_semaphore, #tpu.memory_space<semaphore_mem>>) {add = true}
      %dma_wait3A_148 = arith.constant 0 : i32
      %dma_wait3A_149 = arith.constant 1 : i32
      %dma_wait3A_150 = arith.constant 0 : i32
      %dma_wait3A_151 = tpu.memref_slice %arg6[%dma_wait3A_148, %dma_wait3A_149, %dma_wait3A_150] : memref<40x2x128xi32, #tpu.memory_space<vmem>> -> memref<1x1x128xi32, #tpu.memory_space<vmem>>
      %dma_wait3A_152 = tpu.memref_squeeze %dma_wait3A_151 : memref<1x1x128xi32, #tpu.memory_space<vmem>> -> memref<128xi32, #tpu.memory_space<vmem>>
      %dma_wait3A_153 = arith.constant 0 : i32
      %dma_wait3A_154 = arith.constant 0 : i32
      %dma_wait3A_155 = tpu.memref_slice %arg9[%dma_wait3A_153, %dma_wait3A_154] : memref<10240x128xf32, #tpu.memory_space<vmem_shared>> -> memref<10240x128xf32, #tpu.memory_space<vmem_shared>>
      tpu.wait_indirect_dma semaphore(%arg12 : memref<!tpu.dma_semaphore, #tpu.memory_space<semaphore_mem>>) src(%arg7 : memref<128x128xf32, #tpu.memory_space<vmem>>) dst(%dma_wait3A_155 : memref<10240x128xf32, #tpu.memory_space<vmem_shared>>)
      %dma_start3A_156 = arith.constant 38 : i32
      %dma_start3A_157 = arith.constant 0 : i32
      %dma_start3A_158 = arith.constant 0 : i32
      %dma_start3A_159 = tpu.memref_slice %arg6[%dma_start3A_156, %dma_start3A_157, %dma_start3A_158] : memref<40x2x128xi32, #tpu.memory_space<vmem>> -> memref<1x1x128xi32, #tpu.memory_space<vmem>>
      %dma_start3A_160 = tpu.memref_squeeze %dma_start3A_159 : memref<1x1x128xi32, #tpu.memory_space<vmem>> -> memref<128xi32, #tpu.memory_space<vmem>>
      %dma_start3A_161 = arith.constant 0 : i32
      %dma_start3A_162 = arith.constant 0 : i32
      %dma_start3A_163 = tpu.memref_slice %arg2[%dma_start3A_161, %dma_start3A_162] : memref<10240x128xf32, #tpu.memory_space<hbm>> -> memref<10240x128xf32, #tpu.memory_space<hbm>>
      tpu.enqueue_indirect_dma source(%dma_start3A_163 : memref<10240x128xf32, #tpu.memory_space<hbm>>) target(%arg7 : memref<128x128xf32, #tpu.memory_space<vmem>>) offsets(%dma_start3A_160 : memref<128xi32, #tpu.memory_space<vmem>>) semaphore(%arg10 : memref<!tpu.dma_semaphore, #tpu.memory_space<semaphore_mem>>)
      %dma_wait3A_164 = arith.constant 0 : i32
      %dma_wait3A_165 = arith.constant 0 : i32
      %dma_wait3A_166 = arith.constant 0 : i32
      %dma_wait3A_167 = tpu.memref_slice %arg6[%dma_wait3A_164, %dma_wait3A_165, %dma_wait3A_166] : memref<40x2x128xi32, #tpu.memory_space<vmem>> -> memref<1x1x128xi32, #tpu.memory_space<vmem>>
      %dma_wait3A_168 = tpu.memref_squeeze %dma_wait3A_167 : memref<1x1x128xi32, #tpu.memory_space<vmem>> -> memref<128xi32, #tpu.memory_space<vmem>>
      %dma_wait3A_169 = arith.constant 0 : i32
      %dma_wait3A_170 = arith.constant 0 : i32
      %dma_wait3A_171 = tpu.memref_slice %arg2[%dma_wait3A_169, %dma_wait3A_170] : memref<10240x128xf32, #tpu.memory_space<hbm>> -> memref<10240x128xf32, #tpu.memory_space<hbm>>
      tpu.wait_indirect_dma semaphore(%arg10 : memref<!tpu.dma_semaphore, #tpu.memory_space<semaphore_mem>>) src(%dma_wait3A_171 : memref<10240x128xf32, #tpu.memory_space<hbm>>) dst(%arg7 : memref<128x128xf32, #tpu.memory_space<vmem>>)
      %dma_start3A_172 = arith.constant 38 : i32
      %dma_start3A_173 = arith.constant 1 : i32
      %dma_start3A_174 = arith.constant 0 : i32
      %dma_start3A_175 = tpu.memref_slice %arg6[%dma_start3A_172, %dma_start3A_173, %dma_start3A_174] : memref<40x2x128xi32, #tpu.memory_space<vmem>> -> memref<1x1x128xi32, #tpu.memory_space<vmem>>
      %dma_start3A_176 = tpu.memref_squeeze %dma_start3A_175 : memref<1x1x128xi32, #tpu.memory_space<vmem>> -> memref<128xi32, #tpu.memory_space<vmem>>
      %dma_start3A_177 = arith.constant 0 : i32
      %dma_start3A_178 = arith.constant 0 : i32
      %dma_start3A_179 = tpu.memref_slice %arg9[%dma_start3A_177, %dma_start3A_178] : memref<10240x128xf32, #tpu.memory_space<vmem_shared>> -> memref<10240x128xf32, #tpu.memory_space<vmem_shared>>
      tpu.enqueue_indirect_dma source(%arg7 : memref<128x128xf32, #tpu.memory_space<vmem>>) target(%dma_start3A_179 : memref<10240x128xf32, #tpu.memory_space<vmem_shared>>) offsets(%dma_start3A_176 : memref<128xi32, #tpu.memory_space<vmem>>) semaphore(%arg12 : memref<!tpu.dma_semaphore, #tpu.memory_space<semaphore_mem>>) {add = true}
      %dma_wait3A_180 = arith.constant 0 : i32
      %dma_wait3A_181 = arith.constant 1 : i32
      %dma_wait3A_182 = arith.constant 0 : i32
      %dma_wait3A_183 = tpu.memref_slice %arg6[%dma_wait3A_180, %dma_wait3A_181, %dma_wait3A_182] : memref<40x2x128xi32, #tpu.memory_space<vmem>> -> memref<1x1x128xi32, #tpu.memory_space<vmem>>
      %dma_wait3A_184 = tpu.memref_squeeze %dma_wait3A_183 : memref<1x1x128xi32, #tpu.memory_space<vmem>> -> memref<128xi32, #tpu.memory_space<vmem>>
      %dma_wait3A_185 = arith.constant 0 : i32
      %dma_wait3A_186 = arith.constant 0 : i32
      %dma_wait3A_187 = tpu.memref_slice %arg9[%dma_wait3A_185, %dma_wait3A_186] : memref<10240x128xf32, #tpu.memory_space<vmem_shared>> -> memref<10240x128xf32, #tpu.memory_space<vmem_shared>>
      tpu.wait_indirect_dma semaphore(%arg12 : memref<!tpu.dma_semaphore, #tpu.memory_space<semaphore_mem>>) src(%arg7 : memref<128x128xf32, #tpu.memory_space<vmem>>) dst(%dma_wait3A_187 : memref<10240x128xf32, #tpu.memory_space<vmem_shared>>)
      %dma_wait3A_188 = arith.constant 0 : i32
      %dma_wait3A_189 = arith.constant 1 : i32
      %dma_wait3A_190 = arith.constant 0 : i32
      %dma_wait3A_191 = tpu.memref_slice %arg6[%dma_wait3A_188, %dma_wait3A_189, %dma_wait3A_190] : memref<40x2x128xi32, #tpu.memory_space<vmem>> -> memref<1x1x128xi32, #tpu.memory_space<vmem>>
      %dma_wait3A_192 = tpu.memref_squeeze %dma_wait3A_191 : memref<1x1x128xi32, #tpu.memory_space<vmem>> -> memref<128xi32, #tpu.memory_space<vmem>>
      %dma_wait3A_193 = arith.constant 0 : i32
      %dma_wait3A_194 = arith.constant 0 : i32
      %dma_wait3A_195 = tpu.memref_slice %arg9[%dma_wait3A_193, %dma_wait3A_194] : memref<10240x128xf32, #tpu.memory_space<vmem_shared>> -> memref<10240x128xf32, #tpu.memory_space<vmem_shared>>
      tpu.wait_indirect_dma semaphore(%arg13 : memref<!tpu.dma_semaphore, #tpu.memory_space<semaphore_mem>>) src(%arg8 : memref<128x128xf32, #tpu.memory_space<vmem>>) dst(%dma_wait3A_195 : memref<10240x128xf32, #tpu.memory_space<vmem_shared>>)
    } else {
    }
    %barrier3A_20 = arith.constant 0 : index
    tpu.barrier barrier_id(%barrier3A_20)
    %mul3A = arith.constant 640 : i32
    %mul3A_21 = arith.muli %arg1, %mul3A : i32
    %mul3A_22 = arith.constant 640 : i32
    %mul3A_23 = arith.muli %arg1, %mul3A_22 : i32
    "tpu.region"() ({
      %run_scoped3A = tpu.sem_alloc : memref<!tpu.dma_semaphore, #tpu.memory_space<semaphore_mem>>
      %dma_start3A = arith.constant 0 : i32
      %dma_start3A_24 = tpu.memref_slice %arg5[%arg0, %mul3A_23, %dma_start3A] : memref<2x10240x128xf32, #tpu.memory_space<hbm>> -> memref<1x640x128xf32, #tpu.memory_space<hbm>>
      %dma_start3A_25 = tpu.memref_squeeze %dma_start3A_24 : memref<1x640x128xf32, #tpu.memory_space<hbm>> -> memref<640x128xf32, #tpu.memory_space<hbm>>
      %dma_start3A_26 = arith.constant 0 : i32
      %dma_start3A_27 = tpu.memref_slice %arg9[%mul3A_21, %dma_start3A_26] : memref<10240x128xf32, #tpu.memory_space<vmem_shared>> -> memref<640x128xf32, #tpu.memory_space<vmem_shared>>
      tpu.enqueue_dma source(%dma_start3A_27 : memref<640x128xf32, #tpu.memory_space<vmem_shared>>) target(%dma_start3A_25 : memref<640x128xf32, #tpu.memory_space<hbm>>) target_semaphore(%run_scoped3A : memref<!tpu.dma_semaphore, #tpu.memory_space<semaphore_mem>>)
      %dma_wait3A = arith.constant 0 : i32
      %dma_wait3A_28 = tpu.memref_slice %arg5[%arg0, %mul3A_23, %dma_wait3A] : memref<2x10240x128xf32, #tpu.memory_space<hbm>> -> memref<1x640x128xf32, #tpu.memory_space<hbm>>
      %dma_wait3A_29 = tpu.memref_squeeze %dma_wait3A_28 : memref<1x640x128xf32, #tpu.memory_space<hbm>> -> memref<640x128xf32, #tpu.memory_space<hbm>>
      %dma_wait3A_30 = arith.constant 0 : i32
      %dma_wait3A_31 = tpu.memref_slice %arg9[%mul3A_21, %dma_wait3A_30] : memref<10240x128xf32, #tpu.memory_space<vmem_shared>> -> memref<640x128xf32, #tpu.memory_space<vmem_shared>>
      tpu.wait_dma2 semaphore(%run_scoped3A : memref<!tpu.dma_semaphore, #tpu.memory_space<semaphore_mem>>) src(%dma_wait3A_31 : memref<640x128xf32, #tpu.memory_space<vmem_shared>>) dst(%dma_wait3A_29 : memref<640x128xf32, #tpu.memory_space<hbm>>)
      tpu.yield
    }) : () -> ()
    return
  }
}

module attributes {stable_mosaic.version = 14 : i64} {
  func.func @_z1_body(%arg0: i32, %arg1: memref<1024x128xf32, #tpu.memory_space<vmem>>, %arg2: memref<1024x128xf32, #tpu.memory_space<vmem>>, %arg3: memref<1024x128xf32, #tpu.memory_space<vmem>>, %arg4: memref<128x128xf32, #tpu.memory_space<vmem>>, %arg5: memref<1024x128xf32, #tpu.memory_space<vmem>>, %arg6: memref<1024x8xf32, #tpu.memory_space<vmem>>) attributes {dimension_semantics = [#tpu.dimension_semantics<arbitrary>], iteration_bounds = array<i64: 10>, scalar_prefetch = 0 : i64, scratch_operands = 0 : i64, tpu.core_type = #tpu.core_type<tc>, window_params = [{transform_indices = @transform_0, window_bounds = array<i64: 1024, 128>}, {transform_indices = @transform_1, window_bounds = array<i64: 1024, 128>}, {transform_indices = @transform_2, window_bounds = array<i64: 1024, 128>}, {pipeline_mode = #tpu.pipeline_mode<synchronous>, transform_indices = @transform_3, window_bounds = array<i64: 128, 128>}, {transform_indices = @transform_4, window_bounds = array<i64: 1024, 128>}, {transform_indices = @transform_5, window_bounds = array<i64: 1024, 8>}]} {
    %get3A = arith.constant 0 : index
    %get3A_0 = arith.constant 0 : index
    %get3A_1 = vector.load %arg1[%get3A, %get3A_0] : memref<1024x128xf32, #tpu.memory_space<vmem>>, vector<1024x128xf32>
    %get3A_2 = arith.constant 0 : index
    %get3A_3 = arith.constant 0 : index
    %get3A_4 = vector.load %arg2[%get3A_2, %get3A_3] : memref<1024x128xf32, #tpu.memory_space<vmem>>, vector<1024x128xf32>
    %slice3A = vector.extract_strided_slice %get3A_1 {offsets = [0, 0], sizes = [1024, 1], strides = [1, 1]} : vector<1024x128xf32> to vector<1024x1xf32>
    %slice3A_5 = vector.extract_strided_slice %get3A_4 {offsets = [0, 0], sizes = [1024, 1], strides = [1, 1]} : vector<1024x128xf32> to vector<1024x1xf32>
    %add3A = arith.addf %slice3A, %slice3A_5 : vector<1024x1xf32>
    %add3A_6 = arith.constant 1.000000e+00 : f32
    %add3A_7 = vector.broadcast %add3A_6 : f32 to vector<1024x1xf32>
    %add3A_8 = arith.addf %add3A, %add3A_7 : vector<1024x1xf32>
    %rsqrt3A = math.rsqrt %add3A_8 : vector<1024x1xf32>
    %get3A_9 = arith.constant 0 : index
    %get3A_10 = arith.constant 0 : index
    %get3A_11 = vector.load %arg3[%get3A_9, %get3A_10] : memref<1024x128xf32, #tpu.memory_space<vmem>>, vector<1024x128xf32>
    %get3A_12 = arith.constant 0 : index
    %get3A_13 = arith.constant 0 : index
    %get3A_14 = vector.load %arg4[%get3A_12, %get3A_13] : memref<128x128xf32, #tpu.memory_space<vmem>>, vector<128x128xf32>
    %dot_general3A = arith.constant dense<0.000000e+00> : vector<1024x128xf32>
    %dot_general3A_15 = tpu.matmul %get3A_11, %get3A_14, %dot_general3A {dimension_numbers = #tpu.dot_dimension_numbers<[1], [0], [0], [1], [0, 0, 1, 1], [], []>, transpose_lhs_hint = false} : vector<1024x128xf32>, vector<128x128xf32>, vector<1024x128xf32> -> vector<1024x128xf32>
    %mul3A = vector.broadcast %rsqrt3A : vector<1024x1xf32> to vector<1024x128xf32>
    %mul3A_16 = arith.mulf %dot_general3A_15, %mul3A : vector<1024x128xf32>
    %swap3A = arith.constant 0 : index
    %swap3A_17 = arith.constant 0 : index
    %swap3A_18 = vector.load %arg5[%swap3A, %swap3A_17] : memref<1024x128xf32, #tpu.memory_space<vmem>>, vector<1024x128xf32>
    tpu.vector_store %arg5[%swap3A, %swap3A_17], %mul3A_16 {strides = array<i32>} : memref<1024x128xf32, #tpu.memory_space<vmem>>, vector<1024x128xf32>,
    %broadcast_in_dim3A = vector.shape_cast %rsqrt3A : vector<1024x1xf32> to vector<1024x1xf32>
    %broadcast_in_dim3A_19 = vector.broadcast %broadcast_in_dim3A : vector<1024x1xf32> to vector<1024x8xf32>
    %swap3A_20 = arith.constant 0 : index
    %swap3A_21 = arith.constant 0 : index
    %swap3A_22 = vector.load %arg6[%swap3A_20, %swap3A_21] : memref<1024x8xf32, #tpu.memory_space<vmem>>, vector<1024x8xf32>
    tpu.vector_store %arg6[%swap3A_20, %swap3A_21], %broadcast_in_dim3A_19 {strides = array<i32>} : memref<1024x8xf32, #tpu.memory_space<vmem>>, vector<1024x8xf32>,
    return
  }
  func.func @transform_0(%arg0: i32) -> (i32, i32) {
    %c0_i32 = arith.constant 0 : i32
    %c0_i32_0 = arith.constant 0 : i32
    return %arg0, %c0_i32 : i32, i32
  }
  func.func @transform_1(%arg0: i32) -> (i32, i32) {
    %c0_i32 = arith.constant 0 : i32
    %c0_i32_0 = arith.constant 0 : i32
    return %arg0, %c0_i32 : i32, i32
  }
  func.func @transform_2(%arg0: i32) -> (i32, i32) {
    %c0_i32 = arith.constant 0 : i32
    %c0_i32_0 = arith.constant 0 : i32
    return %arg0, %c0_i32 : i32, i32
  }
  func.func @transform_3(%arg0: i32) -> (i32, i32) {
    %c0_i32 = arith.constant 0 : i32
    %c0_i32_0 = arith.constant 0 : i32
    %c0_i32_1 = arith.constant 0 : i32
    return %c0_i32, %c0_i32_0 : i32, i32
  }
  func.func @transform_4(%arg0: i32) -> (i32, i32) {
    %c0_i32 = arith.constant 0 : i32
    %c0_i32_0 = arith.constant 0 : i32
    return %arg0, %c0_i32 : i32, i32
  }
  func.func @transform_5(%arg0: i32) -> (i32, i32) {
    %c0_i32 = arith.constant 0 : i32
    %c0_i32_0 = arith.constant 0 : i32
    return %arg0, %c0_i32 : i32, i32
  }
}

module attributes {stable_mosaic.version = 14 : i64} {
  func.func @_mid_body(%arg0: i32, %arg1: memref<1024x8xf32, #tpu.memory_space<vmem>>, %arg2: memref<1024x128xf32, #tpu.memory_space<vmem>>, %arg3: memref<1024x128xf32, #tpu.memory_space<vmem>>, %arg4: memref<1024x128xf32, #tpu.memory_space<vmem>>, %arg5: memref<1x128xf32, #tpu.memory_space<vmem>>, %arg6: memref<128x128xf32, #tpu.memory_space<vmem>>, %arg7: memref<1024x128xf32, #tpu.memory_space<vmem>>) attributes {dimension_semantics = [#tpu.dimension_semantics<arbitrary>], iteration_bounds = array<i64: 10>, scalar_prefetch = 0 : i64, scratch_operands = 0 : i64, tpu.core_type = #tpu.core_type<tc>, window_params = [{transform_indices = @transform_0, window_bounds = array<i64: 1024, 8>}, {transform_indices = @transform_1, window_bounds = array<i64: 1024, 128>}, {transform_indices = @transform_2, window_bounds = array<i64: 1024, 128>}, {transform_indices = @transform_3, window_bounds = array<i64: 1024, 128>}, {pipeline_mode = #tpu.pipeline_mode<synchronous>, transform_indices = @transform_4, window_bounds = array<i64: 1, 128>}, {pipeline_mode = #tpu.pipeline_mode<synchronous>, transform_indices = @transform_5, window_bounds = array<i64: 128, 128>}, {transform_indices = @transform_6, window_bounds = array<i64: 1024, 128>}]} {
    %get3A = arith.constant 0 : index
    %get3A_0 = arith.constant 0 : index
    %get3A_1 = vector.load %arg1[%get3A, %get3A_0] : memref<1024x8xf32, #tpu.memory_space<vmem>>, vector<1024x1xf32>
    %get3A_2 = arith.constant 0 : index
    %get3A_3 = arith.constant 0 : index
    %get3A_4 = vector.load %arg2[%get3A_2, %get3A_3] : memref<1024x128xf32, #tpu.memory_space<vmem>>, vector<1024x128xf32>
    %get3A_5 = arith.constant 0 : index
    %get3A_6 = arith.constant 0 : index
    %get3A_7 = vector.load %arg3[%get3A_5, %get3A_6] : memref<1024x128xf32, #tpu.memory_space<vmem>>, vector<1024x128xf32>
    %add3A = arith.addf %get3A_4, %get3A_7 : vector<1024x128xf32>
    %get3A_8 = arith.constant 0 : index
    %get3A_9 = arith.constant 0 : index
    %get3A_10 = vector.load %arg4[%get3A_8, %get3A_9] : memref<1024x128xf32, #tpu.memory_space<vmem>>, vector<1024x128xf32>
    %add3A_11 = arith.addf %add3A, %get3A_10 : vector<1024x128xf32>
    %mul3A = vector.broadcast %get3A_1 : vector<1024x1xf32> to vector<1024x128xf32>
    %mul3A_12 = arith.mulf %mul3A, %add3A_11 : vector<1024x128xf32>
    %get3A_13 = arith.constant 0 : index
    %get3A_14 = arith.constant 0 : index
    %get3A_15 = vector.load %arg5[%get3A_13, %get3A_14] : memref<1x128xf32, #tpu.memory_space<vmem>>, vector<1x128xf32>
    %add3A_16 = vector.broadcast %get3A_15 : vector<1x128xf32> to vector<1024x128xf32>
    %add3A_17 = arith.addf %mul3A_12, %add3A_16 : vector<1024x128xf32>
    %max3A = arith.constant 0.000000e+00 : f32
    %max3A_18 = vector.broadcast %max3A : f32 to vector<1024x128xf32>
    %max3A_19 = arith.maximumf %add3A_17, %max3A_18 : vector<1024x128xf32>
    %get3A_20 = arith.constant 0 : index
    %get3A_21 = arith.constant 0 : index
    %get3A_22 = vector.load %arg6[%get3A_20, %get3A_21] : memref<128x128xf32, #tpu.memory_space<vmem>>, vector<128x128xf32>
    %dot_general3A = arith.constant dense<0.000000e+00> : vector<1024x128xf32>
    %dot_general3A_23 = tpu.matmul %max3A_19, %get3A_22, %dot_general3A {dimension_numbers = #tpu.dot_dimension_numbers<[1], [0], [0], [1], [0, 0, 1, 1], [], []>, transpose_lhs_hint = false} : vector<1024x128xf32>, vector<128x128xf32>, vector<1024x128xf32> -> vector<1024x128xf32>
    %mul3A_24 = vector.broadcast %get3A_1 : vector<1024x1xf32> to vector<1024x128xf32>
    %mul3A_25 = arith.mulf %dot_general3A_23, %mul3A_24 : vector<1024x128xf32>
    %swap3A = arith.constant 0 : index
    %swap3A_26 = arith.constant 0 : index
    %swap3A_27 = vector.load %arg7[%swap3A, %swap3A_26] : memref<1024x128xf32, #tpu.memory_space<vmem>>, vector<1024x128xf32>
    tpu.vector_store %arg7[%swap3A, %swap3A_26], %mul3A_25 {strides = array<i32>} : memref<1024x128xf32, #tpu.memory_space<vmem>>, vector<1024x128xf32>,
    return
  }
  func.func @transform_0(%arg0: i32) -> (i32, i32) {
    %c0_i32 = arith.constant 0 : i32
    %c0_i32_0 = arith.constant 0 : i32
    return %arg0, %c0_i32 : i32, i32
  }
  func.func @transform_1(%arg0: i32) -> (i32, i32) {
    %c0_i32 = arith.constant 0 : i32
    %c0_i32_0 = arith.constant 0 : i32
    return %arg0, %c0_i32 : i32, i32
  }
  func.func @transform_2(%arg0: i32) -> (i32, i32) {
    %c0_i32 = arith.constant 0 : i32
    %c0_i32_0 = arith.constant 0 : i32
    return %arg0, %c0_i32 : i32, i32
  }
  func.func @transform_3(%arg0: i32) -> (i32, i32) {
    %c0_i32 = arith.constant 0 : i32
    %c0_i32_0 = arith.constant 0 : i32
    return %arg0, %c0_i32 : i32, i32
  }
  func.func @transform_4(%arg0: i32) -> (i32, i32) {
    %c0_i32 = arith.constant 0 : i32
    %c0_i32_0 = arith.constant 0 : i32
    %c0_i32_1 = arith.constant 0 : i32
    return %c0_i32, %c0_i32_0 : i32, i32
  }
  func.func @transform_5(%arg0: i32) -> (i32, i32) {
    %c0_i32 = arith.constant 0 : i32
    %c0_i32_0 = arith.constant 0 : i32
    %c0_i32_1 = arith.constant 0 : i32
    return %c0_i32, %c0_i32_0 : i32, i32
  }
  func.func @transform_6(%arg0: i32) -> (i32, i32) {
    %c0_i32 = arith.constant 0 : i32
    %c0_i32_0 = arith.constant 0 : i32
    return %arg0, %c0_i32 : i32, i32
  }
}

module attributes {stable_mosaic.version = 14 : i64} {
  func.func @_fin_body(%arg0: i32, %arg1: memref<1024x8xf32, #tpu.memory_space<vmem>>, %arg2: memref<1024x128xf32, #tpu.memory_space<vmem>>, %arg3: memref<1024x128xf32, #tpu.memory_space<vmem>>, %arg4: memref<1024x128xf32, #tpu.memory_space<vmem>>, %arg5: memref<1x128xf32, #tpu.memory_space<vmem>>, %arg6: memref<128x64xf32, #tpu.memory_space<vmem>>, %arg7: memref<1x64xf32, #tpu.memory_space<vmem>>, %arg8: memref<1024x64xf32, #tpu.memory_space<vmem>>) attributes {dimension_semantics = [#tpu.dimension_semantics<arbitrary>], iteration_bounds = array<i64: 10>, scalar_prefetch = 0 : i64, scratch_operands = 0 : i64, tpu.core_type = #tpu.core_type<tc>, window_params = [{transform_indices = @transform_0, window_bounds = array<i64: 1024, 8>}, {transform_indices = @transform_1, window_bounds = array<i64: 1024, 128>}, {transform_indices = @transform_2, window_bounds = array<i64: 1024, 128>}, {transform_indices = @transform_3, window_bounds = array<i64: 1024, 128>}, {pipeline_mode = #tpu.pipeline_mode<synchronous>, transform_indices = @transform_4, window_bounds = array<i64: 1, 128>}, {pipeline_mode = #tpu.pipeline_mode<synchronous>, transform_indices = @transform_5, window_bounds = array<i64: 128, 64>}, {pipeline_mode = #tpu.pipeline_mode<synchronous>, transform_indices = @transform_6, window_bounds = array<i64: 1, 64>}, {transform_indices = @transform_7, window_bounds = array<i64: 1024, 64>}]} {
    %get3A = arith.constant 0 : index
    %get3A_0 = arith.constant 0 : index
    %get3A_1 = vector.load %arg1[%get3A, %get3A_0] : memref<1024x8xf32, #tpu.memory_space<vmem>>, vector<1024x1xf32>
    %get3A_2 = arith.constant 0 : index
    %get3A_3 = arith.constant 0 : index
    %get3A_4 = vector.load %arg2[%get3A_2, %get3A_3] : memref<1024x128xf32, #tpu.memory_space<vmem>>, vector<1024x128xf32>
    %get3A_5 = arith.constant 0 : index
    %get3A_6 = arith.constant 0 : index
    %get3A_7 = vector.load %arg3[%get3A_5, %get3A_6] : memref<1024x128xf32, #tpu.memory_space<vmem>>, vector<1024x128xf32>
    %add3A = arith.addf %get3A_4, %get3A_7 : vector<1024x128xf32>
    %get3A_8 = arith.constant 0 : index
    %get3A_9 = arith.constant 0 : index
    %get3A_10 = vector.load %arg4[%get3A_8, %get3A_9] : memref<1024x128xf32, #tpu.memory_space<vmem>>, vector<1024x128xf32>
    %add3A_11 = arith.addf %add3A, %get3A_10 : vector<1024x128xf32>
    %mul3A = vector.broadcast %get3A_1 : vector<1024x1xf32> to vector<1024x128xf32>
    %mul3A_12 = arith.mulf %mul3A, %add3A_11 : vector<1024x128xf32>
    %get3A_13 = arith.constant 0 : index
    %get3A_14 = arith.constant 0 : index
    %get3A_15 = vector.load %arg5[%get3A_13, %get3A_14] : memref<1x128xf32, #tpu.memory_space<vmem>>, vector<1x128xf32>
    %add3A_16 = vector.broadcast %get3A_15 : vector<1x128xf32> to vector<1024x128xf32>
    %add3A_17 = arith.addf %mul3A_12, %add3A_16 : vector<1024x128xf32>
    %max3A = arith.constant 0.000000e+00 : f32
    %max3A_18 = vector.broadcast %max3A : f32 to vector<1024x128xf32>
    %max3A_19 = arith.maximumf %add3A_17, %max3A_18 : vector<1024x128xf32>
    %get3A_20 = arith.constant 0 : index
    %get3A_21 = arith.constant 0 : index
    %get3A_22 = vector.load %arg6[%get3A_20, %get3A_21] : memref<128x64xf32, #tpu.memory_space<vmem>>, vector<128x64xf32>
    %dot_general3A = arith.constant dense<0.000000e+00> : vector<1024x64xf32>
    %dot_general3A_23 = tpu.matmul %max3A_19, %get3A_22, %dot_general3A {dimension_numbers = #tpu.dot_dimension_numbers<[1], [0], [0], [1], [0, 0, 1, 1], [], []>, transpose_lhs_hint = false} : vector<1024x128xf32>, vector<128x64xf32>, vector<1024x64xf32> -> vector<1024x64xf32>
    %get3A_24 = arith.constant 0 : index
    %get3A_25 = arith.constant 0 : index
    %get3A_26 = vector.load %arg7[%get3A_24, %get3A_25] : memref<1x64xf32, #tpu.memory_space<vmem>>, vector<1x64xf32>
    %add3A_27 = vector.broadcast %get3A_26 : vector<1x64xf32> to vector<1024x64xf32>
    %add3A_28 = arith.addf %dot_general3A_23, %add3A_27 : vector<1024x64xf32>
    %swap3A = arith.constant 0 : index
    %swap3A_29 = arith.constant 0 : index
    %swap3A_30 = vector.load %arg8[%swap3A, %swap3A_29] : memref<1024x64xf32, #tpu.memory_space<vmem>>, vector<1024x64xf32>
    tpu.vector_store %arg8[%swap3A, %swap3A_29], %add3A_28 {strides = array<i32>} : memref<1024x64xf32, #tpu.memory_space<vmem>>, vector<1024x64xf32>,
    return
  }
  func.func @transform_0(%arg0: i32) -> (i32, i32) {
    %c0_i32 = arith.constant 0 : i32
    %c0_i32_0 = arith.constant 0 : i32
    return %arg0, %c0_i32 : i32, i32
  }
  func.func @transform_1(%arg0: i32) -> (i32, i32) {
    %c0_i32 = arith.constant 0 : i32
    %c0_i32_0 = arith.constant 0 : i32
    return %arg0, %c0_i32 : i32, i32
  }
  func.func @transform_2(%arg0: i32) -> (i32, i32) {
    %c0_i32 = arith.constant 0 : i32
    %c0_i32_0 = arith.constant 0 : i32
    return %arg0, %c0_i32 : i32, i32
  }
  func.func @transform_3(%arg0: i32) -> (i32, i32) {
    %c0_i32 = arith.constant 0 : i32
    %c0_i32_0 = arith.constant 0 : i32
    return %arg0, %c0_i32 : i32, i32
  }
  func.func @transform_4(%arg0: i32) -> (i32, i32) {
    %c0_i32 = arith.constant 0 : i32
    %c0_i32_0 = arith.constant 0 : i32
    %c0_i32_1 = arith.constant 0 : i32
    return %c0_i32, %c0_i32_0 : i32, i32
  }
  func.func @transform_5(%arg0: i32) -> (i32, i32) {
    %c0_i32 = arith.constant 0 : i32
    %c0_i32_0 = arith.constant 0 : i32
    %c0_i32_1 = arith.constant 0 : i32
    return %c0_i32, %c0_i32_0 : i32, i32
  }
  func.func @transform_6(%arg0: i32) -> (i32, i32) {
    %c0_i32 = arith.constant 0 : i32
    %c0_i32_0 = arith.constant 0 : i32
    %c0_i32_1 = arith.constant 0 : i32
    return %c0_i32, %c0_i32_0 : i32, i32
  }
  func.func @transform_7(%arg0: i32) -> (i32, i32) {
    %c0_i32 = arith.constant 0 : i32
    %c0_i32_0 = arith.constant 0 : i32
    return %arg0, %c0_i32 : i32, i32
  }
}

</mosaic_0001>

<sc_bundles>
// kernel: kernel.11.cloned.1.call-start
scs
__scs_entry_jumppad:
0x0: {  	(pc) =	sbr.rel $0x88, $3  }
0x1: {  	(tag) =	ssettag $0x0;
	lr =	simm.s32 $0x1  }
0x2: {  	[smem:$0x3F99] =	sst lr;
	_ =	strace $0xD0000000  }
0x3: {  	_ = 	snop  }
0x4: {  	_ = 	snop  }
0x5: {  	_ = 	snop  }
0x6: {  	_ = 	snop  }
0x7: {  	_ = 	snop  }
__scs_overlays_trampoline_lowered:
0x8: {  	[smem:$0x3FA8] =	sst s0  }
0x9: {  	[smem:$0x3FA9] =	sst s1  }
0xa: {  	[smem:$0x3FAA] =	sst s2  }
0xb: {  	[smem:$0x3FAB] =	sst s3  }
0xc: {  	[smem:$0x3FAC] =	sst s4  }
0xd: {  	[smem:$0x3FAD] =	sst s5  }
0xe: {  	[smem:$0x3FAE] =	sst s6  }
0xf: {  	[smem:$0x3FAF] =	sst s7  }
0x10: {  	[smem:$0x3FB0] =	sst s8  }
0x11: {  	[smem:$0x3FB1] =	sst s9;
	s0 =	simm.s32 @!p0 $0x0  }
0x12: {  	s1 =	sld [smem:$0x3F97];
	s0 =	simm.s32 @p0 $0x1  }
0x13: {  	[smem:$0x3FB2] =	sst s0;
	s0 =	simm.s32 @!p1 $0x0  }
0x14: {  	s2 =	sld [smem:$0x3F96];
	s0 =	simm.s32 @p1 $0x1  }
0x15: {  	[smem:$0x3FB3] =	sst s0;
	s0 =	simm.s32 @!p2 $0x0  }
0x16: {  	s3 =	sld [smem:$0x3FDB];
	s0 =	simm.s32 @p2 $0x1  }
0x17: {  	s4 =	simm.s32 $0x1BF5;
	[smem:$0x3FB5] =	sst s0  }
0x18: {  	s0 =	sld [smem:$0x3F98];
	_ =	swait.ge [sflag:s4], $0x0  }
0x19: {  	s7 =	sld [smem:$0x3F99]  }
0x1a: {  	s8 =	sadd.s32 $0xFFFFE003, lr  }
0x1b: {  	s9 =	sadd.s32 $0xFFFFFEF7, lr;
	s5 =	simm.s32 $0xFFFFFFFF;
	p2 =	slt.u32 s8, $0xFFFFF086  }
0x1c: {  	p1 =	slt.u32 s9, $0xF7A;
	s5 =	simm.s32 @!p2 $0x0  }
0x1d: {  	s5 =	simm.s32 @p1 $0x1;
	p0 =	seq.s32 s7, s2  }
0x1e: {  	s7 =	smul.u32 @!p0 $0xF7A, s2;
	p2 =	seq.s32 @!p0 s5, $0x0  }
0x1f: {  	s9 =	smul.u32 $0xF7A, s1;
	s8 =	simm.s32 @!p0 $0x1BF5;
	p2 =	por !p2, p0  }
0x20: {  	[sflag:s8] =	ssyncset.s32 @!p0 $0xFFFFF086;
	s6 =	sadd.s32 @!p0 s3, s7;
	s7 =	simm.s32 @!p0 $0x108  }
0x21: {  	s3 =	sadd.s32 s3, s9;
	s6 =	sadd.s32 @!p0 $0x88, s6;
	s7 =	simm.s32 @p2 $0x1082  }
0x22: {  	[simem:s7], [sflag:s8] =	dma.local @!p0 [hbm:s6], $0xF7A  }
0x23: {  	s9 =	sor.u32 $0xD0000000, s2;
	s6 =	simm.s32 $0x108;
	_ =	swait.ge @!p0 [sflag:s8], $0x0  }
0x24: {  	s3 =	sadd.s32 $0x88, s3;
	s6 =	simm.s32 @!p1 $0x1082;
	[sflag:s4] =	ssyncset.s32 $0xFFFFF086  }
0x25: {  	[simem:s6], [sflag:s4] =	dma.local [hbm:s3], $0xF7A  }
0x26: {  	[smem:$0x3F99] =	sst s1;
	(tag) =	ssettag s2;
	_ =	strace s9  }
0x27: {  	s1 =	sld [smem:$0x3FA9]  }
0x28: {  	s2 =	sld [smem:$0x3FAA]  }
0x29: {  	s4 =	sld [smem:$0x3FAC]  }
0x2a: {  	p0 =	seq.s32 s5, $0x0;
	s5 =	sld [smem:$0x3FAD]  }
0x2b: {  	s6 =	sld [smem:$0x3FAE]  }
0x2c: {  	s7 =	sld [smem:$0x3FAF]  }
0x2d: {  	s3 =	simm.s32 $0x108;
	s8 =	sld [smem:$0x3FB0]  }
0x2e: {  	s3 =	simm.s32 @!p0 $0x1082;
	s9 =	sld [smem:$0x3FB1]  }
0x2f: {  	lr =	sadd.s32 s0, s3;
	s0 =	sld [smem:$0x3FA8]  }
0x30: {  	s3 =	sld [smem:$0x3FAB]  }
0x31: {  	[smem:$0x3FB4] =	sst s10  }
0x32: {  	s10 =	sld [smem:$0x3FB2];
	_ =	sdelay $0x3  }
0x33: {  	p0 =	seq.s32 s10, $0x1;
	s10 =	sld [smem:$0x3FB4];
	_ =	sdelay $0x3  }
0x34: {  	[smem:$0x3FB4] =	sst s10  }
0x35: {  	s10 =	sld [smem:$0x3FB3];
	_ =	sdelay $0x3  }
0x36: {  	p1 =	seq.s32 s10, $0x1;
	s10 =	sld [smem:$0x3FB4];
	_ =	sdelay $0x3  }
0x37: {  	[smem:$0x3FB4] =	sst s10  }
0x38: {  	s10 =	sld [smem:$0x3FB5]  }
0x39: {  	_ = 	snop;
	(pc) =	sbr.ind lr, $3  }
0x3a: {  	_ = 	snop  }
0x3b: {  	_ = 	snop  }
0x3c: {  	p2 =	seq.s32 s10, $0x1;
	s10 =	sld [smem:$0x3FB4]  }
0x3d: {  	_ =	shalt  }
0x3e: {  	_ =	shalt  }
0x3f: {  	_ =	shalt  }
0x40: {  	_ =	shalt  }
0x41: {  	_ =	shalt  }
0x42: {  	_ =	shalt  }
0x43: {  	_ =	shalt  }
0x44: {  	_ =	shalt  }
0x45: {  	_ =	shalt  }
0x46: {  	_ =	shalt  }
0x47: {  	_ =	shalt  }
0x48: {  	_ =	shalt  }
0x49: {  	_ =	shalt  }
0x4a: {  	_ =	shalt  }
0x4b: {  	_ =	shalt  }
0x4c: {  	_ =	shalt  }
0x4d: {  	_ =	shalt  }
0x4e: {  	_ =	shalt  }
0x4f: {  	_ =	shalt  }
0x50: {  	_ =	shalt  }
0x51: {  	_ =	shalt  }
0x52: {  	_ =	shalt  }
0x53: {  	_ =	shalt  }
0x54: {  	_ =	shalt  }
0x55: {  	_ =	shalt  }
0x56: {  	_ =	shalt  }
0x57: {  	_ =	shalt  }
0x58: {  	_ =	shalt  }
0x59: {  	_ =	shalt  }
0x5a: {  	_ =	shalt  }
0x5b: {  	_ =	shalt  }
0x5c: {  	_ =	shalt  }
0x5d: {  	_ =	shalt  }
0x5e: {  	_ =	shalt  }
0x5f: {  	_ =	shalt  }
0x60: {  	_ =	shalt  }
0x61: {  	_ =	shalt  }
0x62: {  	_ =	shalt  }
0x63: {  	_ =	shalt  }
0x64: {  	_ =	shalt  }
0x65: {  	_ =	shalt  }
0x66: {  	_ =	shalt  }
0x67: {  	_ =	shalt  }
0x68: {  	_ =	shalt  }
0x69: {  	_ =	shalt  }
0x6a: {  	_ =	shalt  }
0x6b: {  	_ =	shalt  }
0x6c: {  	_ =	shalt  }
0x6d: {  	_ =	shalt  }
0x6e: {  	_ =	shalt  }
0x6f: {  	_ =	shalt  }
0x70: {  	_ =	shalt  }
0x71: {  	_ =	shalt  }
0x72: {  	_ =	shalt  }
0x73: {  	_ =	shalt  }
0x74: {  	_ =	shalt  }
0x75: {  	_ =	shalt  }
0x76: {  	_ =	shalt  }
0x77: {  	_ =	shalt  }
0x78: {  	_ =	shalt  }
0x79: {  	_ =	shalt  }
0x7a: {  	_ =	shalt  }
0x7b: {  	_ =	shalt  }
0x7c: {  	_ =	shalt  }
0x7d: {  	_ =	shalt  }
0x7e: {  	_ =	shalt  }
0x7f: {  	_ =	shalt  }
0x80: {  	_ =	shalt  }
0x81: {  	_ =	shalt  }
0x82: {  	_ =	shalt  }
0x83: {  	_ =	shalt  }
0x84: {  	_ =	shalt  }
0x85: {  	_ =	shalt  }
0x86: {  	_ =	shalt  }
0x87: {  	_ =	shalt  }
.Lfunc_end0:
.L_simem_size_0:
called_computation.1_lowered:
.L_overlay_start_0:
0x88: {  	s2 =	sld [smem:$0x3FD9]  }
0x89: {  	s3 =	sld [smem:$0x3FFE];
	_ =	sdelay $0x1  }
0x8a: {  	s1 =	srdreg.scid  }
0x8b: {  	s0 =	sand.u32 $0x1, s1  }
0x8c: {  	s16 =	sshll.u32 s0, $0xA;
	s2 =	sadd.s32 s3, s2  }
0x8d: {  	s2 =	sadd.s32 s2, s16  }
0x8e: {  	[smem:$0x3FC0] =	sst s2  }
0x8f: {  	_ = 	snop  }
0x90: {  	(tm) =	ssettm $0x1  }
0x91: {  	s17 =	sld [smem:$0x3FFB];
	_ =	sdelay $0x3  }
0x92: {  	_ =	strace s17  }
0x93: {  	s2 =	sld [smem:$0x3FFC];
	_ =	sdelay $0x3  }
0x94: {  	_ =	strace s2  }
0x95: {  	s2 =	sld [smem:$0x3FFD];
	_ =	sdelay $0x3  }
0x96: {  	_ =	strace s2  }
0x97: {  	_ =	strace $0x8FFFFFFF  }
0x98: {  	s18 =	sld [smem:$0x3FDB];
	_ =	sdelay $0x1  }
0x99: {  	s19 =	simm.s32 $_scs_section_size  }
0x9a: {  	s4 =	simm.s32 $_size__tile_overlayer_lowered;
	s5 =	simm.s32 $_tile_overlayer_lowered  }
0x9b: {  	s22 =	simm.s32 $0x1BFF;
	s21 =	sshll.u32 s5, $0x1;
	s2 =	sadd.s32 s19, s18  }
0x9c: {  	s6 =	simm.s32 $0x0;
	s20 =	sshll.u32 s4, $0x1;
	s4 =	sadd.s32 s21, s2  }
0x9d: {  	[timem:s6], [sflag:s22] =	dma.local [hbm:s4], s20  }
0x9e: {  	_ =	swait.ge [sflag:s22], s20  }
0x9f: {  	s3 =	ssub.s32 $0x0, s20;
	[sflag:s22] =	ssyncset.done $0x0  }
0xa0: {  	[sflag:s22] =	ssyncadd.s32 s3;
	_ =	sdelay $0x1  }
0xa1: {  	s23 =	simm.s32 $0x1B8B  }
0xa2: {  	_ =	swait.ge [sflag:s23], $0x1  }
0xa3: {  	[sflag:s23] =	ssyncset.done $0x0  }
0xa4: {  	s25 =	simm.s32 $0x1B8E;
	s24 =	sld [smem:$0x3FFE];
	[sflag:s23] =	ssyncadd.s32 $0xFFFFFFFF  }
0xa5: {  	s26 =	simm.s32 $execute0_lowered;
	[smem:$0x3FD2] =	sst s25  }
0xa6: {  	s4 =	sshll.u32 s26, $0x1;
	_ =	strace $0x80000049;
	[dreg:$0x1] =	wrdreg $0xFFFFFFFF  }
0xa7: {  	s28 =	simm.s32 $_size_execute0_lowered;
	s2 =	sadd.s32 s2, s4;
	[dreg:$0x0] =	wrdreg $0x0  }
0xa8: {  	s4 =	sshll.u32 s28, $0x1;
	[dreg:$0x2] =	wrdreg s2  }
0xa9: {  	[dreg:$0x3] =	wrdreg s4  }
0xaa: {  	[dreg:$0x4] =	wrdreg $0xC0  }
0xab: {  	_ =	task [dreg:s6], $0x5FFFF  }
0xac: {  	[dreg:$0x1] =	wrdreg $0xFFFFFFFF  }
0xad: {  	[dreg:$0x0] =	wrdreg $0x60  }
0xae: {  	[dreg:$0x2] =	wrdreg s24  }
0xaf: {  	[dreg:$0x3] =	wrdreg $0xA8000  }
0xb0: {  	[dreg:$0x4] =	wrdreg $0x9  }
0xb1: {  	_ =	task.clear_ibuf [dreg:s6], $0x5FFFF;
	_ =	strace $0x90000049  }
0xb2: {  	s29 =	simm.s32 $0x9;
	_ =	strace $0x8000004B  }
0xb3: {  	_ =	swait.ge [sflag:s29], $0x1  }
0xb4: {  	[sflag:s29] =	ssyncadd.s32 $0xFFFFFFFF  }
0xb5: {  	_ =	strace $0x9000004B  }
0xb6: {  	_ =	sfence  }
0xb7: {  	s30 =	sld [smem:$0x0];
	_ =	sdelay $0x2  }
0xb8: {  	s31 =	sshll.u32 s1, $0xD;
	s1 =	sshrl.u32 s1, $0x2  }
0xb9: {  	s3 =	sand.u32 $0x4000, s31;
	s1 =	sadd.s32 s1, s30  }
0xba: {  	s0 =	sor.u32 s3, s0;
	s1 =	sshll.u32 s1, $0x11  }
0xbb: {  	s0 =	sor.u32 s1, s0  }
0xbc: {  	s0 =	sadd.s32 $0x8F2B, s0  }
0xbd: {  	[sflag:s0] =	ssyncadd.remote.s32 $0x1  }
0xbe: {  	_ =	sfence.sel $0xFFFF  }
0xbf: {  	[dreg:$0x0] =	wrdreg $0xFFFFFFFF;
	(pc) =	sbr.abs _section_cstart, $3  }
0xc0: {  	[dreg:$0x1] =	wrdreg $0xFFFFFFFF  }
0xc1: {  	_ =	task.clear_ibuf [dreg:s6], $0x2FFFF;
	_ =	strace $0x9FFFFFFF  }
0xc2: {  	(tm) =	ssettm $0x7FFFFFFF  }
0xc3: {  	_ =	shalt  }
tec
execute0_lowered:
.L_overlay_start_1:
0x0: {  	(tag) =	ssettag $0x1  }
0x1: {  	s0 =	rddreg [dreg:$0x0]  }
0x2: {  	s1 =	rddreg [dreg:$0x1];
	s2 =	srdreg.scid;
	s3 =	simm.s32 $0x0  }
0x3: {  	s16 =	simm.s32 $0x2800;
	s17 =	simm.s32 $0x5;
	s18 =	simm.s32 $0x80  }
0x4: {  	s19 =	simm.s32 $0x1;
	s20 =	simm.s32 $0x100;
	s21 =	simm.s32 $0x6800  }
0x5: {  	s22 =	simm.s32 $0x2;
	s28 =	simm.s32 $0x2600;
	s29 =	simm.s32 $0x2680  }
0x6: {  	s30 =	simm.s32 $0x0;
	s6 =	sand.u32 $0x1, s2;
	s2 =	stileid.u32  }
0x7: {  	[smem:$0x7FF] =	sst s3;
	s4 =	sadd.s32 $0x2800, s0;
	s5 =	smul.u32 $0x140000, s6  }
0x8: {  	s8 =	sadd.s32 $0x52800, s0;
	s11 =	sadd.s32 $0x5C600, s0;
	s7 =	smul.u32 $0x14000, s2  }
0x9: {  	_ =	strace $0x8000004A;
	s23 =	smul.u32 $0x50000, s2;
	s9 =	ssub.s32 $0x2, s6  }
0xa: {  	s10 =	smul.u32 $0x4F00, s2;
	p0 =	seq.s32 s6, $0x1;
	s24 =	sshrl.u32 s9, $0x1  }
0xb: {  	s5 =	sadd.s32 s7, s5;
	s12 =	ssub.s32 s9, s24;
	s25 =	sshrl.u32 s23, $0x2  }
0xc: {  	s26 =	sshrl.u32 s10, $0x3;
	s23 =	simm.s32 $0x3;
	s24 =	simm.s32 $0x4  }
0xd: {  	s5 =	sshrl.u32 s5, $0x3;
	s10 =	sadd.s32 $0x500, s26;
	s31 =	sadd.s32 s8, s26  }
.Ltmp0:
0xe: {  	s0 =	sadd.s32 s5, s0;
	s5 =	sadd.s32 s25, s1;
	(pc) =	sbr.rel .LBB2_1-.Ltmp0, $4  }
0xf: {  	[dreg:$0x3] =	wrdreg s31;
	s7 =	sadd.s32 s8, s10;
	s8 =	sadd.s32 s11, s26  }
0x10: {  	s9 =	sadd.s32 s11, s10;
	s11 =	smax.u32 s12, $0x1;
	s25 =	simm.s32 $0x2780  }
0x11: {  	s26 =	simm.s32 $0x2580;
	s10 =	sadd.s32 $0x66400, s0;
	s12 =	sadd.s32 $0x4000, s5  }
0x12: {  	v0 =	vimm.f32 $0.0e+00;
	s13 =	sadd.s32 $0x8000, s5;
	s14 =	sadd.s32 $0xC000, s5;
	s15 =	sadd.s32 $0x10000, s5  }
.LBB2_8:
0x13: {  	[tilespmem:s21], [sflag:$0x2] =	stream.indirect.gather [hbm4b:s4+s18], $0x80, s0, s18, $0xb8;
	[tilespmem:$0x1E800] =	vst v63  }
.LBB2_14:
0x14: {  	_ =	swait.ge [sflag:s22], $0x4000  }
0x15: {  	[sflag:s22] =	ssyncset.done $0x0  }
0x16: {  	[sflag:s22] =	ssyncadd.s32 $0xFFFFC000  }
0x17: {  	[spmem:s1] =	stream.indirect.scatter.add.f32 [tilespmem:s21], [sflag:$0x4], $0x80, s26, s18, $0xb8;
	[tilespmem:$0x1E800] =	vst v63  }
0x18: {  	_ =	swait.ge [sflag:s23], $0x4000  }
0x19: {  	[sflag:s23] =	ssyncset.done $0x0  }
0x1a: {  	[sflag:s23] =	ssyncadd.s32 $0xFFFFC000  }
0x1b: {  	[tilespmem:s16], [sflag:$0x1] =	stream.indirect.gather [hbm4b:s4+s18], $0x80, s28, s18, $0xb8;
	[tilespmem:$0x1E800] =	vst v63  }
0x1c: {  	_ =	swait.ge [sflag:s19], $0x4000  }
0x1d: {  	[sflag:s19] =	ssyncset.done $0x0  }
0x1e: {  	[sflag:s19] =	ssyncadd.s32 $0xFFFFC000  }
0x1f: {  	[spmem:s1] =	stream.indirect.scatter.add.f32 [tilespmem:s16], [sflag:$0x3], $0x80, s29, s18, $0xb8;
	[tilespmem:$0x1E800] =	vst v63  }
0x20: {  	_ =	swait.ge [sflag:s23], $0x4000  }
0x21: {  	[sflag:s23] =	ssyncset.done $0x0  }
0x22: {  	[sflag:s23] =	ssyncadd.s32 $0xFFFFC000  }
0x23: {  	_ =	swait.ge [sflag:s24], $0x4000  }
0x24: {  	s0 =	sshll.u32 s2, $0x6;
	s30 =	sadd.s32 $0x1, s30;
	[sflag:s24] =	ssyncset.done $0x0  }
0x25: {  	s6 =	sshrl.u32 s5, $0x3;
	p1 =	sne.s32 s30, s11;
	[sflag:s24] =	ssyncadd.s32 $0xFFFFC000  }
.Ltmp1:
0x26: {  	s0 =	sor.u32 $0x1C05, s0;
	[bflag:$0x0] =	sbarrier.arrive $0xFFFF;
	(pc) =	sbr.rel @!p1 .LBB2_15-.Ltmp1, $4  }
0x27: {  	[hbm:s10], [sflag:s0] =	dma.local [spmem:s6], $0x2800  }
0x28: {  	_ =	swait.ge [sflag:s17], $0x2800  }
0x29: {  	[sflag:s17] =	ssyncset.done $0x0  }
0x2a: {  	[sflag:s17] =	ssyncadd.s32 $0xFFFFD800  }
.LBB2_1:
0x2b: {  	s31 =	simm.s32 $0x0;
	s0 =	simm.s32 $0x200  }
.LBB2_2:
0x2c: {  	p1 =	sne.s32 s0, $0xFE00;
	[tilespmem:s31+$0x2870] =	vst v0  }
0x2d: {  	[tilespmem:s31+$0x2800] =	vst v0  }
0x2e: {  	[tilespmem:s31+$0x2810] =	vst v0  }
.Ltmp2:
0x2f: {  	[tilespmem:s31+$0x2820] =	vst v0;
	(pc) =	sbr.rel @p1 .LBB2_2-.Ltmp2, $4  }
0x30: {  	[tilespmem:s31+$0x2830] =	vst v0  }
0x31: {  	[tilespmem:s31+$0x2840] =	vst v0  }
0x32: {  	[tilespmem:s31+$0x2850] =	vst v0  }
0x33: {  	[tilespmem:s31+$0x2860] =	vst v0;
	s31 =	sshra.s32 s0, $0x2;
	s0 =	sadd.s32 $0x200, s0  }
0x34: {  	[tilespmem:s31+$0x2870] =	vst v0  }
0x35: {  	[tilespmem:s31+$0x2800] =	vst v0  }
0x36: {  	[tilespmem:s31+$0x2810] =	vst v0  }
0x37: {  	[tilespmem:s31+$0x2820] =	vst v0  }
0x38: {  	[tilespmem:s31+$0x2830] =	vst v0  }
0x39: {  	[tilespmem:s31+$0x2840] =	vst v0  }
0x3a: {  	[tilespmem:s31+$0x2850] =	vst v0  }
0x3b: {  	[tilespmem:s31+$0x2860] =	vst v0  }
0x3c: {  	[spmem:s5] =	stream.linear.scatter [tilespmem:s16], [sflag:$0x5], $0x4000, $0x38;
	[tilespmem:$0x1E800] =	vst v63  }
0x3d: {  	_ =	swait.ge [sflag:s17], $0x4000  }
0x3e: {  	[sflag:s17] =	ssyncset.done $0x0  }
0x3f: {  	[sflag:s17] =	ssyncadd.s32 $0xFFFFC000  }
0x40: {  	[spmem:s12] =	stream.linear.scatter [tilespmem:s16], [sflag:$0x5], $0x4000, $0x38;
	[tilespmem:$0x1E800] =	vst v63  }
0x41: {  	_ =	swait.ge [sflag:s17], $0x4000  }
0x42: {  	[sflag:s17] =	ssyncset.done $0x0  }
0x43: {  	[sflag:s17] =	ssyncadd.s32 $0xFFFFC000  }
0x44: {  	[spmem:s13] =	stream.linear.scatter [tilespmem:s16], [sflag:$0x5], $0x4000, $0x38;
	[tilespmem:$0x1E800] =	vst v63  }
0x45: {  	_ =	swait.ge [sflag:s17], $0x4000  }
0x46: {  	[sflag:s17] =	ssyncset.done $0x0  }
0x47: {  	[sflag:s17] =	ssyncadd.s32 $0xFFFFC000  }
0x48: {  	[spmem:s14] =	stream.linear.scatter [tilespmem:s16], [sflag:$0x5], $0x4000, $0x38;
	[tilespmem:$0x1E800] =	vst v63  }
0x49: {  	_ =	swait.ge [sflag:s17], $0x4000  }
0x4a: {  	[sflag:s17] =	ssyncset.done $0x0  }
0x4b: {  	[sflag:s17] =	ssyncadd.s32 $0xFFFFC000  }
0x4c: {  	[spmem:s15] =	stream.linear.scatter [tilespmem:s16], [sflag:$0x5], $0x4000, $0x38;
	[tilespmem:$0x1E800] =	vst v63  }
.Ltmp3:
0x4d: {  	_ =	swait.ge [sflag:s17], $0x4000;
	(pc) =	sbr.rel @!p0 .LBB2_4-.Ltmp3, $3  }
0x4e: {  	[sflag:s17] =	ssyncset.done $0x0  }
0x4f: {  	[sflag:s17] =	ssyncadd.s32 $0xFFFFC000  }
0x50: {  	[bflag:$0x0] =	sbarrier.arrive $0xFFFF;
	_ =	sdelay $0x1  }
0x51: {  	[tilespmem:s3], [sflag:$0x5] =	stream.linear.gather [hbm4b:s8+s3], $0x2800, $0x38;
	[tilespmem:$0x1E800] =	vst v63  }
0x52: {  	_ =	swait.ge [sflag:s17], $0x2800  }
0x53: {  	[sflag:s17] =	ssyncset.done $0x0  }
0x54: {  	[sflag:s17] =	ssyncadd.s32 $0xFFFFD800  }
0x55: {  	[tilespmem:s16], [sflag:$0x1] =	stream.indirect.gather [hbm4b:s4+s18], $0x80, s3, s18, $0xb8;
	[tilespmem:$0x1E800] =	vst v63  }
0x56: {  	_ =	swait.ge [sflag:s19], $0x4000  }
0x57: {  	[sflag:s19] =	ssyncset.done $0x0  }
0x58: {  	[sflag:s19] =	ssyncadd.s32 $0xFFFFC000  }
0x59: {  	[spmem:s1] =	stream.indirect.scatter.add.f32 [tilespmem:s16], [sflag:$0x3], $0x80, s18, s18, $0xb8;
	[tilespmem:$0x1E800] =	vst v63  }
0x5a: {  	_ = 	snop  }
0x5b: {  	[tilespmem:s21], [sflag:$0x2] =	stream.indirect.gather [hbm4b:s4+s18], $0x80, s20, s18, $0xb8;
	[tilespmem:$0x1E800] =	vst v63  }
0x5c: {  	_ =	swait.ge [sflag:s22], $0x4000  }
0x5d: {  	[sflag:s22] =	ssyncset.done $0x0  }
0x5e: {  	s0 =	simm.s32 $0x180;
	[sflag:s22] =	ssyncadd.s32 $0xFFFFC000  }
0x5f: {  	[spmem:s1] =	stream.indirect.scatter.add.f32 [tilespmem:s21], [sflag:$0x4], $0x80, s0, s18, $0xb8;
	[tilespmem:$0x1E800] =	vst v63  }
0x60: {  	_ =	swait.ge [sflag:s23], $0x4000  }
0x61: {  	[sflag:s23] =	ssyncset.done $0x0  }
0x62: {  	s6 =	simm.s32 $0x200;
	[sflag:s23] =	ssyncadd.s32 $0xFFFFC000  }
0x63: {  	[tilespmem:s16], [sflag:$0x1] =	stream.indirect.gather [hbm4b:s4+s18], $0x80, s6, s18, $0xb8;
	[tilespmem:$0x1E800] =	vst v63  }
0x64: {  	_ =	swait.ge [sflag:s19], $0x4000  }
0x65: {  	[sflag:s19] =	ssyncset.done $0x0  }
0x66: {  	s6 =	simm.s32 $0x280;
	[sflag:s19] =	ssyncadd.s32 $0xFFFFC000  }
0x67: {  	[spmem:s1] =	stream.indirect.scatter.add.f32 [tilespmem:s16], [sflag:$0x3], $0x80, s6, s18, $0xb8;
	[tilespmem:$0x1E800] =	vst v63  }
0x68: {  	_ =	swait.ge [sflag:s24], $0x4000  }
0x69: {  	[sflag:s24] =	ssyncset.done $0x0  }
0x6a: {  	s31 =	simm.s32 $0xFFFF7000;
	s0 =	simm.s32 $0x300;
	[sflag:s24] =	ssyncadd.s32 $0xFFFFC000  }
.LBB2_10:
0x6b: {  	[tilespmem:s21], [sflag:$0x2] =	stream.indirect.gather [hbm4b:s4+s18], $0x80, s0, s18, $0xb8;
	[tilespmem:$0x1E800] =	vst v63  }
0x6c: {  	s0 =	smov.u32 s31  }
0x6d: {  	p1 =	sne.s32 s31, $0xFFFFF800;
	s31 =	sadd.s32 $0x800, s31;
	_ =	swait.ge [sflag:s22], $0x4000  }
0x6e: {  	s0 =	sshra.s32 s0, $0x2;
	[sflag:s22] =	ssyncset.done $0x0  }
0x6f: {  	s6 =	sadd.s32 $0x2780, s0;
	[sflag:s22] =	ssyncadd.s32 $0xFFFFC000  }
0x70: {  	[spmem:s1] =	stream.indirect.scatter.add.f32 [tilespmem:s21], [sflag:$0x4], $0x80, s6, s18, $0xb8;
	[tilespmem:$0x1E800] =	vst v63  }
0x71: {  	_ =	swait.ge [sflag:s23], $0x4000  }
0x72: {  	[sflag:s23] =	ssyncset.done $0x0  }
0x73: {  	s6 =	sadd.s32 $0x2800, s0;
	[sflag:s23] =	ssyncadd.s32 $0xFFFFC000  }
0x74: {  	[tilespmem:s16], [sflag:$0x1] =	stream.indirect.gather [hbm4b:s4+s18], $0x80, s6, s18, $0xb8;
	[tilespmem:$0x1E800] =	vst v63  }
0x75: {  	_ =	swait.ge [sflag:s19], $0x4000  }
0x76: {  	[sflag:s19] =	ssyncset.done $0x0  }
.Ltmp4:
0x77: {  	s6 =	sadd.s32 $0x2880, s0;
	[sflag:s19] =	ssyncadd.s32 $0xFFFFC000;
	(pc) =	sbr.rel @p1 .LBB2_10-.Ltmp4, $4  }
0x78: {  	[spmem:s1] =	stream.indirect.scatter.add.f32 [tilespmem:s16], [sflag:$0x3], $0x80, s6, s18, $0xb8;
	[tilespmem:$0x1E800] =	vst v63  }
0x79: {  	_ =	swait.ge [sflag:s24], $0x4000  }
0x7a: {  	[sflag:s24] =	ssyncset.done $0x0  }
0x7b: {  	s0 =	sadd.s32 $0x2900, s0;
	[sflag:s24] =	ssyncadd.s32 $0xFFFFC000  }
0x7c: {  	[tilespmem:s21], [sflag:$0x2] =	stream.indirect.gather [hbm4b:s4+s18], $0x80, s0, s18, $0xb8;
	[tilespmem:$0x1E800] =	vst v63  }
0x7d: {  	_ =	swait.ge [sflag:s22], $0x4000  }
0x7e: {  	[sflag:s22] =	ssyncset.done $0x0  }
0x7f: {  	[sflag:s22] =	ssyncadd.s32 $0xFFFFC000  }
0x80: {  	[spmem:s1] =	stream.indirect.scatter.add.f32 [tilespmem:s21], [sflag:$0x4], $0x80, s25, s18, $0xb8;
	[tilespmem:$0x1E800] =	vst v63  }
0x81: {  	_ =	swait.ge [sflag:s23], $0x4000  }
0x82: {  	[sflag:s23] =	ssyncset.done $0x0  }
0x83: {  	[sflag:s23] =	ssyncadd.s32 $0xFFFFC000  }
0x84: {  	_ =	swait.ge [sflag:s24], $0x4000  }
0x85: {  	[sflag:s24] =	ssyncset.done $0x0  }
0x86: {  	[sflag:s24] =	ssyncadd.s32 $0xFFFFC000  }
0x87: {  	[tilespmem:s3], [sflag:$0x5] =	stream.linear.gather [hbm4b:s9+s3], $0x2700, $0x38;
	[tilespmem:$0x1E800] =	vst v63  }
0x88: {  	_ =	swait.ge [sflag:s17], $0x2700  }
0x89: {  	[sflag:s17] =	ssyncset.done $0x0  }
0x8a: {  	[sflag:s17] =	ssyncadd.s32 $0xFFFFD900  }
0x8b: {  	[tilespmem:s16], [sflag:$0x1] =	stream.indirect.gather [hbm4b:s4+s18], $0x80, s3, s18, $0xb8;
	[tilespmem:$0x1E800] =	vst v63  }
0x8c: {  	_ =	swait.ge [sflag:s19], $0x4000  }
0x8d: {  	[sflag:s19] =	ssyncset.done $0x0  }
0x8e: {  	[sflag:s19] =	ssyncadd.s32 $0xFFFFC000  }
0x8f: {  	[spmem:s1] =	stream.indirect.scatter.add.f32 [tilespmem:s16], [sflag:$0x3], $0x80, s18, s18, $0xb8;
	[tilespmem:$0x1E800] =	vst v63  }
0x90: {  	_ = 	snop  }
0x91: {  	[tilespmem:s21], [sflag:$0x2] =	stream.indirect.gather [hbm4b:s4+s18], $0x80, s20, s18, $0xb8;
	[tilespmem:$0x1E800] =	vst v63  }
0x92: {  	_ =	swait.ge [sflag:s22], $0x4000  }
0x93: {  	[sflag:s22] =	ssyncset.done $0x0  }
0x94: {  	s6 =	simm.s32 $0x180;
	[sflag:s22] =	ssyncadd.s32 $0xFFFFC000  }
0x95: {  	[spmem:s1] =	stream.indirect.scatter.add.f32 [tilespmem:s21], [sflag:$0x4], $0x80, s6, s18, $0xb8;
	[tilespmem:$0x1E800] =	vst v63  }
0x96: {  	_ =	swait.ge [sflag:s23], $0x4000  }
0x97: {  	[sflag:s23] =	ssyncset.done $0x0  }
0x98: {  	s6 =	simm.s32 $0x200;
	[sflag:s23] =	ssyncadd.s32 $0xFFFFC000  }
0x99: {  	[tilespmem:s16], [sflag:$0x1] =	stream.indirect.gather [hbm4b:s4+s18], $0x80, s6, s18, $0xb8;
	[tilespmem:$0x1E800] =	vst v63  }
0x9a: {  	_ =	swait.ge [sflag:s19], $0x4000  }
0x9b: {  	[sflag:s19] =	ssyncset.done $0x0  }
0x9c: {  	s6 =	simm.s32 $0x280;
	[sflag:s19] =	ssyncadd.s32 $0xFFFFC000  }
0x9d: {  	[spmem:s1] =	stream.indirect.scatter.add.f32 [tilespmem:s16], [sflag:$0x3], $0x80, s6, s18, $0xb8;
	[tilespmem:$0x1E800] =	vst v63  }
0x9e: {  	_ =	swait.ge [sflag:s24], $0x4000  }
0x9f: {  	[sflag:s24] =	ssyncset.done $0x0  }
0xa0: {  	s31 =	simm.s32 $0xFFFF7800;
	s0 =	simm.s32 $0x300;
	[sflag:s24] =	ssyncadd.s32 $0xFFFFC000  }
.LBB2_12:
0xa1: {  	[tilespmem:s21], [sflag:$0x2] =	stream.indirect.gather [hbm4b:s4+s18], $0x80, s0, s18, $0xb8;
	[tilespmem:$0x1E800] =	vst v63  }
0xa2: {  	s0 =	smov.u32 s31  }
0xa3: {  	p1 =	sne.s32 s31, $0xFFFFF800;
	s31 =	sadd.s32 $0x800, s31;
	_ =	swait.ge [sflag:s22], $0x4000  }
0xa4: {  	s0 =	sshra.s32 s0, $0x2;
	[sflag:s22] =	ssyncset.done $0x0  }
0xa5: {  	s6 =	sadd.s32 $0x2580, s0;
	[sflag:s22] =	ssyncadd.s32 $0xFFFFC000  }
0xa6: {  	[spmem:s1] =	stream.indirect.scatter.add.f32 [tilespmem:s21], [sflag:$0x4], $0x80, s6, s18, $0xb8;
	[tilespmem:$0x1E800] =	vst v63  }
0xa7: {  	_ =	swait.ge [sflag:s23], $0x4000  }
0xa8: {  	[sflag:s23] =	ssyncset.done $0x0  }
0xa9: {  	s6 =	sadd.s32 $0x2600, s0;
	[sflag:s23] =	ssyncadd.s32 $0xFFFFC000  }
0xaa: {  	[tilespmem:s16], [sflag:$0x1] =	stream.indirect.gather [hbm4b:s4+s18], $0x80, s6, s18, $0xb8;
	[tilespmem:$0x1E800] =	vst v63  }
0xab: {  	_ =	swait.ge [sflag:s19], $0x4000  }
0xac: {  	[sflag:s19] =	ssyncset.done $0x0  }
.Ltmp5:
0xad: {  	s6 =	sadd.s32 $0x2680, s0;
	[sflag:s19] =	ssyncadd.s32 $0xFFFFC000;
	(pc) =	sbr.rel @p1 .LBB2_12-.Ltmp5, $4  }
0xae: {  	[spmem:s1] =	stream.indirect.scatter.add.f32 [tilespmem:s16], [sflag:$0x3], $0x80, s6, s18, $0xb8;
	[tilespmem:$0x1E800] =	vst v63  }
0xaf: {  	_ =	swait.ge [sflag:s24], $0x4000  }
0xb0: {  	[sflag:s24] =	ssyncset.done $0x0  }
0xb1: {  	s0 =	sadd.s32 $0x2700, s0;
	[sflag:s24] =	ssyncadd.s32 $0xFFFFC000  }
.Ltmp6:
0xb2: {  	(pc) =	sbr.rel .LBB2_14-.Ltmp6, $2  }
0xb3: {  	_ =	sdelay $0x2  }
0xb4: {  	[tilespmem:s21], [sflag:$0x2] =	stream.indirect.gather [hbm4b:s4+s18], $0x80, s0, s18, $0xb8;
	[tilespmem:$0x1E800] =	vst v63  }
.LBB2_4:
0xb5: {  	s0 =	rddreg [dreg:$0x3]  }
0xb6: {  	[tilespmem:s3], [sflag:$0x5] =	stream.linear.gather [hbm4b:s0+s3], $0x2800, $0x38;
	[tilespmem:$0x1E800] =	vst v63  }
0xb7: {  	_ =	swait.ge [sflag:s17], $0x2800  }
0xb8: {  	[sflag:s17] =	ssyncset.done $0x0  }
0xb9: {  	[sflag:s17] =	ssyncadd.s32 $0xFFFFD800  }
0xba: {  	[tilespmem:s16], [sflag:$0x1] =	stream.indirect.gather [hbm4b:s4+s18], $0x80, s3, s18, $0xb8;
	[tilespmem:$0x1E800] =	vst v63  }
0xbb: {  	_ =	swait.ge [sflag:s19], $0x4000  }
0xbc: {  	[sflag:s19] =	ssyncset.done $0x0  }
0xbd: {  	[sflag:s19] =	ssyncadd.s32 $0xFFFFC000  }
0xbe: {  	[spmem:s1] =	stream.indirect.scatter.add.f32 [tilespmem:s16], [sflag:$0x3], $0x80, s18, s18, $0xb8;
	[tilespmem:$0x1E800] =	vst v63  }
0xbf: {  	_ = 	snop  }
0xc0: {  	[tilespmem:s21], [sflag:$0x2] =	stream.indirect.gather [hbm4b:s4+s18], $0x80, s20, s18, $0xb8;
	[tilespmem:$0x1E800] =	vst v63  }
0xc1: {  	_ =	swait.ge [sflag:s22], $0x4000  }
0xc2: {  	[sflag:s22] =	ssyncset.done $0x0  }
0xc3: {  	s6 =	simm.s32 $0x180;
	[sflag:s22] =	ssyncadd.s32 $0xFFFFC000  }
0xc4: {  	[spmem:s1] =	stream.indirect.scatter.add.f32 [tilespmem:s21], [sflag:$0x4], $0x80, s6, s18, $0xb8;
	[tilespmem:$0x1E800] =	vst v63  }
0xc5: {  	_ =	swait.ge [sflag:s23], $0x4000  }
0xc6: {  	[sflag:s23] =	ssyncset.done $0x0  }
0xc7: {  	s6 =	simm.s32 $0x200;
	[sflag:s23] =	ssyncadd.s32 $0xFFFFC000  }
0xc8: {  	[tilespmem:s16], [sflag:$0x1] =	stream.indirect.gather [hbm4b:s4+s18], $0x80, s6, s18, $0xb8;
	[tilespmem:$0x1E800] =	vst v63  }
0xc9: {  	_ =	swait.ge [sflag:s19], $0x4000  }
0xca: {  	[sflag:s19] =	ssyncset.done $0x0  }
0xcb: {  	s6 =	simm.s32 $0x280;
	[sflag:s19] =	ssyncadd.s32 $0xFFFFC000  }
0xcc: {  	[spmem:s1] =	stream.indirect.scatter.add.f32 [tilespmem:s16], [sflag:$0x3], $0x80, s6, s18, $0xb8;
	[tilespmem:$0x1E800] =	vst v63  }
0xcd: {  	_ =	swait.ge [sflag:s24], $0x4000  }
0xce: {  	[sflag:s24] =	ssyncset.done $0x0  }
0xcf: {  	s31 =	simm.s32 $0xFFFF7000;
	s0 =	simm.s32 $0x300;
	[sflag:s24] =	ssyncadd.s32 $0xFFFFC000  }
.LBB2_5:
0xd0: {  	[tilespmem:s21], [sflag:$0x2] =	stream.indirect.gather [hbm4b:s4+s18], $0x80, s0, s18, $0xb8;
	[tilespmem:$0x1E800] =	vst v63  }
0xd1: {  	s0 =	smov.u32 s31  }
0xd2: {  	p1 =	sne.s32 s31, $0xFFFFF800;
	s31 =	sadd.s32 $0x800, s31;
	_ =	swait.ge [sflag:s22], $0x4000  }
0xd3: {  	s0 =	sshra.s32 s0, $0x2;
	[sflag:s22] =	ssyncset.done $0x0  }
0xd4: {  	s6 =	sadd.s32 $0x2780, s0;
	[sflag:s22] =	ssyncadd.s32 $0xFFFFC000  }
0xd5: {  	[spmem:s1] =	stream.indirect.scatter.add.f32 [tilespmem:s21], [sflag:$0x4], $0x80, s6, s18, $0xb8;
	[tilespmem:$0x1E800] =	vst v63  }
0xd6: {  	_ =	swait.ge [sflag:s23], $0x4000  }
0xd7: {  	[sflag:s23] =	ssyncset.done $0x0  }
0xd8: {  	s6 =	sadd.s32 $0x2800, s0;
	[sflag:s23] =	ssyncadd.s32 $0xFFFFC000  }
0xd9: {  	[tilespmem:s16], [sflag:$0x1] =	stream.indirect.gather [hbm4b:s4+s18], $0x80, s6, s18, $0xb8;
	[tilespmem:$0x1E800] =	vst v63  }
0xda: {  	_ =	swait.ge [sflag:s19], $0x4000  }
0xdb: {  	[sflag:s19] =	ssyncset.done $0x0  }
.Ltmp7:
0xdc: {  	s6 =	sadd.s32 $0x2880, s0;
	[sflag:s19] =	ssyncadd.s32 $0xFFFFC000;
	(pc) =	sbr.rel @p1 .LBB2_5-.Ltmp7, $4  }
0xdd: {  	[spmem:s1] =	stream.indirect.scatter.add.f32 [tilespmem:s16], [sflag:$0x3], $0x80, s6, s18, $0xb8;
	[tilespmem:$0x1E800] =	vst v63  }
0xde: {  	_ =	swait.ge [sflag:s24], $0x4000  }
0xdf: {  	[sflag:s24] =	ssyncset.done $0x0  }
0xe0: {  	s0 =	sadd.s32 $0x2900, s0;
	[sflag:s24] =	ssyncadd.s32 $0xFFFFC000  }
0xe1: {  	[tilespmem:s21], [sflag:$0x2] =	stream.indirect.gather [hbm4b:s4+s18], $0x80, s0, s18, $0xb8;
	[tilespmem:$0x1E800] =	vst v63  }
0xe2: {  	_ =	swait.ge [sflag:s22], $0x4000  }
0xe3: {  	[sflag:s22] =	ssyncset.done $0x0  }
0xe4: {  	[sflag:s22] =	ssyncadd.s32 $0xFFFFC000  }
0xe5: {  	[spmem:s1] =	stream.indirect.scatter.add.f32 [tilespmem:s21], [sflag:$0x4], $0x80, s25, s18, $0xb8;
	[tilespmem:$0x1E800] =	vst v63  }
0xe6: {  	_ =	swait.ge [sflag:s23], $0x4000  }
0xe7: {  	[sflag:s23] =	ssyncset.done $0x0  }
0xe8: {  	[sflag:s23] =	ssyncadd.s32 $0xFFFFC000  }
0xe9: {  	_ =	swait.ge [sflag:s24], $0x4000  }
0xea: {  	[sflag:s24] =	ssyncset.done $0x0  }
0xeb: {  	[sflag:s24] =	ssyncadd.s32 $0xFFFFC000  }
0xec: {  	[tilespmem:s3], [sflag:$0x5] =	stream.linear.gather [hbm4b:s7+s3], $0x2700, $0x38;
	[tilespmem:$0x1E800] =	vst v63  }
0xed: {  	_ =	swait.ge [sflag:s17], $0x2700  }
0xee: {  	[sflag:s17] =	ssyncset.done $0x0  }
0xef: {  	[sflag:s17] =	ssyncadd.s32 $0xFFFFD900  }
0xf0: {  	[tilespmem:s16], [sflag:$0x1] =	stream.indirect.gather [hbm4b:s4+s18], $0x80, s3, s18, $0xb8;
	[tilespmem:$0x1E800] =	vst v63  }
0xf1: {  	_ =	swait.ge [sflag:s19], $0x4000  }
0xf2: {  	[sflag:s19] =	ssyncset.done $0x0  }
0xf3: {  	[sflag:s19] =	ssyncadd.s32 $0xFFFFC000  }
0xf4: {  	[spmem:s1] =	stream.indirect.scatter.add.f32 [tilespmem:s16], [sflag:$0x3], $0x80, s18, s18, $0xb8;
	[tilespmem:$0x1E800] =	vst v63  }
0xf5: {  	_ = 	snop  }
0xf6: {  	[tilespmem:s21], [sflag:$0x2] =	stream.indirect.gather [hbm4b:s4+s18], $0x80, s20, s18, $0xb8;
	[tilespmem:$0x1E800] =	vst v63  }
0xf7: {  	_ =	swait.ge [sflag:s22], $0x4000  }
0xf8: {  	[sflag:s22] =	ssyncset.done $0x0  }
0xf9: {  	s6 =	simm.s32 $0x180;
	[sflag:s22] =	ssyncadd.s32 $0xFFFFC000  }
0xfa: {  	[spmem:s1] =	stream.indirect.scatter.add.f32 [tilespmem:s21], [sflag:$0x4], $0x80, s6, s18, $0xb8;
	[tilespmem:$0x1E800] =	vst v63  }
0xfb: {  	_ =	swait.ge [sflag:s23], $0x4000  }
0xfc: {  	[sflag:s23] =	ssyncset.done $0x0  }
0xfd: {  	s6 =	simm.s32 $0x200;
	[sflag:s23] =	ssyncadd.s32 $0xFFFFC000  }
0xfe: {  	[tilespmem:s16], [sflag:$0x1] =	stream.indirect.gather [hbm4b:s4+s18], $0x80, s6, s18, $0xb8;
	[tilespmem:$0x1E800] =	vst v63  }
0xff: {  	_ =	swait.ge [sflag:s19], $0x4000  }
0x100: {  	[sflag:s19] =	ssyncset.done $0x0  }
0x101: {  	s6 =	simm.s32 $0x280;
	[sflag:s19] =	ssyncadd.s32 $0xFFFFC000  }
0x102: {  	[spmem:s1] =	stream.indirect.scatter.add.f32 [tilespmem:s16], [sflag:$0x3], $0x80, s6, s18, $0xb8;
	[tilespmem:$0x1E800] =	vst v63  }
0x103: {  	_ =	swait.ge [sflag:s24], $0x4000  }
0x104: {  	[sflag:s24] =	ssyncset.done $0x0  }
0x105: {  	s31 =	simm.s32 $0xFFFF7800;
	s0 =	simm.s32 $0x300;
	[sflag:s24] =	ssyncadd.s32 $0xFFFFC000  }
.LBB2_7:
0x106: {  	[tilespmem:s21], [sflag:$0x2] =	stream.indirect.gather [hbm4b:s4+s18], $0x80, s0, s18, $0xb8;
	[tilespmem:$0x1E800] =	vst v63  }
0x107: {  	s0 =	smov.u32 s31  }
0x108: {  	p1 =	seq.s32 s31, $0xFFFFF800;
	s31 =	sadd.s32 $0x800, s31;
	_ =	swait.ge [sflag:s22], $0x4000  }
0x109: {  	s0 =	sshra.s32 s0, $0x2;
	[sflag:s22] =	ssyncset.done $0x0  }
0x10a: {  	s6 =	sadd.s32 $0x2580, s0;
	[sflag:s22] =	ssyncadd.s32 $0xFFFFC000  }
0x10b: {  	[spmem:s1] =	stream.indirect.scatter.add.f32 [tilespmem:s21], [sflag:$0x4], $0x80, s6, s18, $0xb8;
	[tilespmem:$0x1E800] =	vst v63  }
0x10c: {  	_ =	swait.ge [sflag:s23], $0x4000  }
0x10d: {  	[sflag:s23] =	ssyncset.done $0x0  }
0x10e: {  	s6 =	sadd.s32 $0x2600, s0;
	[sflag:s23] =	ssyncadd.s32 $0xFFFFC000  }
0x10f: {  	[tilespmem:s16], [sflag:$0x1] =	stream.indirect.gather [hbm4b:s4+s18], $0x80, s6, s18, $0xb8;
	[tilespmem:$0x1E800] =	vst v63  }
0x110: {  	_ =	swait.ge [sflag:s19], $0x4000  }
0x111: {  	[sflag:s19] =	ssyncset.done $0x0  }
.Ltmp8:
0x112: {  	s6 =	sadd.s32 $0x2680, s0;
	[sflag:s19] =	ssyncadd.s32 $0xFFFFC000;
	(pc) =	sbr.rel @!p1 .LBB2_7-.Ltmp8, $4  }
0x113: {  	[spmem:s1] =	stream.indirect.scatter.add.f32 [tilespmem:s16], [sflag:$0x3], $0x80, s6, s18, $0xb8;
	[tilespmem:$0x1E800] =	vst v63  }
0x114: {  	_ =	swait.ge [sflag:s24], $0x4000  }
0x115: {  	[sflag:s24] =	ssyncset.done $0x0  }
0x116: {  	s0 =	sadd.s32 $0x2700, s0;
	[sflag:s24] =	ssyncadd.s32 $0xFFFFC000  }
.Ltmp9:
0x117: {  	_ = 	snop;
	(pc) =	sbr.rel .LBB2_8-.Ltmp9, $1  }
0x118: {  	_ =	sdelay $0x3  }
.LBB2_15:
0x119: {  	_ =	sfence.sel $0x180000  }
0x11a: {  	[bflag:$0x0] =	sbarrier.arrive $0xFFFF  }
0x11b: {  	_ =	strace $0x9000004A  }
0x11c: {  	[bflag:$0x2] =	sbarrier.arrive $0xFFFF  }
0x11d: {  	p0 =	sne.s32 s2, $0x0;
	s0 =	rddreg [dreg:$0x2]  }
0x11e: {  	s0 =	sadd.s32 @!p0 $0x100000, s0  }
0x11f: {  	[sflag:s0] =	ssyncadd.tile.s32 @!p0 $0x1;
	_ =	shalt  }
.Lfunc_end2:
_tile_overlayer_lowered:
.L_overlay_start_2:
0x120: {  	(tag) =	ssettag $0x2  }
0x121: {  	s0 =	rddreg [dreg:$0x0];
	s2 =	stileid.u32  }
0x122: {  	s1 =	rddreg [dreg:$0x1];
	p0 =	sne.s32 s2, $0x0  }
0x123: {  	s3 =	rddreg [dreg:$0x2];
	[bflag:$0x3] =	sbarrier.arrive $0xFFFF;
	s2 =	simm.s32 @!p0 $0x1C05  }
0x124: {  	[timem:s3], [sflag:s2] =	dma.local @!p0 [hbm:s0], s1  }
0x125: {  	s0 =	simm.s32 @!p0 $0x5  }
0x126: {  	_ =	swait.ge @!p0 [sflag:s0], s1  }
0x127: {  	s1 =	ssub.s32 @!p0 $0x0, s1;
	[sflag:s0] =	ssyncset.done @!p0 $0x0  }
0x128: {  	[sflag:s0] =	ssyncadd.s32 @!p0 s1  }
0x129: {  	[bflag:$0x3] =	sbarrier.arrive $0xFFFF  }
0x12a: {  	_ =	shalt  }

// kernel: kernel.14.cloned.1.call-start
scs
__scs_entry_jumppad:
0x0: {  	(pc) =	sbr.rel $0x88, $3  }
0x1: {  	(tag) =	ssettag $0x0;
	lr =	simm.s32 $0x1  }
0x2: {  	[smem:$0x3F99] =	sst lr;
	_ =	strace $0xD0000000  }
0x3: {  	_ = 	snop  }
0x4: {  	_ = 	snop  }
0x5: {  	_ = 	snop  }
0x6: {  	_ = 	snop  }
0x7: {  	_ = 	snop  }
__scs_overlays_trampoline_lowered:
0x8: {  	[smem:$0x3FA8] =	sst s0  }
0x9: {  	[smem:$0x3FA9] =	sst s1  }
0xa: {  	[smem:$0x3FAA] =	sst s2  }
0xb: {  	[smem:$0x3FAB] =	sst s3  }
0xc: {  	[smem:$0x3FAC] =	sst s4  }
0xd: {  	[smem:$0x3FAD] =	sst s5  }
0xe: {  	[smem:$0x3FAE] =	sst s6  }
0xf: {  	[smem:$0x3FAF] =	sst s7  }
0x10: {  	[smem:$0x3FB0] =	sst s8  }
0x11: {  	[smem:$0x3FB1] =	sst s9;
	s0 =	simm.s32 @!p0 $0x0  }
0x12: {  	s1 =	sld [smem:$0x3F97];
	s0 =	simm.s32 @p0 $0x1  }
0x13: {  	[smem:$0x3FB2] =	sst s0;
	s0 =	simm.s32 @!p1 $0x0  }
0x14: {  	s2 =	sld [smem:$0x3F96];
	s0 =	simm.s32 @p1 $0x1  }
0x15: {  	[smem:$0x3FB3] =	sst s0;
	s0 =	simm.s32 @!p2 $0x0  }
0x16: {  	s3 =	sld [smem:$0x3FDB];
	s0 =	simm.s32 @p2 $0x1  }
0x17: {  	s4 =	simm.s32 $0x1BF5;
	[smem:$0x3FB5] =	sst s0  }
0x18: {  	s0 =	sld [smem:$0x3F98];
	_ =	swait.ge [sflag:s4], $0x0  }
0x19: {  	s7 =	sld [smem:$0x3F99]  }
0x1a: {  	s8 =	sadd.s32 $0xFFFFE003, lr  }
0x1b: {  	s9 =	sadd.s32 $0xFFFFFEF7, lr;
	s5 =	simm.s32 $0xFFFFFFFF;
	p2 =	slt.u32 s8, $0xFFFFF086  }
0x1c: {  	p1 =	slt.u32 s9, $0xF7A;
	s5 =	simm.s32 @!p2 $0x0  }
0x1d: {  	s5 =	simm.s32 @p1 $0x1;
	p0 =	seq.s32 s7, s2  }
0x1e: {  	s7 =	smul.u32 @!p0 $0xF7A, s2;
	p2 =	seq.s32 @!p0 s5, $0x0  }
0x1f: {  	s9 =	smul.u32 $0xF7A, s1;
	s8 =	simm.s32 @!p0 $0x1BF5;
	p2 =	por !p2, p0  }
0x20: {  	[sflag:s8] =	ssyncset.s32 @!p0 $0xFFFFF086;
	s6 =	sadd.s32 @!p0 s3, s7;
	s7 =	simm.s32 @!p0 $0x108  }
0x21: {  	s3 =	sadd.s32 s3, s9;
	s6 =	sadd.s32 @!p0 $0x88, s6;
	s7 =	simm.s32 @p2 $0x1082  }
0x22: {  	[simem:s7], [sflag:s8] =	dma.local @!p0 [hbm:s6], $0xF7A  }
0x23: {  	s9 =	sor.u32 $0xD0000000, s2;
	s6 =	simm.s32 $0x108;
	_ =	swait.ge @!p0 [sflag:s8], $0x0  }
0x24: {  	s3 =	sadd.s32 $0x88, s3;
	s6 =	simm.s32 @!p1 $0x1082;
	[sflag:s4] =	ssyncset.s32 $0xFFFFF086  }
0x25: {  	[simem:s6], [sflag:s4] =	dma.local [hbm:s3], $0xF7A  }
0x26: {  	[smem:$0x3F99] =	sst s1;
	(tag) =	ssettag s2;
	_ =	strace s9  }
0x27: {  	s1 =	sld [smem:$0x3FA9]  }
0x28: {  	s2 =	sld [smem:$0x3FAA]  }
0x29: {  	s4 =	sld [smem:$0x3FAC]  }
0x2a: {  	p0 =	seq.s32 s5, $0x0;
	s5 =	sld [smem:$0x3FAD]  }
0x2b: {  	s6 =	sld [smem:$0x3FAE]  }
0x2c: {  	s7 =	sld [smem:$0x3FAF]  }
0x2d: {  	s3 =	simm.s32 $0x108;
	s8 =	sld [smem:$0x3FB0]  }
0x2e: {  	s3 =	simm.s32 @!p0 $0x1082;
	s9 =	sld [smem:$0x3FB1]  }
0x2f: {  	lr =	sadd.s32 s0, s3;
	s0 =	sld [smem:$0x3FA8]  }
0x30: {  	s3 =	sld [smem:$0x3FAB]  }
0x31: {  	[smem:$0x3FB4] =	sst s10  }
0x32: {  	s10 =	sld [smem:$0x3FB2];
	_ =	sdelay $0x3  }
0x33: {  	p0 =	seq.s32 s10, $0x1;
	s10 =	sld [smem:$0x3FB4];
	_ =	sdelay $0x3  }
0x34: {  	[smem:$0x3FB4] =	sst s10  }
0x35: {  	s10 =	sld [smem:$0x3FB3];
	_ =	sdelay $0x3  }
0x36: {  	p1 =	seq.s32 s10, $0x1;
	s10 =	sld [smem:$0x3FB4];
	_ =	sdelay $0x3  }
0x37: {  	[smem:$0x3FB4] =	sst s10  }
0x38: {  	s10 =	sld [smem:$0x3FB5]  }
0x39: {  	_ = 	snop;
	(pc) =	sbr.ind lr, $3  }
0x3a: {  	_ = 	snop  }
0x3b: {  	_ = 	snop  }
0x3c: {  	p2 =	seq.s32 s10, $0x1;
	s10 =	sld [smem:$0x3FB4]  }
0x3d: {  	_ =	shalt  }
0x3e: {  	_ =	shalt  }
0x3f: {  	_ =	shalt  }
0x40: {  	_ =	shalt  }
0x41: {  	_ =	shalt  }
0x42: {  	_ =	shalt  }
0x43: {  	_ =	shalt  }
0x44: {  	_ =	shalt  }
0x45: {  	_ =	shalt  }
0x46: {  	_ =	shalt  }
0x47: {  	_ =	shalt  }
0x48: {  	_ =	shalt  }
0x49: {  	_ =	shalt  }
0x4a: {  	_ =	shalt  }
0x4b: {  	_ =	shalt  }
0x4c: {  	_ =	shalt  }
0x4d: {  	_ =	shalt  }
0x4e: {  	_ =	shalt  }
0x4f: {  	_ =	shalt  }
0x50: {  	_ =	shalt  }
0x51: {  	_ =	shalt  }
0x52: {  	_ =	shalt  }
0x53: {  	_ =	shalt  }
0x54: {  	_ =	shalt  }
0x55: {  	_ =	shalt  }
0x56: {  	_ =	shalt  }
0x57: {  	_ =	shalt  }
0x58: {  	_ =	shalt  }
0x59: {  	_ =	shalt  }
0x5a: {  	_ =	shalt  }
0x5b: {  	_ =	shalt  }
0x5c: {  	_ =	shalt  }
0x5d: {  	_ =	shalt  }
0x5e: {  	_ =	shalt  }
0x5f: {  	_ =	shalt  }
0x60: {  	_ =	shalt  }
0x61: {  	_ =	shalt  }
0x62: {  	_ =	shalt  }
0x63: {  	_ =	shalt  }
0x64: {  	_ =	shalt  }
0x65: {  	_ =	shalt  }
0x66: {  	_ =	shalt  }
0x67: {  	_ =	shalt  }
0x68: {  	_ =	shalt  }
0x69: {  	_ =	shalt  }
0x6a: {  	_ =	shalt  }
0x6b: {  	_ =	shalt  }
0x6c: {  	_ =	shalt  }
0x6d: {  	_ =	shalt  }
0x6e: {  	_ =	shalt  }
0x6f: {  	_ =	shalt  }
0x70: {  	_ =	shalt  }
0x71: {  	_ =	shalt  }
0x72: {  	_ =	shalt  }
0x73: {  	_ =	shalt  }
0x74: {  	_ =	shalt  }
0x75: {  	_ =	shalt  }
0x76: {  	_ =	shalt  }
0x77: {  	_ =	shalt  }
0x78: {  	_ =	shalt  }
0x79: {  	_ =	shalt  }
0x7a: {  	_ =	shalt  }
0x7b: {  	_ =	shalt  }
0x7c: {  	_ =	shalt  }
0x7d: {  	_ =	shalt  }
0x7e: {  	_ =	shalt  }
0x7f: {  	_ =	shalt  }
0x80: {  	_ =	shalt  }
0x81: {  	_ =	shalt  }
0x82: {  	_ =	shalt  }
0x83: {  	_ =	shalt  }
0x84: {  	_ =	shalt  }
0x85: {  	_ =	shalt  }
0x86: {  	_ =	shalt  }
0x87: {  	_ =	shalt  }
.Lfunc_end0:
.L_simem_size_0:
called_computation.2_lowered:
.L_overlay_start_0:
0x88: {  	s2 =	sld [smem:$0x3FD9]  }
0x89: {  	s3 =	sld [smem:$0x3FFE];
	_ =	sdelay $0x1  }
0x8a: {  	s1 =	srdreg.scid  }
0x8b: {  	s0 =	sand.u32 $0x1, s1  }
0x8c: {  	s16 =	sshll.u32 s0, $0xA;
	s2 =	sadd.s32 s3, s2  }
0x8d: {  	s2 =	sadd.s32 s2, s16  }
0x8e: {  	[smem:$0x3FC0] =	sst s2  }
0x8f: {  	_ = 	snop  }
0x90: {  	(tm) =	ssettm $0x1  }
0x91: {  	s17 =	sld [smem:$0x3FFB];
	_ =	sdelay $0x3  }
0x92: {  	_ =	strace s17  }
0x93: {  	s2 =	sld [smem:$0x3FFC];
	_ =	sdelay $0x3  }
0x94: {  	_ =	strace s2  }
0x95: {  	s2 =	sld [smem:$0x3FFD];
	_ =	sdelay $0x3  }
0x96: {  	_ =	strace s2  }
0x97: {  	_ =	strace $0x8FFFFFFF  }
0x98: {  	s18 =	sld [smem:$0x3FDB];
	_ =	sdelay $0x1  }
0x99: {  	s19 =	simm.s32 $_scs_section_size  }
0x9a: {  	s4 =	simm.s32 $_size__tile_overlayer_lowered;
	s5 =	simm.s32 $_tile_overlayer_lowered  }
0x9b: {  	s22 =	simm.s32 $0x1BFF;
	s21 =	sshll.u32 s5, $0x1;
	s2 =	sadd.s32 s19, s18  }
0x9c: {  	s6 =	simm.s32 $0x0;
	s20 =	sshll.u32 s4, $0x1;
	s4 =	sadd.s32 s21, s2  }
0x9d: {  	[timem:s6], [sflag:s22] =	dma.local [hbm:s4], s20  }
0x9e: {  	_ =	swait.ge [sflag:s22], s20  }
0x9f: {  	s3 =	ssub.s32 $0x0, s20;
	[sflag:s22] =	ssyncset.done $0x0  }
0xa0: {  	[sflag:s22] =	ssyncadd.s32 s3;
	_ =	sdelay $0x1  }
0xa1: {  	s23 =	simm.s32 $0x1B8B  }
0xa2: {  	_ =	swait.ge [sflag:s23], $0x1  }
0xa3: {  	[sflag:s23] =	ssyncset.done $0x0  }
0xa4: {  	s25 =	simm.s32 $0x1B8E;
	s24 =	sld [smem:$0x3FFE];
	[sflag:s23] =	ssyncadd.s32 $0xFFFFFFFF  }
0xa5: {  	s26 =	simm.s32 $execute0_lowered;
	[smem:$0x3FD2] =	sst s25  }
0xa6: {  	s4 =	sshll.u32 s26, $0x1;
	_ =	strace $0x8000004C;
	[dreg:$0x1] =	wrdreg $0xFFFFFFFF  }
0xa7: {  	s28 =	simm.s32 $_size_execute0_lowered;
	s2 =	sadd.s32 s2, s4;
	[dreg:$0x0] =	wrdreg $0x0  }
0xa8: {  	s4 =	sshll.u32 s28, $0x1;
	[dreg:$0x2] =	wrdreg s2  }
0xa9: {  	[dreg:$0x3] =	wrdreg s4  }
0xaa: {  	[dreg:$0x4] =	wrdreg $0xC0  }
0xab: {  	_ =	task [dreg:s6], $0x5FFFF  }
0xac: {  	[dreg:$0x1] =	wrdreg $0xFFFFFFFF  }
0xad: {  	[dreg:$0x0] =	wrdreg $0x60  }
0xae: {  	[dreg:$0x2] =	wrdreg s24  }
0xaf: {  	[dreg:$0x3] =	wrdreg $0xA8000  }
0xb0: {  	[dreg:$0x4] =	wrdreg $0x9  }
0xb1: {  	_ =	task.clear_ibuf [dreg:s6], $0x5FFFF;
	_ =	strace $0x9000004C  }
0xb2: {  	s29 =	simm.s32 $0x9;
	_ =	strace $0x8000004E  }
0xb3: {  	_ =	swait.ge [sflag:s29], $0x1  }
0xb4: {  	[sflag:s29] =	ssyncadd.s32 $0xFFFFFFFF  }
0xb5: {  	_ =	strace $0x9000004E  }
0xb6: {  	_ =	sfence  }
0xb7: {  	s30 =	sld [smem:$0x0];
	_ =	sdelay $0x2  }
0xb8: {  	s31 =	sshll.u32 s1, $0xD;
	s1 =	sshrl.u32 s1, $0x2  }
0xb9: {  	s3 =	sand.u32 $0x4000, s31;
	s1 =	sadd.s32 s1, s30  }
0xba: {  	s0 =	sor.u32 s3, s0;
	s1 =	sshll.u32 s1, $0x11  }
0xbb: {  	s0 =	sor.u32 s1, s0  }
0xbc: {  	s0 =	sadd.s32 $0x8F2B, s0  }
0xbd: {  	[sflag:s0] =	ssyncadd.remote.s32 $0x1  }
0xbe: {  	_ =	sfence.sel $0xFFFF  }
0xbf: {  	[dreg:$0x0] =	wrdreg $0xFFFFFFFF;
	(pc) =	sbr.abs _section_cstart, $3  }
0xc0: {  	[dreg:$0x1] =	wrdreg $0xFFFFFFFF  }
0xc1: {  	_ =	task.clear_ibuf [dreg:s6], $0x2FFFF;
	_ =	strace $0x9FFFFFFF  }
0xc2: {  	(tm) =	ssettm $0x7FFFFFFF  }
0xc3: {  	_ =	shalt  }
tec
execute0_lowered:
.L_overlay_start_1:
0x0: {  	(tag) =	ssettag $0x1  }
0x1: {  	s0 =	rddreg [dreg:$0x0]  }
0x2: {  	s1 =	rddreg [dreg:$0x1];
	s2 =	srdreg.scid;
	s3 =	simm.s32 $0x0  }
0x3: {  	s16 =	simm.s32 $0x2800;
	s17 =	simm.s32 $0x5;
	s18 =	simm.s32 $0x80  }
0x4: {  	s19 =	simm.s32 $0x1;
	s20 =	simm.s32 $0x100;
	s21 =	simm.s32 $0x6800  }
0x5: {  	s22 =	simm.s32 $0x2;
	s28 =	simm.s32 $0x2600;
	s29 =	simm.s32 $0x2680  }
0x6: {  	s30 =	simm.s32 $0x0;
	s6 =	sand.u32 $0x1, s2;
	s2 =	stileid.u32  }
0x7: {  	[smem:$0x7FF] =	sst s3;
	s4 =	sadd.s32 $0x2800, s0;
	s5 =	smul.u32 $0x140000, s6  }
0x8: {  	s8 =	sadd.s32 $0x52800, s0;
	s11 =	sadd.s32 $0x5C600, s0;
	s7 =	smul.u32 $0x14000, s2  }
0x9: {  	_ =	strace $0x8000004D;
	s23 =	smul.u32 $0x50000, s2;
	s9 =	ssub.s32 $0x2, s6  }
0xa: {  	s10 =	smul.u32 $0x4F00, s2;
	p0 =	seq.s32 s6, $0x1;
	s24 =	sshrl.u32 s9, $0x1  }
0xb: {  	s5 =	sadd.s32 s7, s5;
	s12 =	ssub.s32 s9, s24;
	s25 =	sshrl.u32 s23, $0x2  }
0xc: {  	s26 =	sshrl.u32 s10, $0x3;
	s23 =	simm.s32 $0x3;
	s24 =	simm.s32 $0x4  }
0xd: {  	s5 =	sshrl.u32 s5, $0x3;
	s10 =	sadd.s32 $0x500, s26;
	s31 =	sadd.s32 s8, s26  }
.Ltmp0:
0xe: {  	s0 =	sadd.s32 s5, s0;
	s5 =	sadd.s32 s25, s1;
	(pc) =	sbr.rel .LBB2_1-.Ltmp0, $4  }
0xf: {  	[dreg:$0x3] =	wrdreg s31;
	s7 =	sadd.s32 s8, s10;
	s8 =	sadd.s32 s11, s26  }
0x10: {  	s9 =	sadd.s32 s11, s10;
	s11 =	smax.u32 s12, $0x1;
	s25 =	simm.s32 $0x2780  }
0x11: {  	s26 =	simm.s32 $0x2580;
	s10 =	sadd.s32 $0x66400, s0;
	s12 =	sadd.s32 $0x4000, s5  }
0x12: {  	v0 =	vimm.f32 $0.0e+00;
	s13 =	sadd.s32 $0x8000, s5;
	s14 =	sadd.s32 $0xC000, s5;
	s15 =	sadd.s32 $0x10000, s5  }
.LBB2_8:
0x13: {  	[tilespmem:s21], [sflag:$0x2] =	stream.indirect.gather [hbm4b:s4+s18], $0x80, s0, s18, $0xb8;
	[tilespmem:$0x1E800] =	vst v63  }
.LBB2_14:
0x14: {  	_ =	swait.ge [sflag:s22], $0x4000  }
0x15: {  	[sflag:s22] =	ssyncset.done $0x0  }
0x16: {  	[sflag:s22] =	ssyncadd.s32 $0xFFFFC000  }
0x17: {  	[spmem:s1] =	stream.indirect.scatter.add.f32 [tilespmem:s21], [sflag:$0x4], $0x80, s26, s18, $0xb8;
	[tilespmem:$0x1E800] =	vst v63  }
0x18: {  	_ =	swait.ge [sflag:s23], $0x4000  }
0x19: {  	[sflag:s23] =	ssyncset.done $0x0  }
0x1a: {  	[sflag:s23] =	ssyncadd.s32 $0xFFFFC000  }
0x1b: {  	[tilespmem:s16], [sflag:$0x1] =	stream.indirect.gather [hbm4b:s4+s18], $0x80, s28, s18, $0xb8;
	[tilespmem:$0x1E800] =	vst v63  }
0x1c: {  	_ =	swait.ge [sflag:s19], $0x4000  }
0x1d: {  	[sflag:s19] =	ssyncset.done $0x0  }
0x1e: {  	[sflag:s19] =	ssyncadd.s32 $0xFFFFC000  }
0x1f: {  	[spmem:s1] =	stream.indirect.scatter.add.f32 [tilespmem:s16], [sflag:$0x3], $0x80, s29, s18, $0xb8;
	[tilespmem:$0x1E800] =	vst v63  }
0x20: {  	_ =	swait.ge [sflag:s23], $0x4000  }
0x21: {  	[sflag:s23] =	ssyncset.done $0x0  }
0x22: {  	[sflag:s23] =	ssyncadd.s32 $0xFFFFC000  }
0x23: {  	_ =	swait.ge [sflag:s24], $0x4000  }
0x24: {  	s0 =	sshll.u32 s2, $0x6;
	s30 =	sadd.s32 $0x1, s30;
	[sflag:s24] =	ssyncset.done $0x0  }
0x25: {  	s6 =	sshrl.u32 s5, $0x3;
	p1 =	sne.s32 s30, s11;
	[sflag:s24] =	ssyncadd.s32 $0xFFFFC000  }
.Ltmp1:
0x26: {  	s0 =	sor.u32 $0x1C05, s0;
	[bflag:$0x0] =	sbarrier.arrive $0xFFFF;
	(pc) =	sbr.rel @!p1 .LBB2_15-.Ltmp1, $4  }
0x27: {  	[hbm:s10], [sflag:s0] =	dma.local [spmem:s6], $0x2800  }
0x28: {  	_ =	swait.ge [sflag:s17], $0x2800  }
0x29: {  	[sflag:s17] =	ssyncset.done $0x0  }
0x2a: {  	[sflag:s17] =	ssyncadd.s32 $0xFFFFD800  }
.LBB2_1:
0x2b: {  	s31 =	simm.s32 $0x0;
	s0 =	simm.s32 $0x200  }
.LBB2_2:
0x2c: {  	p1 =	sne.s32 s0, $0xFE00;
	[tilespmem:s31+$0x2870] =	vst v0  }
0x2d: {  	[tilespmem:s31+$0x2800] =	vst v0  }
0x2e: {  	[tilespmem:s31+$0x2810] =	vst v0  }
.Ltmp2:
0x2f: {  	[tilespmem:s31+$0x2820] =	vst v0;
	(pc) =	sbr.rel @p1 .LBB2_2-.Ltmp2, $4  }
0x30: {  	[tilespmem:s31+$0x2830] =	vst v0  }
0x31: {  	[tilespmem:s31+$0x2840] =	vst v0  }
0x32: {  	[tilespmem:s31+$0x2850] =	vst v0  }
0x33: {  	[tilespmem:s31+$0x2860] =	vst v0;
	s31 =	sshra.s32 s0, $0x2;
	s0 =	sadd.s32 $0x200, s0  }
0x34: {  	[tilespmem:s31+$0x2870] =	vst v0  }
0x35: {  	[tilespmem:s31+$0x2800] =	vst v0  }
0x36: {  	[tilespmem:s31+$0x2810] =	vst v0  }
0x37: {  	[tilespmem:s31+$0x2820] =	vst v0  }
0x38: {  	[tilespmem:s31+$0x2830] =	vst v0  }
0x39: {  	[tilespmem:s31+$0x2840] =	vst v0  }
0x3a: {  	[tilespmem:s31+$0x2850] =	vst v0  }
0x3b: {  	[tilespmem:s31+$0x2860] =	vst v0  }
0x3c: {  	[spmem:s5] =	stream.linear.scatter [tilespmem:s16], [sflag:$0x5], $0x4000, $0x38;
	[tilespmem:$0x1E800] =	vst v63  }
0x3d: {  	_ =	swait.ge [sflag:s17], $0x4000  }
0x3e: {  	[sflag:s17] =	ssyncset.done $0x0  }
0x3f: {  	[sflag:s17] =	ssyncadd.s32 $0xFFFFC000  }
0x40: {  	[spmem:s12] =	stream.linear.scatter [tilespmem:s16], [sflag:$0x5], $0x4000, $0x38;
	[tilespmem:$0x1E800] =	vst v63  }
0x41: {  	_ =	swait.ge [sflag:s17], $0x4000  }
0x42: {  	[sflag:s17] =	ssyncset.done $0x0  }
0x43: {  	[sflag:s17] =	ssyncadd.s32 $0xFFFFC000  }
0x44: {  	[spmem:s13] =	stream.linear.scatter [tilespmem:s16], [sflag:$0x5], $0x4000, $0x38;
	[tilespmem:$0x1E800] =	vst v63  }
0x45: {  	_ =	swait.ge [sflag:s17], $0x4000  }
0x46: {  	[sflag:s17] =	ssyncset.done $0x0  }
0x47: {  	[sflag:s17] =	ssyncadd.s32 $0xFFFFC000  }
0x48: {  	[spmem:s14] =	stream.linear.scatter [tilespmem:s16], [sflag:$0x5], $0x4000, $0x38;
	[tilespmem:$0x1E800] =	vst v63  }
0x49: {  	_ =	swait.ge [sflag:s17], $0x4000  }
0x4a: {  	[sflag:s17] =	ssyncset.done $0x0  }
0x4b: {  	[sflag:s17] =	ssyncadd.s32 $0xFFFFC000  }
0x4c: {  	[spmem:s15] =	stream.linear.scatter [tilespmem:s16], [sflag:$0x5], $0x4000, $0x38;
	[tilespmem:$0x1E800] =	vst v63  }
.Ltmp3:
0x4d: {  	_ =	swait.ge [sflag:s17], $0x4000;
	(pc) =	sbr.rel @!p0 .LBB2_4-.Ltmp3, $3  }
0x4e: {  	[sflag:s17] =	ssyncset.done $0x0  }
0x4f: {  	[sflag:s17] =	ssyncadd.s32 $0xFFFFC000  }
0x50: {  	[bflag:$0x0] =	sbarrier.arrive $0xFFFF;
	_ =	sdelay $0x1  }
0x51: {  	[tilespmem:s3], [sflag:$0x5] =	stream.linear.gather [hbm4b:s8+s3], $0x2800, $0x38;
	[tilespmem:$0x1E800] =	vst v63  }
0x52: {  	_ =	swait.ge [sflag:s17], $0x2800  }
0x53: {  	[sflag:s17] =	ssyncset.done $0x0  }
0x54: {  	[sflag:s17] =	ssyncadd.s32 $0xFFFFD800  }
0x55: {  	[tilespmem:s16], [sflag:$0x1] =	stream.indirect.gather [hbm4b:s4+s18], $0x80, s3, s18, $0xb8;
	[tilespmem:$0x1E800] =	vst v63  }
0x56: {  	_ =	swait.ge [sflag:s19], $0x4000  }
0x57: {  	[sflag:s19] =	ssyncset.done $0x0  }
0x58: {  	[sflag:s19] =	ssyncadd.s32 $0xFFFFC000  }
0x59: {  	[spmem:s1] =	stream.indirect.scatter.add.f32 [tilespmem:s16], [sflag:$0x3], $0x80, s18, s18, $0xb8;
	[tilespmem:$0x1E800] =	vst v63  }
0x5a: {  	_ = 	snop  }
0x5b: {  	[tilespmem:s21], [sflag:$0x2] =	stream.indirect.gather [hbm4b:s4+s18], $0x80, s20, s18, $0xb8;
	[tilespmem:$0x1E800] =	vst v63  }
0x5c: {  	_ =	swait.ge [sflag:s22], $0x4000  }
0x5d: {  	[sflag:s22] =	ssyncset.done $0x0  }
0x5e: {  	s0 =	simm.s32 $0x180;
	[sflag:s22] =	ssyncadd.s32 $0xFFFFC000  }
0x5f: {  	[spmem:s1] =	stream.indirect.scatter.add.f32 [tilespmem:s21], [sflag:$0x4], $0x80, s0, s18, $0xb8;
	[tilespmem:$0x1E800] =	vst v63  }
0x60: {  	_ =	swait.ge [sflag:s23], $0x4000  }
0x61: {  	[sflag:s23] =	ssyncset.done $0x0  }
0x62: {  	s6 =	simm.s32 $0x200;
	[sflag:s23] =	ssyncadd.s32 $0xFFFFC000  }
0x63: {  	[tilespmem:s16], [sflag:$0x1] =	stream.indirect.gather [hbm4b:s4+s18], $0x80, s6, s18, $0xb8;
	[tilespmem:$0x1E800] =	vst v63  }
0x64: {  	_ =	swait.ge [sflag:s19], $0x4000  }
0x65: {  	[sflag:s19] =	ssyncset.done $0x0  }
0x66: {  	s6 =	simm.s32 $0x280;
	[sflag:s19] =	ssyncadd.s32 $0xFFFFC000  }
0x67: {  	[spmem:s1] =	stream.indirect.scatter.add.f32 [tilespmem:s16], [sflag:$0x3], $0x80, s6, s18, $0xb8;
	[tilespmem:$0x1E800] =	vst v63  }
0x68: {  	_ =	swait.ge [sflag:s24], $0x4000  }
0x69: {  	[sflag:s24] =	ssyncset.done $0x0  }
0x6a: {  	s31 =	simm.s32 $0xFFFF7000;
	s0 =	simm.s32 $0x300;
	[sflag:s24] =	ssyncadd.s32 $0xFFFFC000  }
.LBB2_10:
0x6b: {  	[tilespmem:s21], [sflag:$0x2] =	stream.indirect.gather [hbm4b:s4+s18], $0x80, s0, s18, $0xb8;
	[tilespmem:$0x1E800] =	vst v63  }
0x6c: {  	s0 =	smov.u32 s31  }
0x6d: {  	p1 =	sne.s32 s31, $0xFFFFF800;
	s31 =	sadd.s32 $0x800, s31;
	_ =	swait.ge [sflag:s22], $0x4000  }
0x6e: {  	s0 =	sshra.s32 s0, $0x2;
	[sflag:s22] =	ssyncset.done $0x0  }
0x6f: {  	s6 =	sadd.s32 $0x2780, s0;
	[sflag:s22] =	ssyncadd.s32 $0xFFFFC000  }
0x70: {  	[spmem:s1] =	stream.indirect.scatter.add.f32 [tilespmem:s21], [sflag:$0x4], $0x80, s6, s18, $0xb8;
	[tilespmem:$0x1E800] =	vst v63  }
0x71: {  	_ =	swait.ge [sflag:s23], $0x4000  }
0x72: {  	[sflag:s23] =	ssyncset.done $0x0  }
0x73: {  	s6 =	sadd.s32 $0x2800, s0;
	[sflag:s23] =	ssyncadd.s32 $0xFFFFC000  }
0x74: {  	[tilespmem:s16], [sflag:$0x1] =	stream.indirect.gather [hbm4b:s4+s18], $0x80, s6, s18, $0xb8;
	[tilespmem:$0x1E800] =	vst v63  }
0x75: {  	_ =	swait.ge [sflag:s19], $0x4000  }
0x76: {  	[sflag:s19] =	ssyncset.done $0x0  }
.Ltmp4:
0x77: {  	s6 =	sadd.s32 $0x2880, s0;
	[sflag:s19] =	ssyncadd.s32 $0xFFFFC000;
	(pc) =	sbr.rel @p1 .LBB2_10-.Ltmp4, $4  }
0x78: {  	[spmem:s1] =	stream.indirect.scatter.add.f32 [tilespmem:s16], [sflag:$0x3], $0x80, s6, s18, $0xb8;
	[tilespmem:$0x1E800] =	vst v63  }
0x79: {  	_ =	swait.ge [sflag:s24], $0x4000  }
0x7a: {  	[sflag:s24] =	ssyncset.done $0x0  }
0x7b: {  	s0 =	sadd.s32 $0x2900, s0;
	[sflag:s24] =	ssyncadd.s32 $0xFFFFC000  }
0x7c: {  	[tilespmem:s21], [sflag:$0x2] =	stream.indirect.gather [hbm4b:s4+s18], $0x80, s0, s18, $0xb8;
	[tilespmem:$0x1E800] =	vst v63  }
0x7d: {  	_ =	swait.ge [sflag:s22], $0x4000  }
0x7e: {  	[sflag:s22] =	ssyncset.done $0x0  }
0x7f: {  	[sflag:s22] =	ssyncadd.s32 $0xFFFFC000  }
0x80: {  	[spmem:s1] =	stream.indirect.scatter.add.f32 [tilespmem:s21], [sflag:$0x4], $0x80, s25, s18, $0xb8;
	[tilespmem:$0x1E800] =	vst v63  }
0x81: {  	_ =	swait.ge [sflag:s23], $0x4000  }
0x82: {  	[sflag:s23] =	ssyncset.done $0x0  }
0x83: {  	[sflag:s23] =	ssyncadd.s32 $0xFFFFC000  }
0x84: {  	_ =	swait.ge [sflag:s24], $0x4000  }
0x85: {  	[sflag:s24] =	ssyncset.done $0x0  }
0x86: {  	[sflag:s24] =	ssyncadd.s32 $0xFFFFC000  }
0x87: {  	[tilespmem:s3], [sflag:$0x5] =	stream.linear.gather [hbm4b:s9+s3], $0x2700, $0x38;
	[tilespmem:$0x1E800] =	vst v63  }
0x88: {  	_ =	swait.ge [sflag:s17], $0x2700  }
0x89: {  	[sflag:s17] =	ssyncset.done $0x0  }
0x8a: {  	[sflag:s17] =	ssyncadd.s32 $0xFFFFD900  }
0x8b: {  	[tilespmem:s16], [sflag:$0x1] =	stream.indirect.gather [hbm4b:s4+s18], $0x80, s3, s18, $0xb8;
	[tilespmem:$0x1E800] =	vst v63  }
0x8c: {  	_ =	swait.ge [sflag:s19], $0x4000  }
0x8d: {  	[sflag:s19] =	ssyncset.done $0x0  }
0x8e: {  	[sflag:s19] =	ssyncadd.s32 $0xFFFFC000  }
0x8f: {  	[spmem:s1] =	stream.indirect.scatter.add.f32 [tilespmem:s16], [sflag:$0x3], $0x80, s18, s18, $0xb8;
	[tilespmem:$0x1E800] =	vst v63  }
0x90: {  	_ = 	snop  }
0x91: {  	[tilespmem:s21], [sflag:$0x2] =	stream.indirect.gather [hbm4b:s4+s18], $0x80, s20, s18, $0xb8;
	[tilespmem:$0x1E800] =	vst v63  }
0x92: {  	_ =	swait.ge [sflag:s22], $0x4000  }
0x93: {  	[sflag:s22] =	ssyncset.done $0x0  }
0x94: {  	s6 =	simm.s32 $0x180;
	[sflag:s22] =	ssyncadd.s32 $0xFFFFC000  }
0x95: {  	[spmem:s1] =	stream.indirect.scatter.add.f32 [tilespmem:s21], [sflag:$0x4], $0x80, s6, s18, $0xb8;
	[tilespmem:$0x1E800] =	vst v63  }
0x96: {  	_ =	swait.ge [sflag:s23], $0x4000  }
0x97: {  	[sflag:s23] =	ssyncset.done $0x0  }
0x98: {  	s6 =	simm.s32 $0x200;
	[sflag:s23] =	ssyncadd.s32 $0xFFFFC000  }
0x99: {  	[tilespmem:s16], [sflag:$0x1] =	stream.indirect.gather [hbm4b:s4+s18], $0x80, s6, s18, $0xb8;
	[tilespmem:$0x1E800] =	vst v63  }
0x9a: {  	_ =	swait.ge [sflag:s19], $0x4000  }
0x9b: {  	[sflag:s19] =	ssyncset.done $0x0  }
0x9c: {  	s6 =	simm.s32 $0x280;
	[sflag:s19] =	ssyncadd.s32 $0xFFFFC000  }
0x9d: {  	[spmem:s1] =	stream.indirect.scatter.add.f32 [tilespmem:s16], [sflag:$0x3], $0x80, s6, s18, $0xb8;
	[tilespmem:$0x1E800] =	vst v63  }
0x9e: {  	_ =	swait.ge [sflag:s24], $0x4000  }
0x9f: {  	[sflag:s24] =	ssyncset.done $0x0  }
0xa0: {  	s31 =	simm.s32 $0xFFFF7800;
	s0 =	simm.s32 $0x300;
	[sflag:s24] =	ssyncadd.s32 $0xFFFFC000  }
.LBB2_12:
0xa1: {  	[tilespmem:s21], [sflag:$0x2] =	stream.indirect.gather [hbm4b:s4+s18], $0x80, s0, s18, $0xb8;
	[tilespmem:$0x1E800] =	vst v63  }
0xa2: {  	s0 =	smov.u32 s31  }
0xa3: {  	p1 =	sne.s32 s31, $0xFFFFF800;
	s31 =	sadd.s32 $0x800, s31;
	_ =	swait.ge [sflag:s22], $0x4000  }
0xa4: {  	s0 =	sshra.s32 s0, $0x2;
	[sflag:s22] =	ssyncset.done $0x0  }
0xa5: {  	s6 =	sadd.s32 $0x2580, s0;
	[sflag:s22] =	ssyncadd.s32 $0xFFFFC000  }
0xa6: {  	[spmem:s1] =	stream.indirect.scatter.add.f32 [tilespmem:s21], [sflag:$0x4], $0x80, s6, s18, $0xb8;
	[tilespmem:$0x1E800] =	vst v63  }
0xa7: {  	_ =	swait.ge [sflag:s23], $0x4000  }
0xa8: {  	[sflag:s23] =	ssyncset.done $0x0  }
0xa9: {  	s6 =	sadd.s32 $0x2600, s0;
	[sflag:s23] =	ssyncadd.s32 $0xFFFFC000  }
0xaa: {  	[tilespmem:s16], [sflag:$0x1] =	stream.indirect.gather [hbm4b:s4+s18], $0x80, s6, s18, $0xb8;
	[tilespmem:$0x1E800] =	vst v63  }
0xab: {  	_ =	swait.ge [sflag:s19], $0x4000  }
0xac: {  	[sflag:s19] =	ssyncset.done $0x0  }
.Ltmp5:
0xad: {  	s6 =	sadd.s32 $0x2680, s0;
	[sflag:s19] =	ssyncadd.s32 $0xFFFFC000;
	(pc) =	sbr.rel @p1 .LBB2_12-.Ltmp5, $4  }
0xae: {  	[spmem:s1] =	stream.indirect.scatter.add.f32 [tilespmem:s16], [sflag:$0x3], $0x80, s6, s18, $0xb8;
	[tilespmem:$0x1E800] =	vst v63  }
0xaf: {  	_ =	swait.ge [sflag:s24], $0x4000  }
0xb0: {  	[sflag:s24] =	ssyncset.done $0x0  }
0xb1: {  	s0 =	sadd.s32 $0x2700, s0;
	[sflag:s24] =	ssyncadd.s32 $0xFFFFC000  }
.Ltmp6:
0xb2: {  	(pc) =	sbr.rel .LBB2_14-.Ltmp6, $2  }
0xb3: {  	_ =	sdelay $0x2  }
0xb4: {  	[tilespmem:s21], [sflag:$0x2] =	stream.indirect.gather [hbm4b:s4+s18], $0x80, s0, s18, $0xb8;
	[tilespmem:$0x1E800] =	vst v63  }
.LBB2_4:
0xb5: {  	s0 =	rddreg [dreg:$0x3]  }
0xb6: {  	[tilespmem:s3], [sflag:$0x5] =	stream.linear.gather [hbm4b:s0+s3], $0x2800, $0x38;
	[tilespmem:$0x1E800] =	vst v63  }
0xb7: {  	_ =	swait.ge [sflag:s17], $0x2800  }
0xb8: {  	[sflag:s17] =	ssyncset.done $0x0  }
0xb9: {  	[sflag:s17] =	ssyncadd.s32 $0xFFFFD800  }
0xba: {  	[tilespmem:s16], [sflag:$0x1] =	stream.indirect.gather [hbm4b:s4+s18], $0x80, s3, s18, $0xb8;
	[tilespmem:$0x1E800] =	vst v63  }
0xbb: {  	_ =	swait.ge [sflag:s19], $0x4000  }
0xbc: {  	[sflag:s19] =	ssyncset.done $0x0  }
0xbd: {  	[sflag:s19] =	ssyncadd.s32 $0xFFFFC000  }
0xbe: {  	[spmem:s1] =	stream.indirect.scatter.add.f32 [tilespmem:s16], [sflag:$0x3], $0x80, s18, s18, $0xb8;
	[tilespmem:$0x1E800] =	vst v63  }
0xbf: {  	_ = 	snop  }
0xc0: {  	[tilespmem:s21], [sflag:$0x2] =	stream.indirect.gather [hbm4b:s4+s18], $0x80, s20, s18, $0xb8;
	[tilespmem:$0x1E800] =	vst v63  }
0xc1: {  	_ =	swait.ge [sflag:s22], $0x4000  }
0xc2: {  	[sflag:s22] =	ssyncset.done $0x0  }
0xc3: {  	s6 =	simm.s32 $0x180;
	[sflag:s22] =	ssyncadd.s32 $0xFFFFC000  }
0xc4: {  	[spmem:s1] =	stream.indirect.scatter.add.f32 [tilespmem:s21], [sflag:$0x4], $0x80, s6, s18, $0xb8;
	[tilespmem:$0x1E800] =	vst v63  }
0xc5: {  	_ =	swait.ge [sflag:s23], $0x4000  }
0xc6: {  	[sflag:s23] =	ssyncset.done $0x0  }
0xc7: {  	s6 =	simm.s32 $0x200;
	[sflag:s23] =	ssyncadd.s32 $0xFFFFC000  }
0xc8: {  	[tilespmem:s16], [sflag:$0x1] =	stream.indirect.gather [hbm4b:s4+s18], $0x80, s6, s18, $0xb8;
	[tilespmem:$0x1E800] =	vst v63  }
0xc9: {  	_ =	swait.ge [sflag:s19], $0x4000  }
0xca: {  	[sflag:s19] =	ssyncset.done $0x0  }
0xcb: {  	s6 =	simm.s32 $0x280;
	[sflag:s19] =	ssyncadd.s32 $0xFFFFC000  }
0xcc: {  	[spmem:s1] =	stream.indirect.scatter.add.f32 [tilespmem:s16], [sflag:$0x3], $0x80, s6, s18, $0xb8;
	[tilespmem:$0x1E800] =	vst v63  }
0xcd: {  	_ =	swait.ge [sflag:s24], $0x4000  }
0xce: {  	[sflag:s24] =	ssyncset.done $0x0  }
0xcf: {  	s31 =	simm.s32 $0xFFFF7000;
	s0 =	simm.s32 $0x300;
	[sflag:s24] =	ssyncadd.s32 $0xFFFFC000  }
.LBB2_5:
0xd0: {  	[tilespmem:s21], [sflag:$0x2] =	stream.indirect.gather [hbm4b:s4+s18], $0x80, s0, s18, $0xb8;
	[tilespmem:$0x1E800] =	vst v63  }
0xd1: {  	s0 =	smov.u32 s31  }
0xd2: {  	p1 =	sne.s32 s31, $0xFFFFF800;
	s31 =	sadd.s32 $0x800, s31;
	_ =	swait.ge [sflag:s22], $0x4000  }
0xd3: {  	s0 =	sshra.s32 s0, $0x2;
	[sflag:s22] =	ssyncset.done $0x0  }
0xd4: {  	s6 =	sadd.s32 $0x2780, s0;
	[sflag:s22] =	ssyncadd.s32 $0xFFFFC000  }
0xd5: {  	[spmem:s1] =	stream.indirect.scatter.add.f32 [tilespmem:s21], [sflag:$0x4], $0x80, s6, s18, $0xb8;
	[tilespmem:$0x1E800] =	vst v63  }
0xd6: {  	_ =	swait.ge [sflag:s23], $0x4000  }
0xd7: {  	[sflag:s23] =	ssyncset.done $0x0  }
0xd8: {  	s6 =	sadd.s32 $0x2800, s0;
	[sflag:s23] =	ssyncadd.s32 $0xFFFFC000  }
0xd9: {  	[tilespmem:s16], [sflag:$0x1] =	stream.indirect.gather [hbm4b:s4+s18], $0x80, s6, s18, $0xb8;
	[tilespmem:$0x1E800] =	vst v63  }
0xda: {  	_ =	swait.ge [sflag:s19], $0x4000  }
0xdb: {  	[sflag:s19] =	ssyncset.done $0x0  }
.Ltmp7:
0xdc: {  	s6 =	sadd.s32 $0x2880, s0;
	[sflag:s19] =	ssyncadd.s32 $0xFFFFC000;
	(pc) =	sbr.rel @p1 .LBB2_5-.Ltmp7, $4  }
0xdd: {  	[spmem:s1] =	stream.indirect.scatter.add.f32 [tilespmem:s16], [sflag:$0x3], $0x80, s6, s18, $0xb8;
	[tilespmem:$0x1E800] =	vst v63  }
0xde: {  	_ =	swait.ge [sflag:s24], $0x4000  }
0xdf: {  	[sflag:s24] =	ssyncset.done $0x0  }
0xe0: {  	s0 =	sadd.s32 $0x2900, s0;
	[sflag:s24] =	ssyncadd.s32 $0xFFFFC000  }
0xe1: {  	[tilespmem:s21], [sflag:$0x2] =	stream.indirect.gather [hbm4b:s4+s18], $0x80, s0, s18, $0xb8;
	[tilespmem:$0x1E800] =	vst v63  }
0xe2: {  	_ =	swait.ge [sflag:s22], $0x4000  }
0xe3: {  	[sflag:s22] =	ssyncset.done $0x0  }
0xe4: {  	[sflag:s22] =	ssyncadd.s32 $0xFFFFC000  }
0xe5: {  	[spmem:s1] =	stream.indirect.scatter.add.f32 [tilespmem:s21], [sflag:$0x4], $0x80, s25, s18, $0xb8;
	[tilespmem:$0x1E800] =	vst v63  }
0xe6: {  	_ =	swait.ge [sflag:s23], $0x4000  }
0xe7: {  	[sflag:s23] =	ssyncset.done $0x0  }
0xe8: {  	[sflag:s23] =	ssyncadd.s32 $0xFFFFC000  }
0xe9: {  	_ =	swait.ge [sflag:s24], $0x4000  }
0xea: {  	[sflag:s24] =	ssyncset.done $0x0  }
0xeb: {  	[sflag:s24] =	ssyncadd.s32 $0xFFFFC000  }
0xec: {  	[tilespmem:s3], [sflag:$0x5] =	stream.linear.gather [hbm4b:s7+s3], $0x2700, $0x38;
	[tilespmem:$0x1E800] =	vst v63  }
0xed: {  	_ =	swait.ge [sflag:s17], $0x2700  }
0xee: {  	[sflag:s17] =	ssyncset.done $0x0  }
0xef: {  	[sflag:s17] =	ssyncadd.s32 $0xFFFFD900  }
0xf0: {  	[tilespmem:s16], [sflag:$0x1] =	stream.indirect.gather [hbm4b:s4+s18], $0x80, s3, s18, $0xb8;
	[tilespmem:$0x1E800] =	vst v63  }
0xf1: {  	_ =	swait.ge [sflag:s19], $0x4000  }
0xf2: {  	[sflag:s19] =	ssyncset.done $0x0  }
0xf3: {  	[sflag:s19] =	ssyncadd.s32 $0xFFFFC000  }
0xf4: {  	[spmem:s1] =	stream.indirect.scatter.add.f32 [tilespmem:s16], [sflag:$0x3], $0x80, s18, s18, $0xb8;
	[tilespmem:$0x1E800] =	vst v63  }
0xf5: {  	_ = 	snop  }
0xf6: {  	[tilespmem:s21], [sflag:$0x2] =	stream.indirect.gather [hbm4b:s4+s18], $0x80, s20, s18, $0xb8;
	[tilespmem:$0x1E800] =	vst v63  }
0xf7: {  	_ =	swait.ge [sflag:s22], $0x4000  }
0xf8: {  	[sflag:s22] =	ssyncset.done $0x0  }
0xf9: {  	s6 =	simm.s32 $0x180;
	[sflag:s22] =	ssyncadd.s32 $0xFFFFC000  }
0xfa: {  	[spmem:s1] =	stream.indirect.scatter.add.f32 [tilespmem:s21], [sflag:$0x4], $0x80, s6, s18, $0xb8;
	[tilespmem:$0x1E800] =	vst v63  }
0xfb: {  	_ =	swait.ge [sflag:s23], $0x4000  }
0xfc: {  	[sflag:s23] =	ssyncset.done $0x0  }
0xfd: {  	s6 =	simm.s32 $0x200;
	[sflag:s23] =	ssyncadd.s32 $0xFFFFC000  }
0xfe: {  	[tilespmem:s16], [sflag:$0x1] =	stream.indirect.gather [hbm4b:s4+s18], $0x80, s6, s18, $0xb8;
	[tilespmem:$0x1E800] =	vst v63  }
0xff: {  	_ =	swait.ge [sflag:s19], $0x4000  }
0x100: {  	[sflag:s19] =	ssyncset.done $0x0  }
0x101: {  	s6 =	simm.s32 $0x280;
	[sflag:s19] =	ssyncadd.s32 $0xFFFFC000  }
0x102: {  	[spmem:s1] =	stream.indirect.scatter.add.f32 [tilespmem:s16], [sflag:$0x3], $0x80, s6, s18, $0xb8;
	[tilespmem:$0x1E800] =	vst v63  }
0x103: {  	_ =	swait.ge [sflag:s24], $0x4000  }
0x104: {  	[sflag:s24] =	ssyncset.done $0x0  }
0x105: {  	s31 =	simm.s32 $0xFFFF7800;
	s0 =	simm.s32 $0x300;
	[sflag:s24] =	ssyncadd.s32 $0xFFFFC000  }
.LBB2_7:
0x106: {  	[tilespmem:s21], [sflag:$0x2] =	stream.indirect.gather [hbm4b:s4+s18], $0x80, s0, s18, $0xb8;
	[tilespmem:$0x1E800] =	vst v63  }
0x107: {  	s0 =	smov.u32 s31  }
0x108: {  	p1 =	seq.s32 s31, $0xFFFFF800;
	s31 =	sadd.s32 $0x800, s31;
	_ =	swait.ge [sflag:s22], $0x4000  }
0x109: {  	s0 =	sshra.s32 s0, $0x2;
	[sflag:s22] =	ssyncset.done $0x0  }
0x10a: {  	s6 =	sadd.s32 $0x2580, s0;
	[sflag:s22] =	ssyncadd.s32 $0xFFFFC000  }
0x10b: {  	[spmem:s1] =	stream.indirect.scatter.add.f32 [tilespmem:s21], [sflag:$0x4], $0x80, s6, s18, $0xb8;
	[tilespmem:$0x1E800] =	vst v63  }
0x10c: {  	_ =	swait.ge [sflag:s23], $0x4000  }
0x10d: {  	[sflag:s23] =	ssyncset.done $0x0  }
0x10e: {  	s6 =	sadd.s32 $0x2600, s0;
	[sflag:s23] =	ssyncadd.s32 $0xFFFFC000  }
0x10f: {  	[tilespmem:s16], [sflag:$0x1] =	stream.indirect.gather [hbm4b:s4+s18], $0x80, s6, s18, $0xb8;
	[tilespmem:$0x1E800] =	vst v63  }
0x110: {  	_ =	swait.ge [sflag:s19], $0x4000  }
0x111: {  	[sflag:s19] =	ssyncset.done $0x0  }
.Ltmp8:
0x112: {  	s6 =	sadd.s32 $0x2680, s0;
	[sflag:s19] =	ssyncadd.s32 $0xFFFFC000;
	(pc) =	sbr.rel @!p1 .LBB2_7-.Ltmp8, $4  }
0x113: {  	[spmem:s1] =	stream.indirect.scatter.add.f32 [tilespmem:s16], [sflag:$0x3], $0x80, s6, s18, $0xb8;
	[tilespmem:$0x1E800] =	vst v63  }
0x114: {  	_ =	swait.ge [sflag:s24], $0x4000  }
0x115: {  	[sflag:s24] =	ssyncset.done $0x0  }
0x116: {  	s0 =	sadd.s32 $0x2700, s0;
	[sflag:s24] =	ssyncadd.s32 $0xFFFFC000  }
.Ltmp9:
0x117: {  	_ = 	snop;
	(pc) =	sbr.rel .LBB2_8-.Ltmp9, $1  }
0x118: {  	_ =	sdelay $0x3  }
.LBB2_15:
0x119: {  	_ =	sfence.sel $0x180000  }
0x11a: {  	[bflag:$0x0] =	sbarrier.arrive $0xFFFF  }
0x11b: {  	_ =	strace $0x9000004D  }
0x11c: {  	[bflag:$0x2] =	sbarrier.arrive $0xFFFF  }
0x11d: {  	p0 =	sne.s32 s2, $0x0;
	s0 =	rddreg [dreg:$0x2]  }
0x11e: {  	s0 =	sadd.s32 @!p0 $0x100000, s0  }
0x11f: {  	[sflag:s0] =	ssyncadd.tile.s32 @!p0 $0x1;
	_ =	shalt  }
.Lfunc_end2:
_tile_overlayer_lowered:
.L_overlay_start_2:
0x120: {  	(tag) =	ssettag $0x2  }
0x121: {  	s0 =	rddreg [dreg:$0x0];
	s2 =	stileid.u32  }
0x122: {  	s1 =	rddreg [dreg:$0x1];
	p0 =	sne.s32 s2, $0x0  }
0x123: {  	s3 =	rddreg [dreg:$0x2];
	[bflag:$0x3] =	sbarrier.arrive $0xFFFF;
	s2 =	simm.s32 @!p0 $0x1C05  }
0x124: {  	[timem:s3], [sflag:s2] =	dma.local @!p0 [hbm:s0], s1  }
0x125: {  	s0 =	simm.s32 @!p0 $0x5  }
0x126: {  	_ =	swait.ge @!p0 [sflag:s0], s1  }
0x127: {  	s1 =	ssub.s32 @!p0 $0x0, s1;
	[sflag:s0] =	ssyncset.done @!p0 $0x0  }
0x128: {  	[sflag:s0] =	ssyncadd.s32 @!p0 s1  }
0x129: {  	[bflag:$0x3] =	sbarrier.arrive $0xFFFF  }
0x12a: {  	_ =	shalt  }

// kernel: kernel.8.cloned.1.call-start
scs
__scs_entry_jumppad:
0x0: {  	(pc) =	sbr.rel $0x88, $3  }
0x1: {  	(tag) =	ssettag $0x0;
	lr =	simm.s32 $0x1  }
0x2: {  	[smem:$0x3F99] =	sst lr;
	_ =	strace $0xD0000000  }
0x3: {  	_ = 	snop  }
0x4: {  	_ = 	snop  }
0x5: {  	_ = 	snop  }
0x6: {  	_ = 	snop  }
0x7: {  	_ = 	snop  }
__scs_overlays_trampoline_lowered:
0x8: {  	[smem:$0x3FA8] =	sst s0  }
0x9: {  	[smem:$0x3FA9] =	sst s1  }
0xa: {  	[smem:$0x3FAA] =	sst s2  }
0xb: {  	[smem:$0x3FAB] =	sst s3  }
0xc: {  	[smem:$0x3FAC] =	sst s4  }
0xd: {  	[smem:$0x3FAD] =	sst s5  }
0xe: {  	[smem:$0x3FAE] =	sst s6  }
0xf: {  	[smem:$0x3FAF] =	sst s7  }
0x10: {  	[smem:$0x3FB0] =	sst s8  }
0x11: {  	[smem:$0x3FB1] =	sst s9;
	s0 =	simm.s32 @!p0 $0x0  }
0x12: {  	s1 =	sld [smem:$0x3F97];
	s0 =	simm.s32 @p0 $0x1  }
0x13: {  	[smem:$0x3FB2] =	sst s0;
	s0 =	simm.s32 @!p1 $0x0  }
0x14: {  	s2 =	sld [smem:$0x3F96];
	s0 =	simm.s32 @p1 $0x1  }
0x15: {  	[smem:$0x3FB3] =	sst s0;
	s0 =	simm.s32 @!p2 $0x0  }
0x16: {  	s3 =	sld [smem:$0x3FDB];
	s0 =	simm.s32 @p2 $0x1  }
0x17: {  	s4 =	simm.s32 $0x1BF5;
	[smem:$0x3FB5] =	sst s0  }
0x18: {  	s0 =	sld [smem:$0x3F98];
	_ =	swait.ge [sflag:s4], $0x0  }
0x19: {  	s7 =	sld [smem:$0x3F99]  }
0x1a: {  	s8 =	sadd.s32 $0xFFFFE003, lr  }
0x1b: {  	s9 =	sadd.s32 $0xFFFFFEF7, lr;
	s5 =	simm.s32 $0xFFFFFFFF;
	p2 =	slt.u32 s8, $0xFFFFF086  }
0x1c: {  	p1 =	slt.u32 s9, $0xF7A;
	s5 =	simm.s32 @!p2 $0x0  }
0x1d: {  	s5 =	simm.s32 @p1 $0x1;
	p0 =	seq.s32 s7, s2  }
0x1e: {  	s7 =	smul.u32 @!p0 $0xF7A, s2;
	p2 =	seq.s32 @!p0 s5, $0x0  }
0x1f: {  	s9 =	smul.u32 $0xF7A, s1;
	s8 =	simm.s32 @!p0 $0x1BF5;
	p2 =	por !p2, p0  }
0x20: {  	[sflag:s8] =	ssyncset.s32 @!p0 $0xFFFFF086;
	s6 =	sadd.s32 @!p0 s3, s7;
	s7 =	simm.s32 @!p0 $0x108  }
0x21: {  	s3 =	sadd.s32 s3, s9;
	s6 =	sadd.s32 @!p0 $0x88, s6;
	s7 =	simm.s32 @p2 $0x1082  }
0x22: {  	[simem:s7], [sflag:s8] =	dma.local @!p0 [hbm:s6], $0xF7A  }
0x23: {  	s9 =	sor.u32 $0xD0000000, s2;
	s6 =	simm.s32 $0x108;
	_ =	swait.ge @!p0 [sflag:s8], $0x0  }
0x24: {  	s3 =	sadd.s32 $0x88, s3;
	s6 =	simm.s32 @!p1 $0x1082;
	[sflag:s4] =	ssyncset.s32 $0xFFFFF086  }
0x25: {  	[simem:s6], [sflag:s4] =	dma.local [hbm:s3], $0xF7A  }
0x26: {  	[smem:$0x3F99] =	sst s1;
	(tag) =	ssettag s2;
	_ =	strace s9  }
0x27: {  	s1 =	sld [smem:$0x3FA9]  }
0x28: {  	s2 =	sld [smem:$0x3FAA]  }
0x29: {  	s4 =	sld [smem:$0x3FAC]  }
0x2a: {  	p0 =	seq.s32 s5, $0x0;
	s5 =	sld [smem:$0x3FAD]  }
0x2b: {  	s6 =	sld [smem:$0x3FAE]  }
0x2c: {  	s7 =	sld [smem:$0x3FAF]  }
0x2d: {  	s3 =	simm.s32 $0x108;
	s8 =	sld [smem:$0x3FB0]  }
0x2e: {  	s3 =	simm.s32 @!p0 $0x1082;
	s9 =	sld [smem:$0x3FB1]  }
0x2f: {  	lr =	sadd.s32 s0, s3;
	s0 =	sld [smem:$0x3FA8]  }
0x30: {  	s3 =	sld [smem:$0x3FAB]  }
0x31: {  	[smem:$0x3FB4] =	sst s10  }
0x32: {  	s10 =	sld [smem:$0x3FB2];
	_ =	sdelay $0x3  }
0x33: {  	p0 =	seq.s32 s10, $0x1;
	s10 =	sld [smem:$0x3FB4];
	_ =	sdelay $0x3  }
0x34: {  	[smem:$0x3FB4] =	sst s10  }
0x35: {  	s10 =	sld [smem:$0x3FB3];
	_ =	sdelay $0x3  }
0x36: {  	p1 =	seq.s32 s10, $0x1;
	s10 =	sld [smem:$0x3FB4];
	_ =	sdelay $0x3  }
0x37: {  	[smem:$0x3FB4] =	sst s10  }
0x38: {  	s10 =	sld [smem:$0x3FB5]  }
0x39: {  	_ = 	snop;
	(pc) =	sbr.ind lr, $3  }
0x3a: {  	_ = 	snop  }
0x3b: {  	_ = 	snop  }
0x3c: {  	p2 =	seq.s32 s10, $0x1;
	s10 =	sld [smem:$0x3FB4]  }
0x3d: {  	_ =	shalt  }
0x3e: {  	_ =	shalt  }
0x3f: {  	_ =	shalt  }
0x40: {  	_ =	shalt  }
0x41: {  	_ =	shalt  }
0x42: {  	_ =	shalt  }
0x43: {  	_ =	shalt  }
0x44: {  	_ =	shalt  }
0x45: {  	_ =	shalt  }
0x46: {  	_ =	shalt  }
0x47: {  	_ =	shalt  }
0x48: {  	_ =	shalt  }
0x49: {  	_ =	shalt  }
0x4a: {  	_ =	shalt  }
0x4b: {  	_ =	shalt  }
0x4c: {  	_ =	shalt  }
0x4d: {  	_ =	shalt  }
0x4e: {  	_ =	shalt  }
0x4f: {  	_ =	shalt  }
0x50: {  	_ =	shalt  }
0x51: {  	_ =	shalt  }
0x52: {  	_ =	shalt  }
0x53: {  	_ =	shalt  }
0x54: {  	_ =	shalt  }
0x55: {  	_ =	shalt  }
0x56: {  	_ =	shalt  }
0x57: {  	_ =	shalt  }
0x58: {  	_ =	shalt  }
0x59: {  	_ =	shalt  }
0x5a: {  	_ =	shalt  }
0x5b: {  	_ =	shalt  }
0x5c: {  	_ =	shalt  }
0x5d: {  	_ =	shalt  }
0x5e: {  	_ =	shalt  }
0x5f: {  	_ =	shalt  }
0x60: {  	_ =	shalt  }
0x61: {  	_ =	shalt  }
0x62: {  	_ =	shalt  }
0x63: {  	_ =	shalt  }
0x64: {  	_ =	shalt  }
0x65: {  	_ =	shalt  }
0x66: {  	_ =	shalt  }
0x67: {  	_ =	shalt  }
0x68: {  	_ =	shalt  }
0x69: {  	_ =	shalt  }
0x6a: {  	_ =	shalt  }
0x6b: {  	_ =	shalt  }
0x6c: {  	_ =	shalt  }
0x6d: {  	_ =	shalt  }
0x6e: {  	_ =	shalt  }
0x6f: {  	_ =	shalt  }
0x70: {  	_ =	shalt  }
0x71: {  	_ =	shalt  }
0x72: {  	_ =	shalt  }
0x73: {  	_ =	shalt  }
0x74: {  	_ =	shalt  }
0x75: {  	_ =	shalt  }
0x76: {  	_ =	shalt  }
0x77: {  	_ =	shalt  }
0x78: {  	_ =	shalt  }
0x79: {  	_ =	shalt  }
0x7a: {  	_ =	shalt  }
0x7b: {  	_ =	shalt  }
0x7c: {  	_ =	shalt  }
0x7d: {  	_ =	shalt  }
0x7e: {  	_ =	shalt  }
0x7f: {  	_ =	shalt  }
0x80: {  	_ =	shalt  }
0x81: {  	_ =	shalt  }
0x82: {  	_ =	shalt  }
0x83: {  	_ =	shalt  }
0x84: {  	_ =	shalt  }
0x85: {  	_ =	shalt  }
0x86: {  	_ =	shalt  }
0x87: {  	_ =	shalt  }
.Lfunc_end0:
.L_simem_size_0:
called_computation_lowered:
.L_overlay_start_0:
0x88: {  	s2 =	sld [smem:$0x3FD9]  }
0x89: {  	s3 =	sld [smem:$0x3FFE];
	_ =	sdelay $0x1  }
0x8a: {  	s1 =	srdreg.scid  }
0x8b: {  	s0 =	sand.u32 $0x1, s1  }
0x8c: {  	s17 =	sshll.u32 s0, $0xA;
	s2 =	sadd.s32 s3, s2  }
0x8d: {  	s2 =	sadd.s32 s2, s17  }
0x8e: {  	[smem:$0x3FC0] =	sst s2  }
0x8f: {  	_ = 	snop  }
0x90: {  	s2 =	sld [smem:$0x3FD0];
	(tm) =	ssettm $0x1  }
0x91: {  	s18 =	sld [smem:$0x3FFB];
	_ =	sdelay $0x3  }
0x92: {  	_ =	strace s18  }
0x93: {  	s3 =	sld [smem:$0x3FFC];
	_ =	sdelay $0x3  }
0x94: {  	_ =	strace s3  }
0x95: {  	s3 =	sld [smem:$0x3FFD];
	_ =	sdelay $0x3  }
0x96: {  	_ =	strace s3  }
0x97: {  	_ =	strace $0x8FFFFFFF  }
0x98: {  	s19 =	sld [smem:$0x3FDB];
	_ =	sdelay $0x1  }
0x99: {  	s4 =	simm.s32 $_scs_section_size  }
0x9a: {  	s5 =	simm.s32 $_size__tile_overlayer_lowered;
	s6 =	simm.s32 $_tile_overlayer_lowered  }
0x9b: {  	s22 =	simm.s32 $0x1BFF;
	s21 =	sshll.u32 s6, $0x1;
	s3 =	sadd.s32 s4, s19  }
0x9c: {  	s7 =	simm.s32 $0x0;
	s20 =	sshll.u32 s5, $0x1;
	s5 =	sadd.s32 s21, s3  }
0x9d: {  	[timem:s7], [sflag:s22] =	dma.local [hbm:s5], s20  }
0x9e: {  	_ =	swait.ge [sflag:s22], s20  }
0x9f: {  	s4 =	ssub.s32 $0x0, s20;
	[sflag:s22] =	ssyncset.done $0x0  }
0xa0: {  	[sflag:s22] =	ssyncadd.s32 s4;
	_ =	sdelay $0x1  }
0xa1: {  	s23 =	simm.s32 $0x1B8B  }
0xa2: {  	_ =	swait.ge [sflag:s23], $0x1  }
0xa3: {  	[sflag:s23] =	ssyncset.done $0x0  }
0xa4: {  	s25 =	simm.s32 $0x1B8E;
	s24 =	sld [smem:$0x3FFE];
	[sflag:s23] =	ssyncadd.s32 $0xFFFFFFFF  }
0xa5: {  	s26 =	simm.s32 $execute0_lowered;
	[smem:$0x3FD2] =	sst s25  }
0xa6: {  	s5 =	sshll.u32 s26, $0x1;
	_ =	strace $0x80000046;
	[dreg:$0x1] =	wrdreg $0xFFFFFFFF  }
0xa7: {  	s28 =	simm.s32 $_size_execute0_lowered;
	s3 =	sadd.s32 s3, s5;
	[dreg:$0x0] =	wrdreg $0x0  }
0xa8: {  	s5 =	sshll.u32 s28, $0x1;
	[dreg:$0x2] =	wrdreg s3  }
0xa9: {  	[dreg:$0x3] =	wrdreg s5  }
0xaa: {  	[dreg:$0x4] =	wrdreg $0xC0  }
0xab: {  	_ =	task [dreg:s7], $0x5FFFF  }
0xac: {  	[dreg:$0x1] =	wrdreg $0xFFFFFFFF  }
0xad: {  	[dreg:$0x0] =	wrdreg $0x60  }
0xae: {  	[dreg:$0x2] =	wrdreg s2  }
0xaf: {  	[dreg:$0x3] =	wrdreg s24  }
0xb0: {  	[dreg:$0x4] =	wrdreg $0x68000  }
0xb1: {  	[dreg:$0x5] =	wrdreg $0x9  }
0xb2: {  	_ =	task.clear_ibuf [dreg:s7], $0x6FFFF;
	_ =	strace $0x90000046  }
0xb3: {  	s29 =	simm.s32 $0x9;
	_ =	strace $0x80000048  }
0xb4: {  	_ =	swait.ge [sflag:s29], $0x1  }
0xb5: {  	[sflag:s29] =	ssyncadd.s32 $0xFFFFFFFF  }
0xb6: {  	_ =	strace $0x90000048  }
0xb7: {  	_ =	sfence  }
0xb8: {  	s30 =	sld [smem:$0x0];
	_ =	sdelay $0x2  }
0xb9: {  	s31 =	sshll.u32 s1, $0xD;
	s1 =	sshrl.u32 s1, $0x2  }
0xba: {  	s3 =	sand.u32 $0x4000, s31;
	s1 =	sadd.s32 s1, s30  }
0xbb: {  	s0 =	sor.u32 s3, s0;
	s1 =	sshll.u32 s1, $0x11  }
0xbc: {  	s0 =	sor.u32 s1, s0  }
0xbd: {  	s0 =	sadd.s32 $0x8F2B, s0  }
0xbe: {  	[sflag:s0] =	ssyncadd.remote.s32 $0x1  }
0xbf: {  	_ =	sfence.sel $0xFFFF  }
0xc0: {  	[dreg:$0x0] =	wrdreg $0xFFFFFFFF;
	(pc) =	sbr.abs _section_cstart, $3  }
0xc1: {  	[dreg:$0x1] =	wrdreg $0xFFFFFFFF  }
0xc2: {  	_ =	task.clear_ibuf [dreg:s7], $0x2FFFF;
	_ =	strace $0x9FFFFFFF  }
0xc3: {  	(tm) =	ssettm $0x7FFFFFFF  }
tec
execute0_lowered:
.L_overlay_start_1:
0x0: {  	(tag) =	ssettag $0x1  }
0x1: {  	s4 =	rddreg [dreg:$0x0]  }
0x2: {  	s5 =	rddreg [dreg:$0x1]  }
0x3: {  	s2 =	rddreg [dreg:$0x2];
	s1 =	srdreg.scid  }
0x4: {  	s0 =	rddreg [dreg:$0x3];
	s3 =	simm.s32 $0x0;
	s13 =	simm.s32 $0x2800  }
0x5: {  	s14 =	simm.s32 $0x3;
	s15 =	simm.s32 $0x80;
	s16 =	simm.s32 $0x1  }
0x6: {  	s17 =	simm.s32 $0x2;
	s18 =	simm.s32 $0x2680;
	s6 =	sand.u32 $0x1, s1  }
0x7: {  	s19 =	simm.s32 $0x0;
	s1 =	stileid.u32;
	s7 =	smul.u32 $0x140000, s6  }
0x8: {  	[smem:$0x7FF] =	sst s3;
	s8 =	smul.u32 $0x14000, s1;
	s9 =	sshll.u32 s1, $0x1  }
0x9: {  	_ =	strace $0x80000047;
	s29 =	smul.u32 $0x50000, s1;
	s9 =	sor.u32 s6, s9  }
0xa: {  	s6 =	ssub.s32 $0x2, s6;
	s7 =	sadd.s32 s8, s7;
	s28 =	smul.u32 $0x4F00, s9  }
0xb: {  	s30 =	sshrl.u32 s6, $0x1;
	s31 =	sshrl.u32 s29, $0x2;
	s7 =	sshrl.u32 s7, $0x3  }
0xc: {  	s10 =	ssub.s32 s6, s30;
	s7 =	sadd.s32 s7, s5;
	s8 =	sshrl.u32 s28, $0x3  }
0xd: {  	s5 =	sadd.s32 s31, s2;
	s4 =	sadd.s32 s4, s8;
	s7 =	sadd.s32 $0x2800, s7  }
0xe: {  	s8 =	smax.u32 s10, $0x1;
	s9 =	sadd.s32 $0x4000, s5;
	s10 =	sadd.s32 $0x8000, s5  }
0xf: {  	v0 =	vimm.f32 $0.0e+00;
	v1 =	vimm.f32 $1.000000000e+00;
	s11 =	sadd.s32 $0xC000, s5;
	s12 =	sadd.s32 $0x10000, s5;
	s6 =	sadd.s32 $0x500, s4  }
.LBB2_1:
0x10: {  	s20 =	simm.s32 $0x0;
	s21 =	simm.s32 $0x200  }
.LBB2_2:
0x11: {  	p0 =	sne.s32 s21, $0xFE00;
	[tilespmem:s20+$0x2870] =	vst v0  }
0x12: {  	[tilespmem:s20+$0x2800] =	vst v0  }
0x13: {  	[tilespmem:s20+$0x2810] =	vst v0  }
.Ltmp0:
0x14: {  	[tilespmem:s20+$0x2820] =	vst v0;
	(pc) =	sbr.rel @p0 .LBB2_2-.Ltmp0, $4  }
0x15: {  	[tilespmem:s20+$0x2830] =	vst v0  }
0x16: {  	[tilespmem:s20+$0x2840] =	vst v0  }
0x17: {  	[tilespmem:s20+$0x2850] =	vst v0  }
0x18: {  	[tilespmem:s20+$0x2860] =	vst v0;
	s20 =	sshra.s32 s21, $0x2;
	s21 =	sadd.s32 $0x200, s21  }
0x19: {  	[tilespmem:s20+$0x2870] =	vst v0  }
0x1a: {  	[tilespmem:s20+$0x2800] =	vst v0  }
0x1b: {  	[tilespmem:s20+$0x2810] =	vst v0  }
0x1c: {  	[tilespmem:s20+$0x2820] =	vst v0  }
0x1d: {  	[tilespmem:s20+$0x2830] =	vst v0  }
0x1e: {  	[tilespmem:s20+$0x2840] =	vst v0  }
0x1f: {  	[tilespmem:s20+$0x2850] =	vst v0  }
0x20: {  	[tilespmem:s20+$0x2860] =	vst v0  }
0x21: {  	[spmem:s5] =	stream.linear.scatter [tilespmem:s13], [sflag:$0x3], $0x4000, $0x38;
	[tilespmem:$0x1A800] =	vst v63  }
0x22: {  	_ =	swait.ge [sflag:s14], $0x4000  }
0x23: {  	[sflag:s14] =	ssyncset.done $0x0  }
0x24: {  	[sflag:s14] =	ssyncadd.s32 $0xFFFFC000  }
0x25: {  	[spmem:s9] =	stream.linear.scatter [tilespmem:s13], [sflag:$0x3], $0x4000, $0x38;
	[tilespmem:$0x1A800] =	vst v63  }
0x26: {  	_ =	swait.ge [sflag:s14], $0x4000  }
0x27: {  	[sflag:s14] =	ssyncset.done $0x0  }
0x28: {  	[sflag:s14] =	ssyncadd.s32 $0xFFFFC000  }
0x29: {  	[spmem:s10] =	stream.linear.scatter [tilespmem:s13], [sflag:$0x3], $0x4000, $0x38;
	[tilespmem:$0x1A800] =	vst v63  }
0x2a: {  	_ =	swait.ge [sflag:s14], $0x4000  }
0x2b: {  	[sflag:s14] =	ssyncset.done $0x0  }
0x2c: {  	[sflag:s14] =	ssyncadd.s32 $0xFFFFC000  }
0x2d: {  	[spmem:s11] =	stream.linear.scatter [tilespmem:s13], [sflag:$0x3], $0x4000, $0x38;
	[tilespmem:$0x1A800] =	vst v63  }
0x2e: {  	_ =	swait.ge [sflag:s14], $0x4000  }
0x2f: {  	[sflag:s14] =	ssyncset.done $0x0  }
0x30: {  	[sflag:s14] =	ssyncadd.s32 $0xFFFFC000  }
0x31: {  	[spmem:s12] =	stream.linear.scatter [tilespmem:s13], [sflag:$0x3], $0x4000, $0x38;
	[tilespmem:$0x1A800] =	vst v63  }
0x32: {  	_ =	swait.ge [sflag:s14], $0x4000  }
0x33: {  	[sflag:s14] =	ssyncset.done $0x0  }
0x34: {  	[sflag:s14] =	ssyncadd.s32 $0xFFFFC000  }
0x35: {  	s20 =	simm.s32 $0x0;
	s21 =	simm.s32 $0x200;
	[bflag:$0x0] =	sbarrier.arrive $0xFFFF  }
.LBB2_4:
0x36: {  	p0 =	sne.s32 s21, $0xFE00;
	[tilespmem:s20+$0x2870] =	vst v1  }
0x37: {  	[tilespmem:s20+$0x2800] =	vst v1  }
0x38: {  	[tilespmem:s20+$0x2810] =	vst v1  }
.Ltmp1:
0x39: {  	[tilespmem:s20+$0x2820] =	vst v1;
	(pc) =	sbr.rel @p0 .LBB2_4-.Ltmp1, $4  }
0x3a: {  	[tilespmem:s20+$0x2830] =	vst v1  }
0x3b: {  	[tilespmem:s20+$0x2840] =	vst v1  }
0x3c: {  	[tilespmem:s20+$0x2850] =	vst v1  }
0x3d: {  	[tilespmem:s20+$0x2860] =	vst v1;
	s20 =	sshra.s32 s21, $0x2;
	s21 =	sadd.s32 $0x200, s21  }
0x3e: {  	[tilespmem:s20+$0x2870] =	vst v1  }
0x3f: {  	[tilespmem:s20+$0x2800] =	vst v1  }
0x40: {  	[tilespmem:s20+$0x2810] =	vst v1  }
0x41: {  	[tilespmem:s20+$0x2820] =	vst v1  }
0x42: {  	[tilespmem:s20+$0x2830] =	vst v1  }
0x43: {  	[tilespmem:s20+$0x2840] =	vst v1  }
0x44: {  	[tilespmem:s20+$0x2850] =	vst v1  }
0x45: {  	[tilespmem:s20+$0x2860] =	vst v1  }
0x46: {  	[tilespmem:s3], [sflag:$0x3] =	stream.linear.gather [hbm4b:s4+s3], $0x2800, $0x38;
	[tilespmem:$0x1A800] =	vst v63  }
0x47: {  	_ =	swait.ge [sflag:s14], $0x2800  }
0x48: {  	[sflag:s14] =	ssyncset.done $0x0  }
0x49: {  	s30 =	simm.s32 $0x80;
	[sflag:s14] =	ssyncadd.s32 $0xFFFFD800  }
0x4a: {  	[spmem:s2] =	stream.indirect.scatter.add.f32 [tilespmem:s13], [sflag:$0x1], $0x80, s30, s15, $0xb8;
	[tilespmem:$0x1A800] =	vst v63  }
0x4b: {  	s31 =	simm.s32 $0x180  }
0x4c: {  	[spmem:s2] =	stream.indirect.scatter.add.f32 [tilespmem:s13], [sflag:$0x2], $0x80, s31, s15, $0xb8;
	[tilespmem:$0x1A800] =	vst v63  }
0x4d: {  	_ =	swait.ge [sflag:s16], $0x4000  }
0x4e: {  	[sflag:s16] =	ssyncset.done $0x0  }
0x4f: {  	[sflag:s16] =	ssyncadd.s32 $0xFFFFC000  }
0x50: {  	_ =	swait.ge [sflag:s17], $0x4000  }
0x51: {  	s21 =	simm.s32 $0xFFFF7000;
	s20 =	simm.s32 $0xFFFFDA00;
	[sflag:s17] =	ssyncset.done $0x0  }
.LBB2_6:
0x52: {  	s22 =	sadd.s32 $0x2880, s20  }
0x53: {  	[sflag:s17] =	ssyncadd.s32 $0xFFFFC000;
	s23 =	smov.u32 s21;
	s24 =	sadd.s32 $0x800, s21  }
0x54: {  	[spmem:s2] =	stream.indirect.scatter.add.f32 [tilespmem:s13], [sflag:$0x1], $0x80, s22, s15, $0xb8;
	[tilespmem:$0x1A800] =	vst v63  }
0x55: {  	p0 =	sne.s32 s21, $0xFFFFF800;
	s20 =	sadd.s32 $0x2980, s20  }
0x56: {  	[spmem:s2] =	stream.indirect.scatter.add.f32 [tilespmem:s13], [sflag:$0x2], $0x80, s20, s15, $0xb8;
	[tilespmem:$0x1A800] =	vst v63  }
.Ltmp2:
0x57: {  	_ =	swait.ge [sflag:s16], $0x4000;
	(pc) =	sbr.rel @p0 .LBB2_6-.Ltmp2, $4  }
0x58: {  	[sflag:s16] =	ssyncset.done $0x0  }
0x59: {  	[sflag:s16] =	ssyncadd.s32 $0xFFFFC000  }
0x5a: {  	_ =	swait.ge [sflag:s17], $0x4000  }
0x5b: {  	s21 =	smov.u32 s24;
	s20 =	sshra.s32 s23, $0x2;
	[sflag:s17] =	ssyncset.done $0x0  }
0x5c: {  	s21 =	sadd.s32 $0x2880, s20;
	[sflag:s17] =	ssyncadd.s32 $0xFFFFC000  }
0x5d: {  	[spmem:s2] =	stream.indirect.scatter.add.f32 [tilespmem:s13], [sflag:$0x1], $0x80, s21, s15, $0xb8;
	[tilespmem:$0x1A800] =	vst v63  }
0x5e: {  	s29 =	sadd.s32 $0x2980, s20  }
0x5f: {  	[spmem:s2] =	stream.indirect.scatter.add.f32 [tilespmem:s13], [sflag:$0x2], $0x80, s29, s15, $0xb8;
	[tilespmem:$0x1A800] =	vst v63  }
0x60: {  	_ =	swait.ge [sflag:s16], $0x4000  }
0x61: {  	[sflag:s16] =	ssyncset.done $0x0  }
0x62: {  	[sflag:s16] =	ssyncadd.s32 $0xFFFFC000  }
0x63: {  	_ =	swait.ge [sflag:s17], $0x4000  }
0x64: {  	[sflag:s17] =	ssyncset.done $0x0  }
0x65: {  	[sflag:s17] =	ssyncadd.s32 $0xFFFFC000  }
0x66: {  	[tilespmem:s3], [sflag:$0x3] =	stream.linear.gather [hbm4b:s6+s3], $0x2700, $0x38;
	[tilespmem:$0x1A800] =	vst v63  }
0x67: {  	_ =	swait.ge [sflag:s14], $0x2700  }
0x68: {  	[sflag:s14] =	ssyncset.done $0x0  }
0x69: {  	s30 =	simm.s32 $0x80;
	[sflag:s14] =	ssyncadd.s32 $0xFFFFD900  }
0x6a: {  	[spmem:s2] =	stream.indirect.scatter.add.f32 [tilespmem:s13], [sflag:$0x1], $0x80, s30, s15, $0xb8;
	[tilespmem:$0x1A800] =	vst v63  }
0x6b: {  	s31 =	simm.s32 $0x180  }
0x6c: {  	[spmem:s2] =	stream.indirect.scatter.add.f32 [tilespmem:s13], [sflag:$0x2], $0x80, s31, s15, $0xb8;
	[tilespmem:$0x1A800] =	vst v63  }
0x6d: {  	_ =	swait.ge [sflag:s16], $0x4000  }
0x6e: {  	[sflag:s16] =	ssyncset.done $0x0  }
0x6f: {  	[sflag:s16] =	ssyncadd.s32 $0xFFFFC000  }
0x70: {  	_ =	swait.ge [sflag:s17], $0x4000  }
0x71: {  	s20 =	simm.s32 $0xFFFFDC00;
	s21 =	simm.s32 $0xFFFF7800;
	[sflag:s17] =	ssyncset.done $0x0  }
.LBB2_8:
0x72: {  	s22 =	sadd.s32 $0x2680, s20  }
0x73: {  	[sflag:s17] =	ssyncadd.s32 $0xFFFFC000;
	s23 =	smov.u32 s21;
	s24 =	sadd.s32 $0x800, s21  }
0x74: {  	[spmem:s2] =	stream.indirect.scatter.add.f32 [tilespmem:s13], [sflag:$0x1], $0x80, s22, s15, $0xb8;
	[tilespmem:$0x1A800] =	vst v63  }
0x75: {  	p0 =	sne.s32 s21, $0xFFFFF800;
	s20 =	sadd.s32 $0x2780, s20  }
0x76: {  	[spmem:s2] =	stream.indirect.scatter.add.f32 [tilespmem:s13], [sflag:$0x2], $0x80, s20, s15, $0xb8;
	[tilespmem:$0x1A800] =	vst v63  }
.Ltmp3:
0x77: {  	_ =	swait.ge [sflag:s16], $0x4000;
	(pc) =	sbr.rel @p0 .LBB2_8-.Ltmp3, $4  }
0x78: {  	[sflag:s16] =	ssyncset.done $0x0  }
0x79: {  	[sflag:s16] =	ssyncadd.s32 $0xFFFFC000  }
0x7a: {  	_ =	swait.ge [sflag:s17], $0x4000  }
0x7b: {  	s21 =	smov.u32 s24;
	s20 =	sshra.s32 s23, $0x2;
	[sflag:s17] =	ssyncset.done $0x0  }
0x7c: {  	s21 =	sadd.s32 $0x2680, s20;
	[sflag:s17] =	ssyncadd.s32 $0xFFFFC000  }
0x7d: {  	[spmem:s2] =	stream.indirect.scatter.add.f32 [tilespmem:s13], [sflag:$0x1], $0x80, s21, s15, $0xb8;
	[tilespmem:$0x1A800] =	vst v63  }
0x7e: {  	s29 =	sadd.s32 $0x2780, s20  }
0x7f: {  	[spmem:s2] =	stream.indirect.scatter.add.f32 [tilespmem:s13], [sflag:$0x2], $0x80, s29, s15, $0xb8;
	[tilespmem:$0x1A800] =	vst v63  }
0x80: {  	_ =	swait.ge [sflag:s16], $0x4000  }
0x81: {  	[sflag:s16] =	ssyncset.done $0x0  }
0x82: {  	[sflag:s16] =	ssyncadd.s32 $0xFFFFC000  }
0x83: {  	_ =	swait.ge [sflag:s17], $0x4000  }
0x84: {  	[sflag:s17] =	ssyncset.done $0x0  }
0x85: {  	[sflag:s17] =	ssyncadd.s32 $0xFFFFC000  }
0x86: {  	[spmem:s2] =	stream.indirect.scatter.add.f32 [tilespmem:s13], [sflag:$0x1], $0x80, s18, s15, $0xb8;
	[tilespmem:$0x1A800] =	vst v63  }
0x87: {  	_ =	swait.ge [sflag:s16], $0x4000  }
0x88: {  	s30 =	sshll.u32 s1, $0x6;
	s19 =	sadd.s32 $0x1, s19;
	[sflag:s16] =	ssyncset.done $0x0  }
0x89: {  	s31 =	sshrl.u32 s5, $0x3;
	p0 =	sne.s32 s19, s8;
	[sflag:s16] =	ssyncadd.s32 $0xFFFFC000  }
.Ltmp4:
0x8a: {  	s20 =	sor.u32 $0x1C03, s30;
	[bflag:$0x0] =	sbarrier.arrive $0xFFFF;
	(pc) =	sbr.rel @p0 .LBB2_1-.Ltmp4, $4  }
0x8b: {  	[hbm:s7], [sflag:s20] =	dma.local [spmem:s31], $0x2800  }
0x8c: {  	_ =	swait.ge [sflag:s14], $0x2800  }
0x8d: {  	[sflag:s14] =	ssyncset.done $0x0  }
0x8e: {  	[sflag:s14] =	ssyncadd.s32 $0xFFFFD800  }
0x8f: {  	_ =	sfence.sel $0x180000  }
0x90: {  	[bflag:$0x0] =	sbarrier.arrive $0xFFFF  }
0x91: {  	p0 =	sne.s32 s1, $0x0;
	_ =	strace $0x90000047  }
0x92: {  	s0 =	sadd.s32 @!p0 $0x100000, s0;
	[bflag:$0x2] =	sbarrier.arrive $0xFFFF  }
0x93: {  	[sflag:s0] =	ssyncadd.tile.s32 @!p0 $0x1;
	_ =	shalt  }
.Lfunc_end2:
_tile_overlayer_lowered:
.L_overlay_start_2:
0x94: {  	(tag) =	ssettag $0x2  }
0x95: {  	s0 =	rddreg [dreg:$0x0];
	s2 =	stileid.u32  }
0x96: {  	s1 =	rddreg [dreg:$0x1];
	p0 =	sne.s32 s2, $0x0  }
0x97: {  	s3 =	rddreg [dreg:$0x2];
	[bflag:$0x3] =	sbarrier.arrive $0xFFFF;
	s2 =	simm.s32 @!p0 $0x1C03  }
0x98: {  	[timem:s3], [sflag:s2] =	dma.local @!p0 [hbm:s0], s1  }
0x99: {  	s0 =	simm.s32 @!p0 $0x3  }
0x9a: {  	_ =	swait.ge @!p0 [sflag:s0], s1  }
0x9b: {  	s1 =	ssub.s32 @!p0 $0x0, s1;
	[sflag:s0] =	ssyncset.done @!p0 $0x0  }
0x9c: {  	[sflag:s0] =	ssyncadd.s32 @!p0 s1  }
0x9d: {  	[bflag:$0x3] =	sbarrier.arrive $0xFFFF  }
0x9e: {  	_ =	shalt  }

</sc_bundles>
